<compile_context>
chip_gen: v7x
topology: tpu7x:2x2x1
jax: 0.10.2.dev20260603
libtpu: 0.0.44.dev20260713+nightly
codegen_flags: <defaults>
</compile_context>

<pallas_src>
import jax
import jax.numpy as jnp
from jax import lax
from jax.experimental import pallas as pl
from jax.experimental.pallas import tpu as pltpu
from jax.experimental.pallas import tpu_sc as plsc

D_MODEL = 2048
MAXLEN = 4096
B = 4 * 4096
NC, NS, L = 2, 16, 16
NW = NC * NS
B_PER_W = B // NW
C = 32
NCHUNK = B_PER_W // C

G = 256


def _clamp(v):
    return jnp.minimum(jnp.maximum(v, -MAXLEN), MAXLEN - 1) + MAXLEN



def _sc_body(idx_hbm, tbl_hbm, out_hbm, idx_v, spbuf, gsem):
    sid = lax.axis_index("s")
    wid = sid * NC + lax.axis_index("c")
    base = wid * B_PER_W
    pltpu.sync_copy(idx_hbm.at[pl.ds(base, B_PER_W)], idx_v)

    @pl.loop(0, B_PER_W // L)
    def _(i):
        s = pl.ds(i * L, L)
        idx_v[s] = _clamp(idx_v[s])

    @pl.loop(0, NCHUNK)
    def _(j):
        pltpu.async_copy(
            tbl_hbm.at[idx_v.at[pl.ds(j * C, C)]], spbuf, gsem).wait()
        pltpu.sync_copy(spbuf, out_hbm.at[pl.ds(base + j * C, C)])


def _sc_gather(idx_flat, table):
    mesh = plsc.VectorSubcoreMesh(core_axis_name="c", subcore_axis_name="s")
    f = pl.kernel(
        _sc_body,
        mesh=mesh,
        out_type=jax.ShapeDtypeStruct((B, D_MODEL), jnp.float32),
        scratch_types=[
            pltpu.VMEM((B_PER_W,), jnp.int32),
            pltpu.VMEM((C, D_MODEL), jnp.float32),
            pltpu.SemaphoreType.DMA,
        ],
    )
    return f(idx_flat, table)



def _tc_body(idx_ref, *refs):
    out = refs[G]
    for t in range(G):
        out[t, :] = refs[t][0, 0, :]


def _tc_gather(idx_flat, table):
    table3 = table.reshape(table.shape[0], 1, D_MODEL)
    in_specs = [
        pl.BlockSpec(
            (1, 1, D_MODEL),
            (lambda i, idx_ref, t=t: (_clamp(idx_ref[G * i + t]), 0, 0)))
        for t in range(G)
    ]
    out_spec = pl.BlockSpec((G, D_MODEL), lambda i, idx_ref: (i, 0))
    return pl.pallas_call(
        _tc_body,
        grid_spec=pltpu.PrefetchScalarGridSpec(
            num_scalar_prefetch=1,
            grid=(B // G,),
            in_specs=in_specs,
            out_specs=out_spec,
        ),
        out_shape=jax.ShapeDtypeStruct((B, D_MODEL), jnp.float32),
        compiler_params=pltpu.CompilerParams(
            dimension_semantics=("parallel",)),
    )(idx_flat, *([table3] * G))


@jax.jit
def _run(idx_flat, pe_k, pe_v):
    return _sc_gather(idx_flat, pe_k), _tc_gather(idx_flat, pe_v)


def kernel(pos_seq, pe_k, pe_v):
    lead = pos_seq.shape
    idx_flat = pos_seq.reshape(B)
    ok, ov = _run(idx_flat, pe_k, pe_v)
    return (ok.reshape(*lead, D_MODEL), ov.reshape(*lead, D_MODEL))

# --- scband reference (transcript-rebuilt; emitter-appended) ---
"""Pipeline reference for scband-relative-positional-encoding-29729763622940 (READ-ONLY COPY).

The authoritative reference and input builder live on the scoring server;
editing this copy changes nothing except your own understanding.
"""

import jax, jax.numpy as jnp
import numpy as np

D_MODEL = 2048
MAXLEN = 4096


def setup_inputs(seed: int = 0) -> dict:
    key = jax.random.key(seed)
    k1, k2, k3 = jax.random.split(key, 3)
    pos_seq = jax.random.randint(k1, (4, 4096), 0, 8192, dtype=jnp.int32)
    pe_k = jax.random.normal(k2, (2 * MAXLEN, D_MODEL), dtype=jnp.float32) * 0.02
    pe_v = jax.random.normal(k3, (2 * MAXLEN, D_MODEL), dtype=jnp.float32) * 0.02
    return {"pos_seq": pos_seq, "pe_k": pe_k, "pe_v": pe_v}


def reference(pos_seq, pe_k, pe_v):
    # pos_seq.clamp_(-maxlen, maxlen-1); pos_seq = pos_seq + maxlen
    ps = jnp.clip(pos_seq, -MAXLEN, MAXLEN - 1) + MAXLEN
    # embedding lookups (gather rows)
    out_k = jnp.take(pe_k, ps, axis=0)
    out_v = jnp.take(pe_v, ps, axis=0)  # embed_v=True
    return (out_k, out_v)

if __name__ == "__main__":
    import jax
    _d = setup_inputs()
    print(jax.jit(kernel)(*tuple(_d.values())))

</pallas_src>

<mosaic_0001>
#map = affine_map<(d0, d1) -> (0)>
#map1 = affine_map<(d0, d1) -> (0, 0)>
module attributes {stable_mosaic.version = 14 : i64} {
  func.func @_sc_body(%arg0: i32, %arg1: i32, %arg2: memref<16384xi32, #tpu.memory_space<hbm>>, %arg3: memref<8192x2048xf32, #tpu.memory_space<hbm>>, %arg4: memref<16384x2048xf32, #tpu.memory_space<hbm>>, %arg5: memref<512xi32, #tpu.memory_space<vmem>>, %arg6: memref<32x2048xf32, #tpu.memory_space<vmem>>, %arg7: memref<!tpu.dma_semaphore, #tpu.memory_space<semaphore_mem>>) attributes {dimension_semantics = [#tpu.dimension_semantics<core_parallel>, #tpu.dimension_semantics<subcore_parallel>], iteration_bounds = array<i64: 2, 16>, scalar_prefetch = 0 : i64, scratch_operands = 3 : i64, tpu.core_type = #tpu.core_type<sc_vector_subcore>, window_params = [{transform_indices = #map}, {transform_indices = #map1}, {transform_indices = #map1}]} {
    %mul3A = arith.constant 2 : i32
    %mul3A_0 = arith.muli %arg1, %mul3A : i32
    %add3A = arith.addi %mul3A_0, %arg0 : i32
    %mul3A_1 = arith.constant 512 : i32
    %mul3A_2 = arith.muli %add3A, %mul3A_1 : i32
    "tpu.region"() ({
      %run_scoped3A = tpu.sem_alloc : memref<!tpu.dma_semaphore, #tpu.memory_space<semaphore_mem>>
      %dma_start3A = tpu.memref_slice %arg2[%mul3A_2] : memref<16384xi32, #tpu.memory_space<hbm>> -> memref<512xi32, #tpu.memory_space<hbm>>
      %dma_start3A_12 = tpu.memref_slice %arg2[%mul3A_2] : memref<16384xi32, #tpu.memory_space<hbm>> -> memref<512xi32, #tpu.memory_space<hbm>>
      tpu.enqueue_dma source(%dma_start3A_12 : memref<512xi32, #tpu.memory_space<hbm>>) target(%arg5 : memref<512xi32, #tpu.memory_space<vmem>>) target_semaphore(%run_scoped3A : memref<!tpu.dma_semaphore, #tpu.memory_space<semaphore_mem>>)
      %dma_wait3A = tpu.memref_slice %arg2[%mul3A_2] : memref<16384xi32, #tpu.memory_space<hbm>> -> memref<512xi32, #tpu.memory_space<hbm>>
      %dma_wait3A_13 = tpu.memref_slice %arg2[%mul3A_2] : memref<16384xi32, #tpu.memory_space<hbm>> -> memref<512xi32, #tpu.memory_space<hbm>>
      tpu.wait_dma2 semaphore(%run_scoped3A : memref<!tpu.dma_semaphore, #tpu.memory_space<semaphore_mem>>) src(%dma_wait3A_13 : memref<512xi32, #tpu.memory_space<hbm>>) dst(%arg5 : memref<512xi32, #tpu.memory_space<vmem>>)
      tpu.yield
    }) : () -> ()
    %scan3A = arith.constant 0 : i32
    %scan3A_3 = arith.constant 32 : i32
    %scan3A_4 = arith.addi %scan3A, %scan3A_3 : i32
    %scan3A_5 = arith.constant 1 : i32
    scf.for %scan3A_12 = %scan3A to %scan3A_4 step %scan3A_5  : i32 {
      %mul3A_13 = arith.constant 1 : i32
      %mul3A_14 = arith.muli %scan3A_12, %mul3A_13 : i32
      %add3A_15 = arith.constant 0 : i32
      %add3A_16 = arith.addi %add3A_15, %mul3A_14 : i32
      %mul3A_17 = arith.constant 16 : i32
      %mul3A_18 = arith.muli %add3A_16, %mul3A_17 : i32
      %get3A = arith.index_cast %mul3A_18 : i32 to index
      %get3A_19 = tpu.vector_load %arg5[%get3A] {strides = array<i32>} : memref<512xi32, #tpu.memory_space<vmem>>, vector<16xi32>,
      %get3A_20 = vector.shape_cast %get3A_19 : vector<16xi32> to vector<16xi32>
      %max3A = arith.constant -4096 : i32
      %max3A_21 = vector.broadcast %max3A : i32 to vector<16xi32>
      %max3A_22 = arith.maxsi %get3A_20, %max3A_21 : vector<16xi32>
      %min3A = arith.constant 4095 : i32
      %min3A_23 = vector.broadcast %min3A : i32 to vector<16xi32>
      %min3A_24 = arith.minsi %max3A_22, %min3A_23 : vector<16xi32>
      %add3A_25 = arith.constant 4096 : i32
      %add3A_26 = vector.broadcast %add3A_25 : i32 to vector<16xi32>
      %add3A_27 = arith.addi %min3A_24, %add3A_26 : vector<16xi32>
      %swap3A = arith.index_cast %mul3A_18 : i32 to index
      %swap3A_28 = tpu.vector_load %arg5[%swap3A] {strides = array<i32>} : memref<512xi32, #tpu.memory_space<vmem>>, vector<16xi32>,
      %swap3A_29 = vector.shape_cast %swap3A_28 : vector<16xi32> to vector<16xi32>
      %swap3A_30 = vector.shape_cast %add3A_27 : vector<16xi32> to vector<16xi32>
      tpu.vector_store %arg5[%swap3A], %swap3A_30 {strides = array<i32>} : memref<512xi32, #tpu.memory_space<vmem>>, vector<16xi32>,
    }
    %scan3A_6 = arith.constant 32 : i32
    %scan3A_7 = arith.constant 0 : i32
    %scan3A_8 = arith.constant 16 : i32
    %scan3A_9 = arith.addi %scan3A_7, %scan3A_8 : i32
    %scan3A_10 = arith.constant 1 : i32
    scf.for %scan3A_12 = %scan3A_7 to %scan3A_9 step %scan3A_10  : i32 {
      %mul3A_13 = arith.constant 1 : i32
      %mul3A_14 = arith.muli %scan3A_12, %mul3A_13 : i32
      %add3A_15 = arith.constant 0 : i32
      %add3A_16 = arith.addi %add3A_15, %mul3A_14 : i32
      %mul3A_17 = arith.constant 32 : i32
      %mul3A_18 = arith.muli %add3A_16, %mul3A_17 : i32
      %dma_start3A = tpu.memref_slice %arg5[%mul3A_18] : memref<512xi32, #tpu.memory_space<vmem>> -> memref<32xi32, #tpu.memory_space<vmem>>
      %dma_start3A_19 = arith.constant 0 : i32
      %dma_start3A_20 = arith.constant 0 : i32
      %dma_start3A_21 = tpu.memref_slice %arg3[%dma_start3A_19, %dma_start3A_20] : memref<8192x2048xf32, #tpu.memory_space<hbm>> -> memref<8192x2048xf32, #tpu.memory_space<hbm>>
      tpu.enqueue_indirect_dma source(%dma_start3A_21 : memref<8192x2048xf32, #tpu.memory_space<hbm>>) target(%arg6 : memref<32x2048xf32, #tpu.memory_space<vmem>>) offsets(%dma_start3A : memref<32xi32, #tpu.memory_space<vmem>>) semaphore(%arg7 : memref<!tpu.dma_semaphore, #tpu.memory_space<semaphore_mem>>)
      %dma_wait3A = tpu.memref_slice %arg5[%mul3A_18] : memref<512xi32, #tpu.memory_space<vmem>> -> memref<32xi32, #tpu.memory_space<vmem>>
      %dma_wait3A_22 = arith.constant 0 : i32
      %dma_wait3A_23 = arith.constant 0 : i32
      %dma_wait3A_24 = tpu.memref_slice %arg3[%dma_wait3A_22, %dma_wait3A_23] : memref<8192x2048xf32, #tpu.memory_space<hbm>> -> memref<8192x2048xf32, #tpu.memory_space<hbm>>
      tpu.wait_indirect_dma semaphore(%arg7 : memref<!tpu.dma_semaphore, #tpu.memory_space<semaphore_mem>>) src(%dma_wait3A_24 : memref<8192x2048xf32, #tpu.memory_space<hbm>>) dst(%arg6 : memref<32x2048xf32, #tpu.memory_space<vmem>>)
      %mul3A_25 = arith.constant 32 : i32
      %mul3A_26 = arith.muli %add3A_16, %mul3A_25 : i32
      %add3A_27 = arith.addi %mul3A_2, %mul3A_26 : i32
      "tpu.region"() ({
        %run_scoped3A = tpu.sem_alloc : memref<!tpu.dma_semaphore, #tpu.memory_space<semaphore_mem>>
        %dma_start3A_28 = arith.constant 0 : i32
        %dma_start3A_29 = tpu.memref_slice %arg4[%add3A_27, %dma_start3A_28] : memref<16384x2048xf32, #tpu.memory_space<hbm>> -> memref<32x2048xf32, #tpu.memory_space<hbm>>
        %dma_start3A_30 = arith.constant 0 : i32
        %dma_start3A_31 = tpu.memref_slice %arg4[%add3A_27, %dma_start3A_30] : memref<16384x2048xf32, #tpu.memory_space<hbm>> -> memref<32x2048xf32, #tpu.memory_space<hbm>>
        tpu.enqueue_dma source(%arg6 : memref<32x2048xf32, #tpu.memory_space<vmem>>) target(%dma_start3A_31 : memref<32x2048xf32, #tpu.memory_space<hbm>>) target_semaphore(%run_scoped3A : memref<!tpu.dma_semaphore, #tpu.memory_space<semaphore_mem>>)
        %dma_wait3A_32 = arith.constant 0 : i32
        %dma_wait3A_33 = tpu.memref_slice %arg4[%add3A_27, %dma_wait3A_32] : memref<16384x2048xf32, #tpu.memory_space<hbm>> -> memref<32x2048xf32, #tpu.memory_space<hbm>>
        %dma_wait3A_34 = arith.constant 0 : i32
        %dma_wait3A_35 = tpu.memref_slice %arg4[%add3A_27, %dma_wait3A_34] : memref<16384x2048xf32, #tpu.memory_space<hbm>> -> memref<32x2048xf32, #tpu.memory_space<hbm>>
        tpu.wait_dma2 semaphore(%run_scoped3A : memref<!tpu.dma_semaphore, #tpu.memory_space<semaphore_mem>>) src(%arg6 : memref<32x2048xf32, #tpu.memory_space<vmem>>) dst(%dma_wait3A_35 : memref<32x2048xf32, #tpu.memory_space<hbm>>)
        tpu.yield
      }) : () -> ()
    }
    %scan3A_11 = arith.constant 16 : i32
    return
  }
}

module attributes {stable_mosaic.version = 14 : i64} {
  func.func @_tc_body(%arg0: i32, %arg1: memref<16384xi32, #tpu.memory_space<smem>>, %arg2: memref<1x1x2048xf32, #tpu.memory_space<vmem>>, %arg3: memref<1x1x2048xf32, #tpu.memory_space<vmem>>, %arg4: memref<1x1x2048xf32, #tpu.memory_space<vmem>>, %arg5: memref<1x1x2048xf32, #tpu.memory_space<vmem>>, %arg6: memref<1x1x2048xf32, #tpu.memory_space<vmem>>, %arg7: memref<1x1x2048xf32, #tpu.memory_space<vmem>>, %arg8: memref<1x1x2048xf32, #tpu.memory_space<vmem>>, %arg9: memref<1x1x2048xf32, #tpu.memory_space<vmem>>, %arg10: memref<1x1x2048xf32, #tpu.memory_space<vmem>>, %arg11: memref<1x1x2048xf32, #tpu.memory_space<vmem>>, %arg12: memref<1x1x2048xf32, #tpu.memory_space<vmem>>, %arg13: memref<1x1x2048xf32, #tpu.memory_space<vmem>>, %arg14: memref<1x1x2048xf32, #tpu.memory_space<vmem>>, %arg15: memref<1x1x2048xf32, #tpu.memory_space<vmem>>, %arg16: memref<1x1x2048xf32, #tpu.memory_space<vmem>>, %arg17: memref<1x1x2048xf32, #tpu.memory_space<vmem>>, %arg18: memref<1x1x2048xf32, #tpu.memory_space<vmem>>, %arg19: memref<1x1x2048xf32, #tpu.memory_space<vmem>>, %arg20: memref<1x1x2048xf32, #tpu.memory_space<vmem>>, %arg21: memref<1x1x2048xf32, #tpu.memory_space<vmem>>, %arg22: memref<1x1x2048xf32, #tpu.memory_space<vmem>>, %arg23: memref<1x1x2048xf32, #tpu.memory_space<vmem>>, %arg24: memref<1x1x2048xf32, #tpu.memory_space<vmem>>, %arg25: memref<1x1x2048xf32, #tpu.memory_space<vmem>>, %arg26: memref<1x1x2048xf32, #tpu.memory_space<vmem>>, %arg27: memref<1x1x2048xf32, #tpu.memory_space<vmem>>, %arg28: memref<1x1x2048xf32, #tpu.memory_space<vmem>>, %arg29: memref<1x1x2048xf32, #tpu.memory_space<vmem>>, %arg30: memref<1x1x2048xf32, #tpu.memory_space<vmem>>, %arg31: memref<1x1x2048xf32, #tpu.memory_space<vmem>>, %arg32: memref<1x1x2048xf32, #tpu.memory_space<vmem>>, %arg33: memref<1x1x2048xf32, #tpu.memory_space<vmem>>, %arg34: memref<1x1x2048xf32, #tpu.memory_space<vmem>>, %arg35: memref<1x1x2048xf32, #tpu.memory_space<vmem>>, %arg36: memref<1x1x2048xf32, #tpu.memory_space<vmem>>, %arg37: memref<1x1x2048xf32, #tpu.memory_space<vmem>>, %arg38: memref<1x1x2048xf32, #tpu.memory_space<vmem>>, %arg39: memref<1x1x2048xf32, #tpu.memory_space<vmem>>, %arg40: memref<1x1x2048xf32, #tpu.memory_space<vmem>>, %arg41: memref<1x1x2048xf32, #tpu.memory_space<vmem>>, %arg42: memref<1x1x2048xf32, #tpu.memory_space<vmem>>, %arg43: memref<1x1x2048xf32, #tpu.memory_space<vmem>>, %arg44: memref<1x1x2048xf32, #tpu.memory_space<vmem>>, %arg45: memref<1x1x2048xf32, #tpu.memory_space<vmem>>, %arg46: memref<1x1x2048xf32, #tpu.memory_space<vmem>>, %arg47: memref<1x1x2048xf32, #tpu.memory_space<vmem>>, %arg48: memref<1x1x2048xf32, #tpu.memory_space<vmem>>, %arg49: memref<1x1x2048xf32, #tpu.memory_space<vmem>>, %arg50: memref<1x1x2048xf32, #tpu.memory_space<vmem>>, %arg51: memref<1x1x2048xf32, #tpu.memory_space<vmem>>, %arg52: memref<1x1x2048xf32, #tpu.memory_space<vmem>>, %arg53: memref<1x1x2048xf32, #tpu.memory_space<vmem>>, %arg54: memref<1x1x2048xf32, #tpu.memory_space<vmem>>, %arg55: memref<1x1x2048xf32, #tpu.memory_space<vmem>>, %arg56: memref<1x1x2048xf32, #tpu.memory_space<vmem>>, %arg57: memref<1x1x2048xf32, #tpu.memory_space<vmem>>, %arg58: memref<1x1x2048xf32, #tpu.memory_space<vmem>>, %arg59: memref<1x1x2048xf32, #tpu.memory_space<vmem>>, %arg60: memref<1x1x2048xf32, #tpu.memory_space<vmem>>, %arg61: memref<1x1x2048xf32, #tpu.memory_space<vmem>>, %arg62: memref<1x1x2048xf32, #tpu.memory_space<vmem>>, %arg63: memref<1x1x2048xf32, #tpu.memory_space<vmem>>, %arg64: memref<1x1x2048xf32, #tpu.memory_space<vmem>>, %arg65: memref<1x1x2048xf32, #tpu.memory_space<vmem>>, %arg66: memref<1x1x2048xf32, #tpu.memory_space<vmem>>, %arg67: memref<1x1x2048xf32, #tpu.memory_space<vmem>>, %arg68: memref<1x1x2048xf32, #tpu.memory_space<vmem>>, %arg69: memref<1x1x2048xf32, #tpu.memory_space<vmem>>, %arg70: memref<1x1x2048xf32, #tpu.memory_space<vmem>>, %arg71: memref<1x1x2048xf32, #tpu.memory_space<vmem>>, %arg72: memref<1x1x2048xf32, #tpu.memory_space<vmem>>, %arg73: memref<1x1x2048xf32, #tpu.memory_space<vmem>>, %arg74: memref<1x1x2048xf32, #tpu.memory_space<vmem>>, %arg75: memref<1x1x2048xf32, #tpu.memory_space<vmem>>, %arg76: memref<1x1x2048xf32, #tpu.memory_space<vmem>>, %arg77: memref<1x1x2048xf32, #tpu.memory_space<vmem>>, %arg78: memref<1x1x2048xf32, #tpu.memory_space<vmem>>, %arg79: memref<1x1x2048xf32, #tpu.memory_space<vmem>>, %arg80: memref<1x1x2048xf32, #tpu.memory_space<vmem>>, %arg81: memref<1x1x2048xf32, #tpu.memory_space<vmem>>, %arg82: memref<1x1x2048xf32, #tpu.memory_space<vmem>>, %arg83: memref<1x1x2048xf32, #tpu.memory_space<vmem>>, %arg84: memref<1x1x2048xf32, #tpu.memory_space<vmem>>, %arg85: memref<1x1x2048xf32, #tpu.memory_space<vmem>>, %arg86: memref<1x1x2048xf32, #tpu.memory_space<vmem>>, %arg87: memref<1x1x2048xf32, #tpu.memory_space<vmem>>, %arg88: memref<1x1x2048xf32, #tpu.memory_space<vmem>>, %arg89: memref<1x1x2048xf32, #tpu.memory_space<vmem>>, %arg90: memref<1x1x2048xf32, #tpu.memory_space<vmem>>, %arg91: memref<1x1x2048xf32, #tpu.memory_space<vmem>>, %arg92: memref<1x1x2048xf32, #tpu.memory_space<vmem>>, %arg93: memref<1x1x2048xf32, #tpu.memory_space<vmem>>, %arg94: memref<1x1x2048xf32, #tpu.memory_space<vmem>>, %arg95: memref<1x1x2048xf32, #tpu.memory_space<vmem>>, %arg96: memref<1x1x2048xf32, #tpu.memory_space<vmem>>, %arg97: memref<1x1x2048xf32, #tpu.memory_space<vmem>>, %arg98: memref<1x1x2048xf32, #tpu.memory_space<vmem>>, %arg99: memref<1x1x2048xf32, #tpu.memory_space<vmem>>, %arg100: memref<1x1x2048xf32, #tpu.memory_space<vmem>>, %arg101: memref<1x1x2048xf32, #tpu.memory_space<vmem>>, %arg102: memref<1x1x2048xf32, #tpu.memory_space<vmem>>, %arg103: memref<1x1x2048xf32, #tpu.memory_space<vmem>>, %arg104: memref<1x1x2048xf32, #tpu.memory_space<vmem>>, %arg105: memref<1x1x2048xf32, #tpu.memory_space<vmem>>, %arg106: memref<1x1x2048xf32, #tpu.memory_space<vmem>>, %arg107: memref<1x1x2048xf32, #tpu.memory_space<vmem>>, %arg108: memref<1x1x2048xf32, #tpu.memory_space<vmem>>, %arg109: memref<1x1x2048xf32, #tpu.memory_space<vmem>>, %arg110: memref<1x1x2048xf32, #tpu.memory_space<vmem>>, %arg111: memref<1x1x2048xf32, #tpu.memory_space<vmem>>, %arg112: memref<1x1x2048xf32, #tpu.memory_space<vmem>>, %arg113: memref<1x1x2048xf32, #tpu.memory_space<vmem>>, %arg114: memref<1x1x2048xf32, #tpu.memory_space<vmem>>, %arg115: memref<1x1x2048xf32, #tpu.memory_space<vmem>>, %arg116: memref<1x1x2048xf32, #tpu.memory_space<vmem>>, %arg117: memref<1x1x2048xf32, #tpu.memory_space<vmem>>, %arg118: memref<1x1x2048xf32, #tpu.memory_space<vmem>>, %arg119: memref<1x1x2048xf32, #tpu.memory_space<vmem>>, %arg120: memref<1x1x2048xf32, #tpu.memory_space<vmem>>, %arg121: memref<1x1x2048xf32, #tpu.memory_space<vmem>>, %arg122: memref<1x1x2048xf32, #tpu.memory_space<vmem>>, %arg123: memref<1x1x2048xf32, #tpu.memory_space<vmem>>, %arg124: memref<1x1x2048xf32, #tpu.memory_space<vmem>>, %arg125: memref<1x1x2048xf32, #tpu.memory_space<vmem>>, %arg126: memref<1x1x2048xf32, #tpu.memory_space<vmem>>, %arg127: memref<1x1x2048xf32, #tpu.memory_space<vmem>>, %arg128: memref<1x1x2048xf32, #tpu.memory_space<vmem>>, %arg129: memref<1x1x2048xf32, #tpu.memory_space<vmem>>, %arg130: memref<1x1x2048xf32, #tpu.memory_space<vmem>>, %arg131: memref<1x1x2048xf32, #tpu.memory_space<vmem>>, %arg132: memref<1x1x2048xf32, #tpu.memory_space<vmem>>, %arg133: memref<1x1x2048xf32, #tpu.memory_space<vmem>>, %arg134: memref<1x1x2048xf32, #tpu.memory_space<vmem>>, %arg135: memref<1x1x2048xf32, #tpu.memory_space<vmem>>, %arg136: memref<1x1x2048xf32, #tpu.memory_space<vmem>>, %arg137: memref<1x1x2048xf32, #tpu.memory_space<vmem>>, %arg138: memref<1x1x2048xf32, #tpu.memory_space<vmem>>, %arg139: memref<1x1x2048xf32, #tpu.memory_space<vmem>>, %arg140: memref<1x1x2048xf32, #tpu.memory_space<vmem>>, %arg141: memref<1x1x2048xf32, #tpu.memory_space<vmem>>, %arg142: memref<1x1x2048xf32, #tpu.memory_space<vmem>>, %arg143: memref<1x1x2048xf32, #tpu.memory_space<vmem>>, %arg144: memref<1x1x2048xf32, #tpu.memory_space<vmem>>, %arg145: memref<1x1x2048xf32, #tpu.memory_space<vmem>>, %arg146: memref<1x1x2048xf32, #tpu.memory_space<vmem>>, %arg147: memref<1x1x2048xf32, #tpu.memory_space<vmem>>, %arg148: memref<1x1x2048xf32, #tpu.memory_space<vmem>>, %arg149: memref<1x1x2048xf32, #tpu.memory_space<vmem>>, %arg150: memref<1x1x2048xf32, #tpu.memory_space<vmem>>, %arg151: memref<1x1x2048xf32, #tpu.memory_space<vmem>>, %arg152: memref<1x1x2048xf32, #tpu.memory_space<vmem>>, %arg153: memref<1x1x2048xf32, #tpu.memory_space<vmem>>, %arg154: memref<1x1x2048xf32, #tpu.memory_space<vmem>>, %arg155: memref<1x1x2048xf32, #tpu.memory_space<vmem>>, %arg156: memref<1x1x2048xf32, #tpu.memory_space<vmem>>, %arg157: memref<1x1x2048xf32, #tpu.memory_space<vmem>>, %arg158: memref<1x1x2048xf32, #tpu.memory_space<vmem>>, %arg159: memref<1x1x2048xf32, #tpu.memory_space<vmem>>, %arg160: memref<1x1x2048xf32, #tpu.memory_space<vmem>>, %arg161: memref<1x1x2048xf32, #tpu.memory_space<vmem>>, %arg162: memref<1x1x2048xf32, #tpu.memory_space<vmem>>, %arg163: memref<1x1x2048xf32, #tpu.memory_space<vmem>>, %arg164: memref<1x1x2048xf32, #tpu.memory_space<vmem>>, %arg165: memref<1x1x2048xf32, #tpu.memory_space<vmem>>, %arg166: memref<1x1x2048xf32, #tpu.memory_space<vmem>>, %arg167: memref<1x1x2048xf32, #tpu.memory_space<vmem>>, %arg168: memref<1x1x2048xf32, #tpu.memory_space<vmem>>, %arg169: memref<1x1x2048xf32, #tpu.memory_space<vmem>>, %arg170: memref<1x1x2048xf32, #tpu.memory_space<vmem>>, %arg171: memref<1x1x2048xf32, #tpu.memory_space<vmem>>, %arg172: memref<1x1x2048xf32, #tpu.memory_space<vmem>>, %arg173: memref<1x1x2048xf32, #tpu.memory_space<vmem>>, %arg174: memref<1x1x2048xf32, #tpu.memory_space<vmem>>, %arg175: memref<1x1x2048xf32, #tpu.memory_space<vmem>>, %arg176: memref<1x1x2048xf32, #tpu.memory_space<vmem>>, %arg177: memref<1x1x2048xf32, #tpu.memory_space<vmem>>, %arg178: memref<1x1x2048xf32, #tpu.memory_space<vmem>>, %arg179: memref<1x1x2048xf32, #tpu.memory_space<vmem>>, %arg180: memref<1x1x2048xf32, #tpu.memory_space<vmem>>, %arg181: memref<1x1x2048xf32, #tpu.memory_space<vmem>>, %arg182: memref<1x1x2048xf32, #tpu.memory_space<vmem>>, %arg183: memref<1x1x2048xf32, #tpu.memory_space<vmem>>, %arg184: memref<1x1x2048xf32, #tpu.memory_space<vmem>>, %arg185: memref<1x1x2048xf32, #tpu.memory_space<vmem>>, %arg186: memref<1x1x2048xf32, #tpu.memory_space<vmem>>, %arg187: memref<1x1x2048xf32, #tpu.memory_space<vmem>>, %arg188: memref<1x1x2048xf32, #tpu.memory_space<vmem>>, %arg189: memref<1x1x2048xf32, #tpu.memory_space<vmem>>, %arg190: memref<1x1x2048xf32, #tpu.memory_space<vmem>>, %arg191: memref<1x1x2048xf32, #tpu.memory_space<vmem>>, %arg192: memref<1x1x2048xf32, #tpu.memory_space<vmem>>, %arg193: memref<1x1x2048xf32, #tpu.memory_space<vmem>>, %arg194: memref<1x1x2048xf32, #tpu.memory_space<vmem>>, %arg195: memref<1x1x2048xf32, #tpu.memory_space<vmem>>, %arg196: memref<1x1x2048xf32, #tpu.memory_space<vmem>>, %arg197: memref<1x1x2048xf32, #tpu.memory_space<vmem>>, %arg198: memref<1x1x2048xf32, #tpu.memory_space<vmem>>, %arg199: memref<1x1x2048xf32, #tpu.memory_space<vmem>>, %arg200: memref<1x1x2048xf32, #tpu.memory_space<vmem>>, %arg201: memref<1x1x2048xf32, #tpu.memory_space<vmem>>, %arg202: memref<1x1x2048xf32, #tpu.memory_space<vmem>>, %arg203: memref<1x1x2048xf32, #tpu.memory_space<vmem>>, %arg204: memref<1x1x2048xf32, #tpu.memory_space<vmem>>, %arg205: memref<1x1x2048xf32, #tpu.memory_space<vmem>>, %arg206: memref<1x1x2048xf32, #tpu.memory_space<vmem>>, %arg207: memref<1x1x2048xf32, #tpu.memory_space<vmem>>, %arg208: memref<1x1x2048xf32, #tpu.memory_space<vmem>>, %arg209: memref<1x1x2048xf32, #tpu.memory_space<vmem>>, %arg210: memref<1x1x2048xf32, #tpu.memory_space<vmem>>, %arg211: memref<1x1x2048xf32, #tpu.memory_space<vmem>>, %arg212: memref<1x1x2048xf32, #tpu.memory_space<vmem>>, %arg213: memref<1x1x2048xf32, #tpu.memory_space<vmem>>, %arg214: memref<1x1x2048xf32, #tpu.memory_space<vmem>>, %arg215: memref<1x1x2048xf32, #tpu.memory_space<vmem>>, %arg216: memref<1x1x2048xf32, #tpu.memory_space<vmem>>, %arg217: memref<1x1x2048xf32, #tpu.memory_space<vmem>>, %arg218: memref<1x1x2048xf32, #tpu.memory_space<vmem>>, %arg219: memref<1x1x2048xf32, #tpu.memory_space<vmem>>, %arg220: memref<1x1x2048xf32, #tpu.memory_space<vmem>>, %arg221: memref<1x1x2048xf32, #tpu.memory_space<vmem>>, %arg222: memref<1x1x2048xf32, #tpu.memory_space<vmem>>, %arg223: memref<1x1x2048xf32, #tpu.memory_space<vmem>>, %arg224: memref<1x1x2048xf32, #tpu.memory_space<vmem>>, %arg225: memref<1x1x2048xf32, #tpu.memory_space<vmem>>, %arg226: memref<1x1x2048xf32, #tpu.memory_space<vmem>>, %arg227: memref<1x1x2048xf32, #tpu.memory_space<vmem>>, %arg228: memref<1x1x2048xf32, #tpu.memory_space<vmem>>, %arg229: memref<1x1x2048xf32, #tpu.memory_space<vmem>>, %arg230: memref<1x1x2048xf32, #tpu.memory_space<vmem>>, %arg231: memref<1x1x2048xf32, #tpu.memory_space<vmem>>, %arg232: memref<1x1x2048xf32, #tpu.memory_space<vmem>>, %arg233: memref<1x1x2048xf32, #tpu.memory_space<vmem>>, %arg234: memref<1x1x2048xf32, #tpu.memory_space<vmem>>, %arg235: memref<1x1x2048xf32, #tpu.memory_space<vmem>>, %arg236: memref<1x1x2048xf32, #tpu.memory_space<vmem>>, %arg237: memref<1x1x2048xf32, #tpu.memory_space<vmem>>, %arg238: memref<1x1x2048xf32, #tpu.memory_space<vmem>>, %arg239: memref<1x1x2048xf32, #tpu.memory_space<vmem>>, %arg240: memref<1x1x2048xf32, #tpu.memory_space<vmem>>, %arg241: memref<1x1x2048xf32, #tpu.memory_space<vmem>>, %arg242: memref<1x1x2048xf32, #tpu.memory_space<vmem>>, %arg243: memref<1x1x2048xf32, #tpu.memory_space<vmem>>, %arg244: memref<1x1x2048xf32, #tpu.memory_space<vmem>>, %arg245: memref<1x1x2048xf32, #tpu.memory_space<vmem>>, %arg246: memref<1x1x2048xf32, #tpu.memory_space<vmem>>, %arg247: memref<1x1x2048xf32, #tpu.memory_space<vmem>>, %arg248: memref<1x1x2048xf32, #tpu.memory_space<vmem>>, %arg249: memref<1x1x2048xf32, #tpu.memory_space<vmem>>, %arg250: memref<1x1x2048xf32, #tpu.memory_space<vmem>>, %arg251: memref<1x1x2048xf32, #tpu.memory_space<vmem>>, %arg252: memref<1x1x2048xf32, #tpu.memory_space<vmem>>, %arg253: memref<1x1x2048xf32, #tpu.memory_space<vmem>>, %arg254: memref<1x1x2048xf32, #tpu.memory_space<vmem>>, %arg255: memref<1x1x2048xf32, #tpu.memory_space<vmem>>, %arg256: memref<1x1x2048xf32, #tpu.memory_space<vmem>>, %arg257: memref<1x1x2048xf32, #tpu.memory_space<vmem>>, %arg258: memref<256x2048xf32, #tpu.memory_space<vmem>>) attributes {dimension_semantics = [#tpu.dimension_semantics<parallel>], iteration_bounds = array<i64: 64>, scalar_prefetch = 1 : i64, scratch_operands = 0 : i64, tpu.core_type = #tpu.core_type<tc>, window_params = [{transform_indices = @transform_0, window_bounds = array<i64: 1, 1, 2048>}, {transform_indices = @transform_1, window_bounds = array<i64: 1, 1, 2048>}, {transform_indices = @transform_2, window_bounds = array<i64: 1, 1, 2048>}, {transform_indices = @transform_3, window_bounds = array<i64: 1, 1, 2048>}, {transform_indices = @transform_4, window_bounds = array<i64: 1, 1, 2048>}, {transform_indices = @transform_5, window_bounds = array<i64: 1, 1, 2048>}, {transform_indices = @transform_6, window_bounds = array<i64: 1, 1, 2048>}, {transform_indices = @transform_7, window_bounds = array<i64: 1, 1, 2048>}, {transform_indices = @transform_8, window_bounds = array<i64: 1, 1, 2048>}, {transform_indices = @transform_9, window_bounds = array<i64: 1, 1, 2048>}, {transform_indices = @transform_10, window_bounds = array<i64: 1, 1, 2048>}, {transform_indices = @transform_11, window_bounds = array<i64: 1, 1, 2048>}, {transform_indices = @transform_12, window_bounds = array<i64: 1, 1, 2048>}, {transform_indices = @transform_13, window_bounds = array<i64: 1, 1, 2048>}, {transform_indices = @transform_14, window_bounds = array<i64: 1, 1, 2048>}, {transform_indices = @transform_15, window_bounds = array<i64: 1, 1, 2048>}, {transform_indices = @transform_16, window_bounds = array<i64: 1, 1, 2048>}, {transform_indices = @transform_17, window_bounds = array<i64: 1, 1, 2048>}, {transform_indices = @transform_18, window_bounds = array<i64: 1, 1, 2048>}, {transform_indices = @transform_19, window_bounds = array<i64: 1, 1, 2048>}, {transform_indices = @transform_20, window_bounds = array<i64: 1, 1, 2048>}, {transform_indices = @transform_21, window_bounds = array<i64: 1, 1, 2048>}, {transform_indices = @transform_22, window_bounds = array<i64: 1, 1, 2048>}, {transform_indices = @transform_23, window_bounds = array<i64: 1, 1, 2048>}, {transform_indices = @transform_24, window_bounds = array<i64: 1, 1, 2048>}, {transform_indices = @transform_25, window_bounds = array<i64: 1, 1, 2048>}, {transform_indices = @transform_26, window_bounds = array<i64: 1, 1, 2048>}, {transform_indices = @transform_27, window_bounds = array<i64: 1, 1, 2048>}, {transform_indices = @transform_28, window_bounds = array<i64: 1, 1, 2048>}, {transform_indices = @transform_29, window_bounds = array<i64: 1, 1, 2048>}, {transform_indices = @transform_30, window_bounds = array<i64: 1, 1, 2048>}, {transform_indices = @transform_31, window_bounds = array<i64: 1, 1, 2048>}, {transform_indices = @transform_32, window_bounds = array<i64: 1, 1, 2048>}, {transform_indices = @transform_33, window_bounds = array<i64: 1, 1, 2048>}, {transform_indices = @transform_34, window_bounds = array<i64: 1, 1, 2048>}, {transform_indices = @transform_35, window_bounds = array<i64: 1, 1, 2048>}, {transform_indices = @transform_36, window_bounds = array<i64: 1, 1, 2048>}, {transform_indices = @transform_37, window_bounds = array<i64: 1, 1, 2048>}, {transform_indices = @transform_38, window_bounds = array<i64: 1, 1, 2048>}, {transform_indices = @transform_39, window_bounds = array<i64: 1, 1, 2048>}, {transform_indices = @transform_40, window_bounds = array<i64: 1, 1, 2048>}, {transform_indices = @transform_41, window_bounds = array<i64: 1, 1, 2048>}, {transform_indices = @transform_42, window_bounds = array<i64: 1, 1, 2048>}, {transform_indices = @transform_43, window_bounds = array<i64: 1, 1, 2048>}, {transform_indices = @transform_44, window_bounds = array<i64: 1, 1, 2048>}, {transform_indices = @transform_45, window_bounds = array<i64: 1, 1, 2048>}, {transform_indices = @transform_46, window_bounds = array<i64: 1, 1, 2048>}, {transform_indices = @transform_47, window_bounds = array<i64: 1, 1, 2048>}, {transform_indices = @transform_48, window_bounds = array<i64: 1, 1, 2048>}, {transform_indices = @transform_49, window_bounds = array<i64: 1, 1, 2048>}, {transform_indices = @transform_50, window_bounds = array<i64: 1, 1, 2048>}, {transform_indices = @transform_51, window_bounds = array<i64: 1, 1, 2048>}, {transform_indices = @transform_52, window_bounds = array<i64: 1, 1, 2048>}, {transform_indices = @transform_53, window_bounds = array<i64: 1, 1, 2048>}, {transform_indices = @transform_54, window_bounds = array<i64: 1, 1, 2048>}, {transform_indices = @transform_55, window_bounds = array<i64: 1, 1, 2048>}, {transform_indices = @transform_56, window_bounds = array<i64: 1, 1, 2048>}, {transform_indices = @transform_57, window_bounds = array<i64: 1, 1, 2048>}, {transform_indices = @transform_58, window_bounds = array<i64: 1, 1, 2048>}, {transform_indices = @transform_59, window_bounds = array<i64: 1, 1, 2048>}, {transform_indices = @transform_60, window_bounds = array<i64: 1, 1, 2048>}, {transform_indices = @transform_61, window_bounds = array<i64: 1, 1, 2048>}, {transform_indices = @transform_62, window_bounds = array<i64: 1, 1, 2048>}, {transform_indices = @transform_63, window_bounds = array<i64: 1, 1, 2048>}, {transform_indices = @transform_64, window_bounds = array<i64: 1, 1, 2048>}, {transform_indices = @transform_65, window_bounds = array<i64: 1, 1, 2048>}, {transform_indices = @transform_66, window_bounds = array<i64: 1, 1, 2048>}, {transform_indices = @transform_67, window_bounds = array<i64: 1, 1, 2048>}, {transform_indices = @transform_68, window_bounds = array<i64: 1, 1, 2048>}, {transform_indices = @transform_69, window_bounds = array<i64: 1, 1, 2048>}, {transform_indices = @transform_70, window_bounds = array<i64: 1, 1, 2048>}, {transform_indices = @transform_71, window_bounds = array<i64: 1, 1, 2048>}, {transform_indices = @transform_72, window_bounds = array<i64: 1, 1, 2048>}, {transform_indices = @transform_73, window_bounds = array<i64: 1, 1, 2048>}, {transform_indices = @transform_74, window_bounds = array<i64: 1, 1, 2048>}, {transform_indices = @transform_75, window_bounds = array<i64: 1, 1, 2048>}, {transform_indices = @transform_76, window_bounds = array<i64: 1, 1, 2048>}, {transform_indices = @transform_77, window_bounds = array<i64: 1, 1, 2048>}, {transform_indices = @transform_78, window_bounds = array<i64: 1, 1, 2048>}, {transform_indices = @transform_79, window_bounds = array<i64: 1, 1, 2048>}, {transform_indices = @transform_80, window_bounds = array<i64: 1, 1, 2048>}, {transform_indices = @transform_81, window_bounds = array<i64: 1, 1, 2048>}, {transform_indices = @transform_82, window_bounds = array<i64: 1, 1, 2048>}, {transform_indices = @transform_83, window_bounds = array<i64: 1, 1, 2048>}, {transform_indices = @transform_84, window_bounds = array<i64: 1, 1, 2048>}, {transform_indices = @transform_85, window_bounds = array<i64: 1, 1, 2048>}, {transform_indices = @transform_86, window_bounds = array<i64: 1, 1, 2048>}, {transform_indices = @transform_87, window_bounds = array<i64: 1, 1, 2048>}, {transform_indices = @transform_88, window_bounds = array<i64: 1, 1, 2048>}, {transform_indices = @transform_89, window_bounds = array<i64: 1, 1, 2048>}, {transform_indices = @transform_90, window_bounds = array<i64: 1, 1, 2048>}, {transform_indices = @transform_91, window_bounds = array<i64: 1, 1, 2048>}, {transform_indices = @transform_92, window_bounds = array<i64: 1, 1, 2048>}, {transform_indices = @transform_93, window_bounds = array<i64: 1, 1, 2048>}, {transform_indices = @transform_94, window_bounds = array<i64: 1, 1, 2048>}, {transform_indices = @transform_95, window_bounds = array<i64: 1, 1, 2048>}, {transform_indices = @transform_96, window_bounds = array<i64: 1, 1, 2048>}, {transform_indices = @transform_97, window_bounds = array<i64: 1, 1, 2048>}, {transform_indices = @transform_98, window_bounds = array<i64: 1, 1, 2048>}, {transform_indices = @transform_99, window_bounds = array<i64: 1, 1, 2048>}, {transform_indices = @transform_100, window_bounds = array<i64: 1, 1, 2048>}, {transform_indices = @transform_101, window_bounds = array<i64: 1, 1, 2048>}, {transform_indices = @transform_102, window_bounds = array<i64: 1, 1, 2048>}, {transform_indices = @transform_103, window_bounds = array<i64: 1, 1, 2048>}, {transform_indices = @transform_104, window_bounds = array<i64: 1, 1, 2048>}, {transform_indices = @transform_105, window_bounds = array<i64: 1, 1, 2048>}, {transform_indices = @transform_106, window_bounds = array<i64: 1, 1, 2048>}, {transform_indices = @transform_107, window_bounds = array<i64: 1, 1, 2048>}, {transform_indices = @transform_108, window_bounds = array<i64: 1, 1, 2048>}, {transform_indices = @transform_109, window_bounds = array<i64: 1, 1, 2048>}, {transform_indices = @transform_110, window_bounds = array<i64: 1, 1, 2048>}, {transform_indices = @transform_111, window_bounds = array<i64: 1, 1, 2048>}, {transform_indices = @transform_112, window_bounds = array<i64: 1, 1, 2048>}, {transform_indices = @transform_113, window_bounds = array<i64: 1, 1, 2048>}, {transform_indices = @transform_114, window_bounds = array<i64: 1, 1, 2048>}, {transform_indices = @transform_115, window_bounds = array<i64: 1, 1, 2048>}, {transform_indices = @transform_116, window_bounds = array<i64: 1, 1, 2048>}, {transform_indices = @transform_117, window_bounds = array<i64: 1, 1, 2048>}, {transform_indices = @transform_118, window_bounds = array<i64: 1, 1, 2048>}, {transform_indices = @transform_119, window_bounds = array<i64: 1, 1, 2048>}, {transform_indices = @transform_120, window_bounds = array<i64: 1, 1, 2048>}, {transform_indices = @transform_121, window_bounds = array<i64: 1, 1, 2048>}, {transform_indices = @transform_122, window_bounds = array<i64: 1, 1, 2048>}, {transform_indices = @transform_123, window_bounds = array<i64: 1, 1, 2048>}, {transform_indices = @transform_124, window_bounds = array<i64: 1, 1, 2048>}, {transform_indices = @transform_125, window_bounds = array<i64: 1, 1, 2048>}, {transform_indices = @transform_126, window_bounds = array<i64: 1, 1, 2048>}, {transform_indices = @transform_127, window_bounds = array<i64: 1, 1, 2048>}, {transform_indices = @transform_128, window_bounds = array<i64: 1, 1, 2048>}, {transform_indices = @transform_129, window_bounds = array<i64: 1, 1, 2048>}, {transform_indices = @transform_130, window_bounds = array<i64: 1, 1, 2048>}, {transform_indices = @transform_131, window_bounds = array<i64: 1, 1, 2048>}, {transform_indices = @transform_132, window_bounds = array<i64: 1, 1, 2048>}, {transform_indices = @transform_133, window_bounds = array<i64: 1, 1, 2048>}, {transform_indices = @transform_134, window_bounds = array<i64: 1, 1, 2048>}, {transform_indices = @transform_135, window_bounds = array<i64: 1, 1, 2048>}, {transform_indices = @transform_136, window_bounds = array<i64: 1, 1, 2048>}, {transform_indices = @transform_137, window_bounds = array<i64: 1, 1, 2048>}, {transform_indices = @transform_138, window_bounds = array<i64: 1, 1, 2048>}, {transform_indices = @transform_139, window_bounds = array<i64: 1, 1, 2048>}, {transform_indices = @transform_140, window_bounds = array<i64: 1, 1, 2048>}, {transform_indices = @transform_141, window_bounds = array<i64: 1, 1, 2048>}, {transform_indices = @transform_142, window_bounds = array<i64: 1, 1, 2048>}, {transform_indices = @transform_143, window_bounds = array<i64: 1, 1, 2048>}, {transform_indices = @transform_144, window_bounds = array<i64: 1, 1, 2048>}, {transform_indices = @transform_145, window_bounds = array<i64: 1, 1, 2048>}, {transform_indices = @transform_146, window_bounds = array<i64: 1, 1, 2048>}, {transform_indices = @transform_147, window_bounds = array<i64: 1, 1, 2048>}, {transform_indices = @transform_148, window_bounds = array<i64: 1, 1, 2048>}, {transform_indices = @transform_149, window_bounds = array<i64: 1, 1, 2048>}, {transform_indices = @transform_150, window_bounds = array<i64: 1, 1, 2048>}, {transform_indices = @transform_151, window_bounds = array<i64: 1, 1, 2048>}, {transform_indices = @transform_152, window_bounds = array<i64: 1, 1, 2048>}, {transform_indices = @transform_153, window_bounds = array<i64: 1, 1, 2048>}, {transform_indices = @transform_154, window_bounds = array<i64: 1, 1, 2048>}, {transform_indices = @transform_155, window_bounds = array<i64: 1, 1, 2048>}, {transform_indices = @transform_156, window_bounds = array<i64: 1, 1, 2048>}, {transform_indices = @transform_157, window_bounds = array<i64: 1, 1, 2048>}, {transform_indices = @transform_158, window_bounds = array<i64: 1, 1, 2048>}, {transform_indices = @transform_159, window_bounds = array<i64: 1, 1, 2048>}, {transform_indices = @transform_160, window_bounds = array<i64: 1, 1, 2048>}, {transform_indices = @transform_161, window_bounds = array<i64: 1, 1, 2048>}, {transform_indices = @transform_162, window_bounds = array<i64: 1, 1, 2048>}, {transform_indices = @transform_163, window_bounds = array<i64: 1, 1, 2048>}, {transform_indices = @transform_164, window_bounds = array<i64: 1, 1, 2048>}, {transform_indices = @transform_165, window_bounds = array<i64: 1, 1, 2048>}, {transform_indices = @transform_166, window_bounds = array<i64: 1, 1, 2048>}, {transform_indices = @transform_167, window_bounds = array<i64: 1, 1, 2048>}, {transform_indices = @transform_168, window_bounds = array<i64: 1, 1, 2048>}, {transform_indices = @transform_169, window_bounds = array<i64: 1, 1, 2048>}, {transform_indices = @transform_170, window_bounds = array<i64: 1, 1, 2048>}, {transform_indices = @transform_171, window_bounds = array<i64: 1, 1, 2048>}, {transform_indices = @transform_172, window_bounds = array<i64: 1, 1, 2048>}, {transform_indices = @transform_173, window_bounds = array<i64: 1, 1, 2048>}, {transform_indices = @transform_174, window_bounds = array<i64: 1, 1, 2048>}, {transform_indices = @transform_175, window_bounds = array<i64: 1, 1, 2048>}, {transform_indices = @transform_176, window_bounds = array<i64: 1, 1, 2048>}, {transform_indices = @transform_177, window_bounds = array<i64: 1, 1, 2048>}, {transform_indices = @transform_178, window_bounds = array<i64: 1, 1, 2048>}, {transform_indices = @transform_179, window_bounds = array<i64: 1, 1, 2048>}, {transform_indices = @transform_180, window_bounds = array<i64: 1, 1, 2048>}, {transform_indices = @transform_181, window_bounds = array<i64: 1, 1, 2048>}, {transform_indices = @transform_182, window_bounds = array<i64: 1, 1, 2048>}, {transform_indices = @transform_183, window_bounds = array<i64: 1, 1, 2048>}, {transform_indices = @transform_184, window_bounds = array<i64: 1, 1, 2048>}, {transform_indices = @transform_185, window_bounds = array<i64: 1, 1, 2048>}, {transform_indices = @transform_186, window_bounds = array<i64: 1, 1, 2048>}, {transform_indices = @transform_187, window_bounds = array<i64: 1, 1, 2048>}, {transform_indices = @transform_188, window_bounds = array<i64: 1, 1, 2048>}, {transform_indices = @transform_189, window_bounds = array<i64: 1, 1, 2048>}, {transform_indices = @transform_190, window_bounds = array<i64: 1, 1, 2048>}, {transform_indices = @transform_191, window_bounds = array<i64: 1, 1, 2048>}, {transform_indices = @transform_192, window_bounds = array<i64: 1, 1, 2048>}, {transform_indices = @transform_193, window_bounds = array<i64: 1, 1, 2048>}, {transform_indices = @transform_194, window_bounds = array<i64: 1, 1, 2048>}, {transform_indices = @transform_195, window_bounds = array<i64: 1, 1, 2048>}, {transform_indices = @transform_196, window_bounds = array<i64: 1, 1, 2048>}, {transform_indices = @transform_197, window_bounds = array<i64: 1, 1, 2048>}, {transform_indices = @transform_198, window_bounds = array<i64: 1, 1, 2048>}, {transform_indices = @transform_199, window_bounds = array<i64: 1, 1, 2048>}, {transform_indices = @transform_200, window_bounds = array<i64: 1, 1, 2048>}, {transform_indices = @transform_201, window_bounds = array<i64: 1, 1, 2048>}, {transform_indices = @transform_202, window_bounds = array<i64: 1, 1, 2048>}, {transform_indices = @transform_203, window_bounds = array<i64: 1, 1, 2048>}, {transform_indices = @transform_204, window_bounds = array<i64: 1, 1, 2048>}, {transform_indices = @transform_205, window_bounds = array<i64: 1, 1, 2048>}, {transform_indices = @transform_206, window_bounds = array<i64: 1, 1, 2048>}, {transform_indices = @transform_207, window_bounds = array<i64: 1, 1, 2048>}, {transform_indices = @transform_208, window_bounds = array<i64: 1, 1, 2048>}, {transform_indices = @transform_209, window_bounds = array<i64: 1, 1, 2048>}, {transform_indices = @transform_210, window_bounds = array<i64: 1, 1, 2048>}, {transform_indices = @transform_211, window_bounds = array<i64: 1, 1, 2048>}, {transform_indices = @transform_212, window_bounds = array<i64: 1, 1, 2048>}, {transform_indices = @transform_213, window_bounds = array<i64: 1, 1, 2048>}, {transform_indices = @transform_214, window_bounds = array<i64: 1, 1, 2048>}, {transform_indices = @transform_215, window_bounds = array<i64: 1, 1, 2048>}, {transform_indices = @transform_216, window_bounds = array<i64: 1, 1, 2048>}, {transform_indices = @transform_217, window_bounds = array<i64: 1, 1, 2048>}, {transform_indices = @transform_218, window_bounds = array<i64: 1, 1, 2048>}, {transform_indices = @transform_219, window_bounds = array<i64: 1, 1, 2048>}, {transform_indices = @transform_220, window_bounds = array<i64: 1, 1, 2048>}, {transform_indices = @transform_221, window_bounds = array<i64: 1, 1, 2048>}, {transform_indices = @transform_222, window_bounds = array<i64: 1, 1, 2048>}, {transform_indices = @transform_223, window_bounds = array<i64: 1, 1, 2048>}, {transform_indices = @transform_224, window_bounds = array<i64: 1, 1, 2048>}, {transform_indices = @transform_225, window_bounds = array<i64: 1, 1, 2048>}, {transform_indices = @transform_226, window_bounds = array<i64: 1, 1, 2048>}, {transform_indices = @transform_227, window_bounds = array<i64: 1, 1, 2048>}, {transform_indices = @transform_228, window_bounds = array<i64: 1, 1, 2048>}, {transform_indices = @transform_229, window_bounds = array<i64: 1, 1, 2048>}, {transform_indices = @transform_230, window_bounds = array<i64: 1, 1, 2048>}, {transform_indices = @transform_231, window_bounds = array<i64: 1, 1, 2048>}, {transform_indices = @transform_232, window_bounds = array<i64: 1, 1, 2048>}, {transform_indices = @transform_233, window_bounds = array<i64: 1, 1, 2048>}, {transform_indices = @transform_234, window_bounds = array<i64: 1, 1, 2048>}, {transform_indices = @transform_235, window_bounds = array<i64: 1, 1, 2048>}, {transform_indices = @transform_236, window_bounds = array<i64: 1, 1, 2048>}, {transform_indices = @transform_237, window_bounds = array<i64: 1, 1, 2048>}, {transform_indices = @transform_238, window_bounds = array<i64: 1, 1, 2048>}, {transform_indices = @transform_239, window_bounds = array<i64: 1, 1, 2048>}, {transform_indices = @transform_240, window_bounds = array<i64: 1, 1, 2048>}, {transform_indices = @transform_241, window_bounds = array<i64: 1, 1, 2048>}, {transform_indices = @transform_242, window_bounds = array<i64: 1, 1, 2048>}, {transform_indices = @transform_243, window_bounds = array<i64: 1, 1, 2048>}, {transform_indices = @transform_244, window_bounds = array<i64: 1, 1, 2048>}, {transform_indices = @transform_245, window_bounds = array<i64: 1, 1, 2048>}, {transform_indices = @transform_246, window_bounds = array<i64: 1, 1, 2048>}, {transform_indices = @transform_247, window_bounds = array<i64: 1, 1, 2048>}, {transform_indices = @transform_248, window_bounds = array<i64: 1, 1, 2048>}, {transform_indices = @transform_249, window_bounds = array<i64: 1, 1, 2048>}, {transform_indices = @transform_250, window_bounds = array<i64: 1, 1, 2048>}, {transform_indices = @transform_251, window_bounds = array<i64: 1, 1, 2048>}, {transform_indices = @transform_252, window_bounds = array<i64: 1, 1, 2048>}, {transform_indices = @transform_253, window_bounds = array<i64: 1, 1, 2048>}, {transform_indices = @transform_254, window_bounds = array<i64: 1, 1, 2048>}, {transform_indices = @transform_255, window_bounds = array<i64: 1, 1, 2048>}, {transform_indices = @transform_256, window_bounds = array<i64: 256, 2048>}]} {
    %get3A = arith.constant 0 : index
    %get3A_0 = arith.constant 0 : index
    %get3A_1 = arith.constant 0 : index
    %get3A_2 = vector.load %arg2[%get3A, %get3A_0, %get3A_1] : memref<1x1x2048xf32, #tpu.memory_space<vmem>>, vector<1x1x2048xf32>
    %get3A_3 = vector.shape_cast %get3A_2 : vector<1x1x2048xf32> to vector<2048xf32>
    %swap3A = arith.constant 0 : index
    %swap3A_4 = arith.constant 0 : index
    %swap3A_5 = vector.load %arg258[%swap3A, %swap3A_4] : memref<256x2048xf32, #tpu.memory_space<vmem>>, vector<1x2048xf32>
    %swap3A_6 = vector.shape_cast %swap3A_5 : vector<1x2048xf32> to vector<2048xf32>
    %swap3A_7 = vector.shape_cast %get3A_3 : vector<2048xf32> to vector<1x2048xf32>
    tpu.vector_store %arg258[%swap3A, %swap3A_4], %swap3A_7 {strides = array<i32>} : memref<256x2048xf32, #tpu.memory_space<vmem>>, vector<1x2048xf32>,
    %get3A_8 = arith.constant 0 : index
    %get3A_9 = arith.constant 0 : index
    %get3A_10 = arith.constant 0 : index
    %get3A_11 = vector.load %arg3[%get3A_8, %get3A_9, %get3A_10] : memref<1x1x2048xf32, #tpu.memory_space<vmem>>, vector<1x1x2048xf32>
    %get3A_12 = vector.shape_cast %get3A_11 : vector<1x1x2048xf32> to vector<2048xf32>
    %swap3A_13 = arith.constant 1 : index
    %swap3A_14 = arith.constant 0 : index
    %swap3A_15 = vector.load %arg258[%swap3A_13, %swap3A_14] : memref<256x2048xf32, #tpu.memory_space<vmem>>, vector<1x2048xf32>
    %swap3A_16 = vector.shape_cast %swap3A_15 : vector<1x2048xf32> to vector<2048xf32>
    %swap3A_17 = vector.shape_cast %get3A_12 : vector<2048xf32> to vector<1x2048xf32>
    tpu.vector_store %arg258[%swap3A_13, %swap3A_14], %swap3A_17 {strides = array<i32>} : memref<256x2048xf32, #tpu.memory_space<vmem>>, vector<1x2048xf32>,
    %get3A_18 = arith.constant 0 : index
    %get3A_19 = arith.constant 0 : index
    %get3A_20 = arith.constant 0 : index
    %get3A_21 = vector.load %arg4[%get3A_18, %get3A_19, %get3A_20] : memref<1x1x2048xf32, #tpu.memory_space<vmem>>, vector<1x1x2048xf32>
    %get3A_22 = vector.shape_cast %get3A_21 : vector<1x1x2048xf32> to vector<2048xf32>
    %swap3A_23 = arith.constant 2 : index
    %swap3A_24 = arith.constant 0 : index
    %swap3A_25 = vector.load %arg258[%swap3A_23, %swap3A_24] : memref<256x2048xf32, #tpu.memory_space<vmem>>, vector<1x2048xf32>
    %swap3A_26 = vector.shape_cast %swap3A_25 : vector<1x2048xf32> to vector<2048xf32>
    %swap3A_27 = vector.shape_cast %get3A_22 : vector<2048xf32> to vector<1x2048xf32>
    tpu.vector_store %arg258[%swap3A_23, %swap3A_24], %swap3A_27 {strides = array<i32>} : memref<256x2048xf32, #tpu.memory_space<vmem>>, vector<1x2048xf32>,
    %get3A_28 = arith.constant 0 : index
    %get3A_29 = arith.constant 0 : index
    %get3A_30 = arith.constant 0 : index
    %get3A_31 = vector.load %arg5[%get3A_28, %get3A_29, %get3A_30] : memref<1x1x2048xf32, #tpu.memory_space<vmem>>, vector<1x1x2048xf32>
    %get3A_32 = vector.shape_cast %get3A_31 : vector<1x1x2048xf32> to vector<2048xf32>
    %swap3A_33 = arith.constant 3 : index
    %swap3A_34 = arith.constant 0 : index
    %swap3A_35 = vector.load %arg258[%swap3A_33, %swap3A_34] : memref<256x2048xf32, #tpu.memory_space<vmem>>, vector<1x2048xf32>
    %swap3A_36 = vector.shape_cast %swap3A_35 : vector<1x2048xf32> to vector<2048xf32>
    %swap3A_37 = vector.shape_cast %get3A_32 : vector<2048xf32> to vector<1x2048xf32>
    tpu.vector_store %arg258[%swap3A_33, %swap3A_34], %swap3A_37 {strides = array<i32>} : memref<256x2048xf32, #tpu.memory_space<vmem>>, vector<1x2048xf32>,
    %get3A_38 = arith.constant 0 : index
    %get3A_39 = arith.constant 0 : index
    %get3A_40 = arith.constant 0 : index
    %get3A_41 = vector.load %arg6[%get3A_38, %get3A_39, %get3A_40] : memref<1x1x2048xf32, #tpu.memory_space<vmem>>, vector<1x1x2048xf32>
    %get3A_42 = vector.shape_cast %get3A_41 : vector<1x1x2048xf32> to vector<2048xf32>
    %swap3A_43 = arith.constant 4 : index
    %swap3A_44 = arith.constant 0 : index
    %swap3A_45 = vector.load %arg258[%swap3A_43, %swap3A_44] : memref<256x2048xf32, #tpu.memory_space<vmem>>, vector<1x2048xf32>
    %swap3A_46 = vector.shape_cast %swap3A_45 : vector<1x2048xf32> to vector<2048xf32>
    %swap3A_47 = vector.shape_cast %get3A_42 : vector<2048xf32> to vector<1x2048xf32>
    tpu.vector_store %arg258[%swap3A_43, %swap3A_44], %swap3A_47 {strides = array<i32>} : memref<256x2048xf32, #tpu.memory_space<vmem>>, vector<1x2048xf32>,
    %get3A_48 = arith.constant 0 : index
    %get3A_49 = arith.constant 0 : index
    %get3A_50 = arith.constant 0 : index
    %get3A_51 = vector.load %arg7[%get3A_48, %get3A_49, %get3A_50] : memref<1x1x2048xf32, #tpu.memory_space<vmem>>, vector<1x1x2048xf32>
    %get3A_52 = vector.shape_cast %get3A_51 : vector<1x1x2048xf32> to vector<2048xf32>
    %swap3A_53 = arith.constant 5 : index
    %swap3A_54 = arith.constant 0 : index
    %swap3A_55 = vector.load %arg258[%swap3A_53, %swap3A_54] : memref<256x2048xf32, #tpu.memory_space<vmem>>, vector<1x2048xf32>
    %swap3A_56 = vector.shape_cast %swap3A_55 : vector<1x2048xf32> to vector<2048xf32>
    %swap3A_57 = vector.shape_cast %get3A_52 : vector<2048xf32> to vector<1x2048xf32>
    tpu.vector_store %arg258[%swap3A_53, %swap3A_54], %swap3A_57 {strides = array<i32>} : memref<256x2048xf32, #tpu.memory_space<vmem>>, vector<1x2048xf32>,
    %get3A_58 = arith.constant 0 : index
    %get3A_59 = arith.constant 0 : index
    %get3A_60 = arith.constant 0 : index
    %get3A_61 = vector.load %arg8[%get3A_58, %get3A_59, %get3A_60] : memref<1x1x2048xf32, #tpu.memory_space<vmem>>, vector<1x1x2048xf32>
    %get3A_62 = vector.shape_cast %get3A_61 : vector<1x1x2048xf32> to vector<2048xf32>
    %swap3A_63 = arith.constant 6 : index
    %swap3A_64 = arith.constant 0 : index
    %swap3A_65 = vector.load %arg258[%swap3A_63, %swap3A_64] : memref<256x2048xf32, #tpu.memory_space<vmem>>, vector<1x2048xf32>
    %swap3A_66 = vector.shape_cast %swap3A_65 : vector<1x2048xf32> to vector<2048xf32>
    %swap3A_67 = vector.shape_cast %get3A_62 : vector<2048xf32> to vector<1x2048xf32>
    tpu.vector_store %arg258[%swap3A_63, %swap3A_64], %swap3A_67 {strides = array<i32>} : memref<256x2048xf32, #tpu.memory_space<vmem>>, vector<1x2048xf32>,
    %get3A_68 = arith.constant 0 : index
    %get3A_69 = arith.constant 0 : index
    %get3A_70 = arith.constant 0 : index
    %get3A_71 = vector.load %arg9[%get3A_68, %get3A_69, %get3A_70] : memref<1x1x2048xf32, #tpu.memory_space<vmem>>, vector<1x1x2048xf32>
    %get3A_72 = vector.shape_cast %get3A_71 : vector<1x1x2048xf32> to vector<2048xf32>
    %swap3A_73 = arith.constant 7 : index
    %swap3A_74 = arith.constant 0 : index
    %swap3A_75 = vector.load %arg258[%swap3A_73, %swap3A_74] : memref<256x2048xf32, #tpu.memory_space<vmem>>, vector<1x2048xf32>
    %swap3A_76 = vector.shape_cast %swap3A_75 : vector<1x2048xf32> to vector<2048xf32>
    %swap3A_77 = vector.shape_cast %get3A_72 : vector<2048xf32> to vector<1x2048xf32>
    tpu.vector_store %arg258[%swap3A_73, %swap3A_74], %swap3A_77 {strides = array<i32>} : memref<256x2048xf32, #tpu.memory_space<vmem>>, vector<1x2048xf32>,
    %get3A_78 = arith.constant 0 : index
    %get3A_79 = arith.constant 0 : index
    %get3A_80 = arith.constant 0 : index
    %get3A_81 = vector.load %arg10[%get3A_78, %get3A_79, %get3A_80] : memref<1x1x2048xf32, #tpu.memory_space<vmem>>, vector<1x1x2048xf32>
    %get3A_82 = vector.shape_cast %get3A_81 : vector<1x1x2048xf32> to vector<2048xf32>
    %swap3A_83 = arith.constant 8 : index
    %swap3A_84 = arith.constant 0 : index
    %swap3A_85 = vector.load %arg258[%swap3A_83, %swap3A_84] : memref<256x2048xf32, #tpu.memory_space<vmem>>, vector<1x2048xf32>
    %swap3A_86 = vector.shape_cast %swap3A_85 : vector<1x2048xf32> to vector<2048xf32>
    %swap3A_87 = vector.shape_cast %get3A_82 : vector<2048xf32> to vector<1x2048xf32>
    tpu.vector_store %arg258[%swap3A_83, %swap3A_84], %swap3A_87 {strides = array<i32>} : memref<256x2048xf32, #tpu.memory_space<vmem>>, vector<1x2048xf32>,
    %get3A_88 = arith.constant 0 : index
    %get3A_89 = arith.constant 0 : index
    %get3A_90 = arith.constant 0 : index
    %get3A_91 = vector.load %arg11[%get3A_88, %get3A_89, %get3A_90] : memref<1x1x2048xf32, #tpu.memory_space<vmem>>, vector<1x1x2048xf32>
    %get3A_92 = vector.shape_cast %get3A_91 : vector<1x1x2048xf32> to vector<2048xf32>
    %swap3A_93 = arith.constant 9 : index
    %swap3A_94 = arith.constant 0 : index
    %swap3A_95 = vector.load %arg258[%swap3A_93, %swap3A_94] : memref<256x2048xf32, #tpu.memory_space<vmem>>, vector<1x2048xf32>
    %swap3A_96 = vector.shape_cast %swap3A_95 : vector<1x2048xf32> to vector<2048xf32>
    %swap3A_97 = vector.shape_cast %get3A_92 : vector<2048xf32> to vector<1x2048xf32>
    tpu.vector_store %arg258[%swap3A_93, %swap3A_94], %swap3A_97 {strides = array<i32>} : memref<256x2048xf32, #tpu.memory_space<vmem>>, vector<1x2048xf32>,
    %get3A_98 = arith.constant 0 : index
    %get3A_99 = arith.constant 0 : index
    %get3A_100 = arith.constant 0 : index
    %get3A_101 = vector.load %arg12[%get3A_98, %get3A_99, %get3A_100] : memref<1x1x2048xf32, #tpu.memory_space<vmem>>, vector<1x1x2048xf32>
    %get3A_102 = vector.shape_cast %get3A_101 : vector<1x1x2048xf32> to vector<2048xf32>
    %swap3A_103 = arith.constant 10 : index
    %swap3A_104 = arith.constant 0 : index
    %swap3A_105 = vector.load %arg258[%swap3A_103, %swap3A_104] : memref<256x2048xf32, #tpu.memory_space<vmem>>, vector<1x2048xf32>
    %swap3A_106 = vector.shape_cast %swap3A_105 : vector<1x2048xf32> to vector<2048xf32>
    %swap3A_107 = vector.shape_cast %get3A_102 : vector<2048xf32> to vector<1x2048xf32>
    tpu.vector_store %arg258[%swap3A_103, %swap3A_104], %swap3A_107 {strides = array<i32>} : memref<256x2048xf32, #tpu.memory_space<vmem>>, vector<1x2048xf32>,
    %get3A_108 = arith.constant 0 : index
    %get3A_109 = arith.constant 0 : index
    %get3A_110 = arith.constant 0 : index
    %get3A_111 = vector.load %arg13[%get3A_108, %get3A_109, %get3A_110] : memref<1x1x2048xf32, #tpu.memory_space<vmem>>, vector<1x1x2048xf32>
    %get3A_112 = vector.shape_cast %get3A_111 : vector<1x1x2048xf32> to vector<2048xf32>
    %swap3A_113 = arith.constant 11 : index
    %swap3A_114 = arith.constant 0 : index
    %swap3A_115 = vector.load %arg258[%swap3A_113, %swap3A_114] : memref<256x2048xf32, #tpu.memory_space<vmem>>, vector<1x2048xf32>
    %swap3A_116 = vector.shape_cast %swap3A_115 : vector<1x2048xf32> to vector<2048xf32>
    %swap3A_117 = vector.shape_cast %get3A_112 : vector<2048xf32> to vector<1x2048xf32>
    tpu.vector_store %arg258[%swap3A_113, %swap3A_114], %swap3A_117 {strides = array<i32>} : memref<256x2048xf32, #tpu.memory_space<vmem>>, vector<1x2048xf32>,
    %get3A_118 = arith.constant 0 : index
    %get3A_119 = arith.constant 0 : index
    %get3A_120 = arith.constant 0 : index
    %get3A_121 = vector.load %arg14[%get3A_118, %get3A_119, %get3A_120] : memref<1x1x2048xf32, #tpu.memory_space<vmem>>, vector<1x1x2048xf32>
    %get3A_122 = vector.shape_cast %get3A_121 : vector<1x1x2048xf32> to vector<2048xf32>
    %swap3A_123 = arith.constant 12 : index
    %swap3A_124 = arith.constant 0 : index
    %swap3A_125 = vector.load %arg258[%swap3A_123, %swap3A_124] : memref<256x2048xf32, #tpu.memory_space<vmem>>, vector<1x2048xf32>
    %swap3A_126 = vector.shape_cast %swap3A_125 : vector<1x2048xf32> to vector<2048xf32>
    %swap3A_127 = vector.shape_cast %get3A_122 : vector<2048xf32> to vector<1x2048xf32>
    tpu.vector_store %arg258[%swap3A_123, %swap3A_124], %swap3A_127 {strides = array<i32>} : memref<256x2048xf32, #tpu.memory_space<vmem>>, vector<1x2048xf32>,
    %get3A_128 = arith.constant 0 : index
    %get3A_129 = arith.constant 0 : index
    %get3A_130 = arith.constant 0 : index
    %get3A_131 = vector.load %arg15[%get3A_128, %get3A_129, %get3A_130] : memref<1x1x2048xf32, #tpu.memory_space<vmem>>, vector<1x1x2048xf32>
    %get3A_132 = vector.shape_cast %get3A_131 : vector<1x1x2048xf32> to vector<2048xf32>
    %swap3A_133 = arith.constant 13 : index
    %swap3A_134 = arith.constant 0 : index
    %swap3A_135 = vector.load %arg258[%swap3A_133, %swap3A_134] : memref<256x2048xf32, #tpu.memory_space<vmem>>, vector<1x2048xf32>
    %swap3A_136 = vector.shape_cast %swap3A_135 : vector<1x2048xf32> to vector<2048xf32>
    %swap3A_137 = vector.shape_cast %get3A_132 : vector<2048xf32> to vector<1x2048xf32>
    tpu.vector_store %arg258[%swap3A_133, %swap3A_134], %swap3A_137 {strides = array<i32>} : memref<256x2048xf32, #tpu.memory_space<vmem>>, vector<1x2048xf32>,
    %get3A_138 = arith.constant 0 : index
    %get3A_139 = arith.constant 0 : index
    %get3A_140 = arith.constant 0 : index
    %get3A_141 = vector.load %arg16[%get3A_138, %get3A_139, %get3A_140] : memref<1x1x2048xf32, #tpu.memory_space<vmem>>, vector<1x1x2048xf32>
    %get3A_142 = vector.shape_cast %get3A_141 : vector<1x1x2048xf32> to vector<2048xf32>
    %swap3A_143 = arith.constant 14 : index
    %swap3A_144 = arith.constant 0 : index
    %swap3A_145 = vector.load %arg258[%swap3A_143, %swap3A_144] : memref<256x2048xf32, #tpu.memory_space<vmem>>, vector<1x2048xf32>
    %swap3A_146 = vector.shape_cast %swap3A_145 : vector<1x2048xf32> to vector<2048xf32>
    %swap3A_147 = vector.shape_cast %get3A_142 : vector<2048xf32> to vector<1x2048xf32>
    tpu.vector_store %arg258[%swap3A_143, %swap3A_144], %swap3A_147 {strides = array<i32>} : memref<256x2048xf32, #tpu.memory_space<vmem>>, vector<1x2048xf32>,
    %get3A_148 = arith.constant 0 : index
    %get3A_149 = arith.constant 0 : index
    %get3A_150 = arith.constant 0 : index
    %get3A_151 = vector.load %arg17[%get3A_148, %get3A_149, %get3A_150] : memref<1x1x2048xf32, #tpu.memory_space<vmem>>, vector<1x1x2048xf32>
    %get3A_152 = vector.shape_cast %get3A_151 : vector<1x1x2048xf32> to vector<2048xf32>
    %swap3A_153 = arith.constant 15 : index
    %swap3A_154 = arith.constant 0 : index
    %swap3A_155 = vector.load %arg258[%swap3A_153, %swap3A_154] : memref<256x2048xf32, #tpu.memory_space<vmem>>, vector<1x2048xf32>
    %swap3A_156 = vector.shape_cast %swap3A_155 : vector<1x2048xf32> to vector<2048xf32>
    %swap3A_157 = vector.shape_cast %get3A_152 : vector<2048xf32> to vector<1x2048xf32>
    tpu.vector_store %arg258[%swap3A_153, %swap3A_154], %swap3A_157 {strides = array<i32>} : memref<256x2048xf32, #tpu.memory_space<vmem>>, vector<1x2048xf32>,
    %get3A_158 = arith.constant 0 : index
    %get3A_159 = arith.constant 0 : index
    %get3A_160 = arith.constant 0 : index
    %get3A_161 = vector.load %arg18[%get3A_158, %get3A_159, %get3A_160] : memref<1x1x2048xf32, #tpu.memory_space<vmem>>, vector<1x1x2048xf32>
    %get3A_162 = vector.shape_cast %get3A_161 : vector<1x1x2048xf32> to vector<2048xf32>
    %swap3A_163 = arith.constant 16 : index
    %swap3A_164 = arith.constant 0 : index
    %swap3A_165 = vector.load %arg258[%swap3A_163, %swap3A_164] : memref<256x2048xf32, #tpu.memory_space<vmem>>, vector<1x2048xf32>
    %swap3A_166 = vector.shape_cast %swap3A_165 : vector<1x2048xf32> to vector<2048xf32>
    %swap3A_167 = vector.shape_cast %get3A_162 : vector<2048xf32> to vector<1x2048xf32>
    tpu.vector_store %arg258[%swap3A_163, %swap3A_164], %swap3A_167 {strides = array<i32>} : memref<256x2048xf32, #tpu.memory_space<vmem>>, vector<1x2048xf32>,
    %get3A_168 = arith.constant 0 : index
    %get3A_169 = arith.constant 0 : index
    %get3A_170 = arith.constant 0 : index
    %get3A_171 = vector.load %arg19[%get3A_168, %get3A_169, %get3A_170] : memref<1x1x2048xf32, #tpu.memory_space<vmem>>, vector<1x1x2048xf32>
    %get3A_172 = vector.shape_cast %get3A_171 : vector<1x1x2048xf32> to vector<2048xf32>
    %swap3A_173 = arith.constant 17 : index
    %swap3A_174 = arith.constant 0 : index
    %swap3A_175 = vector.load %arg258[%swap3A_173, %swap3A_174] : memref<256x2048xf32, #tpu.memory_space<vmem>>, vector<1x2048xf32>
    %swap3A_176 = vector.shape_cast %swap3A_175 : vector<1x2048xf32> to vector<2048xf32>
    %swap3A_177 = vector.shape_cast %get3A_172 : vector<2048xf32> to vector<1x2048xf32>
    tpu.vector_store %arg258[%swap3A_173, %swap3A_174], %swap3A_177 {strides = array<i32>} : memref<256x2048xf32, #tpu.memory_space<vmem>>, vector<1x2048xf32>,
    %get3A_178 = arith.constant 0 : index
    %get3A_179 = arith.constant 0 : index
    %get3A_180 = arith.constant 0 : index
    %get3A_181 = vector.load %arg20[%get3A_178, %get3A_179, %get3A_180] : memref<1x1x2048xf32, #tpu.memory_space<vmem>>, vector<1x1x2048xf32>
    %get3A_182 = vector.shape_cast %get3A_181 : vector<1x1x2048xf32> to vector<2048xf32>
    %swap3A_183 = arith.constant 18 : index
    %swap3A_184 = arith.constant 0 : index
    %swap3A_185 = vector.load %arg258[%swap3A_183, %swap3A_184] : memref<256x2048xf32, #tpu.memory_space<vmem>>, vector<1x2048xf32>
    %swap3A_186 = vector.shape_cast %swap3A_185 : vector<1x2048xf32> to vector<2048xf32>
    %swap3A_187 = vector.shape_cast %get3A_182 : vector<2048xf32> to vector<1x2048xf32>
    tpu.vector_store %arg258[%swap3A_183, %swap3A_184], %swap3A_187 {strides = array<i32>} : memref<256x2048xf32, #tpu.memory_space<vmem>>, vector<1x2048xf32>,
    %get3A_188 = arith.constant 0 : index
    %get3A_189 = arith.constant 0 : index
    %get3A_190 = arith.constant 0 : index
    %get3A_191 = vector.load %arg21[%get3A_188, %get3A_189, %get3A_190] : memref<1x1x2048xf32, #tpu.memory_space<vmem>>, vector<1x1x2048xf32>
    %get3A_192 = vector.shape_cast %get3A_191 : vector<1x1x2048xf32> to vector<2048xf32>
    %swap3A_193 = arith.constant 19 : index
    %swap3A_194 = arith.constant 0 : index
    %swap3A_195 = vector.load %arg258[%swap3A_193, %swap3A_194] : memref<256x2048xf32, #tpu.memory_space<vmem>>, vector<1x2048xf32>
    %swap3A_196 = vector.shape_cast %swap3A_195 : vector<1x2048xf32> to vector<2048xf32>
    %swap3A_197 = vector.shape_cast %get3A_192 : vector<2048xf32> to vector<1x2048xf32>
    tpu.vector_store %arg258[%swap3A_193, %swap3A_194], %swap3A_197 {strides = array<i32>} : memref<256x2048xf32, #tpu.memory_space<vmem>>, vector<1x2048xf32>,
    %get3A_198 = arith.constant 0 : index
    %get3A_199 = arith.constant 0 : index
    %get3A_200 = arith.constant 0 : index
    %get3A_201 = vector.load %arg22[%get3A_198, %get3A_199, %get3A_200] : memref<1x1x2048xf32, #tpu.memory_space<vmem>>, vector<1x1x2048xf32>
    %get3A_202 = vector.shape_cast %get3A_201 : vector<1x1x2048xf32> to vector<2048xf32>
    %swap3A_203 = arith.constant 20 : index
    %swap3A_204 = arith.constant 0 : index
    %swap3A_205 = vector.load %arg258[%swap3A_203, %swap3A_204] : memref<256x2048xf32, #tpu.memory_space<vmem>>, vector<1x2048xf32>
    %swap3A_206 = vector.shape_cast %swap3A_205 : vector<1x2048xf32> to vector<2048xf32>
    %swap3A_207 = vector.shape_cast %get3A_202 : vector<2048xf32> to vector<1x2048xf32>
    tpu.vector_store %arg258[%swap3A_203, %swap3A_204], %swap3A_207 {strides = array<i32>} : memref<256x2048xf32, #tpu.memory_space<vmem>>, vector<1x2048xf32>,
    %get3A_208 = arith.constant 0 : index
    %get3A_209 = arith.constant 0 : index
    %get3A_210 = arith.constant 0 : index
    %get3A_211 = vector.load %arg23[%get3A_208, %get3A_209, %get3A_210] : memref<1x1x2048xf32, #tpu.memory_space<vmem>>, vector<1x1x2048xf32>
    %get3A_212 = vector.shape_cast %get3A_211 : vector<1x1x2048xf32> to vector<2048xf32>
    %swap3A_213 = arith.constant 21 : index
    %swap3A_214 = arith.constant 0 : index
    %swap3A_215 = vector.load %arg258[%swap3A_213, %swap3A_214] : memref<256x2048xf32, #tpu.memory_space<vmem>>, vector<1x2048xf32>
    %swap3A_216 = vector.shape_cast %swap3A_215 : vector<1x2048xf32> to vector<2048xf32>
    %swap3A_217 = vector.shape_cast %get3A_212 : vector<2048xf32> to vector<1x2048xf32>
    tpu.vector_store %arg258[%swap3A_213, %swap3A_214], %swap3A_217 {strides = array<i32>} : memref<256x2048xf32, #tpu.memory_space<vmem>>, vector<1x2048xf32>,
    %get3A_218 = arith.constant 0 : index
    %get3A_219 = arith.constant 0 : index
    %get3A_220 = arith.constant 0 : index
    %get3A_221 = vector.load %arg24[%get3A_218, %get3A_219, %get3A_220] : memref<1x1x2048xf32, #tpu.memory_space<vmem>>, vector<1x1x2048xf32>
    %get3A_222 = vector.shape_cast %get3A_221 : vector<1x1x2048xf32> to vector<2048xf32>
    %swap3A_223 = arith.constant 22 : index
    %swap3A_224 = arith.constant 0 : index
    %swap3A_225 = vector.load %arg258[%swap3A_223, %swap3A_224] : memref<256x2048xf32, #tpu.memory_space<vmem>>, vector<1x2048xf32>
    %swap3A_226 = vector.shape_cast %swap3A_225 : vector<1x2048xf32> to vector<2048xf32>
    %swap3A_227 = vector.shape_cast %get3A_222 : vector<2048xf32> to vector<1x2048xf32>
    tpu.vector_store %arg258[%swap3A_223, %swap3A_224], %swap3A_227 {strides = array<i32>} : memref<256x2048xf32, #tpu.memory_space<vmem>>, vector<1x2048xf32>,
    %get3A_228 = arith.constant 0 : index
    %get3A_229 = arith.constant 0 : index
    %get3A_230 = arith.constant 0 : index
    %get3A_231 = vector.load %arg25[%get3A_228, %get3A_229, %get3A_230] : memref<1x1x2048xf32, #tpu.memory_space<vmem>>, vector<1x1x2048xf32>
    %get3A_232 = vector.shape_cast %get3A_231 : vector<1x1x2048xf32> to vector<2048xf32>
    %swap3A_233 = arith.constant 23 : index
    %swap3A_234 = arith.constant 0 : index
    %swap3A_235 = vector.load %arg258[%swap3A_233, %swap3A_234] : memref<256x2048xf32, #tpu.memory_space<vmem>>, vector<1x2048xf32>
    %swap3A_236 = vector.shape_cast %swap3A_235 : vector<1x2048xf32> to vector<2048xf32>
    %swap3A_237 = vector.shape_cast %get3A_232 : vector<2048xf32> to vector<1x2048xf32>
    tpu.vector_store %arg258[%swap3A_233, %swap3A_234], %swap3A_237 {strides = array<i32>} : memref<256x2048xf32, #tpu.memory_space<vmem>>, vector<1x2048xf32>,
    %get3A_238 = arith.constant 0 : index
    %get3A_239 = arith.constant 0 : index
    %get3A_240 = arith.constant 0 : index
    %get3A_241 = vector.load %arg26[%get3A_238, %get3A_239, %get3A_240] : memref<1x1x2048xf32, #tpu.memory_space<vmem>>, vector<1x1x2048xf32>
    %get3A_242 = vector.shape_cast %get3A_241 : vector<1x1x2048xf32> to vector<2048xf32>
    %swap3A_243 = arith.constant 24 : index
    %swap3A_244 = arith.constant 0 : index
    %swap3A_245 = vector.load %arg258[%swap3A_243, %swap3A_244] : memref<256x2048xf32, #tpu.memory_space<vmem>>, vector<1x2048xf32>
    %swap3A_246 = vector.shape_cast %swap3A_245 : vector<1x2048xf32> to vector<2048xf32>
    %swap3A_247 = vector.shape_cast %get3A_242 : vector<2048xf32> to vector<1x2048xf32>
    tpu.vector_store %arg258[%swap3A_243, %swap3A_244], %swap3A_247 {strides = array<i32>} : memref<256x2048xf32, #tpu.memory_space<vmem>>, vector<1x2048xf32>,
    %get3A_248 = arith.constant 0 : index
    %get3A_249 = arith.constant 0 : index
    %get3A_250 = arith.constant 0 : index
    %get3A_251 = vector.load %arg27[%get3A_248, %get3A_249, %get3A_250] : memref<1x1x2048xf32, #tpu.memory_space<vmem>>, vector<1x1x2048xf32>
    %get3A_252 = vector.shape_cast %get3A_251 : vector<1x1x2048xf32> to vector<2048xf32>
    %swap3A_253 = arith.constant 25 : index
    %swap3A_254 = arith.constant 0 : index
    %swap3A_255 = vector.load %arg258[%swap3A_253, %swap3A_254] : memref<256x2048xf32, #tpu.memory_space<vmem>>, vector<1x2048xf32>
    %swap3A_256 = vector.shape_cast %swap3A_255 : vector<1x2048xf32> to vector<2048xf32>
    %swap3A_257 = vector.shape_cast %get3A_252 : vector<2048xf32> to vector<1x2048xf32>
    tpu.vector_store %arg258[%swap3A_253, %swap3A_254], %swap3A_257 {strides = array<i32>} : memref<256x2048xf32, #tpu.memory_space<vmem>>, vector<1x2048xf32>,
    %get3A_258 = arith.constant 0 : index
    %get3A_259 = arith.constant 0 : index
    %get3A_260 = arith.constant 0 : index
    %get3A_261 = vector.load %arg28[%get3A_258, %get3A_259, %get3A_260] : memref<1x1x2048xf32, #tpu.memory_space<vmem>>, vector<1x1x2048xf32>
    %get3A_262 = vector.shape_cast %get3A_261 : vector<1x1x2048xf32> to vector<2048xf32>
    %swap3A_263 = arith.constant 26 : index
    %swap3A_264 = arith.constant 0 : index
    %swap3A_265 = vector.load %arg258[%swap3A_263, %swap3A_264] : memref<256x2048xf32, #tpu.memory_space<vmem>>, vector<1x2048xf32>
    %swap3A_266 = vector.shape_cast %swap3A_265 : vector<1x2048xf32> to vector<2048xf32>
    %swap3A_267 = vector.shape_cast %get3A_262 : vector<2048xf32> to vector<1x2048xf32>
    tpu.vector_store %arg258[%swap3A_263, %swap3A_264], %swap3A_267 {strides = array<i32>} : memref<256x2048xf32, #tpu.memory_space<vmem>>, vector<1x2048xf32>,
    %get3A_268 = arith.constant 0 : index
    %get3A_269 = arith.constant 0 : index
    %get3A_270 = arith.constant 0 : index
    %get3A_271 = vector.load %arg29[%get3A_268, %get3A_269, %get3A_270] : memref<1x1x2048xf32, #tpu.memory_space<vmem>>, vector<1x1x2048xf32>
    %get3A_272 = vector.shape_cast %get3A_271 : vector<1x1x2048xf32> to vector<2048xf32>
    %swap3A_273 = arith.constant 27 : index
    %swap3A_274 = arith.constant 0 : index
    %swap3A_275 = vector.load %arg258[%swap3A_273, %swap3A_274] : memref<256x2048xf32, #tpu.memory_space<vmem>>, vector<1x2048xf32>
    %swap3A_276 = vector.shape_cast %swap3A_275 : vector<1x2048xf32> to vector<2048xf32>
    %swap3A_277 = vector.shape_cast %get3A_272 : vector<2048xf32> to vector<1x2048xf32>
    tpu.vector_store %arg258[%swap3A_273, %swap3A_274], %swap3A_277 {strides = array<i32>} : memref<256x2048xf32, #tpu.memory_space<vmem>>, vector<1x2048xf32>,
    %get3A_278 = arith.constant 0 : index
    %get3A_279 = arith.constant 0 : index
    %get3A_280 = arith.constant 0 : index
    %get3A_281 = vector.load %arg30[%get3A_278, %get3A_279, %get3A_280] : memref<1x1x2048xf32, #tpu.memory_space<vmem>>, vector<1x1x2048xf32>
    %get3A_282 = vector.shape_cast %get3A_281 : vector<1x1x2048xf32> to vector<2048xf32>
    %swap3A_283 = arith.constant 28 : index
    %swap3A_284 = arith.constant 0 : index
    %swap3A_285 = vector.load %arg258[%swap3A_283, %swap3A_284] : memref<256x2048xf32, #tpu.memory_space<vmem>>, vector<1x2048xf32>
    %swap3A_286 = vector.shape_cast %swap3A_285 : vector<1x2048xf32> to vector<2048xf32>
    %swap3A_287 = vector.shape_cast %get3A_282 : vector<2048xf32> to vector<1x2048xf32>
    tpu.vector_store %arg258[%swap3A_283, %swap3A_284], %swap3A_287 {strides = array<i32>} : memref<256x2048xf32, #tpu.memory_space<vmem>>, vector<1x2048xf32>,
    %get3A_288 = arith.constant 0 : index
    %get3A_289 = arith.constant 0 : index
    %get3A_290 = arith.constant 0 : index
    %get3A_291 = vector.load %arg31[%get3A_288, %get3A_289, %get3A_290] : memref<1x1x2048xf32, #tpu.memory_space<vmem>>, vector<1x1x2048xf32>
    %get3A_292 = vector.shape_cast %get3A_291 : vector<1x1x2048xf32> to vector<2048xf32>
    %swap3A_293 = arith.constant 29 : index
    %swap3A_294 = arith.constant 0 : index
    %swap3A_295 = vector.load %arg258[%swap3A_293, %swap3A_294] : memref<256x2048xf32, #tpu.memory_space<vmem>>, vector<1x2048xf32>
    %swap3A_296 = vector.shape_cast %swap3A_295 : vector<1x2048xf32> to vector<2048xf32>
    %swap3A_297 = vector.shape_cast %get3A_292 : vector<2048xf32> to vector<1x2048xf32>
    tpu.vector_store %arg258[%swap3A_293, %swap3A_294], %swap3A_297 {strides = array<i32>} : memref<256x2048xf32, #tpu.memory_space<vmem>>, vector<1x2048xf32>,
    %get3A_298 = arith.constant 0 : index
    %get3A_299 = arith.constant 0 : index
    %get3A_300 = arith.constant 0 : index
    %get3A_301 = vector.load %arg32[%get3A_298, %get3A_299, %get3A_300] : memref<1x1x2048xf32, #tpu.memory_space<vmem>>, vector<1x1x2048xf32>
    %get3A_302 = vector.shape_cast %get3A_301 : vector<1x1x2048xf32> to vector<2048xf32>
    %swap3A_303 = arith.constant 30 : index
    %swap3A_304 = arith.constant 0 : index
    %swap3A_305 = vector.load %arg258[%swap3A_303, %swap3A_304] : memref<256x2048xf32, #tpu.memory_space<vmem>>, vector<1x2048xf32>
    %swap3A_306 = vector.shape_cast %swap3A_305 : vector<1x2048xf32> to vector<2048xf32>
    %swap3A_307 = vector.shape_cast %get3A_302 : vector<2048xf32> to vector<1x2048xf32>
    tpu.vector_store %arg258[%swap3A_303, %swap3A_304], %swap3A_307 {strides = array<i32>} : memref<256x2048xf32, #tpu.memory_space<vmem>>, vector<1x2048xf32>,
    %get3A_308 = arith.constant 0 : index
    %get3A_309 = arith.constant 0 : index
    %get3A_310 = arith.constant 0 : index
    %get3A_311 = vector.load %arg33[%get3A_308, %get3A_309, %get3A_310] : memref<1x1x2048xf32, #tpu.memory_space<vmem>>, vector<1x1x2048xf32>
    %get3A_312 = vector.shape_cast %get3A_311 : vector<1x1x2048xf32> to vector<2048xf32>
    %swap3A_313 = arith.constant 31 : index
    %swap3A_314 = arith.constant 0 : index
    %swap3A_315 = vector.load %arg258[%swap3A_313, %swap3A_314] : memref<256x2048xf32, #tpu.memory_space<vmem>>, vector<1x2048xf32>
    %swap3A_316 = vector.shape_cast %swap3A_315 : vector<1x2048xf32> to vector<2048xf32>
    %swap3A_317 = vector.shape_cast %get3A_312 : vector<2048xf32> to vector<1x2048xf32>
    tpu.vector_store %arg258[%swap3A_313, %swap3A_314], %swap3A_317 {strides = array<i32>} : memref<256x2048xf32, #tpu.memory_space<vmem>>, vector<1x2048xf32>,
    %get3A_318 = arith.constant 0 : index
    %get3A_319 = arith.constant 0 : index
    %get3A_320 = arith.constant 0 : index
    %get3A_321 = vector.load %arg34[%get3A_318, %get3A_319, %get3A_320] : memref<1x1x2048xf32, #tpu.memory_space<vmem>>, vector<1x1x2048xf32>
    %get3A_322 = vector.shape_cast %get3A_321 : vector<1x1x2048xf32> to vector<2048xf32>
    %swap3A_323 = arith.constant 32 : index
    %swap3A_324 = arith.constant 0 : index
    %swap3A_325 = vector.load %arg258[%swap3A_323, %swap3A_324] : memref<256x2048xf32, #tpu.memory_space<vmem>>, vector<1x2048xf32>
    %swap3A_326 = vector.shape_cast %swap3A_325 : vector<1x2048xf32> to vector<2048xf32>
    %swap3A_327 = vector.shape_cast %get3A_322 : vector<2048xf32> to vector<1x2048xf32>
    tpu.vector_store %arg258[%swap3A_323, %swap3A_324], %swap3A_327 {strides = array<i32>} : memref<256x2048xf32, #tpu.memory_space<vmem>>, vector<1x2048xf32>,
    %get3A_328 = arith.constant 0 : index
    %get3A_329 = arith.constant 0 : index
    %get3A_330 = arith.constant 0 : index
    %get3A_331 = vector.load %arg35[%get3A_328, %get3A_329, %get3A_330] : memref<1x1x2048xf32, #tpu.memory_space<vmem>>, vector<1x1x2048xf32>
    %get3A_332 = vector.shape_cast %get3A_331 : vector<1x1x2048xf32> to vector<2048xf32>
    %swap3A_333 = arith.constant 33 : index
    %swap3A_334 = arith.constant 0 : index
    %swap3A_335 = vector.load %arg258[%swap3A_333, %swap3A_334] : memref<256x2048xf32, #tpu.memory_space<vmem>>, vector<1x2048xf32>
    %swap3A_336 = vector.shape_cast %swap3A_335 : vector<1x2048xf32> to vector<2048xf32>
    %swap3A_337 = vector.shape_cast %get3A_332 : vector<2048xf32> to vector<1x2048xf32>
    tpu.vector_store %arg258[%swap3A_333, %swap3A_334], %swap3A_337 {strides = array<i32>} : memref<256x2048xf32, #tpu.memory_space<vmem>>, vector<1x2048xf32>,
    %get3A_338 = arith.constant 0 : index
    %get3A_339 = arith.constant 0 : index
    %get3A_340 = arith.constant 0 : index
    %get3A_341 = vector.load %arg36[%get3A_338, %get3A_339, %get3A_340] : memref<1x1x2048xf32, #tpu.memory_space<vmem>>, vector<1x1x2048xf32>
    %get3A_342 = vector.shape_cast %get3A_341 : vector<1x1x2048xf32> to vector<2048xf32>
    %swap3A_343 = arith.constant 34 : index
    %swap3A_344 = arith.constant 0 : index
    %swap3A_345 = vector.load %arg258[%swap3A_343, %swap3A_344] : memref<256x2048xf32, #tpu.memory_space<vmem>>, vector<1x2048xf32>
    %swap3A_346 = vector.shape_cast %swap3A_345 : vector<1x2048xf32> to vector<2048xf32>
    %swap3A_347 = vector.shape_cast %get3A_342 : vector<2048xf32> to vector<1x2048xf32>
    tpu.vector_store %arg258[%swap3A_343, %swap3A_344], %swap3A_347 {strides = array<i32>} : memref<256x2048xf32, #tpu.memory_space<vmem>>, vector<1x2048xf32>,
    %get3A_348 = arith.constant 0 : index
    %get3A_349 = arith.constant 0 : index
    %get3A_350 = arith.constant 0 : index
    %get3A_351 = vector.load %arg37[%get3A_348, %get3A_349, %get3A_350] : memref<1x1x2048xf32, #tpu.memory_space<vmem>>, vector<1x1x2048xf32>
    %get3A_352 = vector.shape_cast %get3A_351 : vector<1x1x2048xf32> to vector<2048xf32>
    %swap3A_353 = arith.constant 35 : index
    %swap3A_354 = arith.constant 0 : index
    %swap3A_355 = vector.load %arg258[%swap3A_353, %swap3A_354] : memref<256x2048xf32, #tpu.memory_space<vmem>>, vector<1x2048xf32>
    %swap3A_356 = vector.shape_cast %swap3A_355 : vector<1x2048xf32> to vector<2048xf32>
    %swap3A_357 = vector.shape_cast %get3A_352 : vector<2048xf32> to vector<1x2048xf32>
    tpu.vector_store %arg258[%swap3A_353, %swap3A_354], %swap3A_357 {strides = array<i32>} : memref<256x2048xf32, #tpu.memory_space<vmem>>, vector<1x2048xf32>,
    %get3A_358 = arith.constant 0 : index
    %get3A_359 = arith.constant 0 : index
    %get3A_360 = arith.constant 0 : index
    %get3A_361 = vector.load %arg38[%get3A_358, %get3A_359, %get3A_360] : memref<1x1x2048xf32, #tpu.memory_space<vmem>>, vector<1x1x2048xf32>
    %get3A_362 = vector.shape_cast %get3A_361 : vector<1x1x2048xf32> to vector<2048xf32>
    %swap3A_363 = arith.constant 36 : index
    %swap3A_364 = arith.constant 0 : index
    %swap3A_365 = vector.load %arg258[%swap3A_363, %swap3A_364] : memref<256x2048xf32, #tpu.memory_space<vmem>>, vector<1x2048xf32>
    %swap3A_366 = vector.shape_cast %swap3A_365 : vector<1x2048xf32> to vector<2048xf32>
    %swap3A_367 = vector.shape_cast %get3A_362 : vector<2048xf32> to vector<1x2048xf32>
    tpu.vector_store %arg258[%swap3A_363, %swap3A_364], %swap3A_367 {strides = array<i32>} : memref<256x2048xf32, #tpu.memory_space<vmem>>, vector<1x2048xf32>,
    %get3A_368 = arith.constant 0 : index
    %get3A_369 = arith.constant 0 : index
    %get3A_370 = arith.constant 0 : index
    %get3A_371 = vector.load %arg39[%get3A_368, %get3A_369, %get3A_370] : memref<1x1x2048xf32, #tpu.memory_space<vmem>>, vector<1x1x2048xf32>
    %get3A_372 = vector.shape_cast %get3A_371 : vector<1x1x2048xf32> to vector<2048xf32>
    %swap3A_373 = arith.constant 37 : index
    %swap3A_374 = arith.constant 0 : index
    %swap3A_375 = vector.load %arg258[%swap3A_373, %swap3A_374] : memref<256x2048xf32, #tpu.memory_space<vmem>>, vector<1x2048xf32>
    %swap3A_376 = vector.shape_cast %swap3A_375 : vector<1x2048xf32> to vector<2048xf32>
    %swap3A_377 = vector.shape_cast %get3A_372 : vector<2048xf32> to vector<1x2048xf32>
    tpu.vector_store %arg258[%swap3A_373, %swap3A_374], %swap3A_377 {strides = array<i32>} : memref<256x2048xf32, #tpu.memory_space<vmem>>, vector<1x2048xf32>,
    %get3A_378 = arith.constant 0 : index
    %get3A_379 = arith.constant 0 : index
    %get3A_380 = arith.constant 0 : index
    %get3A_381 = vector.load %arg40[%get3A_378, %get3A_379, %get3A_380] : memref<1x1x2048xf32, #tpu.memory_space<vmem>>, vector<1x1x2048xf32>
    %get3A_382 = vector.shape_cast %get3A_381 : vector<1x1x2048xf32> to vector<2048xf32>
    %swap3A_383 = arith.constant 38 : index
    %swap3A_384 = arith.constant 0 : index
    %swap3A_385 = vector.load %arg258[%swap3A_383, %swap3A_384] : memref<256x2048xf32, #tpu.memory_space<vmem>>, vector<1x2048xf32>
    %swap3A_386 = vector.shape_cast %swap3A_385 : vector<1x2048xf32> to vector<2048xf32>
    %swap3A_387 = vector.shape_cast %get3A_382 : vector<2048xf32> to vector<1x2048xf32>
    tpu.vector_store %arg258[%swap3A_383, %swap3A_384], %swap3A_387 {strides = array<i32>} : memref<256x2048xf32, #tpu.memory_space<vmem>>, vector<1x2048xf32>,
    %get3A_388 = arith.constant 0 : index
    %get3A_389 = arith.constant 0 : index
    %get3A_390 = arith.constant 0 : index
    %get3A_391 = vector.load %arg41[%get3A_388, %get3A_389, %get3A_390] : memref<1x1x2048xf32, #tpu.memory_space<vmem>>, vector<1x1x2048xf32>
    %get3A_392 = vector.shape_cast %get3A_391 : vector<1x1x2048xf32> to vector<2048xf32>
    %swap3A_393 = arith.constant 39 : index
    %swap3A_394 = arith.constant 0 : index
    %swap3A_395 = vector.load %arg258[%swap3A_393, %swap3A_394] : memref<256x2048xf32, #tpu.memory_space<vmem>>, vector<1x2048xf32>
    %swap3A_396 = vector.shape_cast %swap3A_395 : vector<1x2048xf32> to vector<2048xf32>
    %swap3A_397 = vector.shape_cast %get3A_392 : vector<2048xf32> to vector<1x2048xf32>
    tpu.vector_store %arg258[%swap3A_393, %swap3A_394], %swap3A_397 {strides = array<i32>} : memref<256x2048xf32, #tpu.memory_space<vmem>>, vector<1x2048xf32>,
    %get3A_398 = arith.constant 0 : index
    %get3A_399 = arith.constant 0 : index
    %get3A_400 = arith.constant 0 : index
    %get3A_401 = vector.load %arg42[%get3A_398, %get3A_399, %get3A_400] : memref<1x1x2048xf32, #tpu.memory_space<vmem>>, vector<1x1x2048xf32>
    %get3A_402 = vector.shape_cast %get3A_401 : vector<1x1x2048xf32> to vector<2048xf32>
    %swap3A_403 = arith.constant 40 : index
    %swap3A_404 = arith.constant 0 : index
    %swap3A_405 = vector.load %arg258[%swap3A_403, %swap3A_404] : memref<256x2048xf32, #tpu.memory_space<vmem>>, vector<1x2048xf32>
    %swap3A_406 = vector.shape_cast %swap3A_405 : vector<1x2048xf32> to vector<2048xf32>
    %swap3A_407 = vector.shape_cast %get3A_402 : vector<2048xf32> to vector<1x2048xf32>
    tpu.vector_store %arg258[%swap3A_403, %swap3A_404], %swap3A_407 {strides = array<i32>} : memref<256x2048xf32, #tpu.memory_space<vmem>>, vector<1x2048xf32>,
    %get3A_408 = arith.constant 0 : index
    %get3A_409 = arith.constant 0 : index
    %get3A_410 = arith.constant 0 : index
    %get3A_411 = vector.load %arg43[%get3A_408, %get3A_409, %get3A_410] : memref<1x1x2048xf32, #tpu.memory_space<vmem>>, vector<1x1x2048xf32>
    %get3A_412 = vector.shape_cast %get3A_411 : vector<1x1x2048xf32> to vector<2048xf32>
    %swap3A_413 = arith.constant 41 : index
    %swap3A_414 = arith.constant 0 : index
    %swap3A_415 = vector.load %arg258[%swap3A_413, %swap3A_414] : memref<256x2048xf32, #tpu.memory_space<vmem>>, vector<1x2048xf32>
    %swap3A_416 = vector.shape_cast %swap3A_415 : vector<1x2048xf32> to vector<2048xf32>
    %swap3A_417 = vector.shape_cast %get3A_412 : vector<2048xf32> to vector<1x2048xf32>
    tpu.vector_store %arg258[%swap3A_413, %swap3A_414], %swap3A_417 {strides = array<i32>} : memref<256x2048xf32, #tpu.memory_space<vmem>>, vector<1x2048xf32>,
    %get3A_418 = arith.constant 0 : index
    %get3A_419 = arith.constant 0 : index
    %get3A_420 = arith.constant 0 : index
    %get3A_421 = vector.load %arg44[%get3A_418, %get3A_419, %get3A_420] : memref<1x1x2048xf32, #tpu.memory_space<vmem>>, vector<1x1x2048xf32>
    %get3A_422 = vector.shape_cast %get3A_421 : vector<1x1x2048xf32> to vector<2048xf32>
    %swap3A_423 = arith.constant 42 : index
    %swap3A_424 = arith.constant 0 : index
    %swap3A_425 = vector.load %arg258[%swap3A_423, %swap3A_424] : memref<256x2048xf32, #tpu.memory_space<vmem>>, vector<1x2048xf32>
    %swap3A_426 = vector.shape_cast %swap3A_425 : vector<1x2048xf32> to vector<2048xf32>
    %swap3A_427 = vector.shape_cast %get3A_422 : vector<2048xf32> to vector<1x2048xf32>
    tpu.vector_store %arg258[%swap3A_423, %swap3A_424], %swap3A_427 {strides = array<i32>} : memref<256x2048xf32, #tpu.memory_space<vmem>>, vector<1x2048xf32>,
    %get3A_428 = arith.constant 0 : index
    %get3A_429 = arith.constant 0 : index
    %get3A_430 = arith.constant 0 : index
    %get3A_431 = vector.load %arg45[%get3A_428, %get3A_429, %get3A_430] : memref<1x1x2048xf32, #tpu.memory_space<vmem>>, vector<1x1x2048xf32>
    %get3A_432 = vector.shape_cast %get3A_431 : vector<1x1x2048xf32> to vector<2048xf32>
    %swap3A_433 = arith.constant 43 : index
    %swap3A_434 = arith.constant 0 : index
    %swap3A_435 = vector.load %arg258[%swap3A_433, %swap3A_434] : memref<256x2048xf32, #tpu.memory_space<vmem>>, vector<1x2048xf32>
    %swap3A_436 = vector.shape_cast %swap3A_435 : vector<1x2048xf32> to vector<2048xf32>
    %swap3A_437 = vector.shape_cast %get3A_432 : vector<2048xf32> to vector<1x2048xf32>
    tpu.vector_store %arg258[%swap3A_433, %swap3A_434], %swap3A_437 {strides = array<i32>} : memref<256x2048xf32, #tpu.memory_space<vmem>>, vector<1x2048xf32>,
    %get3A_438 = arith.constant 0 : index
    %get3A_439 = arith.constant 0 : index
    %get3A_440 = arith.constant 0 : index
    %get3A_441 = vector.load %arg46[%get3A_438, %get3A_439, %get3A_440] : memref<1x1x2048xf32, #tpu.memory_space<vmem>>, vector<1x1x2048xf32>
    %get3A_442 = vector.shape_cast %get3A_441 : vector<1x1x2048xf32> to vector<2048xf32>
    %swap3A_443 = arith.constant 44 : index
    %swap3A_444 = arith.constant 0 : index
    %swap3A_445 = vector.load %arg258[%swap3A_443, %swap3A_444] : memref<256x2048xf32, #tpu.memory_space<vmem>>, vector<1x2048xf32>
    %swap3A_446 = vector.shape_cast %swap3A_445 : vector<1x2048xf32> to vector<2048xf32>
    %swap3A_447 = vector.shape_cast %get3A_442 : vector<2048xf32> to vector<1x2048xf32>
    tpu.vector_store %arg258[%swap3A_443, %swap3A_444], %swap3A_447 {strides = array<i32>} : memref<256x2048xf32, #tpu.memory_space<vmem>>, vector<1x2048xf32>,
    %get3A_448 = arith.constant 0 : index
    %get3A_449 = arith.constant 0 : index
    %get3A_450 = arith.constant 0 : index
    %get3A_451 = vector.load %arg47[%get3A_448, %get3A_449, %get3A_450] : memref<1x1x2048xf32, #tpu.memory_space<vmem>>, vector<1x1x2048xf32>
    %get3A_452 = vector.shape_cast %get3A_451 : vector<1x1x2048xf32> to vector<2048xf32>
    %swap3A_453 = arith.constant 45 : index
    %swap3A_454 = arith.constant 0 : index
    %swap3A_455 = vector.load %arg258[%swap3A_453, %swap3A_454] : memref<256x2048xf32, #tpu.memory_space<vmem>>, vector<1x2048xf32>
    %swap3A_456 = vector.shape_cast %swap3A_455 : vector<1x2048xf32> to vector<2048xf32>
    %swap3A_457 = vector.shape_cast %get3A_452 : vector<2048xf32> to vector<1x2048xf32>
    tpu.vector_store %arg258[%swap3A_453, %swap3A_454], %swap3A_457 {strides = array<i32>} : memref<256x2048xf32, #tpu.memory_space<vmem>>, vector<1x2048xf32>,
    %get3A_458 = arith.constant 0 : index
    %get3A_459 = arith.constant 0 : index
    %get3A_460 = arith.constant 0 : index
    %get3A_461 = vector.load %arg48[%get3A_458, %get3A_459, %get3A_460] : memref<1x1x2048xf32, #tpu.memory_space<vmem>>, vector<1x1x2048xf32>
    %get3A_462 = vector.shape_cast %get3A_461 : vector<1x1x2048xf32> to vector<2048xf32>
    %swap3A_463 = arith.constant 46 : index
    %swap3A_464 = arith.constant 0 : index
    %swap3A_465 = vector.load %arg258[%swap3A_463, %swap3A_464] : memref<256x2048xf32, #tpu.memory_space<vmem>>, vector<1x2048xf32>
    %swap3A_466 = vector.shape_cast %swap3A_465 : vector<1x2048xf32> to vector<2048xf32>
    %swap3A_467 = vector.shape_cast %get3A_462 : vector<2048xf32> to vector<1x2048xf32>
    tpu.vector_store %arg258[%swap3A_463, %swap3A_464], %swap3A_467 {strides = array<i32>} : memref<256x2048xf32, #tpu.memory_space<vmem>>, vector<1x2048xf32>,
    %get3A_468 = arith.constant 0 : index
    %get3A_469 = arith.constant 0 : index
    %get3A_470 = arith.constant 0 : index
    %get3A_471 = vector.load %arg49[%get3A_468, %get3A_469, %get3A_470] : memref<1x1x2048xf32, #tpu.memory_space<vmem>>, vector<1x1x2048xf32>
    %get3A_472 = vector.shape_cast %get3A_471 : vector<1x1x2048xf32> to vector<2048xf32>
    %swap3A_473 = arith.constant 47 : index
    %swap3A_474 = arith.constant 0 : index
    %swap3A_475 = vector.load %arg258[%swap3A_473, %swap3A_474] : memref<256x2048xf32, #tpu.memory_space<vmem>>, vector<1x2048xf32>
    %swap3A_476 = vector.shape_cast %swap3A_475 : vector<1x2048xf32> to vector<2048xf32>
    %swap3A_477 = vector.shape_cast %get3A_472 : vector<2048xf32> to vector<1x2048xf32>
    tpu.vector_store %arg258[%swap3A_473, %swap3A_474], %swap3A_477 {strides = array<i32>} : memref<256x2048xf32, #tpu.memory_space<vmem>>, vector<1x2048xf32>,
    %get3A_478 = arith.constant 0 : index
    %get3A_479 = arith.constant 0 : index
    %get3A_480 = arith.constant 0 : index
    %get3A_481 = vector.load %arg50[%get3A_478, %get3A_479, %get3A_480] : memref<1x1x2048xf32, #tpu.memory_space<vmem>>, vector<1x1x2048xf32>
    %get3A_482 = vector.shape_cast %get3A_481 : vector<1x1x2048xf32> to vector<2048xf32>
    %swap3A_483 = arith.constant 48 : index
    %swap3A_484 = arith.constant 0 : index
    %swap3A_485 = vector.load %arg258[%swap3A_483, %swap3A_484] : memref<256x2048xf32, #tpu.memory_space<vmem>>, vector<1x2048xf32>
    %swap3A_486 = vector.shape_cast %swap3A_485 : vector<1x2048xf32> to vector<2048xf32>
    %swap3A_487 = vector.shape_cast %get3A_482 : vector<2048xf32> to vector<1x2048xf32>
    tpu.vector_store %arg258[%swap3A_483, %swap3A_484], %swap3A_487 {strides = array<i32>} : memref<256x2048xf32, #tpu.memory_space<vmem>>, vector<1x2048xf32>,
    %get3A_488 = arith.constant 0 : index
    %get3A_489 = arith.constant 0 : index
    %get3A_490 = arith.constant 0 : index
    %get3A_491 = vector.load %arg51[%get3A_488, %get3A_489, %get3A_490] : memref<1x1x2048xf32, #tpu.memory_space<vmem>>, vector<1x1x2048xf32>
    %get3A_492 = vector.shape_cast %get3A_491 : vector<1x1x2048xf32> to vector<2048xf32>
    %swap3A_493 = arith.constant 49 : index
    %swap3A_494 = arith.constant 0 : index
    %swap3A_495 = vector.load %arg258[%swap3A_493, %swap3A_494] : memref<256x2048xf32, #tpu.memory_space<vmem>>, vector<1x2048xf32>
    %swap3A_496 = vector.shape_cast %swap3A_495 : vector<1x2048xf32> to vector<2048xf32>
    %swap3A_497 = vector.shape_cast %get3A_492 : vector<2048xf32> to vector<1x2048xf32>
    tpu.vector_store %arg258[%swap3A_493, %swap3A_494], %swap3A_497 {strides = array<i32>} : memref<256x2048xf32, #tpu.memory_space<vmem>>, vector<1x2048xf32>,
    %get3A_498 = arith.constant 0 : index
    %get3A_499 = arith.constant 0 : index
    %get3A_500 = arith.constant 0 : index
    %get3A_501 = vector.load %arg52[%get3A_498, %get3A_499, %get3A_500] : memref<1x1x2048xf32, #tpu.memory_space<vmem>>, vector<1x1x2048xf32>
    %get3A_502 = vector.shape_cast %get3A_501 : vector<1x1x2048xf32> to vector<2048xf32>
    %swap3A_503 = arith.constant 50 : index
    %swap3A_504 = arith.constant 0 : index
    %swap3A_505 = vector.load %arg258[%swap3A_503, %swap3A_504] : memref<256x2048xf32, #tpu.memory_space<vmem>>, vector<1x2048xf32>
    %swap3A_506 = vector.shape_cast %swap3A_505 : vector<1x2048xf32> to vector<2048xf32>
    %swap3A_507 = vector.shape_cast %get3A_502 : vector<2048xf32> to vector<1x2048xf32>
    tpu.vector_store %arg258[%swap3A_503, %swap3A_504], %swap3A_507 {strides = array<i32>} : memref<256x2048xf32, #tpu.memory_space<vmem>>, vector<1x2048xf32>,
    %get3A_508 = arith.constant 0 : index
    %get3A_509 = arith.constant 0 : index
    %get3A_510 = arith.constant 0 : index
    %get3A_511 = vector.load %arg53[%get3A_508, %get3A_509, %get3A_510] : memref<1x1x2048xf32, #tpu.memory_space<vmem>>, vector<1x1x2048xf32>
    %get3A_512 = vector.shape_cast %get3A_511 : vector<1x1x2048xf32> to vector<2048xf32>
    %swap3A_513 = arith.constant 51 : index
    %swap3A_514 = arith.constant 0 : index
    %swap3A_515 = vector.load %arg258[%swap3A_513, %swap3A_514] : memref<256x2048xf32, #tpu.memory_space<vmem>>, vector<1x2048xf32>
    %swap3A_516 = vector.shape_cast %swap3A_515 : vector<1x2048xf32> to vector<2048xf32>
    %swap3A_517 = vector.shape_cast %get3A_512 : vector<2048xf32> to vector<1x2048xf32>
    tpu.vector_store %arg258[%swap3A_513, %swap3A_514], %swap3A_517 {strides = array<i32>} : memref<256x2048xf32, #tpu.memory_space<vmem>>, vector<1x2048xf32>,
    %get3A_518 = arith.constant 0 : index
    %get3A_519 = arith.constant 0 : index
    %get3A_520 = arith.constant 0 : index
    %get3A_521 = vector.load %arg54[%get3A_518, %get3A_519, %get3A_520] : memref<1x1x2048xf32, #tpu.memory_space<vmem>>, vector<1x1x2048xf32>
    %get3A_522 = vector.shape_cast %get3A_521 : vector<1x1x2048xf32> to vector<2048xf32>
    %swap3A_523 = arith.constant 52 : index
    %swap3A_524 = arith.constant 0 : index
    %swap3A_525 = vector.load %arg258[%swap3A_523, %swap3A_524] : memref<256x2048xf32, #tpu.memory_space<vmem>>, vector<1x2048xf32>
    %swap3A_526 = vector.shape_cast %swap3A_525 : vector<1x2048xf32> to vector<2048xf32>
    %swap3A_527 = vector.shape_cast %get3A_522 : vector<2048xf32> to vector<1x2048xf32>
    tpu.vector_store %arg258[%swap3A_523, %swap3A_524], %swap3A_527 {strides = array<i32>} : memref<256x2048xf32, #tpu.memory_space<vmem>>, vector<1x2048xf32>,
    %get3A_528 = arith.constant 0 : index
    %get3A_529 = arith.constant 0 : index
    %get3A_530 = arith.constant 0 : index
    %get3A_531 = vector.load %arg55[%get3A_528, %get3A_529, %get3A_530] : memref<1x1x2048xf32, #tpu.memory_space<vmem>>, vector<1x1x2048xf32>
    %get3A_532 = vector.shape_cast %get3A_531 : vector<1x1x2048xf32> to vector<2048xf32>
    %swap3A_533 = arith.constant 53 : index
    %swap3A_534 = arith.constant 0 : index
    %swap3A_535 = vector.load %arg258[%swap3A_533, %swap3A_534] : memref<256x2048xf32, #tpu.memory_space<vmem>>, vector<1x2048xf32>
    %swap3A_536 = vector.shape_cast %swap3A_535 : vector<1x2048xf32> to vector<2048xf32>
    %swap3A_537 = vector.shape_cast %get3A_532 : vector<2048xf32> to vector<1x2048xf32>
    tpu.vector_store %arg258[%swap3A_533, %swap3A_534], %swap3A_537 {strides = array<i32>} : memref<256x2048xf32, #tpu.memory_space<vmem>>, vector<1x2048xf32>,
    %get3A_538 = arith.constant 0 : index
    %get3A_539 = arith.constant 0 : index
    %get3A_540 = arith.constant 0 : index
    %get3A_541 = vector.load %arg56[%get3A_538, %get3A_539, %get3A_540] : memref<1x1x2048xf32, #tpu.memory_space<vmem>>, vector<1x1x2048xf32>
    %get3A_542 = vector.shape_cast %get3A_541 : vector<1x1x2048xf32> to vector<2048xf32>
    %swap3A_543 = arith.constant 54 : index
    %swap3A_544 = arith.constant 0 : index
    %swap3A_545 = vector.load %arg258[%swap3A_543, %swap3A_544] : memref<256x2048xf32, #tpu.memory_space<vmem>>, vector<1x2048xf32>
    %swap3A_546 = vector.shape_cast %swap3A_545 : vector<1x2048xf32> to vector<2048xf32>
    %swap3A_547 = vector.shape_cast %get3A_542 : vector<2048xf32> to vector<1x2048xf32>
    tpu.vector_store %arg258[%swap3A_543, %swap3A_544], %swap3A_547 {strides = array<i32>} : memref<256x2048xf32, #tpu.memory_space<vmem>>, vector<1x2048xf32>,
    %get3A_548 = arith.constant 0 : index
    %get3A_549 = arith.constant 0 : index
    %get3A_550 = arith.constant 0 : index
    %get3A_551 = vector.load %arg57[%get3A_548, %get3A_549, %get3A_550] : memref<1x1x2048xf32, #tpu.memory_space<vmem>>, vector<1x1x2048xf32>
    %get3A_552 = vector.shape_cast %get3A_551 : vector<1x1x2048xf32> to vector<2048xf32>
    %swap3A_553 = arith.constant 55 : index
    %swap3A_554 = arith.constant 0 : index
    %swap3A_555 = vector.load %arg258[%swap3A_553, %swap3A_554] : memref<256x2048xf32, #tpu.memory_space<vmem>>, vector<1x2048xf32>
    %swap3A_556 = vector.shape_cast %swap3A_555 : vector<1x2048xf32> to vector<2048xf32>
    %swap3A_557 = vector.shape_cast %get3A_552 : vector<2048xf32> to vector<1x2048xf32>
    tpu.vector_store %arg258[%swap3A_553, %swap3A_554], %swap3A_557 {strides = array<i32>} : memref<256x2048xf32, #tpu.memory_space<vmem>>, vector<1x2048xf32>,
    %get3A_558 = arith.constant 0 : index
    %get3A_559 = arith.constant 0 : index
    %get3A_560 = arith.constant 0 : index
    %get3A_561 = vector.load %arg58[%get3A_558, %get3A_559, %get3A_560] : memref<1x1x2048xf32, #tpu.memory_space<vmem>>, vector<1x1x2048xf32>
    %get3A_562 = vector.shape_cast %get3A_561 : vector<1x1x2048xf32> to vector<2048xf32>
    %swap3A_563 = arith.constant 56 : index
    %swap3A_564 = arith.constant 0 : index
    %swap3A_565 = vector.load %arg258[%swap3A_563, %swap3A_564] : memref<256x2048xf32, #tpu.memory_space<vmem>>, vector<1x2048xf32>
    %swap3A_566 = vector.shape_cast %swap3A_565 : vector<1x2048xf32> to vector<2048xf32>
    %swap3A_567 = vector.shape_cast %get3A_562 : vector<2048xf32> to vector<1x2048xf32>
    tpu.vector_store %arg258[%swap3A_563, %swap3A_564], %swap3A_567 {strides = array<i32>} : memref<256x2048xf32, #tpu.memory_space<vmem>>, vector<1x2048xf32>,
    %get3A_568 = arith.constant 0 : index
    %get3A_569 = arith.constant 0 : index
    %get3A_570 = arith.constant 0 : index
    %get3A_571 = vector.load %arg59[%get3A_568, %get3A_569, %get3A_570] : memref<1x1x2048xf32, #tpu.memory_space<vmem>>, vector<1x1x2048xf32>
    %get3A_572 = vector.shape_cast %get3A_571 : vector<1x1x2048xf32> to vector<2048xf32>
    %swap3A_573 = arith.constant 57 : index
    %swap3A_574 = arith.constant 0 : index
    %swap3A_575 = vector.load %arg258[%swap3A_573, %swap3A_574] : memref<256x2048xf32, #tpu.memory_space<vmem>>, vector<1x2048xf32>
    %swap3A_576 = vector.shape_cast %swap3A_575 : vector<1x2048xf32> to vector<2048xf32>
    %swap3A_577 = vector.shape_cast %get3A_572 : vector<2048xf32> to vector<1x2048xf32>
    tpu.vector_store %arg258[%swap3A_573, %swap3A_574], %swap3A_577 {strides = array<i32>} : memref<256x2048xf32, #tpu.memory_space<vmem>>, vector<1x2048xf32>,
    %get3A_578 = arith.constant 0 : index
    %get3A_579 = arith.constant 0 : index
    %get3A_580 = arith.constant 0 : index
    %get3A_581 = vector.load %arg60[%get3A_578, %get3A_579, %get3A_580] : memref<1x1x2048xf32, #tpu.memory_space<vmem>>, vector<1x1x2048xf32>
    %get3A_582 = vector.shape_cast %get3A_581 : vector<1x1x2048xf32> to vector<2048xf32>
    %swap3A_583 = arith.constant 58 : index
    %swap3A_584 = arith.constant 0 : index
    %swap3A_585 = vector.load %arg258[%swap3A_583, %swap3A_584] : memref<256x2048xf32, #tpu.memory_space<vmem>>, vector<1x2048xf32>
    %swap3A_586 = vector.shape_cast %swap3A_585 : vector<1x2048xf32> to vector<2048xf32>
    %swap3A_587 = vector.shape_cast %get3A_582 : vector<2048xf32> to vector<1x2048xf32>
    tpu.vector_store %arg258[%swap3A_583, %swap3A_584], %swap3A_587 {strides = array<i32>} : memref<256x2048xf32, #tpu.memory_space<vmem>>, vector<1x2048xf32>,
    %get3A_588 = arith.constant 0 : index
    %get3A_589 = arith.constant 0 : index
    %get3A_590 = arith.constant 0 : index
    %get3A_591 = vector.load %arg61[%get3A_588, %get3A_589, %get3A_590] : memref<1x1x2048xf32, #tpu.memory_space<vmem>>, vector<1x1x2048xf32>
    %get3A_592 = vector.shape_cast %get3A_591 : vector<1x1x2048xf32> to vector<2048xf32>
    %swap3A_593 = arith.constant 59 : index
    %swap3A_594 = arith.constant 0 : index
    %swap3A_595 = vector.load %arg258[%swap3A_593, %swap3A_594] : memref<256x2048xf32, #tpu.memory_space<vmem>>, vector<1x2048xf32>
    %swap3A_596 = vector.shape_cast %swap3A_595 : vector<1x2048xf32> to vector<2048xf32>
    %swap3A_597 = vector.shape_cast %get3A_592 : vector<2048xf32> to vector<1x2048xf32>
    tpu.vector_store %arg258[%swap3A_593, %swap3A_594], %swap3A_597 {strides = array<i32>} : memref<256x2048xf32, #tpu.memory_space<vmem>>, vector<1x2048xf32>,
    %get3A_598 = arith.constant 0 : index
    %get3A_599 = arith.constant 0 : index
    %get3A_600 = arith.constant 0 : index
    %get3A_601 = vector.load %arg62[%get3A_598, %get3A_599, %get3A_600] : memref<1x1x2048xf32, #tpu.memory_space<vmem>>, vector<1x1x2048xf32>
    %get3A_602 = vector.shape_cast %get3A_601 : vector<1x1x2048xf32> to vector<2048xf32>
    %swap3A_603 = arith.constant 60 : index
    %swap3A_604 = arith.constant 0 : index
    %swap3A_605 = vector.load %arg258[%swap3A_603, %swap3A_604] : memref<256x2048xf32, #tpu.memory_space<vmem>>, vector<1x2048xf32>
    %swap3A_606 = vector.shape_cast %swap3A_605 : vector<1x2048xf32> to vector<2048xf32>
    %swap3A_607 = vector.shape_cast %get3A_602 : vector<2048xf32> to vector<1x2048xf32>
    tpu.vector_store %arg258[%swap3A_603, %swap3A_604], %swap3A_607 {strides = array<i32>} : memref<256x2048xf32, #tpu.memory_space<vmem>>, vector<1x2048xf32>,
    %get3A_608 = arith.constant 0 : index
    %get3A_609 = arith.constant 0 : index
    %get3A_610 = arith.constant 0 : index
    %get3A_611 = vector.load %arg63[%get3A_608, %get3A_609, %get3A_610] : memref<1x1x2048xf32, #tpu.memory_space<vmem>>, vector<1x1x2048xf32>
    %get3A_612 = vector.shape_cast %get3A_611 : vector<1x1x2048xf32> to vector<2048xf32>
    %swap3A_613 = arith.constant 61 : index
    %swap3A_614 = arith.constant 0 : index
    %swap3A_615 = vector.load %arg258[%swap3A_613, %swap3A_614] : memref<256x2048xf32, #tpu.memory_space<vmem>>, vector<1x2048xf32>
    %swap3A_616 = vector.shape_cast %swap3A_615 : vector<1x2048xf32> to vector<2048xf32>
    %swap3A_617 = vector.shape_cast %get3A_612 : vector<2048xf32> to vector<1x2048xf32>
    tpu.vector_store %arg258[%swap3A_613, %swap3A_614], %swap3A_617 {strides = array<i32>} : memref<256x2048xf32, #tpu.memory_space<vmem>>, vector<1x2048xf32>,
    %get3A_618 = arith.constant 0 : index
    %get3A_619 = arith.constant 0 : index
    %get3A_620 = arith.constant 0 : index
    %get3A_621 = vector.load %arg64[%get3A_618, %get3A_619, %get3A_620] : memref<1x1x2048xf32, #tpu.memory_space<vmem>>, vector<1x1x2048xf32>
    %get3A_622 = vector.shape_cast %get3A_621 : vector<1x1x2048xf32> to vector<2048xf32>
    %swap3A_623 = arith.constant 62 : index
    %swap3A_624 = arith.constant 0 : index
    %swap3A_625 = vector.load %arg258[%swap3A_623, %swap3A_624] : memref<256x2048xf32, #tpu.memory_space<vmem>>, vector<1x2048xf32>
    %swap3A_626 = vector.shape_cast %swap3A_625 : vector<1x2048xf32> to vector<2048xf32>
    %swap3A_627 = vector.shape_cast %get3A_622 : vector<2048xf32> to vector<1x2048xf32>
    tpu.vector_store %arg258[%swap3A_623, %swap3A_624], %swap3A_627 {strides = array<i32>} : memref<256x2048xf32, #tpu.memory_space<vmem>>, vector<1x2048xf32>,
    %get3A_628 = arith.constant 0 : index
    %get3A_629 = arith.constant 0 : index
    %get3A_630 = arith.constant 0 : index
    %get3A_631 = vector.load %arg65[%get3A_628, %get3A_629, %get3A_630] : memref<1x1x2048xf32, #tpu.memory_space<vmem>>, vector<1x1x2048xf32>
    %get3A_632 = vector.shape_cast %get3A_631 : vector<1x1x2048xf32> to vector<2048xf32>
    %swap3A_633 = arith.constant 63 : index
    %swap3A_634 = arith.constant 0 : index
    %swap3A_635 = vector.load %arg258[%swap3A_633, %swap3A_634] : memref<256x2048xf32, #tpu.memory_space<vmem>>, vector<1x2048xf32>
    %swap3A_636 = vector.shape_cast %swap3A_635 : vector<1x2048xf32> to vector<2048xf32>
    %swap3A_637 = vector.shape_cast %get3A_632 : vector<2048xf32> to vector<1x2048xf32>
    tpu.vector_store %arg258[%swap3A_633, %swap3A_634], %swap3A_637 {strides = array<i32>} : memref<256x2048xf32, #tpu.memory_space<vmem>>, vector<1x2048xf32>,
    %get3A_638 = arith.constant 0 : index
    %get3A_639 = arith.constant 0 : index
    %get3A_640 = arith.constant 0 : index
    %get3A_641 = vector.load %arg66[%get3A_638, %get3A_639, %get3A_640] : memref<1x1x2048xf32, #tpu.memory_space<vmem>>, vector<1x1x2048xf32>
    %get3A_642 = vector.shape_cast %get3A_641 : vector<1x1x2048xf32> to vector<2048xf32>
    %swap3A_643 = arith.constant 64 : index
    %swap3A_644 = arith.constant 0 : index
    %swap3A_645 = vector.load %arg258[%swap3A_643, %swap3A_644] : memref<256x2048xf32, #tpu.memory_space<vmem>>, vector<1x2048xf32>
    %swap3A_646 = vector.shape_cast %swap3A_645 : vector<1x2048xf32> to vector<2048xf32>
    %swap3A_647 = vector.shape_cast %get3A_642 : vector<2048xf32> to vector<1x2048xf32>
    tpu.vector_store %arg258[%swap3A_643, %swap3A_644], %swap3A_647 {strides = array<i32>} : memref<256x2048xf32, #tpu.memory_space<vmem>>, vector<1x2048xf32>,
    %get3A_648 = arith.constant 0 : index
    %get3A_649 = arith.constant 0 : index
    %get3A_650 = arith.constant 0 : index
    %get3A_651 = vector.load %arg67[%get3A_648, %get3A_649, %get3A_650] : memref<1x1x2048xf32, #tpu.memory_space<vmem>>, vector<1x1x2048xf32>
    %get3A_652 = vector.shape_cast %get3A_651 : vector<1x1x2048xf32> to vector<2048xf32>
    %swap3A_653 = arith.constant 65 : index
    %swap3A_654 = arith.constant 0 : index
    %swap3A_655 = vector.load %arg258[%swap3A_653, %swap3A_654] : memref<256x2048xf32, #tpu.memory_space<vmem>>, vector<1x2048xf32>
    %swap3A_656 = vector.shape_cast %swap3A_655 : vector<1x2048xf32> to vector<2048xf32>
    %swap3A_657 = vector.shape_cast %get3A_652 : vector<2048xf32> to vector<1x2048xf32>
    tpu.vector_store %arg258[%swap3A_653, %swap3A_654], %swap3A_657 {strides = array<i32>} : memref<256x2048xf32, #tpu.memory_space<vmem>>, vector<1x2048xf32>,
    %get3A_658 = arith.constant 0 : index
    %get3A_659 = arith.constant 0 : index
    %get3A_660 = arith.constant 0 : index
    %get3A_661 = vector.load %arg68[%get3A_658, %get3A_659, %get3A_660] : memref<1x1x2048xf32, #tpu.memory_space<vmem>>, vector<1x1x2048xf32>
    %get3A_662 = vector.shape_cast %get3A_661 : vector<1x1x2048xf32> to vector<2048xf32>
    %swap3A_663 = arith.constant 66 : index
    %swap3A_664 = arith.constant 0 : index
    %swap3A_665 = vector.load %arg258[%swap3A_663, %swap3A_664] : memref<256x2048xf32, #tpu.memory_space<vmem>>, vector<1x2048xf32>
    %swap3A_666 = vector.shape_cast %swap3A_665 : vector<1x2048xf32> to vector<2048xf32>
    %swap3A_667 = vector.shape_cast %get3A_662 : vector<2048xf32> to vector<1x2048xf32>
    tpu.vector_store %arg258[%swap3A_663, %swap3A_664], %swap3A_667 {strides = array<i32>} : memref<256x2048xf32, #tpu.memory_space<vmem>>, vector<1x2048xf32>,
    %get3A_668 = arith.constant 0 : index
    %get3A_669 = arith.constant 0 : index
    %get3A_670 = arith.constant 0 : index
    %get3A_671 = vector.load %arg69[%get3A_668, %get3A_669, %get3A_670] : memref<1x1x2048xf32, #tpu.memory_space<vmem>>, vector<1x1x2048xf32>
    %get3A_672 = vector.shape_cast %get3A_671 : vector<1x1x2048xf32> to vector<2048xf32>
    %swap3A_673 = arith.constant 67 : index
    %swap3A_674 = arith.constant 0 : index
    %swap3A_675 = vector.load %arg258[%swap3A_673, %swap3A_674] : memref<256x2048xf32, #tpu.memory_space<vmem>>, vector<1x2048xf32>
    %swap3A_676 = vector.shape_cast %swap3A_675 : vector<1x2048xf32> to vector<2048xf32>
    %swap3A_677 = vector.shape_cast %get3A_672 : vector<2048xf32> to vector<1x2048xf32>
    tpu.vector_store %arg258[%swap3A_673, %swap3A_674], %swap3A_677 {strides = array<i32>} : memref<256x2048xf32, #tpu.memory_space<vmem>>, vector<1x2048xf32>,
    %get3A_678 = arith.constant 0 : index
    %get3A_679 = arith.constant 0 : index
    %get3A_680 = arith.constant 0 : index
    %get3A_681 = vector.load %arg70[%get3A_678, %get3A_679, %get3A_680] : memref<1x1x2048xf32, #tpu.memory_space<vmem>>, vector<1x1x2048xf32>
    %get3A_682 = vector.shape_cast %get3A_681 : vector<1x1x2048xf32> to vector<2048xf32>
    %swap3A_683 = arith.constant 68 : index
    %swap3A_684 = arith.constant 0 : index
    %swap3A_685 = vector.load %arg258[%swap3A_683, %swap3A_684] : memref<256x2048xf32, #tpu.memory_space<vmem>>, vector<1x2048xf32>
    %swap3A_686 = vector.shape_cast %swap3A_685 : vector<1x2048xf32> to vector<2048xf32>
    %swap3A_687 = vector.shape_cast %get3A_682 : vector<2048xf32> to vector<1x2048xf32>
    tpu.vector_store %arg258[%swap3A_683, %swap3A_684], %swap3A_687 {strides = array<i32>} : memref<256x2048xf32, #tpu.memory_space<vmem>>, vector<1x2048xf32>,
    %get3A_688 = arith.constant 0 : index
    %get3A_689 = arith.constant 0 : index
    %get3A_690 = arith.constant 0 : index
    %get3A_691 = vector.load %arg71[%get3A_688, %get3A_689, %get3A_690] : memref<1x1x2048xf32, #tpu.memory_space<vmem>>, vector<1x1x2048xf32>
    %get3A_692 = vector.shape_cast %get3A_691 : vector<1x1x2048xf32> to vector<2048xf32>
    %swap3A_693 = arith.constant 69 : index
    %swap3A_694 = arith.constant 0 : index
    %swap3A_695 = vector.load %arg258[%swap3A_693, %swap3A_694] : memref<256x2048xf32, #tpu.memory_space<vmem>>, vector<1x2048xf32>
    %swap3A_696 = vector.shape_cast %swap3A_695 : vector<1x2048xf32> to vector<2048xf32>
    %swap3A_697 = vector.shape_cast %get3A_692 : vector<2048xf32> to vector<1x2048xf32>
    tpu.vector_store %arg258[%swap3A_693, %swap3A_694], %swap3A_697 {strides = array<i32>} : memref<256x2048xf32, #tpu.memory_space<vmem>>, vector<1x2048xf32>,
    %get3A_698 = arith.constant 0 : index
    %get3A_699 = arith.constant 0 : index
    %get3A_700 = arith.constant 0 : index
    %get3A_701 = vector.load %arg72[%get3A_698, %get3A_699, %get3A_700] : memref<1x1x2048xf32, #tpu.memory_space<vmem>>, vector<1x1x2048xf32>
    %get3A_702 = vector.shape_cast %get3A_701 : vector<1x1x2048xf32> to vector<2048xf32>
    %swap3A_703 = arith.constant 70 : index
    %swap3A_704 = arith.constant 0 : index
    %swap3A_705 = vector.load %arg258[%swap3A_703, %swap3A_704] : memref<256x2048xf32, #tpu.memory_space<vmem>>, vector<1x2048xf32>
    %swap3A_706 = vector.shape_cast %swap3A_705 : vector<1x2048xf32> to vector<2048xf32>
    %swap3A_707 = vector.shape_cast %get3A_702 : vector<2048xf32> to vector<1x2048xf32>
    tpu.vector_store %arg258[%swap3A_703, %swap3A_704], %swap3A_707 {strides = array<i32>} : memref<256x2048xf32, #tpu.memory_space<vmem>>, vector<1x2048xf32>,
    %get3A_708 = arith.constant 0 : index
    %get3A_709 = arith.constant 0 : index
    %get3A_710 = arith.constant 0 : index
    %get3A_711 = vector.load %arg73[%get3A_708, %get3A_709, %get3A_710] : memref<1x1x2048xf32, #tpu.memory_space<vmem>>, vector<1x1x2048xf32>
    %get3A_712 = vector.shape_cast %get3A_711 : vector<1x1x2048xf32> to vector<2048xf32>
    %swap3A_713 = arith.constant 71 : index
    %swap3A_714 = arith.constant 0 : index
    %swap3A_715 = vector.load %arg258[%swap3A_713, %swap3A_714] : memref<256x2048xf32, #tpu.memory_space<vmem>>, vector<1x2048xf32>
    %swap3A_716 = vector.shape_cast %swap3A_715 : vector<1x2048xf32> to vector<2048xf32>
    %swap3A_717 = vector.shape_cast %get3A_712 : vector<2048xf32> to vector<1x2048xf32>
    tpu.vector_store %arg258[%swap3A_713, %swap3A_714], %swap3A_717 {strides = array<i32>} : memref<256x2048xf32, #tpu.memory_space<vmem>>, vector<1x2048xf32>,
    %get3A_718 = arith.constant 0 : index
    %get3A_719 = arith.constant 0 : index
    %get3A_720 = arith.constant 0 : index
    %get3A_721 = vector.load %arg74[%get3A_718, %get3A_719, %get3A_720] : memref<1x1x2048xf32, #tpu.memory_space<vmem>>, vector<1x1x2048xf32>
    %get3A_722 = vector.shape_cast %get3A_721 : vector<1x1x2048xf32> to vector<2048xf32>
    %swap3A_723 = arith.constant 72 : index
    %swap3A_724 = arith.constant 0 : index
    %swap3A_725 = vector.load %arg258[%swap3A_723, %swap3A_724] : memref<256x2048xf32, #tpu.memory_space<vmem>>, vector<1x2048xf32>
    %swap3A_726 = vector.shape_cast %swap3A_725 : vector<1x2048xf32> to vector<2048xf32>
    %swap3A_727 = vector.shape_cast %get3A_722 : vector<2048xf32> to vector<1x2048xf32>
    tpu.vector_store %arg258[%swap3A_723, %swap3A_724], %swap3A_727 {strides = array<i32>} : memref<256x2048xf32, #tpu.memory_space<vmem>>, vector<1x2048xf32>,
    %get3A_728 = arith.constant 0 : index
    %get3A_729 = arith.constant 0 : index
    %get3A_730 = arith.constant 0 : index
    %get3A_731 = vector.load %arg75[%get3A_728, %get3A_729, %get3A_730] : memref<1x1x2048xf32, #tpu.memory_space<vmem>>, vector<1x1x2048xf32>
    %get3A_732 = vector.shape_cast %get3A_731 : vector<1x1x2048xf32> to vector<2048xf32>
    %swap3A_733 = arith.constant 73 : index
    %swap3A_734 = arith.constant 0 : index
    %swap3A_735 = vector.load %arg258[%swap3A_733, %swap3A_734] : memref<256x2048xf32, #tpu.memory_space<vmem>>, vector<1x2048xf32>
    %swap3A_736 = vector.shape_cast %swap3A_735 : vector<1x2048xf32> to vector<2048xf32>
    %swap3A_737 = vector.shape_cast %get3A_732 : vector<2048xf32> to vector<1x2048xf32>
    tpu.vector_store %arg258[%swap3A_733, %swap3A_734], %swap3A_737 {strides = array<i32>} : memref<256x2048xf32, #tpu.memory_space<vmem>>, vector<1x2048xf32>,
    %get3A_738 = arith.constant 0 : index
    %get3A_739 = arith.constant 0 : index
    %get3A_740 = arith.constant 0 : index
    %get3A_741 = vector.load %arg76[%get3A_738, %get3A_739, %get3A_740] : memref<1x1x2048xf32, #tpu.memory_space<vmem>>, vector<1x1x2048xf32>
    %get3A_742 = vector.shape_cast %get3A_741 : vector<1x1x2048xf32> to vector<2048xf32>
    %swap3A_743 = arith.constant 74 : index
    %swap3A_744 = arith.constant 0 : index
    %swap3A_745 = vector.load %arg258[%swap3A_743, %swap3A_744] : memref<256x2048xf32, #tpu.memory_space<vmem>>, vector<1x2048xf32>
    %swap3A_746 = vector.shape_cast %swap3A_745 : vector<1x2048xf32> to vector<2048xf32>
    %swap3A_747 = vector.shape_cast %get3A_742 : vector<2048xf32> to vector<1x2048xf32>
    tpu.vector_store %arg258[%swap3A_743, %swap3A_744], %swap3A_747 {strides = array<i32>} : memref<256x2048xf32, #tpu.memory_space<vmem>>, vector<1x2048xf32>,
    %get3A_748 = arith.constant 0 : index
    %get3A_749 = arith.constant 0 : index
    %get3A_750 = arith.constant 0 : index
    %get3A_751 = vector.load %arg77[%get3A_748, %get3A_749, %get3A_750] : memref<1x1x2048xf32, #tpu.memory_space<vmem>>, vector<1x1x2048xf32>
    %get3A_752 = vector.shape_cast %get3A_751 : vector<1x1x2048xf32> to vector<2048xf32>
    %swap3A_753 = arith.constant 75 : index
    %swap3A_754 = arith.constant 0 : index
    %swap3A_755 = vector.load %arg258[%swap3A_753, %swap3A_754] : memref<256x2048xf32, #tpu.memory_space<vmem>>, vector<1x2048xf32>
    %swap3A_756 = vector.shape_cast %swap3A_755 : vector<1x2048xf32> to vector<2048xf32>
    %swap3A_757 = vector.shape_cast %get3A_752 : vector<2048xf32> to vector<1x2048xf32>
    tpu.vector_store %arg258[%swap3A_753, %swap3A_754], %swap3A_757 {strides = array<i32>} : memref<256x2048xf32, #tpu.memory_space<vmem>>, vector<1x2048xf32>,
    %get3A_758 = arith.constant 0 : index
    %get3A_759 = arith.constant 0 : index
    %get3A_760 = arith.constant 0 : index
    %get3A_761 = vector.load %arg78[%get3A_758, %get3A_759, %get3A_760] : memref<1x1x2048xf32, #tpu.memory_space<vmem>>, vector<1x1x2048xf32>
    %get3A_762 = vector.shape_cast %get3A_761 : vector<1x1x2048xf32> to vector<2048xf32>
    %swap3A_763 = arith.constant 76 : index
    %swap3A_764 = arith.constant 0 : index
    %swap3A_765 = vector.load %arg258[%swap3A_763, %swap3A_764] : memref<256x2048xf32, #tpu.memory_space<vmem>>, vector<1x2048xf32>
    %swap3A_766 = vector.shape_cast %swap3A_765 : vector<1x2048xf32> to vector<2048xf32>
    %swap3A_767 = vector.shape_cast %get3A_762 : vector<2048xf32> to vector<1x2048xf32>
    tpu.vector_store %arg258[%swap3A_763, %swap3A_764], %swap3A_767 {strides = array<i32>} : memref<256x2048xf32, #tpu.memory_space<vmem>>, vector<1x2048xf32>,
    %get3A_768 = arith.constant 0 : index
    %get3A_769 = arith.constant 0 : index
    %get3A_770 = arith.constant 0 : index
    %get3A_771 = vector.load %arg79[%get3A_768, %get3A_769, %get3A_770] : memref<1x1x2048xf32, #tpu.memory_space<vmem>>, vector<1x1x2048xf32>
    %get3A_772 = vector.shape_cast %get3A_771 : vector<1x1x2048xf32> to vector<2048xf32>
    %swap3A_773 = arith.constant 77 : index
    %swap3A_774 = arith.constant 0 : index
    %swap3A_775 = vector.load %arg258[%swap3A_773, %swap3A_774] : memref<256x2048xf32, #tpu.memory_space<vmem>>, vector<1x2048xf32>
    %swap3A_776 = vector.shape_cast %swap3A_775 : vector<1x2048xf32> to vector<2048xf32>
    %swap3A_777 = vector.shape_cast %get3A_772 : vector<2048xf32> to vector<1x2048xf32>
    tpu.vector_store %arg258[%swap3A_773, %swap3A_774], %swap3A_777 {strides = array<i32>} : memref<256x2048xf32, #tpu.memory_space<vmem>>, vector<1x2048xf32>,
    %get3A_778 = arith.constant 0 : index
    %get3A_779 = arith.constant 0 : index
    %get3A_780 = arith.constant 0 : index
    %get3A_781 = vector.load %arg80[%get3A_778, %get3A_779, %get3A_780] : memref<1x1x2048xf32, #tpu.memory_space<vmem>>, vector<1x1x2048xf32>
    %get3A_782 = vector.shape_cast %get3A_781 : vector<1x1x2048xf32> to vector<2048xf32>
    %swap3A_783 = arith.constant 78 : index
    %swap3A_784 = arith.constant 0 : index
    %swap3A_785 = vector.load %arg258[%swap3A_783, %swap3A_784] : memref<256x2048xf32, #tpu.memory_space<vmem>>, vector<1x2048xf32>
    %swap3A_786 = vector.shape_cast %swap3A_785 : vector<1x2048xf32> to vector<2048xf32>
    %swap3A_787 = vector.shape_cast %get3A_782 : vector<2048xf32> to vector<1x2048xf32>
    tpu.vector_store %arg258[%swap3A_783, %swap3A_784], %swap3A_787 {strides = array<i32>} : memref<256x2048xf32, #tpu.memory_space<vmem>>, vector<1x2048xf32>,
    %get3A_788 = arith.constant 0 : index
    %get3A_789 = arith.constant 0 : index
    %get3A_790 = arith.constant 0 : index
    %get3A_791 = vector.load %arg81[%get3A_788, %get3A_789, %get3A_790] : memref<1x1x2048xf32, #tpu.memory_space<vmem>>, vector<1x1x2048xf32>
    %get3A_792 = vector.shape_cast %get3A_791 : vector<1x1x2048xf32> to vector<2048xf32>
    %swap3A_793 = arith.constant 79 : index
    %swap3A_794 = arith.constant 0 : index
    %swap3A_795 = vector.load %arg258[%swap3A_793, %swap3A_794] : memref<256x2048xf32, #tpu.memory_space<vmem>>, vector<1x2048xf32>
    %swap3A_796 = vector.shape_cast %swap3A_795 : vector<1x2048xf32> to vector<2048xf32>
    %swap3A_797 = vector.shape_cast %get3A_792 : vector<2048xf32> to vector<1x2048xf32>
    tpu.vector_store %arg258[%swap3A_793, %swap3A_794], %swap3A_797 {strides = array<i32>} : memref<256x2048xf32, #tpu.memory_space<vmem>>, vector<1x2048xf32>,
    %get3A_798 = arith.constant 0 : index
    %get3A_799 = arith.constant 0 : index
    %get3A_800 = arith.constant 0 : index
    %get3A_801 = vector.load %arg82[%get3A_798, %get3A_799, %get3A_800] : memref<1x1x2048xf32, #tpu.memory_space<vmem>>, vector<1x1x2048xf32>
    %get3A_802 = vector.shape_cast %get3A_801 : vector<1x1x2048xf32> to vector<2048xf32>
    %swap3A_803 = arith.constant 80 : index
    %swap3A_804 = arith.constant 0 : index
    %swap3A_805 = vector.load %arg258[%swap3A_803, %swap3A_804] : memref<256x2048xf32, #tpu.memory_space<vmem>>, vector<1x2048xf32>
    %swap3A_806 = vector.shape_cast %swap3A_805 : vector<1x2048xf32> to vector<2048xf32>
    %swap3A_807 = vector.shape_cast %get3A_802 : vector<2048xf32> to vector<1x2048xf32>
    tpu.vector_store %arg258[%swap3A_803, %swap3A_804], %swap3A_807 {strides = array<i32>} : memref<256x2048xf32, #tpu.memory_space<vmem>>, vector<1x2048xf32>,
    %get3A_808 = arith.constant 0 : index
    %get3A_809 = arith.constant 0 : index
    %get3A_810 = arith.constant 0 : index
    %get3A_811 = vector.load %arg83[%get3A_808, %get3A_809, %get3A_810] : memref<1x1x2048xf32, #tpu.memory_space<vmem>>, vector<1x1x2048xf32>
    %get3A_812 = vector.shape_cast %get3A_811 : vector<1x1x2048xf32> to vector<2048xf32>
    %swap3A_813 = arith.constant 81 : index
    %swap3A_814 = arith.constant 0 : index
    %swap3A_815 = vector.load %arg258[%swap3A_813, %swap3A_814] : memref<256x2048xf32, #tpu.memory_space<vmem>>, vector<1x2048xf32>
    %swap3A_816 = vector.shape_cast %swap3A_815 : vector<1x2048xf32> to vector<2048xf32>
    %swap3A_817 = vector.shape_cast %get3A_812 : vector<2048xf32> to vector<1x2048xf32>
    tpu.vector_store %arg258[%swap3A_813, %swap3A_814], %swap3A_817 {strides = array<i32>} : memref<256x2048xf32, #tpu.memory_space<vmem>>, vector<1x2048xf32>,
    %get3A_818 = arith.constant 0 : index
    %get3A_819 = arith.constant 0 : index
    %get3A_820 = arith.constant 0 : index
    %get3A_821 = vector.load %arg84[%get3A_818, %get3A_819, %get3A_820] : memref<1x1x2048xf32, #tpu.memory_space<vmem>>, vector<1x1x2048xf32>
    %get3A_822 = vector.shape_cast %get3A_821 : vector<1x1x2048xf32> to vector<2048xf32>
    %swap3A_823 = arith.constant 82 : index
    %swap3A_824 = arith.constant 0 : index
    %swap3A_825 = vector.load %arg258[%swap3A_823, %swap3A_824] : memref<256x2048xf32, #tpu.memory_space<vmem>>, vector<1x2048xf32>
    %swap3A_826 = vector.shape_cast %swap3A_825 : vector<1x2048xf32> to vector<2048xf32>
    %swap3A_827 = vector.shape_cast %get3A_822 : vector<2048xf32> to vector<1x2048xf32>
    tpu.vector_store %arg258[%swap3A_823, %swap3A_824], %swap3A_827 {strides = array<i32>} : memref<256x2048xf32, #tpu.memory_space<vmem>>, vector<1x2048xf32>,
    %get3A_828 = arith.constant 0 : index
    %get3A_829 = arith.constant 0 : index
    %get3A_830 = arith.constant 0 : index
    %get3A_831 = vector.load %arg85[%get3A_828, %get3A_829, %get3A_830] : memref<1x1x2048xf32, #tpu.memory_space<vmem>>, vector<1x1x2048xf32>
    %get3A_832 = vector.shape_cast %get3A_831 : vector<1x1x2048xf32> to vector<2048xf32>
    %swap3A_833 = arith.constant 83 : index
    %swap3A_834 = arith.constant 0 : index
    %swap3A_835 = vector.load %arg258[%swap3A_833, %swap3A_834] : memref<256x2048xf32, #tpu.memory_space<vmem>>, vector<1x2048xf32>
    %swap3A_836 = vector.shape_cast %swap3A_835 : vector<1x2048xf32> to vector<2048xf32>
    %swap3A_837 = vector.shape_cast %get3A_832 : vector<2048xf32> to vector<1x2048xf32>
    tpu.vector_store %arg258[%swap3A_833, %swap3A_834], %swap3A_837 {strides = array<i32>} : memref<256x2048xf32, #tpu.memory_space<vmem>>, vector<1x2048xf32>,
    %get3A_838 = arith.constant 0 : index
    %get3A_839 = arith.constant 0 : index
    %get3A_840 = arith.constant 0 : index
    %get3A_841 = vector.load %arg86[%get3A_838, %get3A_839, %get3A_840] : memref<1x1x2048xf32, #tpu.memory_space<vmem>>, vector<1x1x2048xf32>
    %get3A_842 = vector.shape_cast %get3A_841 : vector<1x1x2048xf32> to vector<2048xf32>
    %swap3A_843 = arith.constant 84 : index
    %swap3A_844 = arith.constant 0 : index
    %swap3A_845 = vector.load %arg258[%swap3A_843, %swap3A_844] : memref<256x2048xf32, #tpu.memory_space<vmem>>, vector<1x2048xf32>
    %swap3A_846 = vector.shape_cast %swap3A_845 : vector<1x2048xf32> to vector<2048xf32>
    %swap3A_847 = vector.shape_cast %get3A_842 : vector<2048xf32> to vector<1x2048xf32>
    tpu.vector_store %arg258[%swap3A_843, %swap3A_844], %swap3A_847 {strides = array<i32>} : memref<256x2048xf32, #tpu.memory_space<vmem>>, vector<1x2048xf32>,
    %get3A_848 = arith.constant 0 : index
    %get3A_849 = arith.constant 0 : index
    %get3A_850 = arith.constant 0 : index
    %get3A_851 = vector.load %arg87[%get3A_848, %get3A_849, %get3A_850] : memref<1x1x2048xf32, #tpu.memory_space<vmem>>, vector<1x1x2048xf32>
    %get3A_852 = vector.shape_cast %get3A_851 : vector<1x1x2048xf32> to vector<2048xf32>
    %swap3A_853 = arith.constant 85 : index
    %swap3A_854 = arith.constant 0 : index
    %swap3A_855 = vector.load %arg258[%swap3A_853, %swap3A_854] : memref<256x2048xf32, #tpu.memory_space<vmem>>, vector<1x2048xf32>
    %swap3A_856 = vector.shape_cast %swap3A_855 : vector<1x2048xf32> to vector<2048xf32>
    %swap3A_857 = vector.shape_cast %get3A_852 : vector<2048xf32> to vector<1x2048xf32>
    tpu.vector_store %arg258[%swap3A_853, %swap3A_854], %swap3A_857 {strides = array<i32>} : memref<256x2048xf32, #tpu.memory_space<vmem>>, vector<1x2048xf32>,
    %get3A_858 = arith.constant 0 : index
    %get3A_859 = arith.constant 0 : index
    %get3A_860 = arith.constant 0 : index
    %get3A_861 = vector.load %arg88[%get3A_858, %get3A_859, %get3A_860] : memref<1x1x2048xf32, #tpu.memory_space<vmem>>, vector<1x1x2048xf32>
    %get3A_862 = vector.shape_cast %get3A_861 : vector<1x1x2048xf32> to vector<2048xf32>
    %swap3A_863 = arith.constant 86 : index
    %swap3A_864 = arith.constant 0 : index
    %swap3A_865 = vector.load %arg258[%swap3A_863, %swap3A_864] : memref<256x2048xf32, #tpu.memory_space<vmem>>, vector<1x2048xf32>
    %swap3A_866 = vector.shape_cast %swap3A_865 : vector<1x2048xf32> to vector<2048xf32>
    %swap3A_867 = vector.shape_cast %get3A_862 : vector<2048xf32> to vector<1x2048xf32>
    tpu.vector_store %arg258[%swap3A_863, %swap3A_864], %swap3A_867 {strides = array<i32>} : memref<256x2048xf32, #tpu.memory_space<vmem>>, vector<1x2048xf32>,
    %get3A_868 = arith.constant 0 : index
    %get3A_869 = arith.constant 0 : index
    %get3A_870 = arith.constant 0 : index
    %get3A_871 = vector.load %arg89[%get3A_868, %get3A_869, %get3A_870] : memref<1x1x2048xf32, #tpu.memory_space<vmem>>, vector<1x1x2048xf32>
    %get3A_872 = vector.shape_cast %get3A_871 : vector<1x1x2048xf32> to vector<2048xf32>
    %swap3A_873 = arith.constant 87 : index
    %swap3A_874 = arith.constant 0 : index
    %swap3A_875 = vector.load %arg258[%swap3A_873, %swap3A_874] : memref<256x2048xf32, #tpu.memory_space<vmem>>, vector<1x2048xf32>
    %swap3A_876 = vector.shape_cast %swap3A_875 : vector<1x2048xf32> to vector<2048xf32>
    %swap3A_877 = vector.shape_cast %get3A_872 : vector<2048xf32> to vector<1x2048xf32>
    tpu.vector_store %arg258[%swap3A_873, %swap3A_874], %swap3A_877 {strides = array<i32>} : memref<256x2048xf32, #tpu.memory_space<vmem>>, vector<1x2048xf32>,
    %get3A_878 = arith.constant 0 : index
    %get3A_879 = arith.constant 0 : index
    %get3A_880 = arith.constant 0 : index
    %get3A_881 = vector.load %arg90[%get3A_878, %get3A_879, %get3A_880] : memref<1x1x2048xf32, #tpu.memory_space<vmem>>, vector<1x1x2048xf32>
    %get3A_882 = vector.shape_cast %get3A_881 : vector<1x1x2048xf32> to vector<2048xf32>
    %swap3A_883 = arith.constant 88 : index
    %swap3A_884 = arith.constant 0 : index
    %swap3A_885 = vector.load %arg258[%swap3A_883, %swap3A_884] : memref<256x2048xf32, #tpu.memory_space<vmem>>, vector<1x2048xf32>
    %swap3A_886 = vector.shape_cast %swap3A_885 : vector<1x2048xf32> to vector<2048xf32>
    %swap3A_887 = vector.shape_cast %get3A_882 : vector<2048xf32> to vector<1x2048xf32>
    tpu.vector_store %arg258[%swap3A_883, %swap3A_884], %swap3A_887 {strides = array<i32>} : memref<256x2048xf32, #tpu.memory_space<vmem>>, vector<1x2048xf32>,
    %get3A_888 = arith.constant 0 : index
    %get3A_889 = arith.constant 0 : index
    %get3A_890 = arith.constant 0 : index
    %get3A_891 = vector.load %arg91[%get3A_888, %get3A_889, %get3A_890] : memref<1x1x2048xf32, #tpu.memory_space<vmem>>, vector<1x1x2048xf32>
    %get3A_892 = vector.shape_cast %get3A_891 : vector<1x1x2048xf32> to vector<2048xf32>
    %swap3A_893 = arith.constant 89 : index
    %swap3A_894 = arith.constant 0 : index
    %swap3A_895 = vector.load %arg258[%swap3A_893, %swap3A_894] : memref<256x2048xf32, #tpu.memory_space<vmem>>, vector<1x2048xf32>
    %swap3A_896 = vector.shape_cast %swap3A_895 : vector<1x2048xf32> to vector<2048xf32>
    %swap3A_897 = vector.shape_cast %get3A_892 : vector<2048xf32> to vector<1x2048xf32>
    tpu.vector_store %arg258[%swap3A_893, %swap3A_894], %swap3A_897 {strides = array<i32>} : memref<256x2048xf32, #tpu.memory_space<vmem>>, vector<1x2048xf32>,
    %get3A_898 = arith.constant 0 : index
    %get3A_899 = arith.constant 0 : index
    %get3A_900 = arith.constant 0 : index
    %get3A_901 = vector.load %arg92[%get3A_898, %get3A_899, %get3A_900] : memref<1x1x2048xf32, #tpu.memory_space<vmem>>, vector<1x1x2048xf32>
    %get3A_902 = vector.shape_cast %get3A_901 : vector<1x1x2048xf32> to vector<2048xf32>
    %swap3A_903 = arith.constant 90 : index
    %swap3A_904 = arith.constant 0 : index
    %swap3A_905 = vector.load %arg258[%swap3A_903, %swap3A_904] : memref<256x2048xf32, #tpu.memory_space<vmem>>, vector<1x2048xf32>
    %swap3A_906 = vector.shape_cast %swap3A_905 : vector<1x2048xf32> to vector<2048xf32>
    %swap3A_907 = vector.shape_cast %get3A_902 : vector<2048xf32> to vector<1x2048xf32>
    tpu.vector_store %arg258[%swap3A_903, %swap3A_904], %swap3A_907 {strides = array<i32>} : memref<256x2048xf32, #tpu.memory_space<vmem>>, vector<1x2048xf32>,
    %get3A_908 = arith.constant 0 : index
    %get3A_909 = arith.constant 0 : index
    %get3A_910 = arith.constant 0 : index
    %get3A_911 = vector.load %arg93[%get3A_908, %get3A_909, %get3A_910] : memref<1x1x2048xf32, #tpu.memory_space<vmem>>, vector<1x1x2048xf32>
    %get3A_912 = vector.shape_cast %get3A_911 : vector<1x1x2048xf32> to vector<2048xf32>
    %swap3A_913 = arith.constant 91 : index
    %swap3A_914 = arith.constant 0 : index
    %swap3A_915 = vector.load %arg258[%swap3A_913, %swap3A_914] : memref<256x2048xf32, #tpu.memory_space<vmem>>, vector<1x2048xf32>
    %swap3A_916 = vector.shape_cast %swap3A_915 : vector<1x2048xf32> to vector<2048xf32>
    %swap3A_917 = vector.shape_cast %get3A_912 : vector<2048xf32> to vector<1x2048xf32>
    tpu.vector_store %arg258[%swap3A_913, %swap3A_914], %swap3A_917 {strides = array<i32>} : memref<256x2048xf32, #tpu.memory_space<vmem>>, vector<1x2048xf32>,
    %get3A_918 = arith.constant 0 : index
    %get3A_919 = arith.constant 0 : index
    %get3A_920 = arith.constant 0 : index
    %get3A_921 = vector.load %arg94[%get3A_918, %get3A_919, %get3A_920] : memref<1x1x2048xf32, #tpu.memory_space<vmem>>, vector<1x1x2048xf32>
    %get3A_922 = vector.shape_cast %get3A_921 : vector<1x1x2048xf32> to vector<2048xf32>
    %swap3A_923 = arith.constant 92 : index
    %swap3A_924 = arith.constant 0 : index
    %swap3A_925 = vector.load %arg258[%swap3A_923, %swap3A_924] : memref<256x2048xf32, #tpu.memory_space<vmem>>, vector<1x2048xf32>
    %swap3A_926 = vector.shape_cast %swap3A_925 : vector<1x2048xf32> to vector<2048xf32>
    %swap3A_927 = vector.shape_cast %get3A_922 : vector<2048xf32> to vector<1x2048xf32>
    tpu.vector_store %arg258[%swap3A_923, %swap3A_924], %swap3A_927 {strides = array<i32>} : memref<256x2048xf32, #tpu.memory_space<vmem>>, vector<1x2048xf32>,
    %get3A_928 = arith.constant 0 : index
    %get3A_929 = arith.constant 0 : index
    %get3A_930 = arith.constant 0 : index
    %get3A_931 = vector.load %arg95[%get3A_928, %get3A_929, %get3A_930] : memref<1x1x2048xf32, #tpu.memory_space<vmem>>, vector<1x1x2048xf32>
    %get3A_932 = vector.shape_cast %get3A_931 : vector<1x1x2048xf32> to vector<2048xf32>
    %swap3A_933 = arith.constant 93 : index
    %swap3A_934 = arith.constant 0 : index
    %swap3A_935 = vector.load %arg258[%swap3A_933, %swap3A_934] : memref<256x2048xf32, #tpu.memory_space<vmem>>, vector<1x2048xf32>
    %swap3A_936 = vector.shape_cast %swap3A_935 : vector<1x2048xf32> to vector<2048xf32>
    %swap3A_937 = vector.shape_cast %get3A_932 : vector<2048xf32> to vector<1x2048xf32>
    tpu.vector_store %arg258[%swap3A_933, %swap3A_934], %swap3A_937 {strides = array<i32>} : memref<256x2048xf32, #tpu.memory_space<vmem>>, vector<1x2048xf32>,
    %get3A_938 = arith.constant 0 : index
    %get3A_939 = arith.constant 0 : index
    %get3A_940 = arith.constant 0 : index
    %get3A_941 = vector.load %arg96[%get3A_938, %get3A_939, %get3A_940] : memref<1x1x2048xf32, #tpu.memory_space<vmem>>, vector<1x1x2048xf32>
    %get3A_942 = vector.shape_cast %get3A_941 : vector<1x1x2048xf32> to vector<2048xf32>
    %swap3A_943 = arith.constant 94 : index
    %swap3A_944 = arith.constant 0 : index
    %swap3A_945 = vector.load %arg258[%swap3A_943, %swap3A_944] : memref<256x2048xf32, #tpu.memory_space<vmem>>, vector<1x2048xf32>
    %swap3A_946 = vector.shape_cast %swap3A_945 : vector<1x2048xf32> to vector<2048xf32>
    %swap3A_947 = vector.shape_cast %get3A_942 : vector<2048xf32> to vector<1x2048xf32>
    tpu.vector_store %arg258[%swap3A_943, %swap3A_944], %swap3A_947 {strides = array<i32>} : memref<256x2048xf32, #tpu.memory_space<vmem>>, vector<1x2048xf32>,
    %get3A_948 = arith.constant 0 : index
    %get3A_949 = arith.constant 0 : index
    %get3A_950 = arith.constant 0 : index
    %get3A_951 = vector.load %arg97[%get3A_948, %get3A_949, %get3A_950] : memref<1x1x2048xf32, #tpu.memory_space<vmem>>, vector<1x1x2048xf32>
    %get3A_952 = vector.shape_cast %get3A_951 : vector<1x1x2048xf32> to vector<2048xf32>
    %swap3A_953 = arith.constant 95 : index
    %swap3A_954 = arith.constant 0 : index
    %swap3A_955 = vector.load %arg258[%swap3A_953, %swap3A_954] : memref<256x2048xf32, #tpu.memory_space<vmem>>, vector<1x2048xf32>
    %swap3A_956 = vector.shape_cast %swap3A_955 : vector<1x2048xf32> to vector<2048xf32>
    %swap3A_957 = vector.shape_cast %get3A_952 : vector<2048xf32> to vector<1x2048xf32>
    tpu.vector_store %arg258[%swap3A_953, %swap3A_954], %swap3A_957 {strides = array<i32>} : memref<256x2048xf32, #tpu.memory_space<vmem>>, vector<1x2048xf32>,
    %get3A_958 = arith.constant 0 : index
    %get3A_959 = arith.constant 0 : index
    %get3A_960 = arith.constant 0 : index
    %get3A_961 = vector.load %arg98[%get3A_958, %get3A_959, %get3A_960] : memref<1x1x2048xf32, #tpu.memory_space<vmem>>, vector<1x1x2048xf32>
    %get3A_962 = vector.shape_cast %get3A_961 : vector<1x1x2048xf32> to vector<2048xf32>
    %swap3A_963 = arith.constant 96 : index
    %swap3A_964 = arith.constant 0 : index
    %swap3A_965 = vector.load %arg258[%swap3A_963, %swap3A_964] : memref<256x2048xf32, #tpu.memory_space<vmem>>, vector<1x2048xf32>
    %swap3A_966 = vector.shape_cast %swap3A_965 : vector<1x2048xf32> to vector<2048xf32>
    %swap3A_967 = vector.shape_cast %get3A_962 : vector<2048xf32> to vector<1x2048xf32>
    tpu.vector_store %arg258[%swap3A_963, %swap3A_964], %swap3A_967 {strides = array<i32>} : memref<256x2048xf32, #tpu.memory_space<vmem>>, vector<1x2048xf32>,
    %get3A_968 = arith.constant 0 : index
    %get3A_969 = arith.constant 0 : index
    %get3A_970 = arith.constant 0 : index
    %get3A_971 = vector.load %arg99[%get3A_968, %get3A_969, %get3A_970] : memref<1x1x2048xf32, #tpu.memory_space<vmem>>, vector<1x1x2048xf32>
    %get3A_972 = vector.shape_cast %get3A_971 : vector<1x1x2048xf32> to vector<2048xf32>
    %swap3A_973 = arith.constant 97 : index
    %swap3A_974 = arith.constant 0 : index
    %swap3A_975 = vector.load %arg258[%swap3A_973, %swap3A_974] : memref<256x2048xf32, #tpu.memory_space<vmem>>, vector<1x2048xf32>
    %swap3A_976 = vector.shape_cast %swap3A_975 : vector<1x2048xf32> to vector<2048xf32>
    %swap3A_977 = vector.shape_cast %get3A_972 : vector<2048xf32> to vector<1x2048xf32>
    tpu.vector_store %arg258[%swap3A_973, %swap3A_974], %swap3A_977 {strides = array<i32>} : memref<256x2048xf32, #tpu.memory_space<vmem>>, vector<1x2048xf32>,
    %get3A_978 = arith.constant 0 : index
    %get3A_979 = arith.constant 0 : index
    %get3A_980 = arith.constant 0 : index
    %get3A_981 = vector.load %arg100[%get3A_978, %get3A_979, %get3A_980] : memref<1x1x2048xf32, #tpu.memory_space<vmem>>, vector<1x1x2048xf32>
    %get3A_982 = vector.shape_cast %get3A_981 : vector<1x1x2048xf32> to vector<2048xf32>
    %swap3A_983 = arith.constant 98 : index
    %swap3A_984 = arith.constant 0 : index
    %swap3A_985 = vector.load %arg258[%swap3A_983, %swap3A_984] : memref<256x2048xf32, #tpu.memory_space<vmem>>, vector<1x2048xf32>
    %swap3A_986 = vector.shape_cast %swap3A_985 : vector<1x2048xf32> to vector<2048xf32>
    %swap3A_987 = vector.shape_cast %get3A_982 : vector<2048xf32> to vector<1x2048xf32>
    tpu.vector_store %arg258[%swap3A_983, %swap3A_984], %swap3A_987 {strides = array<i32>} : memref<256x2048xf32, #tpu.memory_space<vmem>>, vector<1x2048xf32>,
    %get3A_988 = arith.constant 0 : index
    %get3A_989 = arith.constant 0 : index
    %get3A_990 = arith.constant 0 : index
    %get3A_991 = vector.load %arg101[%get3A_988, %get3A_989, %get3A_990] : memref<1x1x2048xf32, #tpu.memory_space<vmem>>, vector<1x1x2048xf32>
    %get3A_992 = vector.shape_cast %get3A_991 : vector<1x1x2048xf32> to vector<2048xf32>
    %swap3A_993 = arith.constant 99 : index
    %swap3A_994 = arith.constant 0 : index
    %swap3A_995 = vector.load %arg258[%swap3A_993, %swap3A_994] : memref<256x2048xf32, #tpu.memory_space<vmem>>, vector<1x2048xf32>
    %swap3A_996 = vector.shape_cast %swap3A_995 : vector<1x2048xf32> to vector<2048xf32>
    %swap3A_997 = vector.shape_cast %get3A_992 : vector<2048xf32> to vector<1x2048xf32>
    tpu.vector_store %arg258[%swap3A_993, %swap3A_994], %swap3A_997 {strides = array<i32>} : memref<256x2048xf32, #tpu.memory_space<vmem>>, vector<1x2048xf32>,
    %get3A_998 = arith.constant 0 : index
    %get3A_999 = arith.constant 0 : index
    %get3A_1000 = arith.constant 0 : index
    %get3A_1001 = vector.load %arg102[%get3A_998, %get3A_999, %get3A_1000] : memref<1x1x2048xf32, #tpu.memory_space<vmem>>, vector<1x1x2048xf32>
    %get3A_1002 = vector.shape_cast %get3A_1001 : vector<1x1x2048xf32> to vector<2048xf32>
    %swap3A_1003 = arith.constant 100 : index
    %swap3A_1004 = arith.constant 0 : index
    %swap3A_1005 = vector.load %arg258[%swap3A_1003, %swap3A_1004] : memref<256x2048xf32, #tpu.memory_space<vmem>>, vector<1x2048xf32>
    %swap3A_1006 = vector.shape_cast %swap3A_1005 : vector<1x2048xf32> to vector<2048xf32>
    %swap3A_1007 = vector.shape_cast %get3A_1002 : vector<2048xf32> to vector<1x2048xf32>
    tpu.vector_store %arg258[%swap3A_1003, %swap3A_1004], %swap3A_1007 {strides = array<i32>} : memref<256x2048xf32, #tpu.memory_space<vmem>>, vector<1x2048xf32>,
    %get3A_1008 = arith.constant 0 : index
    %get3A_1009 = arith.constant 0 : index
    %get3A_1010 = arith.constant 0 : index
    %get3A_1011 = vector.load %arg103[%get3A_1008, %get3A_1009, %get3A_1010] : memref<1x1x2048xf32, #tpu.memory_space<vmem>>, vector<1x1x2048xf32>
    %get3A_1012 = vector.shape_cast %get3A_1011 : vector<1x1x2048xf32> to vector<2048xf32>
    %swap3A_1013 = arith.constant 101 : index
    %swap3A_1014 = arith.constant 0 : index
    %swap3A_1015 = vector.load %arg258[%swap3A_1013, %swap3A_1014] : memref<256x2048xf32, #tpu.memory_space<vmem>>, vector<1x2048xf32>
    %swap3A_1016 = vector.shape_cast %swap3A_1015 : vector<1x2048xf32> to vector<2048xf32>
    %swap3A_1017 = vector.shape_cast %get3A_1012 : vector<2048xf32> to vector<1x2048xf32>
    tpu.vector_store %arg258[%swap3A_1013, %swap3A_1014], %swap3A_1017 {strides = array<i32>} : memref<256x2048xf32, #tpu.memory_space<vmem>>, vector<1x2048xf32>,
    %get3A_1018 = arith.constant 0 : index
    %get3A_1019 = arith.constant 0 : index
    %get3A_1020 = arith.constant 0 : index
    %get3A_1021 = vector.load %arg104[%get3A_1018, %get3A_1019, %get3A_1020] : memref<1x1x2048xf32, #tpu.memory_space<vmem>>, vector<1x1x2048xf32>
    %get3A_1022 = vector.shape_cast %get3A_1021 : vector<1x1x2048xf32> to vector<2048xf32>
    %swap3A_1023 = arith.constant 102 : index
    %swap3A_1024 = arith.constant 0 : index
    %swap3A_1025 = vector.load %arg258[%swap3A_1023, %swap3A_1024] : memref<256x2048xf32, #tpu.memory_space<vmem>>, vector<1x2048xf32>
    %swap3A_1026 = vector.shape_cast %swap3A_1025 : vector<1x2048xf32> to vector<2048xf32>
    %swap3A_1027 = vector.shape_cast %get3A_1022 : vector<2048xf32> to vector<1x2048xf32>
    tpu.vector_store %arg258[%swap3A_1023, %swap3A_1024], %swap3A_1027 {strides = array<i32>} : memref<256x2048xf32, #tpu.memory_space<vmem>>, vector<1x2048xf32>,
    %get3A_1028 = arith.constant 0 : index
    %get3A_1029 = arith.constant 0 : index
    %get3A_1030 = arith.constant 0 : index
    %get3A_1031 = vector.load %arg105[%get3A_1028, %get3A_1029, %get3A_1030] : memref<1x1x2048xf32, #tpu.memory_space<vmem>>, vector<1x1x2048xf32>
    %get3A_1032 = vector.shape_cast %get3A_1031 : vector<1x1x2048xf32> to vector<2048xf32>
    %swap3A_1033 = arith.constant 103 : index
    %swap3A_1034 = arith.constant 0 : index
    %swap3A_1035 = vector.load %arg258[%swap3A_1033, %swap3A_1034] : memref<256x2048xf32, #tpu.memory_space<vmem>>, vector<1x2048xf32>
    %swap3A_1036 = vector.shape_cast %swap3A_1035 : vector<1x2048xf32> to vector<2048xf32>
    %swap3A_1037 = vector.shape_cast %get3A_1032 : vector<2048xf32> to vector<1x2048xf32>
    tpu.vector_store %arg258[%swap3A_1033, %swap3A_1034], %swap3A_1037 {strides = array<i32>} : memref<256x2048xf32, #tpu.memory_space<vmem>>, vector<1x2048xf32>,
    %get3A_1038 = arith.constant 0 : index
    %get3A_1039 = arith.constant 0 : index
    %get3A_1040 = arith.constant 0 : index
    %get3A_1041 = vector.load %arg106[%get3A_1038, %get3A_1039, %get3A_1040] : memref<1x1x2048xf32, #tpu.memory_space<vmem>>, vector<1x1x2048xf32>
    %get3A_1042 = vector.shape_cast %get3A_1041 : vector<1x1x2048xf32> to vector<2048xf32>
    %swap3A_1043 = arith.constant 104 : index
    %swap3A_1044 = arith.constant 0 : index
    %swap3A_1045 = vector.load %arg258[%swap3A_1043, %swap3A_1044] : memref<256x2048xf32, #tpu.memory_space<vmem>>, vector<1x2048xf32>
    %swap3A_1046 = vector.shape_cast %swap3A_1045 : vector<1x2048xf32> to vector<2048xf32>
    %swap3A_1047 = vector.shape_cast %get3A_1042 : vector<2048xf32> to vector<1x2048xf32>
    tpu.vector_store %arg258[%swap3A_1043, %swap3A_1044], %swap3A_1047 {strides = array<i32>} : memref<256x2048xf32, #tpu.memory_space<vmem>>, vector<1x2048xf32>,
    %get3A_1048 = arith.constant 0 : index
    %get3A_1049 = arith.constant 0 : index
    %get3A_1050 = arith.constant 0 : index
    %get3A_1051 = vector.load %arg107[%get3A_1048, %get3A_1049, %get3A_1050] : memref<1x1x2048xf32, #tpu.memory_space<vmem>>, vector<1x1x2048xf32>
    %get3A_1052 = vector.shape_cast %get3A_1051 : vector<1x1x2048xf32> to vector<2048xf32>
    %swap3A_1053 = arith.constant 105 : index
    %swap3A_1054 = arith.constant 0 : index
    %swap3A_1055 = vector.load %arg258[%swap3A_1053, %swap3A_1054] : memref<256x2048xf32, #tpu.memory_space<vmem>>, vector<1x2048xf32>
    %swap3A_1056 = vector.shape_cast %swap3A_1055 : vector<1x2048xf32> to vector<2048xf32>
    %swap3A_1057 = vector.shape_cast %get3A_1052 : vector<2048xf32> to vector<1x2048xf32>
    tpu.vector_store %arg258[%swap3A_1053, %swap3A_1054], %swap3A_1057 {strides = array<i32>} : memref<256x2048xf32, #tpu.memory_space<vmem>>, vector<1x2048xf32>,
    %get3A_1058 = arith.constant 0 : index
    %get3A_1059 = arith.constant 0 : index
    %get3A_1060 = arith.constant 0 : index
    %get3A_1061 = vector.load %arg108[%get3A_1058, %get3A_1059, %get3A_1060] : memref<1x1x2048xf32, #tpu.memory_space<vmem>>, vector<1x1x2048xf32>
    %get3A_1062 = vector.shape_cast %get3A_1061 : vector<1x1x2048xf32> to vector<2048xf32>
    %swap3A_1063 = arith.constant 106 : index
    %swap3A_1064 = arith.constant 0 : index
    %swap3A_1065 = vector.load %arg258[%swap3A_1063, %swap3A_1064] : memref<256x2048xf32, #tpu.memory_space<vmem>>, vector<1x2048xf32>
    %swap3A_1066 = vector.shape_cast %swap3A_1065 : vector<1x2048xf32> to vector<2048xf32>
    %swap3A_1067 = vector.shape_cast %get3A_1062 : vector<2048xf32> to vector<1x2048xf32>
    tpu.vector_store %arg258[%swap3A_1063, %swap3A_1064], %swap3A_1067 {strides = array<i32>} : memref<256x2048xf32, #tpu.memory_space<vmem>>, vector<1x2048xf32>,
    %get3A_1068 = arith.constant 0 : index
    %get3A_1069 = arith.constant 0 : index
    %get3A_1070 = arith.constant 0 : index
    %get3A_1071 = vector.load %arg109[%get3A_1068, %get3A_1069, %get3A_1070] : memref<1x1x2048xf32, #tpu.memory_space<vmem>>, vector<1x1x2048xf32>
    %get3A_1072 = vector.shape_cast %get3A_1071 : vector<1x1x2048xf32> to vector<2048xf32>
    %swap3A_1073 = arith.constant 107 : index
    %swap3A_1074 = arith.constant 0 : index
    %swap3A_1075 = vector.load %arg258[%swap3A_1073, %swap3A_1074] : memref<256x2048xf32, #tpu.memory_space<vmem>>, vector<1x2048xf32>
    %swap3A_1076 = vector.shape_cast %swap3A_1075 : vector<1x2048xf32> to vector<2048xf32>
    %swap3A_1077 = vector.shape_cast %get3A_1072 : vector<2048xf32> to vector<1x2048xf32>
    tpu.vector_store %arg258[%swap3A_1073, %swap3A_1074], %swap3A_1077 {strides = array<i32>} : memref<256x2048xf32, #tpu.memory_space<vmem>>, vector<1x2048xf32>,
    %get3A_1078 = arith.constant 0 : index
    %get3A_1079 = arith.constant 0 : index
    %get3A_1080 = arith.constant 0 : index
    %get3A_1081 = vector.load %arg110[%get3A_1078, %get3A_1079, %get3A_1080] : memref<1x1x2048xf32, #tpu.memory_space<vmem>>, vector<1x1x2048xf32>
    %get3A_1082 = vector.shape_cast %get3A_1081 : vector<1x1x2048xf32> to vector<2048xf32>
    %swap3A_1083 = arith.constant 108 : index
    %swap3A_1084 = arith.constant 0 : index
    %swap3A_1085 = vector.load %arg258[%swap3A_1083, %swap3A_1084] : memref<256x2048xf32, #tpu.memory_space<vmem>>, vector<1x2048xf32>
    %swap3A_1086 = vector.shape_cast %swap3A_1085 : vector<1x2048xf32> to vector<2048xf32>
    %swap3A_1087 = vector.shape_cast %get3A_1082 : vector<2048xf32> to vector<1x2048xf32>
    tpu.vector_store %arg258[%swap3A_1083, %swap3A_1084], %swap3A_1087 {strides = array<i32>} : memref<256x2048xf32, #tpu.memory_space<vmem>>, vector<1x2048xf32>,
    %get3A_1088 = arith.constant 0 : index
    %get3A_1089 = arith.constant 0 : index
    %get3A_1090 = arith.constant 0 : index
    %get3A_1091 = vector.load %arg111[%get3A_1088, %get3A_1089, %get3A_1090] : memref<1x1x2048xf32, #tpu.memory_space<vmem>>, vector<1x1x2048xf32>
    %get3A_1092 = vector.shape_cast %get3A_1091 : vector<1x1x2048xf32> to vector<2048xf32>
    %swap3A_1093 = arith.constant 109 : index
    %swap3A_1094 = arith.constant 0 : index
    %swap3A_1095 = vector.load %arg258[%swap3A_1093, %swap3A_1094] : memref<256x2048xf32, #tpu.memory_space<vmem>>, vector<1x2048xf32>
    %swap3A_1096 = vector.shape_cast %swap3A_1095 : vector<1x2048xf32> to vector<2048xf32>
    %swap3A_1097 = vector.shape_cast %get3A_1092 : vector<2048xf32> to vector<1x2048xf32>
    tpu.vector_store %arg258[%swap3A_1093, %swap3A_1094], %swap3A_1097 {strides = array<i32>} : memref<256x2048xf32, #tpu.memory_space<vmem>>, vector<1x2048xf32>,
    %get3A_1098 = arith.constant 0 : index
    %get3A_1099 = arith.constant 0 : index
    %get3A_1100 = arith.constant 0 : index
    %get3A_1101 = vector.load %arg112[%get3A_1098, %get3A_1099, %get3A_1100] : memref<1x1x2048xf32, #tpu.memory_space<vmem>>, vector<1x1x2048xf32>
    %get3A_1102 = vector.shape_cast %get3A_1101 : vector<1x1x2048xf32> to vector<2048xf32>
    %swap3A_1103 = arith.constant 110 : index
    %swap3A_1104 = arith.constant 0 : index
    %swap3A_1105 = vector.load %arg258[%swap3A_1103, %swap3A_1104] : memref<256x2048xf32, #tpu.memory_space<vmem>>, vector<1x2048xf32>
    %swap3A_1106 = vector.shape_cast %swap3A_1105 : vector<1x2048xf32> to vector<2048xf32>
    %swap3A_1107 = vector.shape_cast %get3A_1102 : vector<2048xf32> to vector<1x2048xf32>
    tpu.vector_store %arg258[%swap3A_1103, %swap3A_1104], %swap3A_1107 {strides = array<i32>} : memref<256x2048xf32, #tpu.memory_space<vmem>>, vector<1x2048xf32>,
    %get3A_1108 = arith.constant 0 : index
    %get3A_1109 = arith.constant 0 : index
    %get3A_1110 = arith.constant 0 : index
    %get3A_1111 = vector.load %arg113[%get3A_1108, %get3A_1109, %get3A_1110] : memref<1x1x2048xf32, #tpu.memory_space<vmem>>, vector<1x1x2048xf32>
    %get3A_1112 = vector.shape_cast %get3A_1111 : vector<1x1x2048xf32> to vector<2048xf32>
    %swap3A_1113 = arith.constant 111 : index
    %swap3A_1114 = arith.constant 0 : index
    %swap3A_1115 = vector.load %arg258[%swap3A_1113, %swap3A_1114] : memref<256x2048xf32, #tpu.memory_space<vmem>>, vector<1x2048xf32>
    %swap3A_1116 = vector.shape_cast %swap3A_1115 : vector<1x2048xf32> to vector<2048xf32>
    %swap3A_1117 = vector.shape_cast %get3A_1112 : vector<2048xf32> to vector<1x2048xf32>
    tpu.vector_store %arg258[%swap3A_1113, %swap3A_1114], %swap3A_1117 {strides = array<i32>} : memref<256x2048xf32, #tpu.memory_space<vmem>>, vector<1x2048xf32>,
    %get3A_1118 = arith.constant 0 : index
    %get3A_1119 = arith.constant 0 : index
    %get3A_1120 = arith.constant 0 : index
    %get3A_1121 = vector.load %arg114[%get3A_1118, %get3A_1119, %get3A_1120] : memref<1x1x2048xf32, #tpu.memory_space<vmem>>, vector<1x1x2048xf32>
    %get3A_1122 = vector.shape_cast %get3A_1121 : vector<1x1x2048xf32> to vector<2048xf32>
    %swap3A_1123 = arith.constant 112 : index
    %swap3A_1124 = arith.constant 0 : index
    %swap3A_1125 = vector.load %arg258[%swap3A_1123, %swap3A_1124] : memref<256x2048xf32, #tpu.memory_space<vmem>>, vector<1x2048xf32>
    %swap3A_1126 = vector.shape_cast %swap3A_1125 : vector<1x2048xf32> to vector<2048xf32>
    %swap3A_1127 = vector.shape_cast %get3A_1122 : vector<2048xf32> to vector<1x2048xf32>
    tpu.vector_store %arg258[%swap3A_1123, %swap3A_1124], %swap3A_1127 {strides = array<i32>} : memref<256x2048xf32, #tpu.memory_space<vmem>>, vector<1x2048xf32>,
    %get3A_1128 = arith.constant 0 : index
    %get3A_1129 = arith.constant 0 : index
    %get3A_1130 = arith.constant 0 : index
    %get3A_1131 = vector.load %arg115[%get3A_1128, %get3A_1129, %get3A_1130] : memref<1x1x2048xf32, #tpu.memory_space<vmem>>, vector<1x1x2048xf32>
    %get3A_1132 = vector.shape_cast %get3A_1131 : vector<1x1x2048xf32> to vector<2048xf32>
    %swap3A_1133 = arith.constant 113 : index
    %swap3A_1134 = arith.constant 0 : index
    %swap3A_1135 = vector.load %arg258[%swap3A_1133, %swap3A_1134] : memref<256x2048xf32, #tpu.memory_space<vmem>>, vector<1x2048xf32>
    %swap3A_1136 = vector.shape_cast %swap3A_1135 : vector<1x2048xf32> to vector<2048xf32>
    %swap3A_1137 = vector.shape_cast %get3A_1132 : vector<2048xf32> to vector<1x2048xf32>
    tpu.vector_store %arg258[%swap3A_1133, %swap3A_1134], %swap3A_1137 {strides = array<i32>} : memref<256x2048xf32, #tpu.memory_space<vmem>>, vector<1x2048xf32>,
    %get3A_1138 = arith.constant 0 : index
    %get3A_1139 = arith.constant 0 : index
    %get3A_1140 = arith.constant 0 : index
    %get3A_1141 = vector.load %arg116[%get3A_1138, %get3A_1139, %get3A_1140] : memref<1x1x2048xf32, #tpu.memory_space<vmem>>, vector<1x1x2048xf32>
    %get3A_1142 = vector.shape_cast %get3A_1141 : vector<1x1x2048xf32> to vector<2048xf32>
    %swap3A_1143 = arith.constant 114 : index
    %swap3A_1144 = arith.constant 0 : index
    %swap3A_1145 = vector.load %arg258[%swap3A_1143, %swap3A_1144] : memref<256x2048xf32, #tpu.memory_space<vmem>>, vector<1x2048xf32>
    %swap3A_1146 = vector.shape_cast %swap3A_1145 : vector<1x2048xf32> to vector<2048xf32>
    %swap3A_1147 = vector.shape_cast %get3A_1142 : vector<2048xf32> to vector<1x2048xf32>
    tpu.vector_store %arg258[%swap3A_1143, %swap3A_1144], %swap3A_1147 {strides = array<i32>} : memref<256x2048xf32, #tpu.memory_space<vmem>>, vector<1x2048xf32>,
    %get3A_1148 = arith.constant 0 : index
    %get3A_1149 = arith.constant 0 : index
    %get3A_1150 = arith.constant 0 : index
    %get3A_1151 = vector.load %arg117[%get3A_1148, %get3A_1149, %get3A_1150] : memref<1x1x2048xf32, #tpu.memory_space<vmem>>, vector<1x1x2048xf32>
    %get3A_1152 = vector.shape_cast %get3A_1151 : vector<1x1x2048xf32> to vector<2048xf32>
    %swap3A_1153 = arith.constant 115 : index
    %swap3A_1154 = arith.constant 0 : index
    %swap3A_1155 = vector.load %arg258[%swap3A_1153, %swap3A_1154] : memref<256x2048xf32, #tpu.memory_space<vmem>>, vector<1x2048xf32>
    %swap3A_1156 = vector.shape_cast %swap3A_1155 : vector<1x2048xf32> to vector<2048xf32>
    %swap3A_1157 = vector.shape_cast %get3A_1152 : vector<2048xf32> to vector<1x2048xf32>
    tpu.vector_store %arg258[%swap3A_1153, %swap3A_1154], %swap3A_1157 {strides = array<i32>} : memref<256x2048xf32, #tpu.memory_space<vmem>>, vector<1x2048xf32>,
    %get3A_1158 = arith.constant 0 : index
    %get3A_1159 = arith.constant 0 : index
    %get3A_1160 = arith.constant 0 : index
    %get3A_1161 = vector.load %arg118[%get3A_1158, %get3A_1159, %get3A_1160] : memref<1x1x2048xf32, #tpu.memory_space<vmem>>, vector<1x1x2048xf32>
    %get3A_1162 = vector.shape_cast %get3A_1161 : vector<1x1x2048xf32> to vector<2048xf32>
    %swap3A_1163 = arith.constant 116 : index
    %swap3A_1164 = arith.constant 0 : index
    %swap3A_1165 = vector.load %arg258[%swap3A_1163, %swap3A_1164] : memref<256x2048xf32, #tpu.memory_space<vmem>>, vector<1x2048xf32>
    %swap3A_1166 = vector.shape_cast %swap3A_1165 : vector<1x2048xf32> to vector<2048xf32>
    %swap3A_1167 = vector.shape_cast %get3A_1162 : vector<2048xf32> to vector<1x2048xf32>
    tpu.vector_store %arg258[%swap3A_1163, %swap3A_1164], %swap3A_1167 {strides = array<i32>} : memref<256x2048xf32, #tpu.memory_space<vmem>>, vector<1x2048xf32>,
    %get3A_1168 = arith.constant 0 : index
    %get3A_1169 = arith.constant 0 : index
    %get3A_1170 = arith.constant 0 : index
    %get3A_1171 = vector.load %arg119[%get3A_1168, %get3A_1169, %get3A_1170] : memref<1x1x2048xf32, #tpu.memory_space<vmem>>, vector<1x1x2048xf32>
    %get3A_1172 = vector.shape_cast %get3A_1171 : vector<1x1x2048xf32> to vector<2048xf32>
    %swap3A_1173 = arith.constant 117 : index
    %swap3A_1174 = arith.constant 0 : index
    %swap3A_1175 = vector.load %arg258[%swap3A_1173, %swap3A_1174] : memref<256x2048xf32, #tpu.memory_space<vmem>>, vector<1x2048xf32>
    %swap3A_1176 = vector.shape_cast %swap3A_1175 : vector<1x2048xf32> to vector<2048xf32>
    %swap3A_1177 = vector.shape_cast %get3A_1172 : vector<2048xf32> to vector<1x2048xf32>
    tpu.vector_store %arg258[%swap3A_1173, %swap3A_1174], %swap3A_1177 {strides = array<i32>} : memref<256x2048xf32, #tpu.memory_space<vmem>>, vector<1x2048xf32>,
    %get3A_1178 = arith.constant 0 : index
    %get3A_1179 = arith.constant 0 : index
    %get3A_1180 = arith.constant 0 : index
    %get3A_1181 = vector.load %arg120[%get3A_1178, %get3A_1179, %get3A_1180] : memref<1x1x2048xf32, #tpu.memory_space<vmem>>, vector<1x1x2048xf32>
    %get3A_1182 = vector.shape_cast %get3A_1181 : vector<1x1x2048xf32> to vector<2048xf32>
    %swap3A_1183 = arith.constant 118 : index
    %swap3A_1184 = arith.constant 0 : index
    %swap3A_1185 = vector.load %arg258[%swap3A_1183, %swap3A_1184] : memref<256x2048xf32, #tpu.memory_space<vmem>>, vector<1x2048xf32>
    %swap3A_1186 = vector.shape_cast %swap3A_1185 : vector<1x2048xf32> to vector<2048xf32>
    %swap3A_1187 = vector.shape_cast %get3A_1182 : vector<2048xf32> to vector<1x2048xf32>
    tpu.vector_store %arg258[%swap3A_1183, %swap3A_1184], %swap3A_1187 {strides = array<i32>} : memref<256x2048xf32, #tpu.memory_space<vmem>>, vector<1x2048xf32>,
    %get3A_1188 = arith.constant 0 : index
    %get3A_1189 = arith.constant 0 : index
    %get3A_1190 = arith.constant 0 : index
    %get3A_1191 = vector.load %arg121[%get3A_1188, %get3A_1189, %get3A_1190] : memref<1x1x2048xf32, #tpu.memory_space<vmem>>, vector<1x1x2048xf32>
    %get3A_1192 = vector.shape_cast %get3A_1191 : vector<1x1x2048xf32> to vector<2048xf32>
    %swap3A_1193 = arith.constant 119 : index
    %swap3A_1194 = arith.constant 0 : index
    %swap3A_1195 = vector.load %arg258[%swap3A_1193, %swap3A_1194] : memref<256x2048xf32, #tpu.memory_space<vmem>>, vector<1x2048xf32>
    %swap3A_1196 = vector.shape_cast %swap3A_1195 : vector<1x2048xf32> to vector<2048xf32>
    %swap3A_1197 = vector.shape_cast %get3A_1192 : vector<2048xf32> to vector<1x2048xf32>
    tpu.vector_store %arg258[%swap3A_1193, %swap3A_1194], %swap3A_1197 {strides = array<i32>} : memref<256x2048xf32, #tpu.memory_space<vmem>>, vector<1x2048xf32>,
    %get3A_1198 = arith.constant 0 : index
    %get3A_1199 = arith.constant 0 : index
    %get3A_1200 = arith.constant 0 : index
    %get3A_1201 = vector.load %arg122[%get3A_1198, %get3A_1199, %get3A_1200] : memref<1x1x2048xf32, #tpu.memory_space<vmem>>, vector<1x1x2048xf32>
    %get3A_1202 = vector.shape_cast %get3A_1201 : vector<1x1x2048xf32> to vector<2048xf32>
    %swap3A_1203 = arith.constant 120 : index
    %swap3A_1204 = arith.constant 0 : index
    %swap3A_1205 = vector.load %arg258[%swap3A_1203, %swap3A_1204] : memref<256x2048xf32, #tpu.memory_space<vmem>>, vector<1x2048xf32>
    %swap3A_1206 = vector.shape_cast %swap3A_1205 : vector<1x2048xf32> to vector<2048xf32>
    %swap3A_1207 = vector.shape_cast %get3A_1202 : vector<2048xf32> to vector<1x2048xf32>
    tpu.vector_store %arg258[%swap3A_1203, %swap3A_1204], %swap3A_1207 {strides = array<i32>} : memref<256x2048xf32, #tpu.memory_space<vmem>>, vector<1x2048xf32>,
    %get3A_1208 = arith.constant 0 : index
    %get3A_1209 = arith.constant 0 : index
    %get3A_1210 = arith.constant 0 : index
    %get3A_1211 = vector.load %arg123[%get3A_1208, %get3A_1209, %get3A_1210] : memref<1x1x2048xf32, #tpu.memory_space<vmem>>, vector<1x1x2048xf32>
    %get3A_1212 = vector.shape_cast %get3A_1211 : vector<1x1x2048xf32> to vector<2048xf32>
    %swap3A_1213 = arith.constant 121 : index
    %swap3A_1214 = arith.constant 0 : index
    %swap3A_1215 = vector.load %arg258[%swap3A_1213, %swap3A_1214] : memref<256x2048xf32, #tpu.memory_space<vmem>>, vector<1x2048xf32>
    %swap3A_1216 = vector.shape_cast %swap3A_1215 : vector<1x2048xf32> to vector<2048xf32>
    %swap3A_1217 = vector.shape_cast %get3A_1212 : vector<2048xf32> to vector<1x2048xf32>
    tpu.vector_store %arg258[%swap3A_1213, %swap3A_1214], %swap3A_1217 {strides = array<i32>} : memref<256x2048xf32, #tpu.memory_space<vmem>>, vector<1x2048xf32>,
    %get3A_1218 = arith.constant 0 : index
    %get3A_1219 = arith.constant 0 : index
    %get3A_1220 = arith.constant 0 : index
    %get3A_1221 = vector.load %arg124[%get3A_1218, %get3A_1219, %get3A_1220] : memref<1x1x2048xf32, #tpu.memory_space<vmem>>, vector<1x1x2048xf32>
    %get3A_1222 = vector.shape_cast %get3A_1221 : vector<1x1x2048xf32> to vector<2048xf32>
    %swap3A_1223 = arith.constant 122 : index
    %swap3A_1224 = arith.constant 0 : index
    %swap3A_1225 = vector.load %arg258[%swap3A_1223, %swap3A_1224] : memref<256x2048xf32, #tpu.memory_space<vmem>>, vector<1x2048xf32>
    %swap3A_1226 = vector.shape_cast %swap3A_1225 : vector<1x2048xf32> to vector<2048xf32>
    %swap3A_1227 = vector.shape_cast %get3A_1222 : vector<2048xf32> to vector<1x2048xf32>
    tpu.vector_store %arg258[%swap3A_1223, %swap3A_1224], %swap3A_1227 {strides = array<i32>} : memref<256x2048xf32, #tpu.memory_space<vmem>>, vector<1x2048xf32>,
    %get3A_1228 = arith.constant 0 : index
    %get3A_1229 = arith.constant 0 : index
    %get3A_1230 = arith.constant 0 : index
    %get3A_1231 = vector.load %arg125[%get3A_1228, %get3A_1229, %get3A_1230] : memref<1x1x2048xf32, #tpu.memory_space<vmem>>, vector<1x1x2048xf32>
    %get3A_1232 = vector.shape_cast %get3A_1231 : vector<1x1x2048xf32> to vector<2048xf32>
    %swap3A_1233 = arith.constant 123 : index
    %swap3A_1234 = arith.constant 0 : index
    %swap3A_1235 = vector.load %arg258[%swap3A_1233, %swap3A_1234] : memref<256x2048xf32, #tpu.memory_space<vmem>>, vector<1x2048xf32>
    %swap3A_1236 = vector.shape_cast %swap3A_1235 : vector<1x2048xf32> to vector<2048xf32>
    %swap3A_1237 = vector.shape_cast %get3A_1232 : vector<2048xf32> to vector<1x2048xf32>
    tpu.vector_store %arg258[%swap3A_1233, %swap3A_1234], %swap3A_1237 {strides = array<i32>} : memref<256x2048xf32, #tpu.memory_space<vmem>>, vector<1x2048xf32>,
    %get3A_1238 = arith.constant 0 : index
    %get3A_1239 = arith.constant 0 : index
    %get3A_1240 = arith.constant 0 : index
    %get3A_1241 = vector.load %arg126[%get3A_1238, %get3A_1239, %get3A_1240] : memref<1x1x2048xf32, #tpu.memory_space<vmem>>, vector<1x1x2048xf32>
    %get3A_1242 = vector.shape_cast %get3A_1241 : vector<1x1x2048xf32> to vector<2048xf32>
    %swap3A_1243 = arith.constant 124 : index
    %swap3A_1244 = arith.constant 0 : index
    %swap3A_1245 = vector.load %arg258[%swap3A_1243, %swap3A_1244] : memref<256x2048xf32, #tpu.memory_space<vmem>>, vector<1x2048xf32>
    %swap3A_1246 = vector.shape_cast %swap3A_1245 : vector<1x2048xf32> to vector<2048xf32>
    %swap3A_1247 = vector.shape_cast %get3A_1242 : vector<2048xf32> to vector<1x2048xf32>
    tpu.vector_store %arg258[%swap3A_1243, %swap3A_1244], %swap3A_1247 {strides = array<i32>} : memref<256x2048xf32, #tpu.memory_space<vmem>>, vector<1x2048xf32>,
    %get3A_1248 = arith.constant 0 : index
    %get3A_1249 = arith.constant 0 : index
    %get3A_1250 = arith.constant 0 : index
    %get3A_1251 = vector.load %arg127[%get3A_1248, %get3A_1249, %get3A_1250] : memref<1x1x2048xf32, #tpu.memory_space<vmem>>, vector<1x1x2048xf32>
    %get3A_1252 = vector.shape_cast %get3A_1251 : vector<1x1x2048xf32> to vector<2048xf32>
    %swap3A_1253 = arith.constant 125 : index
    %swap3A_1254 = arith.constant 0 : index
    %swap3A_1255 = vector.load %arg258[%swap3A_1253, %swap3A_1254] : memref<256x2048xf32, #tpu.memory_space<vmem>>, vector<1x2048xf32>
    %swap3A_1256 = vector.shape_cast %swap3A_1255 : vector<1x2048xf32> to vector<2048xf32>
    %swap3A_1257 = vector.shape_cast %get3A_1252 : vector<2048xf32> to vector<1x2048xf32>
    tpu.vector_store %arg258[%swap3A_1253, %swap3A_1254], %swap3A_1257 {strides = array<i32>} : memref<256x2048xf32, #tpu.memory_space<vmem>>, vector<1x2048xf32>,
    %get3A_1258 = arith.constant 0 : index
    %get3A_1259 = arith.constant 0 : index
    %get3A_1260 = arith.constant 0 : index
    %get3A_1261 = vector.load %arg128[%get3A_1258, %get3A_1259, %get3A_1260] : memref<1x1x2048xf32, #tpu.memory_space<vmem>>, vector<1x1x2048xf32>
    %get3A_1262 = vector.shape_cast %get3A_1261 : vector<1x1x2048xf32> to vector<2048xf32>
    %swap3A_1263 = arith.constant 126 : index
    %swap3A_1264 = arith.constant 0 : index
    %swap3A_1265 = vector.load %arg258[%swap3A_1263, %swap3A_1264] : memref<256x2048xf32, #tpu.memory_space<vmem>>, vector<1x2048xf32>
    %swap3A_1266 = vector.shape_cast %swap3A_1265 : vector<1x2048xf32> to vector<2048xf32>
    %swap3A_1267 = vector.shape_cast %get3A_1262 : vector<2048xf32> to vector<1x2048xf32>
    tpu.vector_store %arg258[%swap3A_1263, %swap3A_1264], %swap3A_1267 {strides = array<i32>} : memref<256x2048xf32, #tpu.memory_space<vmem>>, vector<1x2048xf32>,
    %get3A_1268 = arith.constant 0 : index
    %get3A_1269 = arith.constant 0 : index
    %get3A_1270 = arith.constant 0 : index
    %get3A_1271 = vector.load %arg129[%get3A_1268, %get3A_1269, %get3A_1270] : memref<1x1x2048xf32, #tpu.memory_space<vmem>>, vector<1x1x2048xf32>
    %get3A_1272 = vector.shape_cast %get3A_1271 : vector<1x1x2048xf32> to vector<2048xf32>
    %swap3A_1273 = arith.constant 127 : index
    %swap3A_1274 = arith.constant 0 : index
    %swap3A_1275 = vector.load %arg258[%swap3A_1273, %swap3A_1274] : memref<256x2048xf32, #tpu.memory_space<vmem>>, vector<1x2048xf32>
    %swap3A_1276 = vector.shape_cast %swap3A_1275 : vector<1x2048xf32> to vector<2048xf32>
    %swap3A_1277 = vector.shape_cast %get3A_1272 : vector<2048xf32> to vector<1x2048xf32>
    tpu.vector_store %arg258[%swap3A_1273, %swap3A_1274], %swap3A_1277 {strides = array<i32>} : memref<256x2048xf32, #tpu.memory_space<vmem>>, vector<1x2048xf32>,
    %get3A_1278 = arith.constant 0 : index
    %get3A_1279 = arith.constant 0 : index
    %get3A_1280 = arith.constant 0 : index
    %get3A_1281 = vector.load %arg130[%get3A_1278, %get3A_1279, %get3A_1280] : memref<1x1x2048xf32, #tpu.memory_space<vmem>>, vector<1x1x2048xf32>
    %get3A_1282 = vector.shape_cast %get3A_1281 : vector<1x1x2048xf32> to vector<2048xf32>
    %swap3A_1283 = arith.constant 128 : index
    %swap3A_1284 = arith.constant 0 : index
    %swap3A_1285 = vector.load %arg258[%swap3A_1283, %swap3A_1284] : memref<256x2048xf32, #tpu.memory_space<vmem>>, vector<1x2048xf32>
    %swap3A_1286 = vector.shape_cast %swap3A_1285 : vector<1x2048xf32> to vector<2048xf32>
    %swap3A_1287 = vector.shape_cast %get3A_1282 : vector<2048xf32> to vector<1x2048xf32>
    tpu.vector_store %arg258[%swap3A_1283, %swap3A_1284], %swap3A_1287 {strides = array<i32>} : memref<256x2048xf32, #tpu.memory_space<vmem>>, vector<1x2048xf32>,
    %get3A_1288 = arith.constant 0 : index
    %get3A_1289 = arith.constant 0 : index
    %get3A_1290 = arith.constant 0 : index
    %get3A_1291 = vector.load %arg131[%get3A_1288, %get3A_1289, %get3A_1290] : memref<1x1x2048xf32, #tpu.memory_space<vmem>>, vector<1x1x2048xf32>
    %get3A_1292 = vector.shape_cast %get3A_1291 : vector<1x1x2048xf32> to vector<2048xf32>
    %swap3A_1293 = arith.constant 129 : index
    %swap3A_1294 = arith.constant 0 : index
    %swap3A_1295 = vector.load %arg258[%swap3A_1293, %swap3A_1294] : memref<256x2048xf32, #tpu.memory_space<vmem>>, vector<1x2048xf32>
    %swap3A_1296 = vector.shape_cast %swap3A_1295 : vector<1x2048xf32> to vector<2048xf32>
    %swap3A_1297 = vector.shape_cast %get3A_1292 : vector<2048xf32> to vector<1x2048xf32>
    tpu.vector_store %arg258[%swap3A_1293, %swap3A_1294], %swap3A_1297 {strides = array<i32>} : memref<256x2048xf32, #tpu.memory_space<vmem>>, vector<1x2048xf32>,
    %get3A_1298 = arith.constant 0 : index
    %get3A_1299 = arith.constant 0 : index
    %get3A_1300 = arith.constant 0 : index
    %get3A_1301 = vector.load %arg132[%get3A_1298, %get3A_1299, %get3A_1300] : memref<1x1x2048xf32, #tpu.memory_space<vmem>>, vector<1x1x2048xf32>
    %get3A_1302 = vector.shape_cast %get3A_1301 : vector<1x1x2048xf32> to vector<2048xf32>
    %swap3A_1303 = arith.constant 130 : index
    %swap3A_1304 = arith.constant 0 : index
    %swap3A_1305 = vector.load %arg258[%swap3A_1303, %swap3A_1304] : memref<256x2048xf32, #tpu.memory_space<vmem>>, vector<1x2048xf32>
    %swap3A_1306 = vector.shape_cast %swap3A_1305 : vector<1x2048xf32> to vector<2048xf32>
    %swap3A_1307 = vector.shape_cast %get3A_1302 : vector<2048xf32> to vector<1x2048xf32>
    tpu.vector_store %arg258[%swap3A_1303, %swap3A_1304], %swap3A_1307 {strides = array<i32>} : memref<256x2048xf32, #tpu.memory_space<vmem>>, vector<1x2048xf32>,
    %get3A_1308 = arith.constant 0 : index
    %get3A_1309 = arith.constant 0 : index
    %get3A_1310 = arith.constant 0 : index
    %get3A_1311 = vector.load %arg133[%get3A_1308, %get3A_1309, %get3A_1310] : memref<1x1x2048xf32, #tpu.memory_space<vmem>>, vector<1x1x2048xf32>
    %get3A_1312 = vector.shape_cast %get3A_1311 : vector<1x1x2048xf32> to vector<2048xf32>
    %swap3A_1313 = arith.constant 131 : index
    %swap3A_1314 = arith.constant 0 : index
    %swap3A_1315 = vector.load %arg258[%swap3A_1313, %swap3A_1314] : memref<256x2048xf32, #tpu.memory_space<vmem>>, vector<1x2048xf32>
    %swap3A_1316 = vector.shape_cast %swap3A_1315 : vector<1x2048xf32> to vector<2048xf32>
    %swap3A_1317 = vector.shape_cast %get3A_1312 : vector<2048xf32> to vector<1x2048xf32>
    tpu.vector_store %arg258[%swap3A_1313, %swap3A_1314], %swap3A_1317 {strides = array<i32>} : memref<256x2048xf32, #tpu.memory_space<vmem>>, vector<1x2048xf32>,
    %get3A_1318 = arith.constant 0 : index
    %get3A_1319 = arith.constant 0 : index
    %get3A_1320 = arith.constant 0 : index
    %get3A_1321 = vector.load %arg134[%get3A_1318, %get3A_1319, %get3A_1320] : memref<1x1x2048xf32, #tpu.memory_space<vmem>>, vector<1x1x2048xf32>
    %get3A_1322 = vector.shape_cast %get3A_1321 : vector<1x1x2048xf32> to vector<2048xf32>
    %swap3A_1323 = arith.constant 132 : index
    %swap3A_1324 = arith.constant 0 : index
    %swap3A_1325 = vector.load %arg258[%swap3A_1323, %swap3A_1324] : memref<256x2048xf32, #tpu.memory_space<vmem>>, vector<1x2048xf32>
    %swap3A_1326 = vector.shape_cast %swap3A_1325 : vector<1x2048xf32> to vector<2048xf32>
    %swap3A_1327 = vector.shape_cast %get3A_1322 : vector<2048xf32> to vector<1x2048xf32>
    tpu.vector_store %arg258[%swap3A_1323, %swap3A_1324], %swap3A_1327 {strides = array<i32>} : memref<256x2048xf32, #tpu.memory_space<vmem>>, vector<1x2048xf32>,
    %get3A_1328 = arith.constant 0 : index
    %get3A_1329 = arith.constant 0 : index
    %get3A_1330 = arith.constant 0 : index
    %get3A_1331 = vector.load %arg135[%get3A_1328, %get3A_1329, %get3A_1330] : memref<1x1x2048xf32, #tpu.memory_space<vmem>>, vector<1x1x2048xf32>
    %get3A_1332 = vector.shape_cast %get3A_1331 : vector<1x1x2048xf32> to vector<2048xf32>
    %swap3A_1333 = arith.constant 133 : index
    %swap3A_1334 = arith.constant 0 : index
    %swap3A_1335 = vector.load %arg258[%swap3A_1333, %swap3A_1334] : memref<256x2048xf32, #tpu.memory_space<vmem>>, vector<1x2048xf32>
    %swap3A_1336 = vector.shape_cast %swap3A_1335 : vector<1x2048xf32> to vector<2048xf32>
    %swap3A_1337 = vector.shape_cast %get3A_1332 : vector<2048xf32> to vector<1x2048xf32>
    tpu.vector_store %arg258[%swap3A_1333, %swap3A_1334], %swap3A_1337 {strides = array<i32>} : memref<256x2048xf32, #tpu.memory_space<vmem>>, vector<1x2048xf32>,
    %get3A_1338 = arith.constant 0 : index
    %get3A_1339 = arith.constant 0 : index
    %get3A_1340 = arith.constant 0 : index
    %get3A_1341 = vector.load %arg136[%get3A_1338, %get3A_1339, %get3A_1340] : memref<1x1x2048xf32, #tpu.memory_space<vmem>>, vector<1x1x2048xf32>
    %get3A_1342 = vector.shape_cast %get3A_1341 : vector<1x1x2048xf32> to vector<2048xf32>
    %swap3A_1343 = arith.constant 134 : index
    %swap3A_1344 = arith.constant 0 : index
    %swap3A_1345 = vector.load %arg258[%swap3A_1343, %swap3A_1344] : memref<256x2048xf32, #tpu.memory_space<vmem>>, vector<1x2048xf32>
    %swap3A_1346 = vector.shape_cast %swap3A_1345 : vector<1x2048xf32> to vector<2048xf32>
    %swap3A_1347 = vector.shape_cast %get3A_1342 : vector<2048xf32> to vector<1x2048xf32>
    tpu.vector_store %arg258[%swap3A_1343, %swap3A_1344], %swap3A_1347 {strides = array<i32>} : memref<256x2048xf32, #tpu.memory_space<vmem>>, vector<1x2048xf32>,
    %get3A_1348 = arith.constant 0 : index
    %get3A_1349 = arith.constant 0 : index
    %get3A_1350 = arith.constant 0 : index
    %get3A_1351 = vector.load %arg137[%get3A_1348, %get3A_1349, %get3A_1350] : memref<1x1x2048xf32, #tpu.memory_space<vmem>>, vector<1x1x2048xf32>
    %get3A_1352 = vector.shape_cast %get3A_1351 : vector<1x1x2048xf32> to vector<2048xf32>
    %swap3A_1353 = arith.constant 135 : index
    %swap3A_1354 = arith.constant 0 : index
    %swap3A_1355 = vector.load %arg258[%swap3A_1353, %swap3A_1354] : memref<256x2048xf32, #tpu.memory_space<vmem>>, vector<1x2048xf32>
    %swap3A_1356 = vector.shape_cast %swap3A_1355 : vector<1x2048xf32> to vector<2048xf32>
    %swap3A_1357 = vector.shape_cast %get3A_1352 : vector<2048xf32> to vector<1x2048xf32>
    tpu.vector_store %arg258[%swap3A_1353, %swap3A_1354], %swap3A_1357 {strides = array<i32>} : memref<256x2048xf32, #tpu.memory_space<vmem>>, vector<1x2048xf32>,
    %get3A_1358 = arith.constant 0 : index
    %get3A_1359 = arith.constant 0 : index
    %get3A_1360 = arith.constant 0 : index
    %get3A_1361 = vector.load %arg138[%get3A_1358, %get3A_1359, %get3A_1360] : memref<1x1x2048xf32, #tpu.memory_space<vmem>>, vector<1x1x2048xf32>
    %get3A_1362 = vector.shape_cast %get3A_1361 : vector<1x1x2048xf32> to vector<2048xf32>
    %swap3A_1363 = arith.constant 136 : index
    %swap3A_1364 = arith.constant 0 : index
    %swap3A_1365 = vector.load %arg258[%swap3A_1363, %swap3A_1364] : memref<256x2048xf32, #tpu.memory_space<vmem>>, vector<1x2048xf32>
    %swap3A_1366 = vector.shape_cast %swap3A_1365 : vector<1x2048xf32> to vector<2048xf32>
    %swap3A_1367 = vector.shape_cast %get3A_1362 : vector<2048xf32> to vector<1x2048xf32>
    tpu.vector_store %arg258[%swap3A_1363, %swap3A_1364], %swap3A_1367 {strides = array<i32>} : memref<256x2048xf32, #tpu.memory_space<vmem>>, vector<1x2048xf32>,
    %get3A_1368 = arith.constant 0 : index
    %get3A_1369 = arith.constant 0 : index
    %get3A_1370 = arith.constant 0 : index
    %get3A_1371 = vector.load %arg139[%get3A_1368, %get3A_1369, %get3A_1370] : memref<1x1x2048xf32, #tpu.memory_space<vmem>>, vector<1x1x2048xf32>
    %get3A_1372 = vector.shape_cast %get3A_1371 : vector<1x1x2048xf32> to vector<2048xf32>
    %swap3A_1373 = arith.constant 137 : index
    %swap3A_1374 = arith.constant 0 : index
    %swap3A_1375 = vector.load %arg258[%swap3A_1373, %swap3A_1374] : memref<256x2048xf32, #tpu.memory_space<vmem>>, vector<1x2048xf32>
    %swap3A_1376 = vector.shape_cast %swap3A_1375 : vector<1x2048xf32> to vector<2048xf32>
    %swap3A_1377 = vector.shape_cast %get3A_1372 : vector<2048xf32> to vector<1x2048xf32>
    tpu.vector_store %arg258[%swap3A_1373, %swap3A_1374], %swap3A_1377 {strides = array<i32>} : memref<256x2048xf32, #tpu.memory_space<vmem>>, vector<1x2048xf32>,
    %get3A_1378 = arith.constant 0 : index
    %get3A_1379 = arith.constant 0 : index
    %get3A_1380 = arith.constant 0 : index
    %get3A_1381 = vector.load %arg140[%get3A_1378, %get3A_1379, %get3A_1380] : memref<1x1x2048xf32, #tpu.memory_space<vmem>>, vector<1x1x2048xf32>
    %get3A_1382 = vector.shape_cast %get3A_1381 : vector<1x1x2048xf32> to vector<2048xf32>
    %swap3A_1383 = arith.constant 138 : index
    %swap3A_1384 = arith.constant 0 : index
    %swap3A_1385 = vector.load %arg258[%swap3A_1383, %swap3A_1384] : memref<256x2048xf32, #tpu.memory_space<vmem>>, vector<1x2048xf32>
    %swap3A_1386 = vector.shape_cast %swap3A_1385 : vector<1x2048xf32> to vector<2048xf32>
    %swap3A_1387 = vector.shape_cast %get3A_1382 : vector<2048xf32> to vector<1x2048xf32>
    tpu.vector_store %arg258[%swap3A_1383, %swap3A_1384], %swap3A_1387 {strides = array<i32>} : memref<256x2048xf32, #tpu.memory_space<vmem>>, vector<1x2048xf32>,
    %get3A_1388 = arith.constant 0 : index
    %get3A_1389 = arith.constant 0 : index
    %get3A_1390 = arith.constant 0 : index
    %get3A_1391 = vector.load %arg141[%get3A_1388, %get3A_1389, %get3A_1390] : memref<1x1x2048xf32, #tpu.memory_space<vmem>>, vector<1x1x2048xf32>
    %get3A_1392 = vector.shape_cast %get3A_1391 : vector<1x1x2048xf32> to vector<2048xf32>
    %swap3A_1393 = arith.constant 139 : index
    %swap3A_1394 = arith.constant 0 : index
    %swap3A_1395 = vector.load %arg258[%swap3A_1393, %swap3A_1394] : memref<256x2048xf32, #tpu.memory_space<vmem>>, vector<1x2048xf32>
    %swap3A_1396 = vector.shape_cast %swap3A_1395 : vector<1x2048xf32> to vector<2048xf32>
    %swap3A_1397 = vector.shape_cast %get3A_1392 : vector<2048xf32> to vector<1x2048xf32>
    tpu.vector_store %arg258[%swap3A_1393, %swap3A_1394], %swap3A_1397 {strides = array<i32>} : memref<256x2048xf32, #tpu.memory_space<vmem>>, vector<1x2048xf32>,
    %get3A_1398 = arith.constant 0 : index
    %get3A_1399 = arith.constant 0 : index
    %get3A_1400 = arith.constant 0 : index
    %get3A_1401 = vector.load %arg142[%get3A_1398, %get3A_1399, %get3A_1400] : memref<1x1x2048xf32, #tpu.memory_space<vmem>>, vector<1x1x2048xf32>
    %get3A_1402 = vector.shape_cast %get3A_1401 : vector<1x1x2048xf32> to vector<2048xf32>
    %swap3A_1403 = arith.constant 140 : index
    %swap3A_1404 = arith.constant 0 : index
    %swap3A_1405 = vector.load %arg258[%swap3A_1403, %swap3A_1404] : memref<256x2048xf32, #tpu.memory_space<vmem>>, vector<1x2048xf32>
    %swap3A_1406 = vector.shape_cast %swap3A_1405 : vector<1x2048xf32> to vector<2048xf32>
    %swap3A_1407 = vector.shape_cast %get3A_1402 : vector<2048xf32> to vector<1x2048xf32>
    tpu.vector_store %arg258[%swap3A_1403, %swap3A_1404], %swap3A_1407 {strides = array<i32>} : memref<256x2048xf32, #tpu.memory_space<vmem>>, vector<1x2048xf32>,
    %get3A_1408 = arith.constant 0 : index
    %get3A_1409 = arith.constant 0 : index
    %get3A_1410 = arith.constant 0 : index
    %get3A_1411 = vector.load %arg143[%get3A_1408, %get3A_1409, %get3A_1410] : memref<1x1x2048xf32, #tpu.memory_space<vmem>>, vector<1x1x2048xf32>
    %get3A_1412 = vector.shape_cast %get3A_1411 : vector<1x1x2048xf32> to vector<2048xf32>
    %swap3A_1413 = arith.constant 141 : index
    %swap3A_1414 = arith.constant 0 : index
    %swap3A_1415 = vector.load %arg258[%swap3A_1413, %swap3A_1414] : memref<256x2048xf32, #tpu.memory_space<vmem>>, vector<1x2048xf32>
    %swap3A_1416 = vector.shape_cast %swap3A_1415 : vector<1x2048xf32> to vector<2048xf32>
    %swap3A_1417 = vector.shape_cast %get3A_1412 : vector<2048xf32> to vector<1x2048xf32>
    tpu.vector_store %arg258[%swap3A_1413, %swap3A_1414], %swap3A_1417 {strides = array<i32>} : memref<256x2048xf32, #tpu.memory_space<vmem>>, vector<1x2048xf32>,
    %get3A_1418 = arith.constant 0 : index
    %get3A_1419 = arith.constant 0 : index
    %get3A_1420 = arith.constant 0 : index
    %get3A_1421 = vector.load %arg144[%get3A_1418, %get3A_1419, %get3A_1420] : memref<1x1x2048xf32, #tpu.memory_space<vmem>>, vector<1x1x2048xf32>
    %get3A_1422 = vector.shape_cast %get3A_1421 : vector<1x1x2048xf32> to vector<2048xf32>
    %swap3A_1423 = arith.constant 142 : index
    %swap3A_1424 = arith.constant 0 : index
    %swap3A_1425 = vector.load %arg258[%swap3A_1423, %swap3A_1424] : memref<256x2048xf32, #tpu.memory_space<vmem>>, vector<1x2048xf32>
    %swap3A_1426 = vector.shape_cast %swap3A_1425 : vector<1x2048xf32> to vector<2048xf32>
    %swap3A_1427 = vector.shape_cast %get3A_1422 : vector<2048xf32> to vector<1x2048xf32>
    tpu.vector_store %arg258[%swap3A_1423, %swap3A_1424], %swap3A_1427 {strides = array<i32>} : memref<256x2048xf32, #tpu.memory_space<vmem>>, vector<1x2048xf32>,
    %get3A_1428 = arith.constant 0 : index
    %get3A_1429 = arith.constant 0 : index
    %get3A_1430 = arith.constant 0 : index
    %get3A_1431 = vector.load %arg145[%get3A_1428, %get3A_1429, %get3A_1430] : memref<1x1x2048xf32, #tpu.memory_space<vmem>>, vector<1x1x2048xf32>
    %get3A_1432 = vector.shape_cast %get3A_1431 : vector<1x1x2048xf32> to vector<2048xf32>
    %swap3A_1433 = arith.constant 143 : index
    %swap3A_1434 = arith.constant 0 : index
    %swap3A_1435 = vector.load %arg258[%swap3A_1433, %swap3A_1434] : memref<256x2048xf32, #tpu.memory_space<vmem>>, vector<1x2048xf32>
    %swap3A_1436 = vector.shape_cast %swap3A_1435 : vector<1x2048xf32> to vector<2048xf32>
    %swap3A_1437 = vector.shape_cast %get3A_1432 : vector<2048xf32> to vector<1x2048xf32>
    tpu.vector_store %arg258[%swap3A_1433, %swap3A_1434], %swap3A_1437 {strides = array<i32>} : memref<256x2048xf32, #tpu.memory_space<vmem>>, vector<1x2048xf32>,
    %get3A_1438 = arith.constant 0 : index
    %get3A_1439 = arith.constant 0 : index
    %get3A_1440 = arith.constant 0 : index
    %get3A_1441 = vector.load %arg146[%get3A_1438, %get3A_1439, %get3A_1440] : memref<1x1x2048xf32, #tpu.memory_space<vmem>>, vector<1x1x2048xf32>
    %get3A_1442 = vector.shape_cast %get3A_1441 : vector<1x1x2048xf32> to vector<2048xf32>
    %swap3A_1443 = arith.constant 144 : index
    %swap3A_1444 = arith.constant 0 : index
    %swap3A_1445 = vector.load %arg258[%swap3A_1443, %swap3A_1444] : memref<256x2048xf32, #tpu.memory_space<vmem>>, vector<1x2048xf32>
    %swap3A_1446 = vector.shape_cast %swap3A_1445 : vector<1x2048xf32> to vector<2048xf32>
    %swap3A_1447 = vector.shape_cast %get3A_1442 : vector<2048xf32> to vector<1x2048xf32>
    tpu.vector_store %arg258[%swap3A_1443, %swap3A_1444], %swap3A_1447 {strides = array<i32>} : memref<256x2048xf32, #tpu.memory_space<vmem>>, vector<1x2048xf32>,
    %get3A_1448 = arith.constant 0 : index
    %get3A_1449 = arith.constant 0 : index
    %get3A_1450 = arith.constant 0 : index
    %get3A_1451 = vector.load %arg147[%get3A_1448, %get3A_1449, %get3A_1450] : memref<1x1x2048xf32, #tpu.memory_space<vmem>>, vector<1x1x2048xf32>
    %get3A_1452 = vector.shape_cast %get3A_1451 : vector<1x1x2048xf32> to vector<2048xf32>
    %swap3A_1453 = arith.constant 145 : index
    %swap3A_1454 = arith.constant 0 : index
    %swap3A_1455 = vector.load %arg258[%swap3A_1453, %swap3A_1454] : memref<256x2048xf32, #tpu.memory_space<vmem>>, vector<1x2048xf32>
    %swap3A_1456 = vector.shape_cast %swap3A_1455 : vector<1x2048xf32> to vector<2048xf32>
    %swap3A_1457 = vector.shape_cast %get3A_1452 : vector<2048xf32> to vector<1x2048xf32>
    tpu.vector_store %arg258[%swap3A_1453, %swap3A_1454], %swap3A_1457 {strides = array<i32>} : memref<256x2048xf32, #tpu.memory_space<vmem>>, vector<1x2048xf32>,
    %get3A_1458 = arith.constant 0 : index
    %get3A_1459 = arith.constant 0 : index
    %get3A_1460 = arith.constant 0 : index
    %get3A_1461 = vector.load %arg148[%get3A_1458, %get3A_1459, %get3A_1460] : memref<1x1x2048xf32, #tpu.memory_space<vmem>>, vector<1x1x2048xf32>
    %get3A_1462 = vector.shape_cast %get3A_1461 : vector<1x1x2048xf32> to vector<2048xf32>
    %swap3A_1463 = arith.constant 146 : index
    %swap3A_1464 = arith.constant 0 : index
    %swap3A_1465 = vector.load %arg258[%swap3A_1463, %swap3A_1464] : memref<256x2048xf32, #tpu.memory_space<vmem>>, vector<1x2048xf32>
    %swap3A_1466 = vector.shape_cast %swap3A_1465 : vector<1x2048xf32> to vector<2048xf32>
    %swap3A_1467 = vector.shape_cast %get3A_1462 : vector<2048xf32> to vector<1x2048xf32>
    tpu.vector_store %arg258[%swap3A_1463, %swap3A_1464], %swap3A_1467 {strides = array<i32>} : memref<256x2048xf32, #tpu.memory_space<vmem>>, vector<1x2048xf32>,
    %get3A_1468 = arith.constant 0 : index
    %get3A_1469 = arith.constant 0 : index
    %get3A_1470 = arith.constant 0 : index
    %get3A_1471 = vector.load %arg149[%get3A_1468, %get3A_1469, %get3A_1470] : memref<1x1x2048xf32, #tpu.memory_space<vmem>>, vector<1x1x2048xf32>
    %get3A_1472 = vector.shape_cast %get3A_1471 : vector<1x1x2048xf32> to vector<2048xf32>
    %swap3A_1473 = arith.constant 147 : index
    %swap3A_1474 = arith.constant 0 : index
    %swap3A_1475 = vector.load %arg258[%swap3A_1473, %swap3A_1474] : memref<256x2048xf32, #tpu.memory_space<vmem>>, vector<1x2048xf32>
    %swap3A_1476 = vector.shape_cast %swap3A_1475 : vector<1x2048xf32> to vector<2048xf32>
    %swap3A_1477 = vector.shape_cast %get3A_1472 : vector<2048xf32> to vector<1x2048xf32>
    tpu.vector_store %arg258[%swap3A_1473, %swap3A_1474], %swap3A_1477 {strides = array<i32>} : memref<256x2048xf32, #tpu.memory_space<vmem>>, vector<1x2048xf32>,
    %get3A_1478 = arith.constant 0 : index
    %get3A_1479 = arith.constant 0 : index
    %get3A_1480 = arith.constant 0 : index
    %get3A_1481 = vector.load %arg150[%get3A_1478, %get3A_1479, %get3A_1480] : memref<1x1x2048xf32, #tpu.memory_space<vmem>>, vector<1x1x2048xf32>
    %get3A_1482 = vector.shape_cast %get3A_1481 : vector<1x1x2048xf32> to vector<2048xf32>
    %swap3A_1483 = arith.constant 148 : index
    %swap3A_1484 = arith.constant 0 : index
    %swap3A_1485 = vector.load %arg258[%swap3A_1483, %swap3A_1484] : memref<256x2048xf32, #tpu.memory_space<vmem>>, vector<1x2048xf32>
    %swap3A_1486 = vector.shape_cast %swap3A_1485 : vector<1x2048xf32> to vector<2048xf32>
    %swap3A_1487 = vector.shape_cast %get3A_1482 : vector<2048xf32> to vector<1x2048xf32>
    tpu.vector_store %arg258[%swap3A_1483, %swap3A_1484], %swap3A_1487 {strides = array<i32>} : memref<256x2048xf32, #tpu.memory_space<vmem>>, vector<1x2048xf32>,
    %get3A_1488 = arith.constant 0 : index
    %get3A_1489 = arith.constant 0 : index
    %get3A_1490 = arith.constant 0 : index
    %get3A_1491 = vector.load %arg151[%get3A_1488, %get3A_1489, %get3A_1490] : memref<1x1x2048xf32, #tpu.memory_space<vmem>>, vector<1x1x2048xf32>
    %get3A_1492 = vector.shape_cast %get3A_1491 : vector<1x1x2048xf32> to vector<2048xf32>
    %swap3A_1493 = arith.constant 149 : index
    %swap3A_1494 = arith.constant 0 : index
    %swap3A_1495 = vector.load %arg258[%swap3A_1493, %swap3A_1494] : memref<256x2048xf32, #tpu.memory_space<vmem>>, vector<1x2048xf32>
    %swap3A_1496 = vector.shape_cast %swap3A_1495 : vector<1x2048xf32> to vector<2048xf32>
    %swap3A_1497 = vector.shape_cast %get3A_1492 : vector<2048xf32> to vector<1x2048xf32>
    tpu.vector_store %arg258[%swap3A_1493, %swap3A_1494], %swap3A_1497 {strides = array<i32>} : memref<256x2048xf32, #tpu.memory_space<vmem>>, vector<1x2048xf32>,
    %get3A_1498 = arith.constant 0 : index
    %get3A_1499 = arith.constant 0 : index
    %get3A_1500 = arith.constant 0 : index
    %get3A_1501 = vector.load %arg152[%get3A_1498, %get3A_1499, %get3A_1500] : memref<1x1x2048xf32, #tpu.memory_space<vmem>>, vector<1x1x2048xf32>
    %get3A_1502 = vector.shape_cast %get3A_1501 : vector<1x1x2048xf32> to vector<2048xf32>
    %swap3A_1503 = arith.constant 150 : index
    %swap3A_1504 = arith.constant 0 : index
    %swap3A_1505 = vector.load %arg258[%swap3A_1503, %swap3A_1504] : memref<256x2048xf32, #tpu.memory_space<vmem>>, vector<1x2048xf32>
    %swap3A_1506 = vector.shape_cast %swap3A_1505 : vector<1x2048xf32> to vector<2048xf32>
    %swap3A_1507 = vector.shape_cast %get3A_1502 : vector<2048xf32> to vector<1x2048xf32>
    tpu.vector_store %arg258[%swap3A_1503, %swap3A_1504], %swap3A_1507 {strides = array<i32>} : memref<256x2048xf32, #tpu.memory_space<vmem>>, vector<1x2048xf32>,
    %get3A_1508 = arith.constant 0 : index
    %get3A_1509 = arith.constant 0 : index
    %get3A_1510 = arith.constant 0 : index
    %get3A_1511 = vector.load %arg153[%get3A_1508, %get3A_1509, %get3A_1510] : memref<1x1x2048xf32, #tpu.memory_space<vmem>>, vector<1x1x2048xf32>
    %get3A_1512 = vector.shape_cast %get3A_1511 : vector<1x1x2048xf32> to vector<2048xf32>
    %swap3A_1513 = arith.constant 151 : index
    %swap3A_1514 = arith.constant 0 : index
    %swap3A_1515 = vector.load %arg258[%swap3A_1513, %swap3A_1514] : memref<256x2048xf32, #tpu.memory_space<vmem>>, vector<1x2048xf32>
    %swap3A_1516 = vector.shape_cast %swap3A_1515 : vector<1x2048xf32> to vector<2048xf32>
    %swap3A_1517 = vector.shape_cast %get3A_1512 : vector<2048xf32> to vector<1x2048xf32>
    tpu.vector_store %arg258[%swap3A_1513, %swap3A_1514], %swap3A_1517 {strides = array<i32>} : memref<256x2048xf32, #tpu.memory_space<vmem>>, vector<1x2048xf32>,
    %get3A_1518 = arith.constant 0 : index
    %get3A_1519 = arith.constant 0 : index
    %get3A_1520 = arith.constant 0 : index
    %get3A_1521 = vector.load %arg154[%get3A_1518, %get3A_1519, %get3A_1520] : memref<1x1x2048xf32, #tpu.memory_space<vmem>>, vector<1x1x2048xf32>
    %get3A_1522 = vector.shape_cast %get3A_1521 : vector<1x1x2048xf32> to vector<2048xf32>
    %swap3A_1523 = arith.constant 152 : index
    %swap3A_1524 = arith.constant 0 : index
    %swap3A_1525 = vector.load %arg258[%swap3A_1523, %swap3A_1524] : memref<256x2048xf32, #tpu.memory_space<vmem>>, vector<1x2048xf32>
    %swap3A_1526 = vector.shape_cast %swap3A_1525 : vector<1x2048xf32> to vector<2048xf32>
    %swap3A_1527 = vector.shape_cast %get3A_1522 : vector<2048xf32> to vector<1x2048xf32>
    tpu.vector_store %arg258[%swap3A_1523, %swap3A_1524], %swap3A_1527 {strides = array<i32>} : memref<256x2048xf32, #tpu.memory_space<vmem>>, vector<1x2048xf32>,
    %get3A_1528 = arith.constant 0 : index
    %get3A_1529 = arith.constant 0 : index
    %get3A_1530 = arith.constant 0 : index
    %get3A_1531 = vector.load %arg155[%get3A_1528, %get3A_1529, %get3A_1530] : memref<1x1x2048xf32, #tpu.memory_space<vmem>>, vector<1x1x2048xf32>
    %get3A_1532 = vector.shape_cast %get3A_1531 : vector<1x1x2048xf32> to vector<2048xf32>
    %swap3A_1533 = arith.constant 153 : index
    %swap3A_1534 = arith.constant 0 : index
    %swap3A_1535 = vector.load %arg258[%swap3A_1533, %swap3A_1534] : memref<256x2048xf32, #tpu.memory_space<vmem>>, vector<1x2048xf32>
    %swap3A_1536 = vector.shape_cast %swap3A_1535 : vector<1x2048xf32> to vector<2048xf32>
    %swap3A_1537 = vector.shape_cast %get3A_1532 : vector<2048xf32> to vector<1x2048xf32>
    tpu.vector_store %arg258[%swap3A_1533, %swap3A_1534], %swap3A_1537 {strides = array<i32>} : memref<256x2048xf32, #tpu.memory_space<vmem>>, vector<1x2048xf32>,
    %get3A_1538 = arith.constant 0 : index
    %get3A_1539 = arith.constant 0 : index
    %get3A_1540 = arith.constant 0 : index
    %get3A_1541 = vector.load %arg156[%get3A_1538, %get3A_1539, %get3A_1540] : memref<1x1x2048xf32, #tpu.memory_space<vmem>>, vector<1x1x2048xf32>
    %get3A_1542 = vector.shape_cast %get3A_1541 : vector<1x1x2048xf32> to vector<2048xf32>
    %swap3A_1543 = arith.constant 154 : index
    %swap3A_1544 = arith.constant 0 : index
    %swap3A_1545 = vector.load %arg258[%swap3A_1543, %swap3A_1544] : memref<256x2048xf32, #tpu.memory_space<vmem>>, vector<1x2048xf32>
    %swap3A_1546 = vector.shape_cast %swap3A_1545 : vector<1x2048xf32> to vector<2048xf32>
    %swap3A_1547 = vector.shape_cast %get3A_1542 : vector<2048xf32> to vector<1x2048xf32>
    tpu.vector_store %arg258[%swap3A_1543, %swap3A_1544], %swap3A_1547 {strides = array<i32>} : memref<256x2048xf32, #tpu.memory_space<vmem>>, vector<1x2048xf32>,
    %get3A_1548 = arith.constant 0 : index
    %get3A_1549 = arith.constant 0 : index
    %get3A_1550 = arith.constant 0 : index
    %get3A_1551 = vector.load %arg157[%get3A_1548, %get3A_1549, %get3A_1550] : memref<1x1x2048xf32, #tpu.memory_space<vmem>>, vector<1x1x2048xf32>
    %get3A_1552 = vector.shape_cast %get3A_1551 : vector<1x1x2048xf32> to vector<2048xf32>
    %swap3A_1553 = arith.constant 155 : index
    %swap3A_1554 = arith.constant 0 : index
    %swap3A_1555 = vector.load %arg258[%swap3A_1553, %swap3A_1554] : memref<256x2048xf32, #tpu.memory_space<vmem>>, vector<1x2048xf32>
    %swap3A_1556 = vector.shape_cast %swap3A_1555 : vector<1x2048xf32> to vector<2048xf32>
    %swap3A_1557 = vector.shape_cast %get3A_1552 : vector<2048xf32> to vector<1x2048xf32>
    tpu.vector_store %arg258[%swap3A_1553, %swap3A_1554], %swap3A_1557 {strides = array<i32>} : memref<256x2048xf32, #tpu.memory_space<vmem>>, vector<1x2048xf32>,
    %get3A_1558 = arith.constant 0 : index
    %get3A_1559 = arith.constant 0 : index
    %get3A_1560 = arith.constant 0 : index
    %get3A_1561 = vector.load %arg158[%get3A_1558, %get3A_1559, %get3A_1560] : memref<1x1x2048xf32, #tpu.memory_space<vmem>>, vector<1x1x2048xf32>
    %get3A_1562 = vector.shape_cast %get3A_1561 : vector<1x1x2048xf32> to vector<2048xf32>
    %swap3A_1563 = arith.constant 156 : index
    %swap3A_1564 = arith.constant 0 : index
    %swap3A_1565 = vector.load %arg258[%swap3A_1563, %swap3A_1564] : memref<256x2048xf32, #tpu.memory_space<vmem>>, vector<1x2048xf32>
    %swap3A_1566 = vector.shape_cast %swap3A_1565 : vector<1x2048xf32> to vector<2048xf32>
    %swap3A_1567 = vector.shape_cast %get3A_1562 : vector<2048xf32> to vector<1x2048xf32>
    tpu.vector_store %arg258[%swap3A_1563, %swap3A_1564], %swap3A_1567 {strides = array<i32>} : memref<256x2048xf32, #tpu.memory_space<vmem>>, vector<1x2048xf32>,
    %get3A_1568 = arith.constant 0 : index
    %get3A_1569 = arith.constant 0 : index
    %get3A_1570 = arith.constant 0 : index
    %get3A_1571 = vector.load %arg159[%get3A_1568, %get3A_1569, %get3A_1570] : memref<1x1x2048xf32, #tpu.memory_space<vmem>>, vector<1x1x2048xf32>
    %get3A_1572 = vector.shape_cast %get3A_1571 : vector<1x1x2048xf32> to vector<2048xf32>
    %swap3A_1573 = arith.constant 157 : index
    %swap3A_1574 = arith.constant 0 : index
    %swap3A_1575 = vector.load %arg258[%swap3A_1573, %swap3A_1574] : memref<256x2048xf32, #tpu.memory_space<vmem>>, vector<1x2048xf32>
    %swap3A_1576 = vector.shape_cast %swap3A_1575 : vector<1x2048xf32> to vector<2048xf32>
    %swap3A_1577 = vector.shape_cast %get3A_1572 : vector<2048xf32> to vector<1x2048xf32>
    tpu.vector_store %arg258[%swap3A_1573, %swap3A_1574], %swap3A_1577 {strides = array<i32>} : memref<256x2048xf32, #tpu.memory_space<vmem>>, vector<1x2048xf32>,
    %get3A_1578 = arith.constant 0 : index
    %get3A_1579 = arith.constant 0 : index
    %get3A_1580 = arith.constant 0 : index
    %get3A_1581 = vector.load %arg160[%get3A_1578, %get3A_1579, %get3A_1580] : memref<1x1x2048xf32, #tpu.memory_space<vmem>>, vector<1x1x2048xf32>
    %get3A_1582 = vector.shape_cast %get3A_1581 : vector<1x1x2048xf32> to vector<2048xf32>
    %swap3A_1583 = arith.constant 158 : index
    %swap3A_1584 = arith.constant 0 : index
    %swap3A_1585 = vector.load %arg258[%swap3A_1583, %swap3A_1584] : memref<256x2048xf32, #tpu.memory_space<vmem>>, vector<1x2048xf32>
    %swap3A_1586 = vector.shape_cast %swap3A_1585 : vector<1x2048xf32> to vector<2048xf32>
    %swap3A_1587 = vector.shape_cast %get3A_1582 : vector<2048xf32> to vector<1x2048xf32>
    tpu.vector_store %arg258[%swap3A_1583, %swap3A_1584], %swap3A_1587 {strides = array<i32>} : memref<256x2048xf32, #tpu.memory_space<vmem>>, vector<1x2048xf32>,
    %get3A_1588 = arith.constant 0 : index
    %get3A_1589 = arith.constant 0 : index
    %get3A_1590 = arith.constant 0 : index
    %get3A_1591 = vector.load %arg161[%get3A_1588, %get3A_1589, %get3A_1590] : memref<1x1x2048xf32, #tpu.memory_space<vmem>>, vector<1x1x2048xf32>
    %get3A_1592 = vector.shape_cast %get3A_1591 : vector<1x1x2048xf32> to vector<2048xf32>
    %swap3A_1593 = arith.constant 159 : index
    %swap3A_1594 = arith.constant 0 : index
    %swap3A_1595 = vector.load %arg258[%swap3A_1593, %swap3A_1594] : memref<256x2048xf32, #tpu.memory_space<vmem>>, vector<1x2048xf32>
    %swap3A_1596 = vector.shape_cast %swap3A_1595 : vector<1x2048xf32> to vector<2048xf32>
    %swap3A_1597 = vector.shape_cast %get3A_1592 : vector<2048xf32> to vector<1x2048xf32>
    tpu.vector_store %arg258[%swap3A_1593, %swap3A_1594], %swap3A_1597 {strides = array<i32>} : memref<256x2048xf32, #tpu.memory_space<vmem>>, vector<1x2048xf32>,
    %get3A_1598 = arith.constant 0 : index
    %get3A_1599 = arith.constant 0 : index
    %get3A_1600 = arith.constant 0 : index
    %get3A_1601 = vector.load %arg162[%get3A_1598, %get3A_1599, %get3A_1600] : memref<1x1x2048xf32, #tpu.memory_space<vmem>>, vector<1x1x2048xf32>
    %get3A_1602 = vector.shape_cast %get3A_1601 : vector<1x1x2048xf32> to vector<2048xf32>
    %swap3A_1603 = arith.constant 160 : index
    %swap3A_1604 = arith.constant 0 : index
    %swap3A_1605 = vector.load %arg258[%swap3A_1603, %swap3A_1604] : memref<256x2048xf32, #tpu.memory_space<vmem>>, vector<1x2048xf32>
    %swap3A_1606 = vector.shape_cast %swap3A_1605 : vector<1x2048xf32> to vector<2048xf32>
    %swap3A_1607 = vector.shape_cast %get3A_1602 : vector<2048xf32> to vector<1x2048xf32>
    tpu.vector_store %arg258[%swap3A_1603, %swap3A_1604], %swap3A_1607 {strides = array<i32>} : memref<256x2048xf32, #tpu.memory_space<vmem>>, vector<1x2048xf32>,
    %get3A_1608 = arith.constant 0 : index
    %get3A_1609 = arith.constant 0 : index
    %get3A_1610 = arith.constant 0 : index
    %get3A_1611 = vector.load %arg163[%get3A_1608, %get3A_1609, %get3A_1610] : memref<1x1x2048xf32, #tpu.memory_space<vmem>>, vector<1x1x2048xf32>
    %get3A_1612 = vector.shape_cast %get3A_1611 : vector<1x1x2048xf32> to vector<2048xf32>
    %swap3A_1613 = arith.constant 161 : index
    %swap3A_1614 = arith.constant 0 : index
    %swap3A_1615 = vector.load %arg258[%swap3A_1613, %swap3A_1614] : memref<256x2048xf32, #tpu.memory_space<vmem>>, vector<1x2048xf32>
    %swap3A_1616 = vector.shape_cast %swap3A_1615 : vector<1x2048xf32> to vector<2048xf32>
    %swap3A_1617 = vector.shape_cast %get3A_1612 : vector<2048xf32> to vector<1x2048xf32>
    tpu.vector_store %arg258[%swap3A_1613, %swap3A_1614], %swap3A_1617 {strides = array<i32>} : memref<256x2048xf32, #tpu.memory_space<vmem>>, vector<1x2048xf32>,
    %get3A_1618 = arith.constant 0 : index
    %get3A_1619 = arith.constant 0 : index
    %get3A_1620 = arith.constant 0 : index
    %get3A_1621 = vector.load %arg164[%get3A_1618, %get3A_1619, %get3A_1620] : memref<1x1x2048xf32, #tpu.memory_space<vmem>>, vector<1x1x2048xf32>
    %get3A_1622 = vector.shape_cast %get3A_1621 : vector<1x1x2048xf32> to vector<2048xf32>
    %swap3A_1623 = arith.constant 162 : index
    %swap3A_1624 = arith.constant 0 : index
    %swap3A_1625 = vector.load %arg258[%swap3A_1623, %swap3A_1624] : memref<256x2048xf32, #tpu.memory_space<vmem>>, vector<1x2048xf32>
    %swap3A_1626 = vector.shape_cast %swap3A_1625 : vector<1x2048xf32> to vector<2048xf32>
    %swap3A_1627 = vector.shape_cast %get3A_1622 : vector<2048xf32> to vector<1x2048xf32>
    tpu.vector_store %arg258[%swap3A_1623, %swap3A_1624], %swap3A_1627 {strides = array<i32>} : memref<256x2048xf32, #tpu.memory_space<vmem>>, vector<1x2048xf32>,
    %get3A_1628 = arith.constant 0 : index
    %get3A_1629 = arith.constant 0 : index
    %get3A_1630 = arith.constant 0 : index
    %get3A_1631 = vector.load %arg165[%get3A_1628, %get3A_1629, %get3A_1630] : memref<1x1x2048xf32, #tpu.memory_space<vmem>>, vector<1x1x2048xf32>
    %get3A_1632 = vector.shape_cast %get3A_1631 : vector<1x1x2048xf32> to vector<2048xf32>
    %swap3A_1633 = arith.constant 163 : index
    %swap3A_1634 = arith.constant 0 : index
    %swap3A_1635 = vector.load %arg258[%swap3A_1633, %swap3A_1634] : memref<256x2048xf32, #tpu.memory_space<vmem>>, vector<1x2048xf32>
    %swap3A_1636 = vector.shape_cast %swap3A_1635 : vector<1x2048xf32> to vector<2048xf32>
    %swap3A_1637 = vector.shape_cast %get3A_1632 : vector<2048xf32> to vector<1x2048xf32>
    tpu.vector_store %arg258[%swap3A_1633, %swap3A_1634], %swap3A_1637 {strides = array<i32>} : memref<256x2048xf32, #tpu.memory_space<vmem>>, vector<1x2048xf32>,
    %get3A_1638 = arith.constant 0 : index
    %get3A_1639 = arith.constant 0 : index
    %get3A_1640 = arith.constant 0 : index
    %get3A_1641 = vector.load %arg166[%get3A_1638, %get3A_1639, %get3A_1640] : memref<1x1x2048xf32, #tpu.memory_space<vmem>>, vector<1x1x2048xf32>
    %get3A_1642 = vector.shape_cast %get3A_1641 : vector<1x1x2048xf32> to vector<2048xf32>
    %swap3A_1643 = arith.constant 164 : index
    %swap3A_1644 = arith.constant 0 : index
    %swap3A_1645 = vector.load %arg258[%swap3A_1643, %swap3A_1644] : memref<256x2048xf32, #tpu.memory_space<vmem>>, vector<1x2048xf32>
    %swap3A_1646 = vector.shape_cast %swap3A_1645 : vector<1x2048xf32> to vector<2048xf32>
    %swap3A_1647 = vector.shape_cast %get3A_1642 : vector<2048xf32> to vector<1x2048xf32>
    tpu.vector_store %arg258[%swap3A_1643, %swap3A_1644], %swap3A_1647 {strides = array<i32>} : memref<256x2048xf32, #tpu.memory_space<vmem>>, vector<1x2048xf32>,
    %get3A_1648 = arith.constant 0 : index
    %get3A_1649 = arith.constant 0 : index
    %get3A_1650 = arith.constant 0 : index
    %get3A_1651 = vector.load %arg167[%get3A_1648, %get3A_1649, %get3A_1650] : memref<1x1x2048xf32, #tpu.memory_space<vmem>>, vector<1x1x2048xf32>
    %get3A_1652 = vector.shape_cast %get3A_1651 : vector<1x1x2048xf32> to vector<2048xf32>
    %swap3A_1653 = arith.constant 165 : index
    %swap3A_1654 = arith.constant 0 : index
    %swap3A_1655 = vector.load %arg258[%swap3A_1653, %swap3A_1654] : memref<256x2048xf32, #tpu.memory_space<vmem>>, vector<1x2048xf32>
    %swap3A_1656 = vector.shape_cast %swap3A_1655 : vector<1x2048xf32> to vector<2048xf32>
    %swap3A_1657 = vector.shape_cast %get3A_1652 : vector<2048xf32> to vector<1x2048xf32>
    tpu.vector_store %arg258[%swap3A_1653, %swap3A_1654], %swap3A_1657 {strides = array<i32>} : memref<256x2048xf32, #tpu.memory_space<vmem>>, vector<1x2048xf32>,
    %get3A_1658 = arith.constant 0 : index
    %get3A_1659 = arith.constant 0 : index
    %get3A_1660 = arith.constant 0 : index
    %get3A_1661 = vector.load %arg168[%get3A_1658, %get3A_1659, %get3A_1660] : memref<1x1x2048xf32, #tpu.memory_space<vmem>>, vector<1x1x2048xf32>
    %get3A_1662 = vector.shape_cast %get3A_1661 : vector<1x1x2048xf32> to vector<2048xf32>
    %swap3A_1663 = arith.constant 166 : index
    %swap3A_1664 = arith.constant 0 : index
    %swap3A_1665 = vector.load %arg258[%swap3A_1663, %swap3A_1664] : memref<256x2048xf32, #tpu.memory_space<vmem>>, vector<1x2048xf32>
    %swap3A_1666 = vector.shape_cast %swap3A_1665 : vector<1x2048xf32> to vector<2048xf32>
    %swap3A_1667 = vector.shape_cast %get3A_1662 : vector<2048xf32> to vector<1x2048xf32>
    tpu.vector_store %arg258[%swap3A_1663, %swap3A_1664], %swap3A_1667 {strides = array<i32>} : memref<256x2048xf32, #tpu.memory_space<vmem>>, vector<1x2048xf32>,
    %get3A_1668 = arith.constant 0 : index
    %get3A_1669 = arith.constant 0 : index
    %get3A_1670 = arith.constant 0 : index
    %get3A_1671 = vector.load %arg169[%get3A_1668, %get3A_1669, %get3A_1670] : memref<1x1x2048xf32, #tpu.memory_space<vmem>>, vector<1x1x2048xf32>
    %get3A_1672 = vector.shape_cast %get3A_1671 : vector<1x1x2048xf32> to vector<2048xf32>
    %swap3A_1673 = arith.constant 167 : index
    %swap3A_1674 = arith.constant 0 : index
    %swap3A_1675 = vector.load %arg258[%swap3A_1673, %swap3A_1674] : memref<256x2048xf32, #tpu.memory_space<vmem>>, vector<1x2048xf32>
    %swap3A_1676 = vector.shape_cast %swap3A_1675 : vector<1x2048xf32> to vector<2048xf32>
    %swap3A_1677 = vector.shape_cast %get3A_1672 : vector<2048xf32> to vector<1x2048xf32>
    tpu.vector_store %arg258[%swap3A_1673, %swap3A_1674], %swap3A_1677 {strides = array<i32>} : memref<256x2048xf32, #tpu.memory_space<vmem>>, vector<1x2048xf32>,
    %get3A_1678 = arith.constant 0 : index
    %get3A_1679 = arith.constant 0 : index
    %get3A_1680 = arith.constant 0 : index
    %get3A_1681 = vector.load %arg170[%get3A_1678, %get3A_1679, %get3A_1680] : memref<1x1x2048xf32, #tpu.memory_space<vmem>>, vector<1x1x2048xf32>
    %get3A_1682 = vector.shape_cast %get3A_1681 : vector<1x1x2048xf32> to vector<2048xf32>
    %swap3A_1683 = arith.constant 168 : index
    %swap3A_1684 = arith.constant 0 : index
    %swap3A_1685 = vector.load %arg258[%swap3A_1683, %swap3A_1684] : memref<256x2048xf32, #tpu.memory_space<vmem>>, vector<1x2048xf32>
    %swap3A_1686 = vector.shape_cast %swap3A_1685 : vector<1x2048xf32> to vector<2048xf32>
    %swap3A_1687 = vector.shape_cast %get3A_1682 : vector<2048xf32> to vector<1x2048xf32>
    tpu.vector_store %arg258[%swap3A_1683, %swap3A_1684], %swap3A_1687 {strides = array<i32>} : memref<256x2048xf32, #tpu.memory_space<vmem>>, vector<1x2048xf32>,
    %get3A_1688 = arith.constant 0 : index
    %get3A_1689 = arith.constant 0 : index
    %get3A_1690 = arith.constant 0 : index
    %get3A_1691 = vector.load %arg171[%get3A_1688, %get3A_1689, %get3A_1690] : memref<1x1x2048xf32, #tpu.memory_space<vmem>>, vector<1x1x2048xf32>
    %get3A_1692 = vector.shape_cast %get3A_1691 : vector<1x1x2048xf32> to vector<2048xf32>
    %swap3A_1693 = arith.constant 169 : index
    %swap3A_1694 = arith.constant 0 : index
    %swap3A_1695 = vector.load %arg258[%swap3A_1693, %swap3A_1694] : memref<256x2048xf32, #tpu.memory_space<vmem>>, vector<1x2048xf32>
    %swap3A_1696 = vector.shape_cast %swap3A_1695 : vector<1x2048xf32> to vector<2048xf32>
    %swap3A_1697 = vector.shape_cast %get3A_1692 : vector<2048xf32> to vector<1x2048xf32>
    tpu.vector_store %arg258[%swap3A_1693, %swap3A_1694], %swap3A_1697 {strides = array<i32>} : memref<256x2048xf32, #tpu.memory_space<vmem>>, vector<1x2048xf32>,
    %get3A_1698 = arith.constant 0 : index
    %get3A_1699 = arith.constant 0 : index
    %get3A_1700 = arith.constant 0 : index
    %get3A_1701 = vector.load %arg172[%get3A_1698, %get3A_1699, %get3A_1700] : memref<1x1x2048xf32, #tpu.memory_space<vmem>>, vector<1x1x2048xf32>
    %get3A_1702 = vector.shape_cast %get3A_1701 : vector<1x1x2048xf32> to vector<2048xf32>
    %swap3A_1703 = arith.constant 170 : index
    %swap3A_1704 = arith.constant 0 : index
    %swap3A_1705 = vector.load %arg258[%swap3A_1703, %swap3A_1704] : memref<256x2048xf32, #tpu.memory_space<vmem>>, vector<1x2048xf32>
    %swap3A_1706 = vector.shape_cast %swap3A_1705 : vector<1x2048xf32> to vector<2048xf32>
    %swap3A_1707 = vector.shape_cast %get3A_1702 : vector<2048xf32> to vector<1x2048xf32>
    tpu.vector_store %arg258[%swap3A_1703, %swap3A_1704], %swap3A_1707 {strides = array<i32>} : memref<256x2048xf32, #tpu.memory_space<vmem>>, vector<1x2048xf32>,
    %get3A_1708 = arith.constant 0 : index
    %get3A_1709 = arith.constant 0 : index
    %get3A_1710 = arith.constant 0 : index
    %get3A_1711 = vector.load %arg173[%get3A_1708, %get3A_1709, %get3A_1710] : memref<1x1x2048xf32, #tpu.memory_space<vmem>>, vector<1x1x2048xf32>
    %get3A_1712 = vector.shape_cast %get3A_1711 : vector<1x1x2048xf32> to vector<2048xf32>
    %swap3A_1713 = arith.constant 171 : index
    %swap3A_1714 = arith.constant 0 : index
    %swap3A_1715 = vector.load %arg258[%swap3A_1713, %swap3A_1714] : memref<256x2048xf32, #tpu.memory_space<vmem>>, vector<1x2048xf32>
    %swap3A_1716 = vector.shape_cast %swap3A_1715 : vector<1x2048xf32> to vector<2048xf32>
    %swap3A_1717 = vector.shape_cast %get3A_1712 : vector<2048xf32> to vector<1x2048xf32>
    tpu.vector_store %arg258[%swap3A_1713, %swap3A_1714], %swap3A_1717 {strides = array<i32>} : memref<256x2048xf32, #tpu.memory_space<vmem>>, vector<1x2048xf32>,
    %get3A_1718 = arith.constant 0 : index
    %get3A_1719 = arith.constant 0 : index
    %get3A_1720 = arith.constant 0 : index
    %get3A_1721 = vector.load %arg174[%get3A_1718, %get3A_1719, %get3A_1720] : memref<1x1x2048xf32, #tpu.memory_space<vmem>>, vector<1x1x2048xf32>
    %get3A_1722 = vector.shape_cast %get3A_1721 : vector<1x1x2048xf32> to vector<2048xf32>
    %swap3A_1723 = arith.constant 172 : index
    %swap3A_1724 = arith.constant 0 : index
    %swap3A_1725 = vector.load %arg258[%swap3A_1723, %swap3A_1724] : memref<256x2048xf32, #tpu.memory_space<vmem>>, vector<1x2048xf32>
    %swap3A_1726 = vector.shape_cast %swap3A_1725 : vector<1x2048xf32> to vector<2048xf32>
    %swap3A_1727 = vector.shape_cast %get3A_1722 : vector<2048xf32> to vector<1x2048xf32>
    tpu.vector_store %arg258[%swap3A_1723, %swap3A_1724], %swap3A_1727 {strides = array<i32>} : memref<256x2048xf32, #tpu.memory_space<vmem>>, vector<1x2048xf32>,
    %get3A_1728 = arith.constant 0 : index
    %get3A_1729 = arith.constant 0 : index
    %get3A_1730 = arith.constant 0 : index
    %get3A_1731 = vector.load %arg175[%get3A_1728, %get3A_1729, %get3A_1730] : memref<1x1x2048xf32, #tpu.memory_space<vmem>>, vector<1x1x2048xf32>
    %get3A_1732 = vector.shape_cast %get3A_1731 : vector<1x1x2048xf32> to vector<2048xf32>
    %swap3A_1733 = arith.constant 173 : index
    %swap3A_1734 = arith.constant 0 : index
    %swap3A_1735 = vector.load %arg258[%swap3A_1733, %swap3A_1734] : memref<256x2048xf32, #tpu.memory_space<vmem>>, vector<1x2048xf32>
    %swap3A_1736 = vector.shape_cast %swap3A_1735 : vector<1x2048xf32> to vector<2048xf32>
    %swap3A_1737 = vector.shape_cast %get3A_1732 : vector<2048xf32> to vector<1x2048xf32>
    tpu.vector_store %arg258[%swap3A_1733, %swap3A_1734], %swap3A_1737 {strides = array<i32>} : memref<256x2048xf32, #tpu.memory_space<vmem>>, vector<1x2048xf32>,
    %get3A_1738 = arith.constant 0 : index
    %get3A_1739 = arith.constant 0 : index
    %get3A_1740 = arith.constant 0 : index
    %get3A_1741 = vector.load %arg176[%get3A_1738, %get3A_1739, %get3A_1740] : memref<1x1x2048xf32, #tpu.memory_space<vmem>>, vector<1x1x2048xf32>
    %get3A_1742 = vector.shape_cast %get3A_1741 : vector<1x1x2048xf32> to vector<2048xf32>
    %swap3A_1743 = arith.constant 174 : index
    %swap3A_1744 = arith.constant 0 : index
    %swap3A_1745 = vector.load %arg258[%swap3A_1743, %swap3A_1744] : memref<256x2048xf32, #tpu.memory_space<vmem>>, vector<1x2048xf32>
    %swap3A_1746 = vector.shape_cast %swap3A_1745 : vector<1x2048xf32> to vector<2048xf32>
    %swap3A_1747 = vector.shape_cast %get3A_1742 : vector<2048xf32> to vector<1x2048xf32>
    tpu.vector_store %arg258[%swap3A_1743, %swap3A_1744], %swap3A_1747 {strides = array<i32>} : memref<256x2048xf32, #tpu.memory_space<vmem>>, vector<1x2048xf32>,
    %get3A_1748 = arith.constant 0 : index
    %get3A_1749 = arith.constant 0 : index
    %get3A_1750 = arith.constant 0 : index
    %get3A_1751 = vector.load %arg177[%get3A_1748, %get3A_1749, %get3A_1750] : memref<1x1x2048xf32, #tpu.memory_space<vmem>>, vector<1x1x2048xf32>
    %get3A_1752 = vector.shape_cast %get3A_1751 : vector<1x1x2048xf32> to vector<2048xf32>
    %swap3A_1753 = arith.constant 175 : index
    %swap3A_1754 = arith.constant 0 : index
    %swap3A_1755 = vector.load %arg258[%swap3A_1753, %swap3A_1754] : memref<256x2048xf32, #tpu.memory_space<vmem>>, vector<1x2048xf32>
    %swap3A_1756 = vector.shape_cast %swap3A_1755 : vector<1x2048xf32> to vector<2048xf32>
    %swap3A_1757 = vector.shape_cast %get3A_1752 : vector<2048xf32> to vector<1x2048xf32>
    tpu.vector_store %arg258[%swap3A_1753, %swap3A_1754], %swap3A_1757 {strides = array<i32>} : memref<256x2048xf32, #tpu.memory_space<vmem>>, vector<1x2048xf32>,
    %get3A_1758 = arith.constant 0 : index
    %get3A_1759 = arith.constant 0 : index
    %get3A_1760 = arith.constant 0 : index
    %get3A_1761 = vector.load %arg178[%get3A_1758, %get3A_1759, %get3A_1760] : memref<1x1x2048xf32, #tpu.memory_space<vmem>>, vector<1x1x2048xf32>
    %get3A_1762 = vector.shape_cast %get3A_1761 : vector<1x1x2048xf32> to vector<2048xf32>
    %swap3A_1763 = arith.constant 176 : index
    %swap3A_1764 = arith.constant 0 : index
    %swap3A_1765 = vector.load %arg258[%swap3A_1763, %swap3A_1764] : memref<256x2048xf32, #tpu.memory_space<vmem>>, vector<1x2048xf32>
    %swap3A_1766 = vector.shape_cast %swap3A_1765 : vector<1x2048xf32> to vector<2048xf32>
    %swap3A_1767 = vector.shape_cast %get3A_1762 : vector<2048xf32> to vector<1x2048xf32>
    tpu.vector_store %arg258[%swap3A_1763, %swap3A_1764], %swap3A_1767 {strides = array<i32>} : memref<256x2048xf32, #tpu.memory_space<vmem>>, vector<1x2048xf32>,
    %get3A_1768 = arith.constant 0 : index
    %get3A_1769 = arith.constant 0 : index
    %get3A_1770 = arith.constant 0 : index
    %get3A_1771 = vector.load %arg179[%get3A_1768, %get3A_1769, %get3A_1770] : memref<1x1x2048xf32, #tpu.memory_space<vmem>>, vector<1x1x2048xf32>
    %get3A_1772 = vector.shape_cast %get3A_1771 : vector<1x1x2048xf32> to vector<2048xf32>
    %swap3A_1773 = arith.constant 177 : index
    %swap3A_1774 = arith.constant 0 : index
    %swap3A_1775 = vector.load %arg258[%swap3A_1773, %swap3A_1774] : memref<256x2048xf32, #tpu.memory_space<vmem>>, vector<1x2048xf32>
    %swap3A_1776 = vector.shape_cast %swap3A_1775 : vector<1x2048xf32> to vector<2048xf32>
    %swap3A_1777 = vector.shape_cast %get3A_1772 : vector<2048xf32> to vector<1x2048xf32>
    tpu.vector_store %arg258[%swap3A_1773, %swap3A_1774], %swap3A_1777 {strides = array<i32>} : memref<256x2048xf32, #tpu.memory_space<vmem>>, vector<1x2048xf32>,
    %get3A_1778 = arith.constant 0 : index
    %get3A_1779 = arith.constant 0 : index
    %get3A_1780 = arith.constant 0 : index
    %get3A_1781 = vector.load %arg180[%get3A_1778, %get3A_1779, %get3A_1780] : memref<1x1x2048xf32, #tpu.memory_space<vmem>>, vector<1x1x2048xf32>
    %get3A_1782 = vector.shape_cast %get3A_1781 : vector<1x1x2048xf32> to vector<2048xf32>
    %swap3A_1783 = arith.constant 178 : index
    %swap3A_1784 = arith.constant 0 : index
    %swap3A_1785 = vector.load %arg258[%swap3A_1783, %swap3A_1784] : memref<256x2048xf32, #tpu.memory_space<vmem>>, vector<1x2048xf32>
    %swap3A_1786 = vector.shape_cast %swap3A_1785 : vector<1x2048xf32> to vector<2048xf32>
    %swap3A_1787 = vector.shape_cast %get3A_1782 : vector<2048xf32> to vector<1x2048xf32>
    tpu.vector_store %arg258[%swap3A_1783, %swap3A_1784], %swap3A_1787 {strides = array<i32>} : memref<256x2048xf32, #tpu.memory_space<vmem>>, vector<1x2048xf32>,
    %get3A_1788 = arith.constant 0 : index
    %get3A_1789 = arith.constant 0 : index
    %get3A_1790 = arith.constant 0 : index
    %get3A_1791 = vector.load %arg181[%get3A_1788, %get3A_1789, %get3A_1790] : memref<1x1x2048xf32, #tpu.memory_space<vmem>>, vector<1x1x2048xf32>
    %get3A_1792 = vector.shape_cast %get3A_1791 : vector<1x1x2048xf32> to vector<2048xf32>
    %swap3A_1793 = arith.constant 179 : index
    %swap3A_1794 = arith.constant 0 : index
    %swap3A_1795 = vector.load %arg258[%swap3A_1793, %swap3A_1794] : memref<256x2048xf32, #tpu.memory_space<vmem>>, vector<1x2048xf32>
    %swap3A_1796 = vector.shape_cast %swap3A_1795 : vector<1x2048xf32> to vector<2048xf32>
    %swap3A_1797 = vector.shape_cast %get3A_1792 : vector<2048xf32> to vector<1x2048xf32>
    tpu.vector_store %arg258[%swap3A_1793, %swap3A_1794], %swap3A_1797 {strides = array<i32>} : memref<256x2048xf32, #tpu.memory_space<vmem>>, vector<1x2048xf32>,
    %get3A_1798 = arith.constant 0 : index
    %get3A_1799 = arith.constant 0 : index
    %get3A_1800 = arith.constant 0 : index
    %get3A_1801 = vector.load %arg182[%get3A_1798, %get3A_1799, %get3A_1800] : memref<1x1x2048xf32, #tpu.memory_space<vmem>>, vector<1x1x2048xf32>
    %get3A_1802 = vector.shape_cast %get3A_1801 : vector<1x1x2048xf32> to vector<2048xf32>
    %swap3A_1803 = arith.constant 180 : index
    %swap3A_1804 = arith.constant 0 : index
    %swap3A_1805 = vector.load %arg258[%swap3A_1803, %swap3A_1804] : memref<256x2048xf32, #tpu.memory_space<vmem>>, vector<1x2048xf32>
    %swap3A_1806 = vector.shape_cast %swap3A_1805 : vector<1x2048xf32> to vector<2048xf32>
    %swap3A_1807 = vector.shape_cast %get3A_1802 : vector<2048xf32> to vector<1x2048xf32>
    tpu.vector_store %arg258[%swap3A_1803, %swap3A_1804], %swap3A_1807 {strides = array<i32>} : memref<256x2048xf32, #tpu.memory_space<vmem>>, vector<1x2048xf32>,
    %get3A_1808 = arith.constant 0 : index
    %get3A_1809 = arith.constant 0 : index
    %get3A_1810 = arith.constant 0 : index
    %get3A_1811 = vector.load %arg183[%get3A_1808, %get3A_1809, %get3A_1810] : memref<1x1x2048xf32, #tpu.memory_space<vmem>>, vector<1x1x2048xf32>
    %get3A_1812 = vector.shape_cast %get3A_1811 : vector<1x1x2048xf32> to vector<2048xf32>
    %swap3A_1813 = arith.constant 181 : index
    %swap3A_1814 = arith.constant 0 : index
    %swap3A_1815 = vector.load %arg258[%swap3A_1813, %swap3A_1814] : memref<256x2048xf32, #tpu.memory_space<vmem>>, vector<1x2048xf32>
    %swap3A_1816 = vector.shape_cast %swap3A_1815 : vector<1x2048xf32> to vector<2048xf32>
    %swap3A_1817 = vector.shape_cast %get3A_1812 : vector<2048xf32> to vector<1x2048xf32>
    tpu.vector_store %arg258[%swap3A_1813, %swap3A_1814], %swap3A_1817 {strides = array<i32>} : memref<256x2048xf32, #tpu.memory_space<vmem>>, vector<1x2048xf32>,
    %get3A_1818 = arith.constant 0 : index
    %get3A_1819 = arith.constant 0 : index
    %get3A_1820 = arith.constant 0 : index
    %get3A_1821 = vector.load %arg184[%get3A_1818, %get3A_1819, %get3A_1820] : memref<1x1x2048xf32, #tpu.memory_space<vmem>>, vector<1x1x2048xf32>
    %get3A_1822 = vector.shape_cast %get3A_1821 : vector<1x1x2048xf32> to vector<2048xf32>
    %swap3A_1823 = arith.constant 182 : index
    %swap3A_1824 = arith.constant 0 : index
    %swap3A_1825 = vector.load %arg258[%swap3A_1823, %swap3A_1824] : memref<256x2048xf32, #tpu.memory_space<vmem>>, vector<1x2048xf32>
    %swap3A_1826 = vector.shape_cast %swap3A_1825 : vector<1x2048xf32> to vector<2048xf32>
    %swap3A_1827 = vector.shape_cast %get3A_1822 : vector<2048xf32> to vector<1x2048xf32>
    tpu.vector_store %arg258[%swap3A_1823, %swap3A_1824], %swap3A_1827 {strides = array<i32>} : memref<256x2048xf32, #tpu.memory_space<vmem>>, vector<1x2048xf32>,
    %get3A_1828 = arith.constant 0 : index
    %get3A_1829 = arith.constant 0 : index
    %get3A_1830 = arith.constant 0 : index
    %get3A_1831 = vector.load %arg185[%get3A_1828, %get3A_1829, %get3A_1830] : memref<1x1x2048xf32, #tpu.memory_space<vmem>>, vector<1x1x2048xf32>
    %get3A_1832 = vector.shape_cast %get3A_1831 : vector<1x1x2048xf32> to vector<2048xf32>
    %swap3A_1833 = arith.constant 183 : index
    %swap3A_1834 = arith.constant 0 : index
    %swap3A_1835 = vector.load %arg258[%swap3A_1833, %swap3A_1834] : memref<256x2048xf32, #tpu.memory_space<vmem>>, vector<1x2048xf32>
    %swap3A_1836 = vector.shape_cast %swap3A_1835 : vector<1x2048xf32> to vector<2048xf32>
    %swap3A_1837 = vector.shape_cast %get3A_1832 : vector<2048xf32> to vector<1x2048xf32>
    tpu.vector_store %arg258[%swap3A_1833, %swap3A_1834], %swap3A_1837 {strides = array<i32>} : memref<256x2048xf32, #tpu.memory_space<vmem>>, vector<1x2048xf32>,
    %get3A_1838 = arith.constant 0 : index
    %get3A_1839 = arith.constant 0 : index
    %get3A_1840 = arith.constant 0 : index
    %get3A_1841 = vector.load %arg186[%get3A_1838, %get3A_1839, %get3A_1840] : memref<1x1x2048xf32, #tpu.memory_space<vmem>>, vector<1x1x2048xf32>
    %get3A_1842 = vector.shape_cast %get3A_1841 : vector<1x1x2048xf32> to vector<2048xf32>
    %swap3A_1843 = arith.constant 184 : index
    %swap3A_1844 = arith.constant 0 : index
    %swap3A_1845 = vector.load %arg258[%swap3A_1843, %swap3A_1844] : memref<256x2048xf32, #tpu.memory_space<vmem>>, vector<1x2048xf32>
    %swap3A_1846 = vector.shape_cast %swap3A_1845 : vector<1x2048xf32> to vector<2048xf32>
    %swap3A_1847 = vector.shape_cast %get3A_1842 : vector<2048xf32> to vector<1x2048xf32>
    tpu.vector_store %arg258[%swap3A_1843, %swap3A_1844], %swap3A_1847 {strides = array<i32>} : memref<256x2048xf32, #tpu.memory_space<vmem>>, vector<1x2048xf32>,
    %get3A_1848 = arith.constant 0 : index
    %get3A_1849 = arith.constant 0 : index
    %get3A_1850 = arith.constant 0 : index
    %get3A_1851 = vector.load %arg187[%get3A_1848, %get3A_1849, %get3A_1850] : memref<1x1x2048xf32, #tpu.memory_space<vmem>>, vector<1x1x2048xf32>
    %get3A_1852 = vector.shape_cast %get3A_1851 : vector<1x1x2048xf32> to vector<2048xf32>
    %swap3A_1853 = arith.constant 185 : index
    %swap3A_1854 = arith.constant 0 : index
    %swap3A_1855 = vector.load %arg258[%swap3A_1853, %swap3A_1854] : memref<256x2048xf32, #tpu.memory_space<vmem>>, vector<1x2048xf32>
    %swap3A_1856 = vector.shape_cast %swap3A_1855 : vector<1x2048xf32> to vector<2048xf32>
    %swap3A_1857 = vector.shape_cast %get3A_1852 : vector<2048xf32> to vector<1x2048xf32>
    tpu.vector_store %arg258[%swap3A_1853, %swap3A_1854], %swap3A_1857 {strides = array<i32>} : memref<256x2048xf32, #tpu.memory_space<vmem>>, vector<1x2048xf32>,
    %get3A_1858 = arith.constant 0 : index
    %get3A_1859 = arith.constant 0 : index
    %get3A_1860 = arith.constant 0 : index
    %get3A_1861 = vector.load %arg188[%get3A_1858, %get3A_1859, %get3A_1860] : memref<1x1x2048xf32, #tpu.memory_space<vmem>>, vector<1x1x2048xf32>
    %get3A_1862 = vector.shape_cast %get3A_1861 : vector<1x1x2048xf32> to vector<2048xf32>
    %swap3A_1863 = arith.constant 186 : index
    %swap3A_1864 = arith.constant 0 : index
    %swap3A_1865 = vector.load %arg258[%swap3A_1863, %swap3A_1864] : memref<256x2048xf32, #tpu.memory_space<vmem>>, vector<1x2048xf32>
    %swap3A_1866 = vector.shape_cast %swap3A_1865 : vector<1x2048xf32> to vector<2048xf32>
    %swap3A_1867 = vector.shape_cast %get3A_1862 : vector<2048xf32> to vector<1x2048xf32>
    tpu.vector_store %arg258[%swap3A_1863, %swap3A_1864], %swap3A_1867 {strides = array<i32>} : memref<256x2048xf32, #tpu.memory_space<vmem>>, vector<1x2048xf32>,
    %get3A_1868 = arith.constant 0 : index
    %get3A_1869 = arith.constant 0 : index
    %get3A_1870 = arith.constant 0 : index
    %get3A_1871 = vector.load %arg189[%get3A_1868, %get3A_1869, %get3A_1870] : memref<1x1x2048xf32, #tpu.memory_space<vmem>>, vector<1x1x2048xf32>
    %get3A_1872 = vector.shape_cast %get3A_1871 : vector<1x1x2048xf32> to vector<2048xf32>
    %swap3A_1873 = arith.constant 187 : index
    %swap3A_1874 = arith.constant 0 : index
    %swap3A_1875 = vector.load %arg258[%swap3A_1873, %swap3A_1874] : memref<256x2048xf32, #tpu.memory_space<vmem>>, vector<1x2048xf32>
    %swap3A_1876 = vector.shape_cast %swap3A_1875 : vector<1x2048xf32> to vector<2048xf32>
    %swap3A_1877 = vector.shape_cast %get3A_1872 : vector<2048xf32> to vector<1x2048xf32>
    tpu.vector_store %arg258[%swap3A_1873, %swap3A_1874], %swap3A_1877 {strides = array<i32>} : memref<256x2048xf32, #tpu.memory_space<vmem>>, vector<1x2048xf32>,
    %get3A_1878 = arith.constant 0 : index
    %get3A_1879 = arith.constant 0 : index
    %get3A_1880 = arith.constant 0 : index
    %get3A_1881 = vector.load %arg190[%get3A_1878, %get3A_1879, %get3A_1880] : memref<1x1x2048xf32, #tpu.memory_space<vmem>>, vector<1x1x2048xf32>
    %get3A_1882 = vector.shape_cast %get3A_1881 : vector<1x1x2048xf32> to vector<2048xf32>
    %swap3A_1883 = arith.constant 188 : index
    %swap3A_1884 = arith.constant 0 : index
    %swap3A_1885 = vector.load %arg258[%swap3A_1883, %swap3A_1884] : memref<256x2048xf32, #tpu.memory_space<vmem>>, vector<1x2048xf32>
    %swap3A_1886 = vector.shape_cast %swap3A_1885 : vector<1x2048xf32> to vector<2048xf32>
    %swap3A_1887 = vector.shape_cast %get3A_1882 : vector<2048xf32> to vector<1x2048xf32>
    tpu.vector_store %arg258[%swap3A_1883, %swap3A_1884], %swap3A_1887 {strides = array<i32>} : memref<256x2048xf32, #tpu.memory_space<vmem>>, vector<1x2048xf32>,
    %get3A_1888 = arith.constant 0 : index
    %get3A_1889 = arith.constant 0 : index
    %get3A_1890 = arith.constant 0 : index
    %get3A_1891 = vector.load %arg191[%get3A_1888, %get3A_1889, %get3A_1890] : memref<1x1x2048xf32, #tpu.memory_space<vmem>>, vector<1x1x2048xf32>
    %get3A_1892 = vector.shape_cast %get3A_1891 : vector<1x1x2048xf32> to vector<2048xf32>
    %swap3A_1893 = arith.constant 189 : index
    %swap3A_1894 = arith.constant 0 : index
    %swap3A_1895 = vector.load %arg258[%swap3A_1893, %swap3A_1894] : memref<256x2048xf32, #tpu.memory_space<vmem>>, vector<1x2048xf32>
    %swap3A_1896 = vector.shape_cast %swap3A_1895 : vector<1x2048xf32> to vector<2048xf32>
    %swap3A_1897 = vector.shape_cast %get3A_1892 : vector<2048xf32> to vector<1x2048xf32>
    tpu.vector_store %arg258[%swap3A_1893, %swap3A_1894], %swap3A_1897 {strides = array<i32>} : memref<256x2048xf32, #tpu.memory_space<vmem>>, vector<1x2048xf32>,
    %get3A_1898 = arith.constant 0 : index
    %get3A_1899 = arith.constant 0 : index
    %get3A_1900 = arith.constant 0 : index
    %get3A_1901 = vector.load %arg192[%get3A_1898, %get3A_1899, %get3A_1900] : memref<1x1x2048xf32, #tpu.memory_space<vmem>>, vector<1x1x2048xf32>
    %get3A_1902 = vector.shape_cast %get3A_1901 : vector<1x1x2048xf32> to vector<2048xf32>
    %swap3A_1903 = arith.constant 190 : index
    %swap3A_1904 = arith.constant 0 : index
    %swap3A_1905 = vector.load %arg258[%swap3A_1903, %swap3A_1904] : memref<256x2048xf32, #tpu.memory_space<vmem>>, vector<1x2048xf32>
    %swap3A_1906 = vector.shape_cast %swap3A_1905 : vector<1x2048xf32> to vector<2048xf32>
    %swap3A_1907 = vector.shape_cast %get3A_1902 : vector<2048xf32> to vector<1x2048xf32>
    tpu.vector_store %arg258[%swap3A_1903, %swap3A_1904], %swap3A_1907 {strides = array<i32>} : memref<256x2048xf32, #tpu.memory_space<vmem>>, vector<1x2048xf32>,
    %get3A_1908 = arith.constant 0 : index
    %get3A_1909 = arith.constant 0 : index
    %get3A_1910 = arith.constant 0 : index
    %get3A_1911 = vector.load %arg193[%get3A_1908, %get3A_1909, %get3A_1910] : memref<1x1x2048xf32, #tpu.memory_space<vmem>>, vector<1x1x2048xf32>
    %get3A_1912 = vector.shape_cast %get3A_1911 : vector<1x1x2048xf32> to vector<2048xf32>
    %swap3A_1913 = arith.constant 191 : index
    %swap3A_1914 = arith.constant 0 : index
    %swap3A_1915 = vector.load %arg258[%swap3A_1913, %swap3A_1914] : memref<256x2048xf32, #tpu.memory_space<vmem>>, vector<1x2048xf32>
    %swap3A_1916 = vector.shape_cast %swap3A_1915 : vector<1x2048xf32> to vector<2048xf32>
    %swap3A_1917 = vector.shape_cast %get3A_1912 : vector<2048xf32> to vector<1x2048xf32>
    tpu.vector_store %arg258[%swap3A_1913, %swap3A_1914], %swap3A_1917 {strides = array<i32>} : memref<256x2048xf32, #tpu.memory_space<vmem>>, vector<1x2048xf32>,
    %get3A_1918 = arith.constant 0 : index
    %get3A_1919 = arith.constant 0 : index
    %get3A_1920 = arith.constant 0 : index
    %get3A_1921 = vector.load %arg194[%get3A_1918, %get3A_1919, %get3A_1920] : memref<1x1x2048xf32, #tpu.memory_space<vmem>>, vector<1x1x2048xf32>
    %get3A_1922 = vector.shape_cast %get3A_1921 : vector<1x1x2048xf32> to vector<2048xf32>
    %swap3A_1923 = arith.constant 192 : index
    %swap3A_1924 = arith.constant 0 : index
    %swap3A_1925 = vector.load %arg258[%swap3A_1923, %swap3A_1924] : memref<256x2048xf32, #tpu.memory_space<vmem>>, vector<1x2048xf32>
    %swap3A_1926 = vector.shape_cast %swap3A_1925 : vector<1x2048xf32> to vector<2048xf32>
    %swap3A_1927 = vector.shape_cast %get3A_1922 : vector<2048xf32> to vector<1x2048xf32>
    tpu.vector_store %arg258[%swap3A_1923, %swap3A_1924], %swap3A_1927 {strides = array<i32>} : memref<256x2048xf32, #tpu.memory_space<vmem>>, vector<1x2048xf32>,
    %get3A_1928 = arith.constant 0 : index
    %get3A_1929 = arith.constant 0 : index
    %get3A_1930 = arith.constant 0 : index
    %get3A_1931 = vector.load %arg195[%get3A_1928, %get3A_1929, %get3A_1930] : memref<1x1x2048xf32, #tpu.memory_space<vmem>>, vector<1x1x2048xf32>
    %get3A_1932 = vector.shape_cast %get3A_1931 : vector<1x1x2048xf32> to vector<2048xf32>
    %swap3A_1933 = arith.constant 193 : index
    %swap3A_1934 = arith.constant 0 : index
    %swap3A_1935 = vector.load %arg258[%swap3A_1933, %swap3A_1934] : memref<256x2048xf32, #tpu.memory_space<vmem>>, vector<1x2048xf32>
    %swap3A_1936 = vector.shape_cast %swap3A_1935 : vector<1x2048xf32> to vector<2048xf32>
    %swap3A_1937 = vector.shape_cast %get3A_1932 : vector<2048xf32> to vector<1x2048xf32>
    tpu.vector_store %arg258[%swap3A_1933, %swap3A_1934], %swap3A_1937 {strides = array<i32>} : memref<256x2048xf32, #tpu.memory_space<vmem>>, vector<1x2048xf32>,
    %get3A_1938 = arith.constant 0 : index
    %get3A_1939 = arith.constant 0 : index
    %get3A_1940 = arith.constant 0 : index
    %get3A_1941 = vector.load %arg196[%get3A_1938, %get3A_1939, %get3A_1940] : memref<1x1x2048xf32, #tpu.memory_space<vmem>>, vector<1x1x2048xf32>
    %get3A_1942 = vector.shape_cast %get3A_1941 : vector<1x1x2048xf32> to vector<2048xf32>
    %swap3A_1943 = arith.constant 194 : index
    %swap3A_1944 = arith.constant 0 : index
    %swap3A_1945 = vector.load %arg258[%swap3A_1943, %swap3A_1944] : memref<256x2048xf32, #tpu.memory_space<vmem>>, vector<1x2048xf32>
    %swap3A_1946 = vector.shape_cast %swap3A_1945 : vector<1x2048xf32> to vector<2048xf32>
    %swap3A_1947 = vector.shape_cast %get3A_1942 : vector<2048xf32> to vector<1x2048xf32>
    tpu.vector_store %arg258[%swap3A_1943, %swap3A_1944], %swap3A_1947 {strides = array<i32>} : memref<256x2048xf32, #tpu.memory_space<vmem>>, vector<1x2048xf32>,
    %get3A_1948 = arith.constant 0 : index
    %get3A_1949 = arith.constant 0 : index
    %get3A_1950 = arith.constant 0 : index
    %get3A_1951 = vector.load %arg197[%get3A_1948, %get3A_1949, %get3A_1950] : memref<1x1x2048xf32, #tpu.memory_space<vmem>>, vector<1x1x2048xf32>
    %get3A_1952 = vector.shape_cast %get3A_1951 : vector<1x1x2048xf32> to vector<2048xf32>
    %swap3A_1953 = arith.constant 195 : index
    %swap3A_1954 = arith.constant 0 : index
    %swap3A_1955 = vector.load %arg258[%swap3A_1953, %swap3A_1954] : memref<256x2048xf32, #tpu.memory_space<vmem>>, vector<1x2048xf32>
    %swap3A_1956 = vector.shape_cast %swap3A_1955 : vector<1x2048xf32> to vector<2048xf32>
    %swap3A_1957 = vector.shape_cast %get3A_1952 : vector<2048xf32> to vector<1x2048xf32>
    tpu.vector_store %arg258[%swap3A_1953, %swap3A_1954], %swap3A_1957 {strides = array<i32>} : memref<256x2048xf32, #tpu.memory_space<vmem>>, vector<1x2048xf32>,
    %get3A_1958 = arith.constant 0 : index
    %get3A_1959 = arith.constant 0 : index
    %get3A_1960 = arith.constant 0 : index
    %get3A_1961 = vector.load %arg198[%get3A_1958, %get3A_1959, %get3A_1960] : memref<1x1x2048xf32, #tpu.memory_space<vmem>>, vector<1x1x2048xf32>
    %get3A_1962 = vector.shape_cast %get3A_1961 : vector<1x1x2048xf32> to vector<2048xf32>
    %swap3A_1963 = arith.constant 196 : index
    %swap3A_1964 = arith.constant 0 : index
    %swap3A_1965 = vector.load %arg258[%swap3A_1963, %swap3A_1964] : memref<256x2048xf32, #tpu.memory_space<vmem>>, vector<1x2048xf32>
    %swap3A_1966 = vector.shape_cast %swap3A_1965 : vector<1x2048xf32> to vector<2048xf32>
    %swap3A_1967 = vector.shape_cast %get3A_1962 : vector<2048xf32> to vector<1x2048xf32>
    tpu.vector_store %arg258[%swap3A_1963, %swap3A_1964], %swap3A_1967 {strides = array<i32>} : memref<256x2048xf32, #tpu.memory_space<vmem>>, vector<1x2048xf32>,
    %get3A_1968 = arith.constant 0 : index
    %get3A_1969 = arith.constant 0 : index
    %get3A_1970 = arith.constant 0 : index
    %get3A_1971 = vector.load %arg199[%get3A_1968, %get3A_1969, %get3A_1970] : memref<1x1x2048xf32, #tpu.memory_space<vmem>>, vector<1x1x2048xf32>
    %get3A_1972 = vector.shape_cast %get3A_1971 : vector<1x1x2048xf32> to vector<2048xf32>
    %swap3A_1973 = arith.constant 197 : index
    %swap3A_1974 = arith.constant 0 : index
    %swap3A_1975 = vector.load %arg258[%swap3A_1973, %swap3A_1974] : memref<256x2048xf32, #tpu.memory_space<vmem>>, vector<1x2048xf32>
    %swap3A_1976 = vector.shape_cast %swap3A_1975 : vector<1x2048xf32> to vector<2048xf32>
    %swap3A_1977 = vector.shape_cast %get3A_1972 : vector<2048xf32> to vector<1x2048xf32>
    tpu.vector_store %arg258[%swap3A_1973, %swap3A_1974], %swap3A_1977 {strides = array<i32>} : memref<256x2048xf32, #tpu.memory_space<vmem>>, vector<1x2048xf32>,
    %get3A_1978 = arith.constant 0 : index
    %get3A_1979 = arith.constant 0 : index
    %get3A_1980 = arith.constant 0 : index
    %get3A_1981 = vector.load %arg200[%get3A_1978, %get3A_1979, %get3A_1980] : memref<1x1x2048xf32, #tpu.memory_space<vmem>>, vector<1x1x2048xf32>
    %get3A_1982 = vector.shape_cast %get3A_1981 : vector<1x1x2048xf32> to vector<2048xf32>
    %swap3A_1983 = arith.constant 198 : index
    %swap3A_1984 = arith.constant 0 : index
    %swap3A_1985 = vector.load %arg258[%swap3A_1983, %swap3A_1984] : memref<256x2048xf32, #tpu.memory_space<vmem>>, vector<1x2048xf32>
    %swap3A_1986 = vector.shape_cast %swap3A_1985 : vector<1x2048xf32> to vector<2048xf32>
    %swap3A_1987 = vector.shape_cast %get3A_1982 : vector<2048xf32> to vector<1x2048xf32>
    tpu.vector_store %arg258[%swap3A_1983, %swap3A_1984], %swap3A_1987 {strides = array<i32>} : memref<256x2048xf32, #tpu.memory_space<vmem>>, vector<1x2048xf32>,
    %get3A_1988 = arith.constant 0 : index
    %get3A_1989 = arith.constant 0 : index
    %get3A_1990 = arith.constant 0 : index
    %get3A_1991 = vector.load %arg201[%get3A_1988, %get3A_1989, %get3A_1990] : memref<1x1x2048xf32, #tpu.memory_space<vmem>>, vector<1x1x2048xf32>
    %get3A_1992 = vector.shape_cast %get3A_1991 : vector<1x1x2048xf32> to vector<2048xf32>
    %swap3A_1993 = arith.constant 199 : index
    %swap3A_1994 = arith.constant 0 : index
    %swap3A_1995 = vector.load %arg258[%swap3A_1993, %swap3A_1994] : memref<256x2048xf32, #tpu.memory_space<vmem>>, vector<1x2048xf32>
    %swap3A_1996 = vector.shape_cast %swap3A_1995 : vector<1x2048xf32> to vector<2048xf32>
    %swap3A_1997 = vector.shape_cast %get3A_1992 : vector<2048xf32> to vector<1x2048xf32>
    tpu.vector_store %arg258[%swap3A_1993, %swap3A_1994], %swap3A_1997 {strides = array<i32>} : memref<256x2048xf32, #tpu.memory_space<vmem>>, vector<1x2048xf32>,
    %get3A_1998 = arith.constant 0 : index
    %get3A_1999 = arith.constant 0 : index
    %get3A_2000 = arith.constant 0 : index
    %get3A_2001 = vector.load %arg202[%get3A_1998, %get3A_1999, %get3A_2000] : memref<1x1x2048xf32, #tpu.memory_space<vmem>>, vector<1x1x2048xf32>
    %get3A_2002 = vector.shape_cast %get3A_2001 : vector<1x1x2048xf32> to vector<2048xf32>
    %swap3A_2003 = arith.constant 200 : index
    %swap3A_2004 = arith.constant 0 : index
    %swap3A_2005 = vector.load %arg258[%swap3A_2003, %swap3A_2004] : memref<256x2048xf32, #tpu.memory_space<vmem>>, vector<1x2048xf32>
    %swap3A_2006 = vector.shape_cast %swap3A_2005 : vector<1x2048xf32> to vector<2048xf32>
    %swap3A_2007 = vector.shape_cast %get3A_2002 : vector<2048xf32> to vector<1x2048xf32>
    tpu.vector_store %arg258[%swap3A_2003, %swap3A_2004], %swap3A_2007 {strides = array<i32>} : memref<256x2048xf32, #tpu.memory_space<vmem>>, vector<1x2048xf32>,
    %get3A_2008 = arith.constant 0 : index
    %get3A_2009 = arith.constant 0 : index
    %get3A_2010 = arith.constant 0 : index
    %get3A_2011 = vector.load %arg203[%get3A_2008, %get3A_2009, %get3A_2010] : memref<1x1x2048xf32, #tpu.memory_space<vmem>>, vector<1x1x2048xf32>
    %get3A_2012 = vector.shape_cast %get3A_2011 : vector<1x1x2048xf32> to vector<2048xf32>
    %swap3A_2013 = arith.constant 201 : index
    %swap3A_2014 = arith.constant 0 : index
    %swap3A_2015 = vector.load %arg258[%swap3A_2013, %swap3A_2014] : memref<256x2048xf32, #tpu.memory_space<vmem>>, vector<1x2048xf32>
    %swap3A_2016 = vector.shape_cast %swap3A_2015 : vector<1x2048xf32> to vector<2048xf32>
    %swap3A_2017 = vector.shape_cast %get3A_2012 : vector<2048xf32> to vector<1x2048xf32>
    tpu.vector_store %arg258[%swap3A_2013, %swap3A_2014], %swap3A_2017 {strides = array<i32>} : memref<256x2048xf32, #tpu.memory_space<vmem>>, vector<1x2048xf32>,
    %get3A_2018 = arith.constant 0 : index
    %get3A_2019 = arith.constant 0 : index
    %get3A_2020 = arith.constant 0 : index
    %get3A_2021 = vector.load %arg204[%get3A_2018, %get3A_2019, %get3A_2020] : memref<1x1x2048xf32, #tpu.memory_space<vmem>>, vector<1x1x2048xf32>
    %get3A_2022 = vector.shape_cast %get3A_2021 : vector<1x1x2048xf32> to vector<2048xf32>
    %swap3A_2023 = arith.constant 202 : index
    %swap3A_2024 = arith.constant 0 : index
    %swap3A_2025 = vector.load %arg258[%swap3A_2023, %swap3A_2024] : memref<256x2048xf32, #tpu.memory_space<vmem>>, vector<1x2048xf32>
    %swap3A_2026 = vector.shape_cast %swap3A_2025 : vector<1x2048xf32> to vector<2048xf32>
    %swap3A_2027 = vector.shape_cast %get3A_2022 : vector<2048xf32> to vector<1x2048xf32>
    tpu.vector_store %arg258[%swap3A_2023, %swap3A_2024], %swap3A_2027 {strides = array<i32>} : memref<256x2048xf32, #tpu.memory_space<vmem>>, vector<1x2048xf32>,
    %get3A_2028 = arith.constant 0 : index
    %get3A_2029 = arith.constant 0 : index
    %get3A_2030 = arith.constant 0 : index
    %get3A_2031 = vector.load %arg205[%get3A_2028, %get3A_2029, %get3A_2030] : memref<1x1x2048xf32, #tpu.memory_space<vmem>>, vector<1x1x2048xf32>
    %get3A_2032 = vector.shape_cast %get3A_2031 : vector<1x1x2048xf32> to vector<2048xf32>
    %swap3A_2033 = arith.constant 203 : index
    %swap3A_2034 = arith.constant 0 : index
    %swap3A_2035 = vector.load %arg258[%swap3A_2033, %swap3A_2034] : memref<256x2048xf32, #tpu.memory_space<vmem>>, vector<1x2048xf32>
    %swap3A_2036 = vector.shape_cast %swap3A_2035 : vector<1x2048xf32> to vector<2048xf32>
    %swap3A_2037 = vector.shape_cast %get3A_2032 : vector<2048xf32> to vector<1x2048xf32>
    tpu.vector_store %arg258[%swap3A_2033, %swap3A_2034], %swap3A_2037 {strides = array<i32>} : memref<256x2048xf32, #tpu.memory_space<vmem>>, vector<1x2048xf32>,
    %get3A_2038 = arith.constant 0 : index
    %get3A_2039 = arith.constant 0 : index
    %get3A_2040 = arith.constant 0 : index
    %get3A_2041 = vector.load %arg206[%get3A_2038, %get3A_2039, %get3A_2040] : memref<1x1x2048xf32, #tpu.memory_space<vmem>>, vector<1x1x2048xf32>
    %get3A_2042 = vector.shape_cast %get3A_2041 : vector<1x1x2048xf32> to vector<2048xf32>
    %swap3A_2043 = arith.constant 204 : index
    %swap3A_2044 = arith.constant 0 : index
    %swap3A_2045 = vector.load %arg258[%swap3A_2043, %swap3A_2044] : memref<256x2048xf32, #tpu.memory_space<vmem>>, vector<1x2048xf32>
    %swap3A_2046 = vector.shape_cast %swap3A_2045 : vector<1x2048xf32> to vector<2048xf32>
    %swap3A_2047 = vector.shape_cast %get3A_2042 : vector<2048xf32> to vector<1x2048xf32>
    tpu.vector_store %arg258[%swap3A_2043, %swap3A_2044], %swap3A_2047 {strides = array<i32>} : memref<256x2048xf32, #tpu.memory_space<vmem>>, vector<1x2048xf32>,
    %get3A_2048 = arith.constant 0 : index
    %get3A_2049 = arith.constant 0 : index
    %get3A_2050 = arith.constant 0 : index
    %get3A_2051 = vector.load %arg207[%get3A_2048, %get3A_2049, %get3A_2050] : memref<1x1x2048xf32, #tpu.memory_space<vmem>>, vector<1x1x2048xf32>
    %get3A_2052 = vector.shape_cast %get3A_2051 : vector<1x1x2048xf32> to vector<2048xf32>
    %swap3A_2053 = arith.constant 205 : index
    %swap3A_2054 = arith.constant 0 : index
    %swap3A_2055 = vector.load %arg258[%swap3A_2053, %swap3A_2054] : memref<256x2048xf32, #tpu.memory_space<vmem>>, vector<1x2048xf32>
    %swap3A_2056 = vector.shape_cast %swap3A_2055 : vector<1x2048xf32> to vector<2048xf32>
    %swap3A_2057 = vector.shape_cast %get3A_2052 : vector<2048xf32> to vector<1x2048xf32>
    tpu.vector_store %arg258[%swap3A_2053, %swap3A_2054], %swap3A_2057 {strides = array<i32>} : memref<256x2048xf32, #tpu.memory_space<vmem>>, vector<1x2048xf32>,
    %get3A_2058 = arith.constant 0 : index
    %get3A_2059 = arith.constant 0 : index
    %get3A_2060 = arith.constant 0 : index
    %get3A_2061 = vector.load %arg208[%get3A_2058, %get3A_2059, %get3A_2060] : memref<1x1x2048xf32, #tpu.memory_space<vmem>>, vector<1x1x2048xf32>
    %get3A_2062 = vector.shape_cast %get3A_2061 : vector<1x1x2048xf32> to vector<2048xf32>
    %swap3A_2063 = arith.constant 206 : index
    %swap3A_2064 = arith.constant 0 : index
    %swap3A_2065 = vector.load %arg258[%swap3A_2063, %swap3A_2064] : memref<256x2048xf32, #tpu.memory_space<vmem>>, vector<1x2048xf32>
    %swap3A_2066 = vector.shape_cast %swap3A_2065 : vector<1x2048xf32> to vector<2048xf32>
    %swap3A_2067 = vector.shape_cast %get3A_2062 : vector<2048xf32> to vector<1x2048xf32>
    tpu.vector_store %arg258[%swap3A_2063, %swap3A_2064], %swap3A_2067 {strides = array<i32>} : memref<256x2048xf32, #tpu.memory_space<vmem>>, vector<1x2048xf32>,
    %get3A_2068 = arith.constant 0 : index
    %get3A_2069 = arith.constant 0 : index
    %get3A_2070 = arith.constant 0 : index
    %get3A_2071 = vector.load %arg209[%get3A_2068, %get3A_2069, %get3A_2070] : memref<1x1x2048xf32, #tpu.memory_space<vmem>>, vector<1x1x2048xf32>
    %get3A_2072 = vector.shape_cast %get3A_2071 : vector<1x1x2048xf32> to vector<2048xf32>
    %swap3A_2073 = arith.constant 207 : index
    %swap3A_2074 = arith.constant 0 : index
    %swap3A_2075 = vector.load %arg258[%swap3A_2073, %swap3A_2074] : memref<256x2048xf32, #tpu.memory_space<vmem>>, vector<1x2048xf32>
    %swap3A_2076 = vector.shape_cast %swap3A_2075 : vector<1x2048xf32> to vector<2048xf32>
    %swap3A_2077 = vector.shape_cast %get3A_2072 : vector<2048xf32> to vector<1x2048xf32>
    tpu.vector_store %arg258[%swap3A_2073, %swap3A_2074], %swap3A_2077 {strides = array<i32>} : memref<256x2048xf32, #tpu.memory_space<vmem>>, vector<1x2048xf32>,
    %get3A_2078 = arith.constant 0 : index
    %get3A_2079 = arith.constant 0 : index
    %get3A_2080 = arith.constant 0 : index
    %get3A_2081 = vector.load %arg210[%get3A_2078, %get3A_2079, %get3A_2080] : memref<1x1x2048xf32, #tpu.memory_space<vmem>>, vector<1x1x2048xf32>
    %get3A_2082 = vector.shape_cast %get3A_2081 : vector<1x1x2048xf32> to vector<2048xf32>
    %swap3A_2083 = arith.constant 208 : index
    %swap3A_2084 = arith.constant 0 : index
    %swap3A_2085 = vector.load %arg258[%swap3A_2083, %swap3A_2084] : memref<256x2048xf32, #tpu.memory_space<vmem>>, vector<1x2048xf32>
    %swap3A_2086 = vector.shape_cast %swap3A_2085 : vector<1x2048xf32> to vector<2048xf32>
    %swap3A_2087 = vector.shape_cast %get3A_2082 : vector<2048xf32> to vector<1x2048xf32>
    tpu.vector_store %arg258[%swap3A_2083, %swap3A_2084], %swap3A_2087 {strides = array<i32>} : memref<256x2048xf32, #tpu.memory_space<vmem>>, vector<1x2048xf32>,
    %get3A_2088 = arith.constant 0 : index
    %get3A_2089 = arith.constant 0 : index
    %get3A_2090 = arith.constant 0 : index
    %get3A_2091 = vector.load %arg211[%get3A_2088, %get3A_2089, %get3A_2090] : memref<1x1x2048xf32, #tpu.memory_space<vmem>>, vector<1x1x2048xf32>
    %get3A_2092 = vector.shape_cast %get3A_2091 : vector<1x1x2048xf32> to vector<2048xf32>
    %swap3A_2093 = arith.constant 209 : index
    %swap3A_2094 = arith.constant 0 : index
    %swap3A_2095 = vector.load %arg258[%swap3A_2093, %swap3A_2094] : memref<256x2048xf32, #tpu.memory_space<vmem>>, vector<1x2048xf32>
    %swap3A_2096 = vector.shape_cast %swap3A_2095 : vector<1x2048xf32> to vector<2048xf32>
    %swap3A_2097 = vector.shape_cast %get3A_2092 : vector<2048xf32> to vector<1x2048xf32>
    tpu.vector_store %arg258[%swap3A_2093, %swap3A_2094], %swap3A_2097 {strides = array<i32>} : memref<256x2048xf32, #tpu.memory_space<vmem>>, vector<1x2048xf32>,
    %get3A_2098 = arith.constant 0 : index
    %get3A_2099 = arith.constant 0 : index
    %get3A_2100 = arith.constant 0 : index
    %get3A_2101 = vector.load %arg212[%get3A_2098, %get3A_2099, %get3A_2100] : memref<1x1x2048xf32, #tpu.memory_space<vmem>>, vector<1x1x2048xf32>
    %get3A_2102 = vector.shape_cast %get3A_2101 : vector<1x1x2048xf32> to vector<2048xf32>
    %swap3A_2103 = arith.constant 210 : index
    %swap3A_2104 = arith.constant 0 : index
    %swap3A_2105 = vector.load %arg258[%swap3A_2103, %swap3A_2104] : memref<256x2048xf32, #tpu.memory_space<vmem>>, vector<1x2048xf32>
    %swap3A_2106 = vector.shape_cast %swap3A_2105 : vector<1x2048xf32> to vector<2048xf32>
    %swap3A_2107 = vector.shape_cast %get3A_2102 : vector<2048xf32> to vector<1x2048xf32>
    tpu.vector_store %arg258[%swap3A_2103, %swap3A_2104], %swap3A_2107 {strides = array<i32>} : memref<256x2048xf32, #tpu.memory_space<vmem>>, vector<1x2048xf32>,
    %get3A_2108 = arith.constant 0 : index
    %get3A_2109 = arith.constant 0 : index
    %get3A_2110 = arith.constant 0 : index
    %get3A_2111 = vector.load %arg213[%get3A_2108, %get3A_2109, %get3A_2110] : memref<1x1x2048xf32, #tpu.memory_space<vmem>>, vector<1x1x2048xf32>
    %get3A_2112 = vector.shape_cast %get3A_2111 : vector<1x1x2048xf32> to vector<2048xf32>
    %swap3A_2113 = arith.constant 211 : index
    %swap3A_2114 = arith.constant 0 : index
    %swap3A_2115 = vector.load %arg258[%swap3A_2113, %swap3A_2114] : memref<256x2048xf32, #tpu.memory_space<vmem>>, vector<1x2048xf32>
    %swap3A_2116 = vector.shape_cast %swap3A_2115 : vector<1x2048xf32> to vector<2048xf32>
    %swap3A_2117 = vector.shape_cast %get3A_2112 : vector<2048xf32> to vector<1x2048xf32>
    tpu.vector_store %arg258[%swap3A_2113, %swap3A_2114], %swap3A_2117 {strides = array<i32>} : memref<256x2048xf32, #tpu.memory_space<vmem>>, vector<1x2048xf32>,
    %get3A_2118 = arith.constant 0 : index
    %get3A_2119 = arith.constant 0 : index
    %get3A_2120 = arith.constant 0 : index
    %get3A_2121 = vector.load %arg214[%get3A_2118, %get3A_2119, %get3A_2120] : memref<1x1x2048xf32, #tpu.memory_space<vmem>>, vector<1x1x2048xf32>
    %get3A_2122 = vector.shape_cast %get3A_2121 : vector<1x1x2048xf32> to vector<2048xf32>
    %swap3A_2123 = arith.constant 212 : index
    %swap3A_2124 = arith.constant 0 : index
    %swap3A_2125 = vector.load %arg258[%swap3A_2123, %swap3A_2124] : memref<256x2048xf32, #tpu.memory_space<vmem>>, vector<1x2048xf32>
    %swap3A_2126 = vector.shape_cast %swap3A_2125 : vector<1x2048xf32> to vector<2048xf32>
    %swap3A_2127 = vector.shape_cast %get3A_2122 : vector<2048xf32> to vector<1x2048xf32>
    tpu.vector_store %arg258[%swap3A_2123, %swap3A_2124], %swap3A_2127 {strides = array<i32>} : memref<256x2048xf32, #tpu.memory_space<vmem>>, vector<1x2048xf32>,
    %get3A_2128 = arith.constant 0 : index
    %get3A_2129 = arith.constant 0 : index
    %get3A_2130 = arith.constant 0 : index
    %get3A_2131 = vector.load %arg215[%get3A_2128, %get3A_2129, %get3A_2130] : memref<1x1x2048xf32, #tpu.memory_space<vmem>>, vector<1x1x2048xf32>
    %get3A_2132 = vector.shape_cast %get3A_2131 : vector<1x1x2048xf32> to vector<2048xf32>
    %swap3A_2133 = arith.constant 213 : index
    %swap3A_2134 = arith.constant 0 : index
    %swap3A_2135 = vector.load %arg258[%swap3A_2133, %swap3A_2134] : memref<256x2048xf32, #tpu.memory_space<vmem>>, vector<1x2048xf32>
    %swap3A_2136 = vector.shape_cast %swap3A_2135 : vector<1x2048xf32> to vector<2048xf32>
    %swap3A_2137 = vector.shape_cast %get3A_2132 : vector<2048xf32> to vector<1x2048xf32>
    tpu.vector_store %arg258[%swap3A_2133, %swap3A_2134], %swap3A_2137 {strides = array<i32>} : memref<256x2048xf32, #tpu.memory_space<vmem>>, vector<1x2048xf32>,
    %get3A_2138 = arith.constant 0 : index
    %get3A_2139 = arith.constant 0 : index
    %get3A_2140 = arith.constant 0 : index
    %get3A_2141 = vector.load %arg216[%get3A_2138, %get3A_2139, %get3A_2140] : memref<1x1x2048xf32, #tpu.memory_space<vmem>>, vector<1x1x2048xf32>
    %get3A_2142 = vector.shape_cast %get3A_2141 : vector<1x1x2048xf32> to vector<2048xf32>
    %swap3A_2143 = arith.constant 214 : index
    %swap3A_2144 = arith.constant 0 : index
    %swap3A_2145 = vector.load %arg258[%swap3A_2143, %swap3A_2144] : memref<256x2048xf32, #tpu.memory_space<vmem>>, vector<1x2048xf32>
    %swap3A_2146 = vector.shape_cast %swap3A_2145 : vector<1x2048xf32> to vector<2048xf32>
    %swap3A_2147 = vector.shape_cast %get3A_2142 : vector<2048xf32> to vector<1x2048xf32>
    tpu.vector_store %arg258[%swap3A_2143, %swap3A_2144], %swap3A_2147 {strides = array<i32>} : memref<256x2048xf32, #tpu.memory_space<vmem>>, vector<1x2048xf32>,
    %get3A_2148 = arith.constant 0 : index
    %get3A_2149 = arith.constant 0 : index
    %get3A_2150 = arith.constant 0 : index
    %get3A_2151 = vector.load %arg217[%get3A_2148, %get3A_2149, %get3A_2150] : memref<1x1x2048xf32, #tpu.memory_space<vmem>>, vector<1x1x2048xf32>
    %get3A_2152 = vector.shape_cast %get3A_2151 : vector<1x1x2048xf32> to vector<2048xf32>
    %swap3A_2153 = arith.constant 215 : index
    %swap3A_2154 = arith.constant 0 : index
    %swap3A_2155 = vector.load %arg258[%swap3A_2153, %swap3A_2154] : memref<256x2048xf32, #tpu.memory_space<vmem>>, vector<1x2048xf32>
    %swap3A_2156 = vector.shape_cast %swap3A_2155 : vector<1x2048xf32> to vector<2048xf32>
    %swap3A_2157 = vector.shape_cast %get3A_2152 : vector<2048xf32> to vector<1x2048xf32>
    tpu.vector_store %arg258[%swap3A_2153, %swap3A_2154], %swap3A_2157 {strides = array<i32>} : memref<256x2048xf32, #tpu.memory_space<vmem>>, vector<1x2048xf32>,
    %get3A_2158 = arith.constant 0 : index
    %get3A_2159 = arith.constant 0 : index
    %get3A_2160 = arith.constant 0 : index
    %get3A_2161 = vector.load %arg218[%get3A_2158, %get3A_2159, %get3A_2160] : memref<1x1x2048xf32, #tpu.memory_space<vmem>>, vector<1x1x2048xf32>
    %get3A_2162 = vector.shape_cast %get3A_2161 : vector<1x1x2048xf32> to vector<2048xf32>
    %swap3A_2163 = arith.constant 216 : index
    %swap3A_2164 = arith.constant 0 : index
    %swap3A_2165 = vector.load %arg258[%swap3A_2163, %swap3A_2164] : memref<256x2048xf32, #tpu.memory_space<vmem>>, vector<1x2048xf32>
    %swap3A_2166 = vector.shape_cast %swap3A_2165 : vector<1x2048xf32> to vector<2048xf32>
    %swap3A_2167 = vector.shape_cast %get3A_2162 : vector<2048xf32> to vector<1x2048xf32>
    tpu.vector_store %arg258[%swap3A_2163, %swap3A_2164], %swap3A_2167 {strides = array<i32>} : memref<256x2048xf32, #tpu.memory_space<vmem>>, vector<1x2048xf32>,
    %get3A_2168 = arith.constant 0 : index
    %get3A_2169 = arith.constant 0 : index
    %get3A_2170 = arith.constant 0 : index
    %get3A_2171 = vector.load %arg219[%get3A_2168, %get3A_2169, %get3A_2170] : memref<1x1x2048xf32, #tpu.memory_space<vmem>>, vector<1x1x2048xf32>
    %get3A_2172 = vector.shape_cast %get3A_2171 : vector<1x1x2048xf32> to vector<2048xf32>
    %swap3A_2173 = arith.constant 217 : index
    %swap3A_2174 = arith.constant 0 : index
    %swap3A_2175 = vector.load %arg258[%swap3A_2173, %swap3A_2174] : memref<256x2048xf32, #tpu.memory_space<vmem>>, vector<1x2048xf32>
    %swap3A_2176 = vector.shape_cast %swap3A_2175 : vector<1x2048xf32> to vector<2048xf32>
    %swap3A_2177 = vector.shape_cast %get3A_2172 : vector<2048xf32> to vector<1x2048xf32>
    tpu.vector_store %arg258[%swap3A_2173, %swap3A_2174], %swap3A_2177 {strides = array<i32>} : memref<256x2048xf32, #tpu.memory_space<vmem>>, vector<1x2048xf32>,
    %get3A_2178 = arith.constant 0 : index
    %get3A_2179 = arith.constant 0 : index
    %get3A_2180 = arith.constant 0 : index
    %get3A_2181 = vector.load %arg220[%get3A_2178, %get3A_2179, %get3A_2180] : memref<1x1x2048xf32, #tpu.memory_space<vmem>>, vector<1x1x2048xf32>
    %get3A_2182 = vector.shape_cast %get3A_2181 : vector<1x1x2048xf32> to vector<2048xf32>
    %swap3A_2183 = arith.constant 218 : index
    %swap3A_2184 = arith.constant 0 : index
    %swap3A_2185 = vector.load %arg258[%swap3A_2183, %swap3A_2184] : memref<256x2048xf32, #tpu.memory_space<vmem>>, vector<1x2048xf32>
    %swap3A_2186 = vector.shape_cast %swap3A_2185 : vector<1x2048xf32> to vector<2048xf32>
    %swap3A_2187 = vector.shape_cast %get3A_2182 : vector<2048xf32> to vector<1x2048xf32>
    tpu.vector_store %arg258[%swap3A_2183, %swap3A_2184], %swap3A_2187 {strides = array<i32>} : memref<256x2048xf32, #tpu.memory_space<vmem>>, vector<1x2048xf32>,
    %get3A_2188 = arith.constant 0 : index
    %get3A_2189 = arith.constant 0 : index
    %get3A_2190 = arith.constant 0 : index
    %get3A_2191 = vector.load %arg221[%get3A_2188, %get3A_2189, %get3A_2190] : memref<1x1x2048xf32, #tpu.memory_space<vmem>>, vector<1x1x2048xf32>
    %get3A_2192 = vector.shape_cast %get3A_2191 : vector<1x1x2048xf32> to vector<2048xf32>
    %swap3A_2193 = arith.constant 219 : index
    %swap3A_2194 = arith.constant 0 : index
    %swap3A_2195 = vector.load %arg258[%swap3A_2193, %swap3A_2194] : memref<256x2048xf32, #tpu.memory_space<vmem>>, vector<1x2048xf32>
    %swap3A_2196 = vector.shape_cast %swap3A_2195 : vector<1x2048xf32> to vector<2048xf32>
    %swap3A_2197 = vector.shape_cast %get3A_2192 : vector<2048xf32> to vector<1x2048xf32>
    tpu.vector_store %arg258[%swap3A_2193, %swap3A_2194], %swap3A_2197 {strides = array<i32>} : memref<256x2048xf32, #tpu.memory_space<vmem>>, vector<1x2048xf32>,
    %get3A_2198 = arith.constant 0 : index
    %get3A_2199 = arith.constant 0 : index
    %get3A_2200 = arith.constant 0 : index
    %get3A_2201 = vector.load %arg222[%get3A_2198, %get3A_2199, %get3A_2200] : memref<1x1x2048xf32, #tpu.memory_space<vmem>>, vector<1x1x2048xf32>
    %get3A_2202 = vector.shape_cast %get3A_2201 : vector<1x1x2048xf32> to vector<2048xf32>
    %swap3A_2203 = arith.constant 220 : index
    %swap3A_2204 = arith.constant 0 : index
    %swap3A_2205 = vector.load %arg258[%swap3A_2203, %swap3A_2204] : memref<256x2048xf32, #tpu.memory_space<vmem>>, vector<1x2048xf32>
    %swap3A_2206 = vector.shape_cast %swap3A_2205 : vector<1x2048xf32> to vector<2048xf32>
    %swap3A_2207 = vector.shape_cast %get3A_2202 : vector<2048xf32> to vector<1x2048xf32>
    tpu.vector_store %arg258[%swap3A_2203, %swap3A_2204], %swap3A_2207 {strides = array<i32>} : memref<256x2048xf32, #tpu.memory_space<vmem>>, vector<1x2048xf32>,
    %get3A_2208 = arith.constant 0 : index
    %get3A_2209 = arith.constant 0 : index
    %get3A_2210 = arith.constant 0 : index
    %get3A_2211 = vector.load %arg223[%get3A_2208, %get3A_2209, %get3A_2210] : memref<1x1x2048xf32, #tpu.memory_space<vmem>>, vector<1x1x2048xf32>
    %get3A_2212 = vector.shape_cast %get3A_2211 : vector<1x1x2048xf32> to vector<2048xf32>
    %swap3A_2213 = arith.constant 221 : index
    %swap3A_2214 = arith.constant 0 : index
    %swap3A_2215 = vector.load %arg258[%swap3A_2213, %swap3A_2214] : memref<256x2048xf32, #tpu.memory_space<vmem>>, vector<1x2048xf32>
    %swap3A_2216 = vector.shape_cast %swap3A_2215 : vector<1x2048xf32> to vector<2048xf32>
    %swap3A_2217 = vector.shape_cast %get3A_2212 : vector<2048xf32> to vector<1x2048xf32>
    tpu.vector_store %arg258[%swap3A_2213, %swap3A_2214], %swap3A_2217 {strides = array<i32>} : memref<256x2048xf32, #tpu.memory_space<vmem>>, vector<1x2048xf32>,
    %get3A_2218 = arith.constant 0 : index
    %get3A_2219 = arith.constant 0 : index
    %get3A_2220 = arith.constant 0 : index
    %get3A_2221 = vector.load %arg224[%get3A_2218, %get3A_2219, %get3A_2220] : memref<1x1x2048xf32, #tpu.memory_space<vmem>>, vector<1x1x2048xf32>
    %get3A_2222 = vector.shape_cast %get3A_2221 : vector<1x1x2048xf32> to vector<2048xf32>
    %swap3A_2223 = arith.constant 222 : index
    %swap3A_2224 = arith.constant 0 : index
    %swap3A_2225 = vector.load %arg258[%swap3A_2223, %swap3A_2224] : memref<256x2048xf32, #tpu.memory_space<vmem>>, vector<1x2048xf32>
    %swap3A_2226 = vector.shape_cast %swap3A_2225 : vector<1x2048xf32> to vector<2048xf32>
    %swap3A_2227 = vector.shape_cast %get3A_2222 : vector<2048xf32> to vector<1x2048xf32>
    tpu.vector_store %arg258[%swap3A_2223, %swap3A_2224], %swap3A_2227 {strides = array<i32>} : memref<256x2048xf32, #tpu.memory_space<vmem>>, vector<1x2048xf32>,
    %get3A_2228 = arith.constant 0 : index
    %get3A_2229 = arith.constant 0 : index
    %get3A_2230 = arith.constant 0 : index
    %get3A_2231 = vector.load %arg225[%get3A_2228, %get3A_2229, %get3A_2230] : memref<1x1x2048xf32, #tpu.memory_space<vmem>>, vector<1x1x2048xf32>
    %get3A_2232 = vector.shape_cast %get3A_2231 : vector<1x1x2048xf32> to vector<2048xf32>
    %swap3A_2233 = arith.constant 223 : index
    %swap3A_2234 = arith.constant 0 : index
    %swap3A_2235 = vector.load %arg258[%swap3A_2233, %swap3A_2234] : memref<256x2048xf32, #tpu.memory_space<vmem>>, vector<1x2048xf32>
    %swap3A_2236 = vector.shape_cast %swap3A_2235 : vector<1x2048xf32> to vector<2048xf32>
    %swap3A_2237 = vector.shape_cast %get3A_2232 : vector<2048xf32> to vector<1x2048xf32>
    tpu.vector_store %arg258[%swap3A_2233, %swap3A_2234], %swap3A_2237 {strides = array<i32>} : memref<256x2048xf32, #tpu.memory_space<vmem>>, vector<1x2048xf32>,
    %get3A_2238 = arith.constant 0 : index
    %get3A_2239 = arith.constant 0 : index
    %get3A_2240 = arith.constant 0 : index
    %get3A_2241 = vector.load %arg226[%get3A_2238, %get3A_2239, %get3A_2240] : memref<1x1x2048xf32, #tpu.memory_space<vmem>>, vector<1x1x2048xf32>
    %get3A_2242 = vector.shape_cast %get3A_2241 : vector<1x1x2048xf32> to vector<2048xf32>
    %swap3A_2243 = arith.constant 224 : index
    %swap3A_2244 = arith.constant 0 : index
    %swap3A_2245 = vector.load %arg258[%swap3A_2243, %swap3A_2244] : memref<256x2048xf32, #tpu.memory_space<vmem>>, vector<1x2048xf32>
    %swap3A_2246 = vector.shape_cast %swap3A_2245 : vector<1x2048xf32> to vector<2048xf32>
    %swap3A_2247 = vector.shape_cast %get3A_2242 : vector<2048xf32> to vector<1x2048xf32>
    tpu.vector_store %arg258[%swap3A_2243, %swap3A_2244], %swap3A_2247 {strides = array<i32>} : memref<256x2048xf32, #tpu.memory_space<vmem>>, vector<1x2048xf32>,
    %get3A_2248 = arith.constant 0 : index
    %get3A_2249 = arith.constant 0 : index
    %get3A_2250 = arith.constant 0 : index
    %get3A_2251 = vector.load %arg227[%get3A_2248, %get3A_2249, %get3A_2250] : memref<1x1x2048xf32, #tpu.memory_space<vmem>>, vector<1x1x2048xf32>
    %get3A_2252 = vector.shape_cast %get3A_2251 : vector<1x1x2048xf32> to vector<2048xf32>
    %swap3A_2253 = arith.constant 225 : index
    %swap3A_2254 = arith.constant 0 : index
    %swap3A_2255 = vector.load %arg258[%swap3A_2253, %swap3A_2254] : memref<256x2048xf32, #tpu.memory_space<vmem>>, vector<1x2048xf32>
    %swap3A_2256 = vector.shape_cast %swap3A_2255 : vector<1x2048xf32> to vector<2048xf32>
    %swap3A_2257 = vector.shape_cast %get3A_2252 : vector<2048xf32> to vector<1x2048xf32>
    tpu.vector_store %arg258[%swap3A_2253, %swap3A_2254], %swap3A_2257 {strides = array<i32>} : memref<256x2048xf32, #tpu.memory_space<vmem>>, vector<1x2048xf32>,
    %get3A_2258 = arith.constant 0 : index
    %get3A_2259 = arith.constant 0 : index
    %get3A_2260 = arith.constant 0 : index
    %get3A_2261 = vector.load %arg228[%get3A_2258, %get3A_2259, %get3A_2260] : memref<1x1x2048xf32, #tpu.memory_space<vmem>>, vector<1x1x2048xf32>
    %get3A_2262 = vector.shape_cast %get3A_2261 : vector<1x1x2048xf32> to vector<2048xf32>
    %swap3A_2263 = arith.constant 226 : index
    %swap3A_2264 = arith.constant 0 : index
    %swap3A_2265 = vector.load %arg258[%swap3A_2263, %swap3A_2264] : memref<256x2048xf32, #tpu.memory_space<vmem>>, vector<1x2048xf32>
    %swap3A_2266 = vector.shape_cast %swap3A_2265 : vector<1x2048xf32> to vector<2048xf32>
    %swap3A_2267 = vector.shape_cast %get3A_2262 : vector<2048xf32> to vector<1x2048xf32>
    tpu.vector_store %arg258[%swap3A_2263, %swap3A_2264], %swap3A_2267 {strides = array<i32>} : memref<256x2048xf32, #tpu.memory_space<vmem>>, vector<1x2048xf32>,
    %get3A_2268 = arith.constant 0 : index
    %get3A_2269 = arith.constant 0 : index
    %get3A_2270 = arith.constant 0 : index
    %get3A_2271 = vector.load %arg229[%get3A_2268, %get3A_2269, %get3A_2270] : memref<1x1x2048xf32, #tpu.memory_space<vmem>>, vector<1x1x2048xf32>
    %get3A_2272 = vector.shape_cast %get3A_2271 : vector<1x1x2048xf32> to vector<2048xf32>
    %swap3A_2273 = arith.constant 227 : index
    %swap3A_2274 = arith.constant 0 : index
    %swap3A_2275 = vector.load %arg258[%swap3A_2273, %swap3A_2274] : memref<256x2048xf32, #tpu.memory_space<vmem>>, vector<1x2048xf32>
    %swap3A_2276 = vector.shape_cast %swap3A_2275 : vector<1x2048xf32> to vector<2048xf32>
    %swap3A_2277 = vector.shape_cast %get3A_2272 : vector<2048xf32> to vector<1x2048xf32>
    tpu.vector_store %arg258[%swap3A_2273, %swap3A_2274], %swap3A_2277 {strides = array<i32>} : memref<256x2048xf32, #tpu.memory_space<vmem>>, vector<1x2048xf32>,
    %get3A_2278 = arith.constant 0 : index
    %get3A_2279 = arith.constant 0 : index
    %get3A_2280 = arith.constant 0 : index
    %get3A_2281 = vector.load %arg230[%get3A_2278, %get3A_2279, %get3A_2280] : memref<1x1x2048xf32, #tpu.memory_space<vmem>>, vector<1x1x2048xf32>
    %get3A_2282 = vector.shape_cast %get3A_2281 : vector<1x1x2048xf32> to vector<2048xf32>
    %swap3A_2283 = arith.constant 228 : index
    %swap3A_2284 = arith.constant 0 : index
    %swap3A_2285 = vector.load %arg258[%swap3A_2283, %swap3A_2284] : memref<256x2048xf32, #tpu.memory_space<vmem>>, vector<1x2048xf32>
    %swap3A_2286 = vector.shape_cast %swap3A_2285 : vector<1x2048xf32> to vector<2048xf32>
    %swap3A_2287 = vector.shape_cast %get3A_2282 : vector<2048xf32> to vector<1x2048xf32>
    tpu.vector_store %arg258[%swap3A_2283, %swap3A_2284], %swap3A_2287 {strides = array<i32>} : memref<256x2048xf32, #tpu.memory_space<vmem>>, vector<1x2048xf32>,
    %get3A_2288 = arith.constant 0 : index
    %get3A_2289 = arith.constant 0 : index
    %get3A_2290 = arith.constant 0 : index
    %get3A_2291 = vector.load %arg231[%get3A_2288, %get3A_2289, %get3A_2290] : memref<1x1x2048xf32, #tpu.memory_space<vmem>>, vector<1x1x2048xf32>
    %get3A_2292 = vector.shape_cast %get3A_2291 : vector<1x1x2048xf32> to vector<2048xf32>
    %swap3A_2293 = arith.constant 229 : index
    %swap3A_2294 = arith.constant 0 : index
    %swap3A_2295 = vector.load %arg258[%swap3A_2293, %swap3A_2294] : memref<256x2048xf32, #tpu.memory_space<vmem>>, vector<1x2048xf32>
    %swap3A_2296 = vector.shape_cast %swap3A_2295 : vector<1x2048xf32> to vector<2048xf32>
    %swap3A_2297 = vector.shape_cast %get3A_2292 : vector<2048xf32> to vector<1x2048xf32>
    tpu.vector_store %arg258[%swap3A_2293, %swap3A_2294], %swap3A_2297 {strides = array<i32>} : memref<256x2048xf32, #tpu.memory_space<vmem>>, vector<1x2048xf32>,
    %get3A_2298 = arith.constant 0 : index
    %get3A_2299 = arith.constant 0 : index
    %get3A_2300 = arith.constant 0 : index
    %get3A_2301 = vector.load %arg232[%get3A_2298, %get3A_2299, %get3A_2300] : memref<1x1x2048xf32, #tpu.memory_space<vmem>>, vector<1x1x2048xf32>
    %get3A_2302 = vector.shape_cast %get3A_2301 : vector<1x1x2048xf32> to vector<2048xf32>
    %swap3A_2303 = arith.constant 230 : index
    %swap3A_2304 = arith.constant 0 : index
    %swap3A_2305 = vector.load %arg258[%swap3A_2303, %swap3A_2304] : memref<256x2048xf32, #tpu.memory_space<vmem>>, vector<1x2048xf32>
    %swap3A_2306 = vector.shape_cast %swap3A_2305 : vector<1x2048xf32> to vector<2048xf32>
    %swap3A_2307 = vector.shape_cast %get3A_2302 : vector<2048xf32> to vector<1x2048xf32>
    tpu.vector_store %arg258[%swap3A_2303, %swap3A_2304], %swap3A_2307 {strides = array<i32>} : memref<256x2048xf32, #tpu.memory_space<vmem>>, vector<1x2048xf32>,
    %get3A_2308 = arith.constant 0 : index
    %get3A_2309 = arith.constant 0 : index
    %get3A_2310 = arith.constant 0 : index
    %get3A_2311 = vector.load %arg233[%get3A_2308, %get3A_2309, %get3A_2310] : memref<1x1x2048xf32, #tpu.memory_space<vmem>>, vector<1x1x2048xf32>
    %get3A_2312 = vector.shape_cast %get3A_2311 : vector<1x1x2048xf32> to vector<2048xf32>
    %swap3A_2313 = arith.constant 231 : index
    %swap3A_2314 = arith.constant 0 : index
    %swap3A_2315 = vector.load %arg258[%swap3A_2313, %swap3A_2314] : memref<256x2048xf32, #tpu.memory_space<vmem>>, vector<1x2048xf32>
    %swap3A_2316 = vector.shape_cast %swap3A_2315 : vector<1x2048xf32> to vector<2048xf32>
    %swap3A_2317 = vector.shape_cast %get3A_2312 : vector<2048xf32> to vector<1x2048xf32>
    tpu.vector_store %arg258[%swap3A_2313, %swap3A_2314], %swap3A_2317 {strides = array<i32>} : memref<256x2048xf32, #tpu.memory_space<vmem>>, vector<1x2048xf32>,
    %get3A_2318 = arith.constant 0 : index
    %get3A_2319 = arith.constant 0 : index
    %get3A_2320 = arith.constant 0 : index
    %get3A_2321 = vector.load %arg234[%get3A_2318, %get3A_2319, %get3A_2320] : memref<1x1x2048xf32, #tpu.memory_space<vmem>>, vector<1x1x2048xf32>
    %get3A_2322 = vector.shape_cast %get3A_2321 : vector<1x1x2048xf32> to vector<2048xf32>
    %swap3A_2323 = arith.constant 232 : index
    %swap3A_2324 = arith.constant 0 : index
    %swap3A_2325 = vector.load %arg258[%swap3A_2323, %swap3A_2324] : memref<256x2048xf32, #tpu.memory_space<vmem>>, vector<1x2048xf32>
    %swap3A_2326 = vector.shape_cast %swap3A_2325 : vector<1x2048xf32> to vector<2048xf32>
    %swap3A_2327 = vector.shape_cast %get3A_2322 : vector<2048xf32> to vector<1x2048xf32>
    tpu.vector_store %arg258[%swap3A_2323, %swap3A_2324], %swap3A_2327 {strides = array<i32>} : memref<256x2048xf32, #tpu.memory_space<vmem>>, vector<1x2048xf32>,
    %get3A_2328 = arith.constant 0 : index
    %get3A_2329 = arith.constant 0 : index
    %get3A_2330 = arith.constant 0 : index
    %get3A_2331 = vector.load %arg235[%get3A_2328, %get3A_2329, %get3A_2330] : memref<1x1x2048xf32, #tpu.memory_space<vmem>>, vector<1x1x2048xf32>
    %get3A_2332 = vector.shape_cast %get3A_2331 : vector<1x1x2048xf32> to vector<2048xf32>
    %swap3A_2333 = arith.constant 233 : index
    %swap3A_2334 = arith.constant 0 : index
    %swap3A_2335 = vector.load %arg258[%swap3A_2333, %swap3A_2334] : memref<256x2048xf32, #tpu.memory_space<vmem>>, vector<1x2048xf32>
    %swap3A_2336 = vector.shape_cast %swap3A_2335 : vector<1x2048xf32> to vector<2048xf32>
    %swap3A_2337 = vector.shape_cast %get3A_2332 : vector<2048xf32> to vector<1x2048xf32>
    tpu.vector_store %arg258[%swap3A_2333, %swap3A_2334], %swap3A_2337 {strides = array<i32>} : memref<256x2048xf32, #tpu.memory_space<vmem>>, vector<1x2048xf32>,
    %get3A_2338 = arith.constant 0 : index
    %get3A_2339 = arith.constant 0 : index
    %get3A_2340 = arith.constant 0 : index
    %get3A_2341 = vector.load %arg236[%get3A_2338, %get3A_2339, %get3A_2340] : memref<1x1x2048xf32, #tpu.memory_space<vmem>>, vector<1x1x2048xf32>
    %get3A_2342 = vector.shape_cast %get3A_2341 : vector<1x1x2048xf32> to vector<2048xf32>
    %swap3A_2343 = arith.constant 234 : index
    %swap3A_2344 = arith.constant 0 : index
    %swap3A_2345 = vector.load %arg258[%swap3A_2343, %swap3A_2344] : memref<256x2048xf32, #tpu.memory_space<vmem>>, vector<1x2048xf32>
    %swap3A_2346 = vector.shape_cast %swap3A_2345 : vector<1x2048xf32> to vector<2048xf32>
    %swap3A_2347 = vector.shape_cast %get3A_2342 : vector<2048xf32> to vector<1x2048xf32>
    tpu.vector_store %arg258[%swap3A_2343, %swap3A_2344], %swap3A_2347 {strides = array<i32>} : memref<256x2048xf32, #tpu.memory_space<vmem>>, vector<1x2048xf32>,
    %get3A_2348 = arith.constant 0 : index
    %get3A_2349 = arith.constant 0 : index
    %get3A_2350 = arith.constant 0 : index
    %get3A_2351 = vector.load %arg237[%get3A_2348, %get3A_2349, %get3A_2350] : memref<1x1x2048xf32, #tpu.memory_space<vmem>>, vector<1x1x2048xf32>
    %get3A_2352 = vector.shape_cast %get3A_2351 : vector<1x1x2048xf32> to vector<2048xf32>
    %swap3A_2353 = arith.constant 235 : index
    %swap3A_2354 = arith.constant 0 : index
    %swap3A_2355 = vector.load %arg258[%swap3A_2353, %swap3A_2354] : memref<256x2048xf32, #tpu.memory_space<vmem>>, vector<1x2048xf32>
    %swap3A_2356 = vector.shape_cast %swap3A_2355 : vector<1x2048xf32> to vector<2048xf32>
    %swap3A_2357 = vector.shape_cast %get3A_2352 : vector<2048xf32> to vector<1x2048xf32>
    tpu.vector_store %arg258[%swap3A_2353, %swap3A_2354], %swap3A_2357 {strides = array<i32>} : memref<256x2048xf32, #tpu.memory_space<vmem>>, vector<1x2048xf32>,
    %get3A_2358 = arith.constant 0 : index
    %get3A_2359 = arith.constant 0 : index
    %get3A_2360 = arith.constant 0 : index
    %get3A_2361 = vector.load %arg238[%get3A_2358, %get3A_2359, %get3A_2360] : memref<1x1x2048xf32, #tpu.memory_space<vmem>>, vector<1x1x2048xf32>
    %get3A_2362 = vector.shape_cast %get3A_2361 : vector<1x1x2048xf32> to vector<2048xf32>
    %swap3A_2363 = arith.constant 236 : index
    %swap3A_2364 = arith.constant 0 : index
    %swap3A_2365 = vector.load %arg258[%swap3A_2363, %swap3A_2364] : memref<256x2048xf32, #tpu.memory_space<vmem>>, vector<1x2048xf32>
    %swap3A_2366 = vector.shape_cast %swap3A_2365 : vector<1x2048xf32> to vector<2048xf32>
    %swap3A_2367 = vector.shape_cast %get3A_2362 : vector<2048xf32> to vector<1x2048xf32>
    tpu.vector_store %arg258[%swap3A_2363, %swap3A_2364], %swap3A_2367 {strides = array<i32>} : memref<256x2048xf32, #tpu.memory_space<vmem>>, vector<1x2048xf32>,
    %get3A_2368 = arith.constant 0 : index
    %get3A_2369 = arith.constant 0 : index
    %get3A_2370 = arith.constant 0 : index
    %get3A_2371 = vector.load %arg239[%get3A_2368, %get3A_2369, %get3A_2370] : memref<1x1x2048xf32, #tpu.memory_space<vmem>>, vector<1x1x2048xf32>
    %get3A_2372 = vector.shape_cast %get3A_2371 : vector<1x1x2048xf32> to vector<2048xf32>
    %swap3A_2373 = arith.constant 237 : index
    %swap3A_2374 = arith.constant 0 : index
    %swap3A_2375 = vector.load %arg258[%swap3A_2373, %swap3A_2374] : memref<256x2048xf32, #tpu.memory_space<vmem>>, vector<1x2048xf32>
    %swap3A_2376 = vector.shape_cast %swap3A_2375 : vector<1x2048xf32> to vector<2048xf32>
    %swap3A_2377 = vector.shape_cast %get3A_2372 : vector<2048xf32> to vector<1x2048xf32>
    tpu.vector_store %arg258[%swap3A_2373, %swap3A_2374], %swap3A_2377 {strides = array<i32>} : memref<256x2048xf32, #tpu.memory_space<vmem>>, vector<1x2048xf32>,
    %get3A_2378 = arith.constant 0 : index
    %get3A_2379 = arith.constant 0 : index
    %get3A_2380 = arith.constant 0 : index
    %get3A_2381 = vector.load %arg240[%get3A_2378, %get3A_2379, %get3A_2380] : memref<1x1x2048xf32, #tpu.memory_space<vmem>>, vector<1x1x2048xf32>
    %get3A_2382 = vector.shape_cast %get3A_2381 : vector<1x1x2048xf32> to vector<2048xf32>
    %swap3A_2383 = arith.constant 238 : index
    %swap3A_2384 = arith.constant 0 : index
    %swap3A_2385 = vector.load %arg258[%swap3A_2383, %swap3A_2384] : memref<256x2048xf32, #tpu.memory_space<vmem>>, vector<1x2048xf32>
    %swap3A_2386 = vector.shape_cast %swap3A_2385 : vector<1x2048xf32> to vector<2048xf32>
    %swap3A_2387 = vector.shape_cast %get3A_2382 : vector<2048xf32> to vector<1x2048xf32>
    tpu.vector_store %arg258[%swap3A_2383, %swap3A_2384], %swap3A_2387 {strides = array<i32>} : memref<256x2048xf32, #tpu.memory_space<vmem>>, vector<1x2048xf32>,
    %get3A_2388 = arith.constant 0 : index
    %get3A_2389 = arith.constant 0 : index
    %get3A_2390 = arith.constant 0 : index
    %get3A_2391 = vector.load %arg241[%get3A_2388, %get3A_2389, %get3A_2390] : memref<1x1x2048xf32, #tpu.memory_space<vmem>>, vector<1x1x2048xf32>
    %get3A_2392 = vector.shape_cast %get3A_2391 : vector<1x1x2048xf32> to vector<2048xf32>
    %swap3A_2393 = arith.constant 239 : index
    %swap3A_2394 = arith.constant 0 : index
    %swap3A_2395 = vector.load %arg258[%swap3A_2393, %swap3A_2394] : memref<256x2048xf32, #tpu.memory_space<vmem>>, vector<1x2048xf32>
    %swap3A_2396 = vector.shape_cast %swap3A_2395 : vector<1x2048xf32> to vector<2048xf32>
    %swap3A_2397 = vector.shape_cast %get3A_2392 : vector<2048xf32> to vector<1x2048xf32>
    tpu.vector_store %arg258[%swap3A_2393, %swap3A_2394], %swap3A_2397 {strides = array<i32>} : memref<256x2048xf32, #tpu.memory_space<vmem>>, vector<1x2048xf32>,
    %get3A_2398 = arith.constant 0 : index
    %get3A_2399 = arith.constant 0 : index
    %get3A_2400 = arith.constant 0 : index
    %get3A_2401 = vector.load %arg242[%get3A_2398, %get3A_2399, %get3A_2400] : memref<1x1x2048xf32, #tpu.memory_space<vmem>>, vector<1x1x2048xf32>
    %get3A_2402 = vector.shape_cast %get3A_2401 : vector<1x1x2048xf32> to vector<2048xf32>
    %swap3A_2403 = arith.constant 240 : index
    %swap3A_2404 = arith.constant 0 : index
    %swap3A_2405 = vector.load %arg258[%swap3A_2403, %swap3A_2404] : memref<256x2048xf32, #tpu.memory_space<vmem>>, vector<1x2048xf32>
    %swap3A_2406 = vector.shape_cast %swap3A_2405 : vector<1x2048xf32> to vector<2048xf32>
    %swap3A_2407 = vector.shape_cast %get3A_2402 : vector<2048xf32> to vector<1x2048xf32>
    tpu.vector_store %arg258[%swap3A_2403, %swap3A_2404], %swap3A_2407 {strides = array<i32>} : memref<256x2048xf32, #tpu.memory_space<vmem>>, vector<1x2048xf32>,
    %get3A_2408 = arith.constant 0 : index
    %get3A_2409 = arith.constant 0 : index
    %get3A_2410 = arith.constant 0 : index
    %get3A_2411 = vector.load %arg243[%get3A_2408, %get3A_2409, %get3A_2410] : memref<1x1x2048xf32, #tpu.memory_space<vmem>>, vector<1x1x2048xf32>
    %get3A_2412 = vector.shape_cast %get3A_2411 : vector<1x1x2048xf32> to vector<2048xf32>
    %swap3A_2413 = arith.constant 241 : index
    %swap3A_2414 = arith.constant 0 : index
    %swap3A_2415 = vector.load %arg258[%swap3A_2413, %swap3A_2414] : memref<256x2048xf32, #tpu.memory_space<vmem>>, vector<1x2048xf32>
    %swap3A_2416 = vector.shape_cast %swap3A_2415 : vector<1x2048xf32> to vector<2048xf32>
    %swap3A_2417 = vector.shape_cast %get3A_2412 : vector<2048xf32> to vector<1x2048xf32>
    tpu.vector_store %arg258[%swap3A_2413, %swap3A_2414], %swap3A_2417 {strides = array<i32>} : memref<256x2048xf32, #tpu.memory_space<vmem>>, vector<1x2048xf32>,
    %get3A_2418 = arith.constant 0 : index
    %get3A_2419 = arith.constant 0 : index
    %get3A_2420 = arith.constant 0 : index
    %get3A_2421 = vector.load %arg244[%get3A_2418, %get3A_2419, %get3A_2420] : memref<1x1x2048xf32, #tpu.memory_space<vmem>>, vector<1x1x2048xf32>
    %get3A_2422 = vector.shape_cast %get3A_2421 : vector<1x1x2048xf32> to vector<2048xf32>
    %swap3A_2423 = arith.constant 242 : index
    %swap3A_2424 = arith.constant 0 : index
    %swap3A_2425 = vector.load %arg258[%swap3A_2423, %swap3A_2424] : memref<256x2048xf32, #tpu.memory_space<vmem>>, vector<1x2048xf32>
    %swap3A_2426 = vector.shape_cast %swap3A_2425 : vector<1x2048xf32> to vector<2048xf32>
    %swap3A_2427 = vector.shape_cast %get3A_2422 : vector<2048xf32> to vector<1x2048xf32>
    tpu.vector_store %arg258[%swap3A_2423, %swap3A_2424], %swap3A_2427 {strides = array<i32>} : memref<256x2048xf32, #tpu.memory_space<vmem>>, vector<1x2048xf32>,
    %get3A_2428 = arith.constant 0 : index
    %get3A_2429 = arith.constant 0 : index
    %get3A_2430 = arith.constant 0 : index
    %get3A_2431 = vector.load %arg245[%get3A_2428, %get3A_2429, %get3A_2430] : memref<1x1x2048xf32, #tpu.memory_space<vmem>>, vector<1x1x2048xf32>
    %get3A_2432 = vector.shape_cast %get3A_2431 : vector<1x1x2048xf32> to vector<2048xf32>
    %swap3A_2433 = arith.constant 243 : index
    %swap3A_2434 = arith.constant 0 : index
    %swap3A_2435 = vector.load %arg258[%swap3A_2433, %swap3A_2434] : memref<256x2048xf32, #tpu.memory_space<vmem>>, vector<1x2048xf32>
    %swap3A_2436 = vector.shape_cast %swap3A_2435 : vector<1x2048xf32> to vector<2048xf32>
    %swap3A_2437 = vector.shape_cast %get3A_2432 : vector<2048xf32> to vector<1x2048xf32>
    tpu.vector_store %arg258[%swap3A_2433, %swap3A_2434], %swap3A_2437 {strides = array<i32>} : memref<256x2048xf32, #tpu.memory_space<vmem>>, vector<1x2048xf32>,
    %get3A_2438 = arith.constant 0 : index
    %get3A_2439 = arith.constant 0 : index
    %get3A_2440 = arith.constant 0 : index
    %get3A_2441 = vector.load %arg246[%get3A_2438, %get3A_2439, %get3A_2440] : memref<1x1x2048xf32, #tpu.memory_space<vmem>>, vector<1x1x2048xf32>
    %get3A_2442 = vector.shape_cast %get3A_2441 : vector<1x1x2048xf32> to vector<2048xf32>
    %swap3A_2443 = arith.constant 244 : index
    %swap3A_2444 = arith.constant 0 : index
    %swap3A_2445 = vector.load %arg258[%swap3A_2443, %swap3A_2444] : memref<256x2048xf32, #tpu.memory_space<vmem>>, vector<1x2048xf32>
    %swap3A_2446 = vector.shape_cast %swap3A_2445 : vector<1x2048xf32> to vector<2048xf32>
    %swap3A_2447 = vector.shape_cast %get3A_2442 : vector<2048xf32> to vector<1x2048xf32>
    tpu.vector_store %arg258[%swap3A_2443, %swap3A_2444], %swap3A_2447 {strides = array<i32>} : memref<256x2048xf32, #tpu.memory_space<vmem>>, vector<1x2048xf32>,
    %get3A_2448 = arith.constant 0 : index
    %get3A_2449 = arith.constant 0 : index
    %get3A_2450 = arith.constant 0 : index
    %get3A_2451 = vector.load %arg247[%get3A_2448, %get3A_2449, %get3A_2450] : memref<1x1x2048xf32, #tpu.memory_space<vmem>>, vector<1x1x2048xf32>
    %get3A_2452 = vector.shape_cast %get3A_2451 : vector<1x1x2048xf32> to vector<2048xf32>
    %swap3A_2453 = arith.constant 245 : index
    %swap3A_2454 = arith.constant 0 : index
    %swap3A_2455 = vector.load %arg258[%swap3A_2453, %swap3A_2454] : memref<256x2048xf32, #tpu.memory_space<vmem>>, vector<1x2048xf32>
    %swap3A_2456 = vector.shape_cast %swap3A_2455 : vector<1x2048xf32> to vector<2048xf32>
    %swap3A_2457 = vector.shape_cast %get3A_2452 : vector<2048xf32> to vector<1x2048xf32>
    tpu.vector_store %arg258[%swap3A_2453, %swap3A_2454], %swap3A_2457 {strides = array<i32>} : memref<256x2048xf32, #tpu.memory_space<vmem>>, vector<1x2048xf32>,
    %get3A_2458 = arith.constant 0 : index
    %get3A_2459 = arith.constant 0 : index
    %get3A_2460 = arith.constant 0 : index
    %get3A_2461 = vector.load %arg248[%get3A_2458, %get3A_2459, %get3A_2460] : memref<1x1x2048xf32, #tpu.memory_space<vmem>>, vector<1x1x2048xf32>
    %get3A_2462 = vector.shape_cast %get3A_2461 : vector<1x1x2048xf32> to vector<2048xf32>
    %swap3A_2463 = arith.constant 246 : index
    %swap3A_2464 = arith.constant 0 : index
    %swap3A_2465 = vector.load %arg258[%swap3A_2463, %swap3A_2464] : memref<256x2048xf32, #tpu.memory_space<vmem>>, vector<1x2048xf32>
    %swap3A_2466 = vector.shape_cast %swap3A_2465 : vector<1x2048xf32> to vector<2048xf32>
    %swap3A_2467 = vector.shape_cast %get3A_2462 : vector<2048xf32> to vector<1x2048xf32>
    tpu.vector_store %arg258[%swap3A_2463, %swap3A_2464], %swap3A_2467 {strides = array<i32>} : memref<256x2048xf32, #tpu.memory_space<vmem>>, vector<1x2048xf32>,
    %get3A_2468 = arith.constant 0 : index
    %get3A_2469 = arith.constant 0 : index
    %get3A_2470 = arith.constant 0 : index
    %get3A_2471 = vector.load %arg249[%get3A_2468, %get3A_2469, %get3A_2470] : memref<1x1x2048xf32, #tpu.memory_space<vmem>>, vector<1x1x2048xf32>
    %get3A_2472 = vector.shape_cast %get3A_2471 : vector<1x1x2048xf32> to vector<2048xf32>
    %swap3A_2473 = arith.constant 247 : index
    %swap3A_2474 = arith.constant 0 : index
    %swap3A_2475 = vector.load %arg258[%swap3A_2473, %swap3A_2474] : memref<256x2048xf32, #tpu.memory_space<vmem>>, vector<1x2048xf32>
    %swap3A_2476 = vector.shape_cast %swap3A_2475 : vector<1x2048xf32> to vector<2048xf32>
    %swap3A_2477 = vector.shape_cast %get3A_2472 : vector<2048xf32> to vector<1x2048xf32>
    tpu.vector_store %arg258[%swap3A_2473, %swap3A_2474], %swap3A_2477 {strides = array<i32>} : memref<256x2048xf32, #tpu.memory_space<vmem>>, vector<1x2048xf32>,
    %get3A_2478 = arith.constant 0 : index
    %get3A_2479 = arith.constant 0 : index
    %get3A_2480 = arith.constant 0 : index
    %get3A_2481 = vector.load %arg250[%get3A_2478, %get3A_2479, %get3A_2480] : memref<1x1x2048xf32, #tpu.memory_space<vmem>>, vector<1x1x2048xf32>
    %get3A_2482 = vector.shape_cast %get3A_2481 : vector<1x1x2048xf32> to vector<2048xf32>
    %swap3A_2483 = arith.constant 248 : index
    %swap3A_2484 = arith.constant 0 : index
    %swap3A_2485 = vector.load %arg258[%swap3A_2483, %swap3A_2484] : memref<256x2048xf32, #tpu.memory_space<vmem>>, vector<1x2048xf32>
    %swap3A_2486 = vector.shape_cast %swap3A_2485 : vector<1x2048xf32> to vector<2048xf32>
    %swap3A_2487 = vector.shape_cast %get3A_2482 : vector<2048xf32> to vector<1x2048xf32>
    tpu.vector_store %arg258[%swap3A_2483, %swap3A_2484], %swap3A_2487 {strides = array<i32>} : memref<256x2048xf32, #tpu.memory_space<vmem>>, vector<1x2048xf32>,
    %get3A_2488 = arith.constant 0 : index
    %get3A_2489 = arith.constant 0 : index
    %get3A_2490 = arith.constant 0 : index
    %get3A_2491 = vector.load %arg251[%get3A_2488, %get3A_2489, %get3A_2490] : memref<1x1x2048xf32, #tpu.memory_space<vmem>>, vector<1x1x2048xf32>
    %get3A_2492 = vector.shape_cast %get3A_2491 : vector<1x1x2048xf32> to vector<2048xf32>
    %swap3A_2493 = arith.constant 249 : index
    %swap3A_2494 = arith.constant 0 : index
    %swap3A_2495 = vector.load %arg258[%swap3A_2493, %swap3A_2494] : memref<256x2048xf32, #tpu.memory_space<vmem>>, vector<1x2048xf32>
    %swap3A_2496 = vector.shape_cast %swap3A_2495 : vector<1x2048xf32> to vector<2048xf32>
    %swap3A_2497 = vector.shape_cast %get3A_2492 : vector<2048xf32> to vector<1x2048xf32>
    tpu.vector_store %arg258[%swap3A_2493, %swap3A_2494], %swap3A_2497 {strides = array<i32>} : memref<256x2048xf32, #tpu.memory_space<vmem>>, vector<1x2048xf32>,
    %get3A_2498 = arith.constant 0 : index
    %get3A_2499 = arith.constant 0 : index
    %get3A_2500 = arith.constant 0 : index
    %get3A_2501 = vector.load %arg252[%get3A_2498, %get3A_2499, %get3A_2500] : memref<1x1x2048xf32, #tpu.memory_space<vmem>>, vector<1x1x2048xf32>
    %get3A_2502 = vector.shape_cast %get3A_2501 : vector<1x1x2048xf32> to vector<2048xf32>
    %swap3A_2503 = arith.constant 250 : index
    %swap3A_2504 = arith.constant 0 : index
    %swap3A_2505 = vector.load %arg258[%swap3A_2503, %swap3A_2504] : memref<256x2048xf32, #tpu.memory_space<vmem>>, vector<1x2048xf32>
    %swap3A_2506 = vector.shape_cast %swap3A_2505 : vector<1x2048xf32> to vector<2048xf32>
    %swap3A_2507 = vector.shape_cast %get3A_2502 : vector<2048xf32> to vector<1x2048xf32>
    tpu.vector_store %arg258[%swap3A_2503, %swap3A_2504], %swap3A_2507 {strides = array<i32>} : memref<256x2048xf32, #tpu.memory_space<vmem>>, vector<1x2048xf32>,
    %get3A_2508 = arith.constant 0 : index
    %get3A_2509 = arith.constant 0 : index
    %get3A_2510 = arith.constant 0 : index
    %get3A_2511 = vector.load %arg253[%get3A_2508, %get3A_2509, %get3A_2510] : memref<1x1x2048xf32, #tpu.memory_space<vmem>>, vector<1x1x2048xf32>
    %get3A_2512 = vector.shape_cast %get3A_2511 : vector<1x1x2048xf32> to vector<2048xf32>
    %swap3A_2513 = arith.constant 251 : index
    %swap3A_2514 = arith.constant 0 : index
    %swap3A_2515 = vector.load %arg258[%swap3A_2513, %swap3A_2514] : memref<256x2048xf32, #tpu.memory_space<vmem>>, vector<1x2048xf32>
    %swap3A_2516 = vector.shape_cast %swap3A_2515 : vector<1x2048xf32> to vector<2048xf32>
    %swap3A_2517 = vector.shape_cast %get3A_2512 : vector<2048xf32> to vector<1x2048xf32>
    tpu.vector_store %arg258[%swap3A_2513, %swap3A_2514], %swap3A_2517 {strides = array<i32>} : memref<256x2048xf32, #tpu.memory_space<vmem>>, vector<1x2048xf32>,
    %get3A_2518 = arith.constant 0 : index
    %get3A_2519 = arith.constant 0 : index
    %get3A_2520 = arith.constant 0 : index
    %get3A_2521 = vector.load %arg254[%get3A_2518, %get3A_2519, %get3A_2520] : memref<1x1x2048xf32, #tpu.memory_space<vmem>>, vector<1x1x2048xf32>
    %get3A_2522 = vector.shape_cast %get3A_2521 : vector<1x1x2048xf32> to vector<2048xf32>
    %swap3A_2523 = arith.constant 252 : index
    %swap3A_2524 = arith.constant 0 : index
    %swap3A_2525 = vector.load %arg258[%swap3A_2523, %swap3A_2524] : memref<256x2048xf32, #tpu.memory_space<vmem>>, vector<1x2048xf32>
    %swap3A_2526 = vector.shape_cast %swap3A_2525 : vector<1x2048xf32> to vector<2048xf32>
    %swap3A_2527 = vector.shape_cast %get3A_2522 : vector<2048xf32> to vector<1x2048xf32>
    tpu.vector_store %arg258[%swap3A_2523, %swap3A_2524], %swap3A_2527 {strides = array<i32>} : memref<256x2048xf32, #tpu.memory_space<vmem>>, vector<1x2048xf32>,
    %get3A_2528 = arith.constant 0 : index
    %get3A_2529 = arith.constant 0 : index
    %get3A_2530 = arith.constant 0 : index
    %get3A_2531 = vector.load %arg255[%get3A_2528, %get3A_2529, %get3A_2530] : memref<1x1x2048xf32, #tpu.memory_space<vmem>>, vector<1x1x2048xf32>
    %get3A_2532 = vector.shape_cast %get3A_2531 : vector<1x1x2048xf32> to vector<2048xf32>
    %swap3A_2533 = arith.constant 253 : index
    %swap3A_2534 = arith.constant 0 : index
    %swap3A_2535 = vector.load %arg258[%swap3A_2533, %swap3A_2534] : memref<256x2048xf32, #tpu.memory_space<vmem>>, vector<1x2048xf32>
    %swap3A_2536 = vector.shape_cast %swap3A_2535 : vector<1x2048xf32> to vector<2048xf32>
    %swap3A_2537 = vector.shape_cast %get3A_2532 : vector<2048xf32> to vector<1x2048xf32>
    tpu.vector_store %arg258[%swap3A_2533, %swap3A_2534], %swap3A_2537 {strides = array<i32>} : memref<256x2048xf32, #tpu.memory_space<vmem>>, vector<1x2048xf32>,
    %get3A_2538 = arith.constant 0 : index
    %get3A_2539 = arith.constant 0 : index
    %get3A_2540 = arith.constant 0 : index
    %get3A_2541 = vector.load %arg256[%get3A_2538, %get3A_2539, %get3A_2540] : memref<1x1x2048xf32, #tpu.memory_space<vmem>>, vector<1x1x2048xf32>
    %get3A_2542 = vector.shape_cast %get3A_2541 : vector<1x1x2048xf32> to vector<2048xf32>
    %swap3A_2543 = arith.constant 254 : index
    %swap3A_2544 = arith.constant 0 : index
    %swap3A_2545 = vector.load %arg258[%swap3A_2543, %swap3A_2544] : memref<256x2048xf32, #tpu.memory_space<vmem>>, vector<1x2048xf32>
    %swap3A_2546 = vector.shape_cast %swap3A_2545 : vector<1x2048xf32> to vector<2048xf32>
    %swap3A_2547 = vector.shape_cast %get3A_2542 : vector<2048xf32> to vector<1x2048xf32>
    tpu.vector_store %arg258[%swap3A_2543, %swap3A_2544], %swap3A_2547 {strides = array<i32>} : memref<256x2048xf32, #tpu.memory_space<vmem>>, vector<1x2048xf32>,
    %get3A_2548 = arith.constant 0 : index
    %get3A_2549 = arith.constant 0 : index
    %get3A_2550 = arith.constant 0 : index
    %get3A_2551 = vector.load %arg257[%get3A_2548, %get3A_2549, %get3A_2550] : memref<1x1x2048xf32, #tpu.memory_space<vmem>>, vector<1x1x2048xf32>
    %get3A_2552 = vector.shape_cast %get3A_2551 : vector<1x1x2048xf32> to vector<2048xf32>
    %swap3A_2553 = arith.constant 255 : index
    %swap3A_2554 = arith.constant 0 : index
    %swap3A_2555 = vector.load %arg258[%swap3A_2553, %swap3A_2554] : memref<256x2048xf32, #tpu.memory_space<vmem>>, vector<1x2048xf32>
    %swap3A_2556 = vector.shape_cast %swap3A_2555 : vector<1x2048xf32> to vector<2048xf32>
    %swap3A_2557 = vector.shape_cast %get3A_2552 : vector<2048xf32> to vector<1x2048xf32>
    tpu.vector_store %arg258[%swap3A_2553, %swap3A_2554], %swap3A_2557 {strides = array<i32>} : memref<256x2048xf32, #tpu.memory_space<vmem>>, vector<1x2048xf32>,
    return
  }
  func.func @transform_0(%arg0: i32, %arg1: memref<16384xi32, #tpu.memory_space<smem>>) -> (i32, i32, i32) {
    %mul3A = arith.constant 256 : i32
    %mul3A_0 = arith.muli %mul3A, %arg0 : i32
    %add3A = arith.constant 0 : i32
    %add3A_1 = arith.addi %mul3A_0, %add3A : i32
    %get3A = arith.index_cast %add3A_1 : i32 to index
    %get3A_2 = memref.load %arg1[%get3A] : memref<16384xi32, #tpu.memory_space<smem>>
    %max3A = arith.constant -4096 : i32
    %max3A_3 = arith.maxsi %get3A_2, %max3A : i32
    %min3A = arith.constant 4095 : i32
    %min3A_4 = arith.minsi %max3A_3, %min3A : i32
    %add3A_5 = arith.constant 4096 : i32
    %add3A_6 = arith.addi %min3A_4, %add3A_5 : i32
    %c0_i32 = arith.constant 0 : i32
    %c0_i32_7 = arith.constant 0 : i32
    %c0_i32_8 = arith.constant 0 : i32
    return %add3A_6, %c0_i32, %c0_i32_7 : i32, i32, i32
  }
  func.func @transform_1(%arg0: i32, %arg1: memref<16384xi32, #tpu.memory_space<smem>>) -> (i32, i32, i32) {
    %mul3A = arith.constant 256 : i32
    %mul3A_0 = arith.muli %mul3A, %arg0 : i32
    %add3A = arith.constant 1 : i32
    %add3A_1 = arith.addi %mul3A_0, %add3A : i32
    %get3A = arith.index_cast %add3A_1 : i32 to index
    %get3A_2 = memref.load %arg1[%get3A] : memref<16384xi32, #tpu.memory_space<smem>>
    %max3A = arith.constant -4096 : i32
    %max3A_3 = arith.maxsi %get3A_2, %max3A : i32
    %min3A = arith.constant 4095 : i32
    %min3A_4 = arith.minsi %max3A_3, %min3A : i32
    %add3A_5 = arith.constant 4096 : i32
    %add3A_6 = arith.addi %min3A_4, %add3A_5 : i32
    %c0_i32 = arith.constant 0 : i32
    %c0_i32_7 = arith.constant 0 : i32
    %c0_i32_8 = arith.constant 0 : i32
    return %add3A_6, %c0_i32, %c0_i32_7 : i32, i32, i32
  }
  func.func @transform_2(%arg0: i32, %arg1: memref<16384xi32, #tpu.memory_space<smem>>) -> (i32, i32, i32) {
    %mul3A = arith.constant 256 : i32
    %mul3A_0 = arith.muli %mul3A, %arg0 : i32
    %add3A = arith.constant 2 : i32
    %add3A_1 = arith.addi %mul3A_0, %add3A : i32
    %get3A = arith.index_cast %add3A_1 : i32 to index
    %get3A_2 = memref.load %arg1[%get3A] : memref<16384xi32, #tpu.memory_space<smem>>
    %max3A = arith.constant -4096 : i32
    %max3A_3 = arith.maxsi %get3A_2, %max3A : i32
    %min3A = arith.constant 4095 : i32
    %min3A_4 = arith.minsi %max3A_3, %min3A : i32
    %add3A_5 = arith.constant 4096 : i32
    %add3A_6 = arith.addi %min3A_4, %add3A_5 : i32
    %c0_i32 = arith.constant 0 : i32
    %c0_i32_7 = arith.constant 0 : i32
    %c0_i32_8 = arith.constant 0 : i32
    return %add3A_6, %c0_i32, %c0_i32_7 : i32, i32, i32
  }
  func.func @transform_3(%arg0: i32, %arg1: memref<16384xi32, #tpu.memory_space<smem>>) -> (i32, i32, i32) {
    %mul3A = arith.constant 256 : i32
    %mul3A_0 = arith.muli %mul3A, %arg0 : i32
    %add3A = arith.constant 3 : i32
    %add3A_1 = arith.addi %mul3A_0, %add3A : i32
    %get3A = arith.index_cast %add3A_1 : i32 to index
    %get3A_2 = memref.load %arg1[%get3A] : memref<16384xi32, #tpu.memory_space<smem>>
    %max3A = arith.constant -4096 : i32
    %max3A_3 = arith.maxsi %get3A_2, %max3A : i32
    %min3A = arith.constant 4095 : i32
    %min3A_4 = arith.minsi %max3A_3, %min3A : i32
    %add3A_5 = arith.constant 4096 : i32
    %add3A_6 = arith.addi %min3A_4, %add3A_5 : i32
    %c0_i32 = arith.constant 0 : i32
    %c0_i32_7 = arith.constant 0 : i32
    %c0_i32_8 = arith.constant 0 : i32
    return %add3A_6, %c0_i32, %c0_i32_7 : i32, i32, i32
  }
  func.func @transform_4(%arg0: i32, %arg1: memref<16384xi32, #tpu.memory_space<smem>>) -> (i32, i32, i32) {
    %mul3A = arith.constant 256 : i32
    %mul3A_0 = arith.muli %mul3A, %arg0 : i32
    %add3A = arith.constant 4 : i32
    %add3A_1 = arith.addi %mul3A_0, %add3A : i32
    %get3A = arith.index_cast %add3A_1 : i32 to index
    %get3A_2 = memref.load %arg1[%get3A] : memref<16384xi32, #tpu.memory_space<smem>>
    %max3A = arith.constant -4096 : i32
    %max3A_3 = arith.maxsi %get3A_2, %max3A : i32
    %min3A = arith.constant 4095 : i32
    %min3A_4 = arith.minsi %max3A_3, %min3A : i32
    %add3A_5 = arith.constant 4096 : i32
    %add3A_6 = arith.addi %min3A_4, %add3A_5 : i32
    %c0_i32 = arith.constant 0 : i32
    %c0_i32_7 = arith.constant 0 : i32
    %c0_i32_8 = arith.constant 0 : i32
    return %add3A_6, %c0_i32, %c0_i32_7 : i32, i32, i32
  }
  func.func @transform_5(%arg0: i32, %arg1: memref<16384xi32, #tpu.memory_space<smem>>) -> (i32, i32, i32) {
    %mul3A = arith.constant 256 : i32
    %mul3A_0 = arith.muli %mul3A, %arg0 : i32
    %add3A = arith.constant 5 : i32
    %add3A_1 = arith.addi %mul3A_0, %add3A : i32
    %get3A = arith.index_cast %add3A_1 : i32 to index
    %get3A_2 = memref.load %arg1[%get3A] : memref<16384xi32, #tpu.memory_space<smem>>
    %max3A = arith.constant -4096 : i32
    %max3A_3 = arith.maxsi %get3A_2, %max3A : i32
    %min3A = arith.constant 4095 : i32
    %min3A_4 = arith.minsi %max3A_3, %min3A : i32
    %add3A_5 = arith.constant 4096 : i32
    %add3A_6 = arith.addi %min3A_4, %add3A_5 : i32
    %c0_i32 = arith.constant 0 : i32
    %c0_i32_7 = arith.constant 0 : i32
    %c0_i32_8 = arith.constant 0 : i32
    return %add3A_6, %c0_i32, %c0_i32_7 : i32, i32, i32
  }
  func.func @transform_6(%arg0: i32, %arg1: memref<16384xi32, #tpu.memory_space<smem>>) -> (i32, i32, i32) {
    %mul3A = arith.constant 256 : i32
    %mul3A_0 = arith.muli %mul3A, %arg0 : i32
    %add3A = arith.constant 6 : i32
    %add3A_1 = arith.addi %mul3A_0, %add3A : i32
    %get3A = arith.index_cast %add3A_1 : i32 to index
    %get3A_2 = memref.load %arg1[%get3A] : memref<16384xi32, #tpu.memory_space<smem>>
    %max3A = arith.constant -4096 : i32
    %max3A_3 = arith.maxsi %get3A_2, %max3A : i32
    %min3A = arith.constant 4095 : i32
    %min3A_4 = arith.minsi %max3A_3, %min3A : i32
    %add3A_5 = arith.constant 4096 : i32
    %add3A_6 = arith.addi %min3A_4, %add3A_5 : i32
    %c0_i32 = arith.constant 0 : i32
    %c0_i32_7 = arith.constant 0 : i32
    %c0_i32_8 = arith.constant 0 : i32
    return %add3A_6, %c0_i32, %c0_i32_7 : i32, i32, i32
  }
  func.func @transform_7(%arg0: i32, %arg1: memref<16384xi32, #tpu.memory_space<smem>>) -> (i32, i32, i32) {
    %mul3A = arith.constant 256 : i32
    %mul3A_0 = arith.muli %mul3A, %arg0 : i32
    %add3A = arith.constant 7 : i32
    %add3A_1 = arith.addi %mul3A_0, %add3A : i32
    %get3A = arith.index_cast %add3A_1 : i32 to index
    %get3A_2 = memref.load %arg1[%get3A] : memref<16384xi32, #tpu.memory_space<smem>>
    %max3A = arith.constant -4096 : i32
    %max3A_3 = arith.maxsi %get3A_2, %max3A : i32
    %min3A = arith.constant 4095 : i32
    %min3A_4 = arith.minsi %max3A_3, %min3A : i32
    %add3A_5 = arith.constant 4096 : i32
    %add3A_6 = arith.addi %min3A_4, %add3A_5 : i32
    %c0_i32 = arith.constant 0 : i32
    %c0_i32_7 = arith.constant 0 : i32
    %c0_i32_8 = arith.constant 0 : i32
    return %add3A_6, %c0_i32, %c0_i32_7 : i32, i32, i32
  }
  func.func @transform_8(%arg0: i32, %arg1: memref<16384xi32, #tpu.memory_space<smem>>) -> (i32, i32, i32) {
    %mul3A = arith.constant 256 : i32
    %mul3A_0 = arith.muli %mul3A, %arg0 : i32
    %add3A = arith.constant 8 : i32
    %add3A_1 = arith.addi %mul3A_0, %add3A : i32
    %get3A = arith.index_cast %add3A_1 : i32 to index
    %get3A_2 = memref.load %arg1[%get3A] : memref<16384xi32, #tpu.memory_space<smem>>
    %max3A = arith.constant -4096 : i32
    %max3A_3 = arith.maxsi %get3A_2, %max3A : i32
    %min3A = arith.constant 4095 : i32
    %min3A_4 = arith.minsi %max3A_3, %min3A : i32
    %add3A_5 = arith.constant 4096 : i32
    %add3A_6 = arith.addi %min3A_4, %add3A_5 : i32
    %c0_i32 = arith.constant 0 : i32
    %c0_i32_7 = arith.constant 0 : i32
    %c0_i32_8 = arith.constant 0 : i32
    return %add3A_6, %c0_i32, %c0_i32_7 : i32, i32, i32
  }
  func.func @transform_9(%arg0: i32, %arg1: memref<16384xi32, #tpu.memory_space<smem>>) -> (i32, i32, i32) {
    %mul3A = arith.constant 256 : i32
    %mul3A_0 = arith.muli %mul3A, %arg0 : i32
    %add3A = arith.constant 9 : i32
    %add3A_1 = arith.addi %mul3A_0, %add3A : i32
    %get3A = arith.index_cast %add3A_1 : i32 to index
    %get3A_2 = memref.load %arg1[%get3A] : memref<16384xi32, #tpu.memory_space<smem>>
    %max3A = arith.constant -4096 : i32
    %max3A_3 = arith.maxsi %get3A_2, %max3A : i32
    %min3A = arith.constant 4095 : i32
    %min3A_4 = arith.minsi %max3A_3, %min3A : i32
    %add3A_5 = arith.constant 4096 : i32
    %add3A_6 = arith.addi %min3A_4, %add3A_5 : i32
    %c0_i32 = arith.constant 0 : i32
    %c0_i32_7 = arith.constant 0 : i32
    %c0_i32_8 = arith.constant 0 : i32
    return %add3A_6, %c0_i32, %c0_i32_7 : i32, i32, i32
  }
  func.func @transform_10(%arg0: i32, %arg1: memref<16384xi32, #tpu.memory_space<smem>>) -> (i32, i32, i32) {
    %mul3A = arith.constant 256 : i32
    %mul3A_0 = arith.muli %mul3A, %arg0 : i32
    %add3A = arith.constant 10 : i32
    %add3A_1 = arith.addi %mul3A_0, %add3A : i32
    %get3A = arith.index_cast %add3A_1 : i32 to index
    %get3A_2 = memref.load %arg1[%get3A] : memref<16384xi32, #tpu.memory_space<smem>>
    %max3A = arith.constant -4096 : i32
    %max3A_3 = arith.maxsi %get3A_2, %max3A : i32
    %min3A = arith.constant 4095 : i32
    %min3A_4 = arith.minsi %max3A_3, %min3A : i32
    %add3A_5 = arith.constant 4096 : i32
    %add3A_6 = arith.addi %min3A_4, %add3A_5 : i32
    %c0_i32 = arith.constant 0 : i32
    %c0_i32_7 = arith.constant 0 : i32
    %c0_i32_8 = arith.constant 0 : i32
    return %add3A_6, %c0_i32, %c0_i32_7 : i32, i32, i32
  }
  func.func @transform_11(%arg0: i32, %arg1: memref<16384xi32, #tpu.memory_space<smem>>) -> (i32, i32, i32) {
    %mul3A = arith.constant 256 : i32
    %mul3A_0 = arith.muli %mul3A, %arg0 : i32
    %add3A = arith.constant 11 : i32
    %add3A_1 = arith.addi %mul3A_0, %add3A : i32
    %get3A = arith.index_cast %add3A_1 : i32 to index
    %get3A_2 = memref.load %arg1[%get3A] : memref<16384xi32, #tpu.memory_space<smem>>
    %max3A = arith.constant -4096 : i32
    %max3A_3 = arith.maxsi %get3A_2, %max3A : i32
    %min3A = arith.constant 4095 : i32
    %min3A_4 = arith.minsi %max3A_3, %min3A : i32
    %add3A_5 = arith.constant 4096 : i32
    %add3A_6 = arith.addi %min3A_4, %add3A_5 : i32
    %c0_i32 = arith.constant 0 : i32
    %c0_i32_7 = arith.constant 0 : i32
    %c0_i32_8 = arith.constant 0 : i32
    return %add3A_6, %c0_i32, %c0_i32_7 : i32, i32, i32
  }
  func.func @transform_12(%arg0: i32, %arg1: memref<16384xi32, #tpu.memory_space<smem>>) -> (i32, i32, i32) {
    %mul3A = arith.constant 256 : i32
    %mul3A_0 = arith.muli %mul3A, %arg0 : i32
    %add3A = arith.constant 12 : i32
    %add3A_1 = arith.addi %mul3A_0, %add3A : i32
    %get3A = arith.index_cast %add3A_1 : i32 to index
    %get3A_2 = memref.load %arg1[%get3A] : memref<16384xi32, #tpu.memory_space<smem>>
    %max3A = arith.constant -4096 : i32
    %max3A_3 = arith.maxsi %get3A_2, %max3A : i32
    %min3A = arith.constant 4095 : i32
    %min3A_4 = arith.minsi %max3A_3, %min3A : i32
    %add3A_5 = arith.constant 4096 : i32
    %add3A_6 = arith.addi %min3A_4, %add3A_5 : i32
    %c0_i32 = arith.constant 0 : i32
    %c0_i32_7 = arith.constant 0 : i32
    %c0_i32_8 = arith.constant 0 : i32
    return %add3A_6, %c0_i32, %c0_i32_7 : i32, i32, i32
  }
  func.func @transform_13(%arg0: i32, %arg1: memref<16384xi32, #tpu.memory_space<smem>>) -> (i32, i32, i32) {
    %mul3A = arith.constant 256 : i32
    %mul3A_0 = arith.muli %mul3A, %arg0 : i32
    %add3A = arith.constant 13 : i32
    %add3A_1 = arith.addi %mul3A_0, %add3A : i32
    %get3A = arith.index_cast %add3A_1 : i32 to index
    %get3A_2 = memref.load %arg1[%get3A] : memref<16384xi32, #tpu.memory_space<smem>>
    %max3A = arith.constant -4096 : i32
    %max3A_3 = arith.maxsi %get3A_2, %max3A : i32
    %min3A = arith.constant 4095 : i32
    %min3A_4 = arith.minsi %max3A_3, %min3A : i32
    %add3A_5 = arith.constant 4096 : i32
    %add3A_6 = arith.addi %min3A_4, %add3A_5 : i32
    %c0_i32 = arith.constant 0 : i32
    %c0_i32_7 = arith.constant 0 : i32
    %c0_i32_8 = arith.constant 0 : i32
    return %add3A_6, %c0_i32, %c0_i32_7 : i32, i32, i32
  }
  func.func @transform_14(%arg0: i32, %arg1: memref<16384xi32, #tpu.memory_space<smem>>) -> (i32, i32, i32) {
    %mul3A = arith.constant 256 : i32
    %mul3A_0 = arith.muli %mul3A, %arg0 : i32
    %add3A = arith.constant 14 : i32
    %add3A_1 = arith.addi %mul3A_0, %add3A : i32
    %get3A = arith.index_cast %add3A_1 : i32 to index
    %get3A_2 = memref.load %arg1[%get3A] : memref<16384xi32, #tpu.memory_space<smem>>
    %max3A = arith.constant -4096 : i32
    %max3A_3 = arith.maxsi %get3A_2, %max3A : i32
    %min3A = arith.constant 4095 : i32
    %min3A_4 = arith.minsi %max3A_3, %min3A : i32
    %add3A_5 = arith.constant 4096 : i32
    %add3A_6 = arith.addi %min3A_4, %add3A_5 : i32
    %c0_i32 = arith.constant 0 : i32
    %c0_i32_7 = arith.constant 0 : i32
    %c0_i32_8 = arith.constant 0 : i32
    return %add3A_6, %c0_i32, %c0_i32_7 : i32, i32, i32
  }
  func.func @transform_15(%arg0: i32, %arg1: memref<16384xi32, #tpu.memory_space<smem>>) -> (i32, i32, i32) {
    %mul3A = arith.constant 256 : i32
    %mul3A_0 = arith.muli %mul3A, %arg0 : i32
    %add3A = arith.constant 15 : i32
    %add3A_1 = arith.addi %mul3A_0, %add3A : i32
    %get3A = arith.index_cast %add3A_1 : i32 to index
    %get3A_2 = memref.load %arg1[%get3A] : memref<16384xi32, #tpu.memory_space<smem>>
    %max3A = arith.constant -4096 : i32
    %max3A_3 = arith.maxsi %get3A_2, %max3A : i32
    %min3A = arith.constant 4095 : i32
    %min3A_4 = arith.minsi %max3A_3, %min3A : i32
    %add3A_5 = arith.constant 4096 : i32
    %add3A_6 = arith.addi %min3A_4, %add3A_5 : i32
    %c0_i32 = arith.constant 0 : i32
    %c0_i32_7 = arith.constant 0 : i32
    %c0_i32_8 = arith.constant 0 : i32
    return %add3A_6, %c0_i32, %c0_i32_7 : i32, i32, i32
  }
  func.func @transform_16(%arg0: i32, %arg1: memref<16384xi32, #tpu.memory_space<smem>>) -> (i32, i32, i32) {
    %mul3A = arith.constant 256 : i32
    %mul3A_0 = arith.muli %mul3A, %arg0 : i32
    %add3A = arith.constant 16 : i32
    %add3A_1 = arith.addi %mul3A_0, %add3A : i32
    %get3A = arith.index_cast %add3A_1 : i32 to index
    %get3A_2 = memref.load %arg1[%get3A] : memref<16384xi32, #tpu.memory_space<smem>>
    %max3A = arith.constant -4096 : i32
    %max3A_3 = arith.maxsi %get3A_2, %max3A : i32
    %min3A = arith.constant 4095 : i32
    %min3A_4 = arith.minsi %max3A_3, %min3A : i32
    %add3A_5 = arith.constant 4096 : i32
    %add3A_6 = arith.addi %min3A_4, %add3A_5 : i32
    %c0_i32 = arith.constant 0 : i32
    %c0_i32_7 = arith.constant 0 : i32
    %c0_i32_8 = arith.constant 0 : i32
    return %add3A_6, %c0_i32, %c0_i32_7 : i32, i32, i32
  }
  func.func @transform_17(%arg0: i32, %arg1: memref<16384xi32, #tpu.memory_space<smem>>) -> (i32, i32, i32) {
    %mul3A = arith.constant 256 : i32
    %mul3A_0 = arith.muli %mul3A, %arg0 : i32
    %add3A = arith.constant 17 : i32
    %add3A_1 = arith.addi %mul3A_0, %add3A : i32
    %get3A = arith.index_cast %add3A_1 : i32 to index
    %get3A_2 = memref.load %arg1[%get3A] : memref<16384xi32, #tpu.memory_space<smem>>
    %max3A = arith.constant -4096 : i32
    %max3A_3 = arith.maxsi %get3A_2, %max3A : i32
    %min3A = arith.constant 4095 : i32
    %min3A_4 = arith.minsi %max3A_3, %min3A : i32
    %add3A_5 = arith.constant 4096 : i32
    %add3A_6 = arith.addi %min3A_4, %add3A_5 : i32
    %c0_i32 = arith.constant 0 : i32
    %c0_i32_7 = arith.constant 0 : i32
    %c0_i32_8 = arith.constant 0 : i32
    return %add3A_6, %c0_i32, %c0_i32_7 : i32, i32, i32
  }
  func.func @transform_18(%arg0: i32, %arg1: memref<16384xi32, #tpu.memory_space<smem>>) -> (i32, i32, i32) {
    %mul3A = arith.constant 256 : i32
    %mul3A_0 = arith.muli %mul3A, %arg0 : i32
    %add3A = arith.constant 18 : i32
    %add3A_1 = arith.addi %mul3A_0, %add3A : i32
    %get3A = arith.index_cast %add3A_1 : i32 to index
    %get3A_2 = memref.load %arg1[%get3A] : memref<16384xi32, #tpu.memory_space<smem>>
    %max3A = arith.constant -4096 : i32
    %max3A_3 = arith.maxsi %get3A_2, %max3A : i32
    %min3A = arith.constant 4095 : i32
    %min3A_4 = arith.minsi %max3A_3, %min3A : i32
    %add3A_5 = arith.constant 4096 : i32
    %add3A_6 = arith.addi %min3A_4, %add3A_5 : i32
    %c0_i32 = arith.constant 0 : i32
    %c0_i32_7 = arith.constant 0 : i32
    %c0_i32_8 = arith.constant 0 : i32
    return %add3A_6, %c0_i32, %c0_i32_7 : i32, i32, i32
  }
  func.func @transform_19(%arg0: i32, %arg1: memref<16384xi32, #tpu.memory_space<smem>>) -> (i32, i32, i32) {
    %mul3A = arith.constant 256 : i32
    %mul3A_0 = arith.muli %mul3A, %arg0 : i32
    %add3A = arith.constant 19 : i32
    %add3A_1 = arith.addi %mul3A_0, %add3A : i32
    %get3A = arith.index_cast %add3A_1 : i32 to index
    %get3A_2 = memref.load %arg1[%get3A] : memref<16384xi32, #tpu.memory_space<smem>>
    %max3A = arith.constant -4096 : i32
    %max3A_3 = arith.maxsi %get3A_2, %max3A : i32
    %min3A = arith.constant 4095 : i32
    %min3A_4 = arith.minsi %max3A_3, %min3A : i32
    %add3A_5 = arith.constant 4096 : i32
    %add3A_6 = arith.addi %min3A_4, %add3A_5 : i32
    %c0_i32 = arith.constant 0 : i32
    %c0_i32_7 = arith.constant 0 : i32
    %c0_i32_8 = arith.constant 0 : i32
    return %add3A_6, %c0_i32, %c0_i32_7 : i32, i32, i32
  }
  func.func @transform_20(%arg0: i32, %arg1: memref<16384xi32, #tpu.memory_space<smem>>) -> (i32, i32, i32) {
    %mul3A = arith.constant 256 : i32
    %mul3A_0 = arith.muli %mul3A, %arg0 : i32
    %add3A = arith.constant 20 : i32
    %add3A_1 = arith.addi %mul3A_0, %add3A : i32
    %get3A = arith.index_cast %add3A_1 : i32 to index
    %get3A_2 = memref.load %arg1[%get3A] : memref<16384xi32, #tpu.memory_space<smem>>
    %max3A = arith.constant -4096 : i32
    %max3A_3 = arith.maxsi %get3A_2, %max3A : i32
    %min3A = arith.constant 4095 : i32
    %min3A_4 = arith.minsi %max3A_3, %min3A : i32
    %add3A_5 = arith.constant 4096 : i32
    %add3A_6 = arith.addi %min3A_4, %add3A_5 : i32
    %c0_i32 = arith.constant 0 : i32
    %c0_i32_7 = arith.constant 0 : i32
    %c0_i32_8 = arith.constant 0 : i32
    return %add3A_6, %c0_i32, %c0_i32_7 : i32, i32, i32
  }
  func.func @transform_21(%arg0: i32, %arg1: memref<16384xi32, #tpu.memory_space<smem>>) -> (i32, i32, i32) {
    %mul3A = arith.constant 256 : i32
    %mul3A_0 = arith.muli %mul3A, %arg0 : i32
    %add3A = arith.constant 21 : i32
    %add3A_1 = arith.addi %mul3A_0, %add3A : i32
    %get3A = arith.index_cast %add3A_1 : i32 to index
    %get3A_2 = memref.load %arg1[%get3A] : memref<16384xi32, #tpu.memory_space<smem>>
    %max3A = arith.constant -4096 : i32
    %max3A_3 = arith.maxsi %get3A_2, %max3A : i32
    %min3A = arith.constant 4095 : i32
    %min3A_4 = arith.minsi %max3A_3, %min3A : i32
    %add3A_5 = arith.constant 4096 : i32
    %add3A_6 = arith.addi %min3A_4, %add3A_5 : i32
    %c0_i32 = arith.constant 0 : i32
    %c0_i32_7 = arith.constant 0 : i32
    %c0_i32_8 = arith.constant 0 : i32
    return %add3A_6, %c0_i32, %c0_i32_7 : i32, i32, i32
  }
  func.func @transform_22(%arg0: i32, %arg1: memref<16384xi32, #tpu.memory_space<smem>>) -> (i32, i32, i32) {
    %mul3A = arith.constant 256 : i32
    %mul3A_0 = arith.muli %mul3A, %arg0 : i32
    %add3A = arith.constant 22 : i32
    %add3A_1 = arith.addi %mul3A_0, %add3A : i32
    %get3A = arith.index_cast %add3A_1 : i32 to index
    %get3A_2 = memref.load %arg1[%get3A] : memref<16384xi32, #tpu.memory_space<smem>>
    %max3A = arith.constant -4096 : i32
    %max3A_3 = arith.maxsi %get3A_2, %max3A : i32
    %min3A = arith.constant 4095 : i32
    %min3A_4 = arith.minsi %max3A_3, %min3A : i32
    %add3A_5 = arith.constant 4096 : i32
    %add3A_6 = arith.addi %min3A_4, %add3A_5 : i32
    %c0_i32 = arith.constant 0 : i32
    %c0_i32_7 = arith.constant 0 : i32
    %c0_i32_8 = arith.constant 0 : i32
    return %add3A_6, %c0_i32, %c0_i32_7 : i32, i32, i32
  }
  func.func @transform_23(%arg0: i32, %arg1: memref<16384xi32, #tpu.memory_space<smem>>) -> (i32, i32, i32) {
    %mul3A = arith.constant 256 : i32
    %mul3A_0 = arith.muli %mul3A, %arg0 : i32
    %add3A = arith.constant 23 : i32
    %add3A_1 = arith.addi %mul3A_0, %add3A : i32
    %get3A = arith.index_cast %add3A_1 : i32 to index
    %get3A_2 = memref.load %arg1[%get3A] : memref<16384xi32, #tpu.memory_space<smem>>
    %max3A = arith.constant -4096 : i32
    %max3A_3 = arith.maxsi %get3A_2, %max3A : i32
    %min3A = arith.constant 4095 : i32
    %min3A_4 = arith.minsi %max3A_3, %min3A : i32
    %add3A_5 = arith.constant 4096 : i32
    %add3A_6 = arith.addi %min3A_4, %add3A_5 : i32
    %c0_i32 = arith.constant 0 : i32
    %c0_i32_7 = arith.constant 0 : i32
    %c0_i32_8 = arith.constant 0 : i32
    return %add3A_6, %c0_i32, %c0_i32_7 : i32, i32, i32
  }
  func.func @transform_24(%arg0: i32, %arg1: memref<16384xi32, #tpu.memory_space<smem>>) -> (i32, i32, i32) {
    %mul3A = arith.constant 256 : i32
    %mul3A_0 = arith.muli %mul3A, %arg0 : i32
    %add3A = arith.constant 24 : i32
    %add3A_1 = arith.addi %mul3A_0, %add3A : i32
    %get3A = arith.index_cast %add3A_1 : i32 to index
    %get3A_2 = memref.load %arg1[%get3A] : memref<16384xi32, #tpu.memory_space<smem>>
    %max3A = arith.constant -4096 : i32
    %max3A_3 = arith.maxsi %get3A_2, %max3A : i32
    %min3A = arith.constant 4095 : i32
    %min3A_4 = arith.minsi %max3A_3, %min3A : i32
    %add3A_5 = arith.constant 4096 : i32
    %add3A_6 = arith.addi %min3A_4, %add3A_5 : i32
    %c0_i32 = arith.constant 0 : i32
    %c0_i32_7 = arith.constant 0 : i32
    %c0_i32_8 = arith.constant 0 : i32
    return %add3A_6, %c0_i32, %c0_i32_7 : i32, i32, i32
  }
  func.func @transform_25(%arg0: i32, %arg1: memref<16384xi32, #tpu.memory_space<smem>>) -> (i32, i32, i32) {
    %mul3A = arith.constant 256 : i32
    %mul3A_0 = arith.muli %mul3A, %arg0 : i32
    %add3A = arith.constant 25 : i32
    %add3A_1 = arith.addi %mul3A_0, %add3A : i32
    %get3A = arith.index_cast %add3A_1 : i32 to index
    %get3A_2 = memref.load %arg1[%get3A] : memref<16384xi32, #tpu.memory_space<smem>>
    %max3A = arith.constant -4096 : i32
    %max3A_3 = arith.maxsi %get3A_2, %max3A : i32
    %min3A = arith.constant 4095 : i32
    %min3A_4 = arith.minsi %max3A_3, %min3A : i32
    %add3A_5 = arith.constant 4096 : i32
    %add3A_6 = arith.addi %min3A_4, %add3A_5 : i32
    %c0_i32 = arith.constant 0 : i32
    %c0_i32_7 = arith.constant 0 : i32
    %c0_i32_8 = arith.constant 0 : i32
    return %add3A_6, %c0_i32, %c0_i32_7 : i32, i32, i32
  }
  func.func @transform_26(%arg0: i32, %arg1: memref<16384xi32, #tpu.memory_space<smem>>) -> (i32, i32, i32) {
    %mul3A = arith.constant 256 : i32
    %mul3A_0 = arith.muli %mul3A, %arg0 : i32
    %add3A = arith.constant 26 : i32
    %add3A_1 = arith.addi %mul3A_0, %add3A : i32
    %get3A = arith.index_cast %add3A_1 : i32 to index
    %get3A_2 = memref.load %arg1[%get3A] : memref<16384xi32, #tpu.memory_space<smem>>
    %max3A = arith.constant -4096 : i32
    %max3A_3 = arith.maxsi %get3A_2, %max3A : i32
    %min3A = arith.constant 4095 : i32
    %min3A_4 = arith.minsi %max3A_3, %min3A : i32
    %add3A_5 = arith.constant 4096 : i32
    %add3A_6 = arith.addi %min3A_4, %add3A_5 : i32
    %c0_i32 = arith.constant 0 : i32
    %c0_i32_7 = arith.constant 0 : i32
    %c0_i32_8 = arith.constant 0 : i32
    return %add3A_6, %c0_i32, %c0_i32_7 : i32, i32, i32
  }
  func.func @transform_27(%arg0: i32, %arg1: memref<16384xi32, #tpu.memory_space<smem>>) -> (i32, i32, i32) {
    %mul3A = arith.constant 256 : i32
    %mul3A_0 = arith.muli %mul3A, %arg0 : i32
    %add3A = arith.constant 27 : i32
    %add3A_1 = arith.addi %mul3A_0, %add3A : i32
    %get3A = arith.index_cast %add3A_1 : i32 to index
    %get3A_2 = memref.load %arg1[%get3A] : memref<16384xi32, #tpu.memory_space<smem>>
    %max3A = arith.constant -4096 : i32
    %max3A_3 = arith.maxsi %get3A_2, %max3A : i32
    %min3A = arith.constant 4095 : i32
    %min3A_4 = arith.minsi %max3A_3, %min3A : i32
    %add3A_5 = arith.constant 4096 : i32
    %add3A_6 = arith.addi %min3A_4, %add3A_5 : i32
    %c0_i32 = arith.constant 0 : i32
    %c0_i32_7 = arith.constant 0 : i32
    %c0_i32_8 = arith.constant 0 : i32
    return %add3A_6, %c0_i32, %c0_i32_7 : i32, i32, i32
  }
  func.func @transform_28(%arg0: i32, %arg1: memref<16384xi32, #tpu.memory_space<smem>>) -> (i32, i32, i32) {
    %mul3A = arith.constant 256 : i32
    %mul3A_0 = arith.muli %mul3A, %arg0 : i32
    %add3A = arith.constant 28 : i32
    %add3A_1 = arith.addi %mul3A_0, %add3A : i32
    %get3A = arith.index_cast %add3A_1 : i32 to index
    %get3A_2 = memref.load %arg1[%get3A] : memref<16384xi32, #tpu.memory_space<smem>>
    %max3A = arith.constant -4096 : i32
    %max3A_3 = arith.maxsi %get3A_2, %max3A : i32
    %min3A = arith.constant 4095 : i32
    %min3A_4 = arith.minsi %max3A_3, %min3A : i32
    %add3A_5 = arith.constant 4096 : i32
    %add3A_6 = arith.addi %min3A_4, %add3A_5 : i32
    %c0_i32 = arith.constant 0 : i32
    %c0_i32_7 = arith.constant 0 : i32
    %c0_i32_8 = arith.constant 0 : i32
    return %add3A_6, %c0_i32, %c0_i32_7 : i32, i32, i32
  }
  func.func @transform_29(%arg0: i32, %arg1: memref<16384xi32, #tpu.memory_space<smem>>) -> (i32, i32, i32) {
    %mul3A = arith.constant 256 : i32
    %mul3A_0 = arith.muli %mul3A, %arg0 : i32
    %add3A = arith.constant 29 : i32
    %add3A_1 = arith.addi %mul3A_0, %add3A : i32
    %get3A = arith.index_cast %add3A_1 : i32 to index
    %get3A_2 = memref.load %arg1[%get3A] : memref<16384xi32, #tpu.memory_space<smem>>
    %max3A = arith.constant -4096 : i32
    %max3A_3 = arith.maxsi %get3A_2, %max3A : i32
    %min3A = arith.constant 4095 : i32
    %min3A_4 = arith.minsi %max3A_3, %min3A : i32
    %add3A_5 = arith.constant 4096 : i32
    %add3A_6 = arith.addi %min3A_4, %add3A_5 : i32
    %c0_i32 = arith.constant 0 : i32
    %c0_i32_7 = arith.constant 0 : i32
    %c0_i32_8 = arith.constant 0 : i32
    return %add3A_6, %c0_i32, %c0_i32_7 : i32, i32, i32
  }
  func.func @transform_30(%arg0: i32, %arg1: memref<16384xi32, #tpu.memory_space<smem>>) -> (i32, i32, i32) {
    %mul3A = arith.constant 256 : i32
    %mul3A_0 = arith.muli %mul3A, %arg0 : i32
    %add3A = arith.constant 30 : i32
    %add3A_1 = arith.addi %mul3A_0, %add3A : i32
    %get3A = arith.index_cast %add3A_1 : i32 to index
    %get3A_2 = memref.load %arg1[%get3A] : memref<16384xi32, #tpu.memory_space<smem>>
    %max3A = arith.constant -4096 : i32
    %max3A_3 = arith.maxsi %get3A_2, %max3A : i32
    %min3A = arith.constant 4095 : i32
    %min3A_4 = arith.minsi %max3A_3, %min3A : i32
    %add3A_5 = arith.constant 4096 : i32
    %add3A_6 = arith.addi %min3A_4, %add3A_5 : i32
    %c0_i32 = arith.constant 0 : i32
    %c0_i32_7 = arith.constant 0 : i32
    %c0_i32_8 = arith.constant 0 : i32
    return %add3A_6, %c0_i32, %c0_i32_7 : i32, i32, i32
  }
  func.func @transform_31(%arg0: i32, %arg1: memref<16384xi32, #tpu.memory_space<smem>>) -> (i32, i32, i32) {
    %mul3A = arith.constant 256 : i32
    %mul3A_0 = arith.muli %mul3A, %arg0 : i32
    %add3A = arith.constant 31 : i32
    %add3A_1 = arith.addi %mul3A_0, %add3A : i32
    %get3A = arith.index_cast %add3A_1 : i32 to index
    %get3A_2 = memref.load %arg1[%get3A] : memref<16384xi32, #tpu.memory_space<smem>>
    %max3A = arith.constant -4096 : i32
    %max3A_3 = arith.maxsi %get3A_2, %max3A : i32
    %min3A = arith.constant 4095 : i32
    %min3A_4 = arith.minsi %max3A_3, %min3A : i32
    %add3A_5 = arith.constant 4096 : i32
    %add3A_6 = arith.addi %min3A_4, %add3A_5 : i32
    %c0_i32 = arith.constant 0 : i32
    %c0_i32_7 = arith.constant 0 : i32
    %c0_i32_8 = arith.constant 0 : i32
    return %add3A_6, %c0_i32, %c0_i32_7 : i32, i32, i32
  }
  func.func @transform_32(%arg0: i32, %arg1: memref<16384xi32, #tpu.memory_space<smem>>) -> (i32, i32, i32) {
    %mul3A = arith.constant 256 : i32
    %mul3A_0 = arith.muli %mul3A, %arg0 : i32
    %add3A = arith.constant 32 : i32
    %add3A_1 = arith.addi %mul3A_0, %add3A : i32
    %get3A = arith.index_cast %add3A_1 : i32 to index
    %get3A_2 = memref.load %arg1[%get3A] : memref<16384xi32, #tpu.memory_space<smem>>
    %max3A = arith.constant -4096 : i32
    %max3A_3 = arith.maxsi %get3A_2, %max3A : i32
    %min3A = arith.constant 4095 : i32
    %min3A_4 = arith.minsi %max3A_3, %min3A : i32
    %add3A_5 = arith.constant 4096 : i32
    %add3A_6 = arith.addi %min3A_4, %add3A_5 : i32
    %c0_i32 = arith.constant 0 : i32
    %c0_i32_7 = arith.constant 0 : i32
    %c0_i32_8 = arith.constant 0 : i32
    return %add3A_6, %c0_i32, %c0_i32_7 : i32, i32, i32
  }
  func.func @transform_33(%arg0: i32, %arg1: memref<16384xi32, #tpu.memory_space<smem>>) -> (i32, i32, i32) {
    %mul3A = arith.constant 256 : i32
    %mul3A_0 = arith.muli %mul3A, %arg0 : i32
    %add3A = arith.constant 33 : i32
    %add3A_1 = arith.addi %mul3A_0, %add3A : i32
    %get3A = arith.index_cast %add3A_1 : i32 to index
    %get3A_2 = memref.load %arg1[%get3A] : memref<16384xi32, #tpu.memory_space<smem>>
    %max3A = arith.constant -4096 : i32
    %max3A_3 = arith.maxsi %get3A_2, %max3A : i32
    %min3A = arith.constant 4095 : i32
    %min3A_4 = arith.minsi %max3A_3, %min3A : i32
    %add3A_5 = arith.constant 4096 : i32
    %add3A_6 = arith.addi %min3A_4, %add3A_5 : i32
    %c0_i32 = arith.constant 0 : i32
    %c0_i32_7 = arith.constant 0 : i32
    %c0_i32_8 = arith.constant 0 : i32
    return %add3A_6, %c0_i32, %c0_i32_7 : i32, i32, i32
  }
  func.func @transform_34(%arg0: i32, %arg1: memref<16384xi32, #tpu.memory_space<smem>>) -> (i32, i32, i32) {
    %mul3A = arith.constant 256 : i32
    %mul3A_0 = arith.muli %mul3A, %arg0 : i32
    %add3A = arith.constant 34 : i32
    %add3A_1 = arith.addi %mul3A_0, %add3A : i32
    %get3A = arith.index_cast %add3A_1 : i32 to index
    %get3A_2 = memref.load %arg1[%get3A] : memref<16384xi32, #tpu.memory_space<smem>>
    %max3A = arith.constant -4096 : i32
    %max3A_3 = arith.maxsi %get3A_2, %max3A : i32
    %min3A = arith.constant 4095 : i32
    %min3A_4 = arith.minsi %max3A_3, %min3A : i32
    %add3A_5 = arith.constant 4096 : i32
    %add3A_6 = arith.addi %min3A_4, %add3A_5 : i32
    %c0_i32 = arith.constant 0 : i32
    %c0_i32_7 = arith.constant 0 : i32
    %c0_i32_8 = arith.constant 0 : i32
    return %add3A_6, %c0_i32, %c0_i32_7 : i32, i32, i32
  }
  func.func @transform_35(%arg0: i32, %arg1: memref<16384xi32, #tpu.memory_space<smem>>) -> (i32, i32, i32) {
    %mul3A = arith.constant 256 : i32
    %mul3A_0 = arith.muli %mul3A, %arg0 : i32
    %add3A = arith.constant 35 : i32
    %add3A_1 = arith.addi %mul3A_0, %add3A : i32
    %get3A = arith.index_cast %add3A_1 : i32 to index
    %get3A_2 = memref.load %arg1[%get3A] : memref<16384xi32, #tpu.memory_space<smem>>
    %max3A = arith.constant -4096 : i32
    %max3A_3 = arith.maxsi %get3A_2, %max3A : i32
    %min3A = arith.constant 4095 : i32
    %min3A_4 = arith.minsi %max3A_3, %min3A : i32
    %add3A_5 = arith.constant 4096 : i32
    %add3A_6 = arith.addi %min3A_4, %add3A_5 : i32
    %c0_i32 = arith.constant 0 : i32
    %c0_i32_7 = arith.constant 0 : i32
    %c0_i32_8 = arith.constant 0 : i32
    return %add3A_6, %c0_i32, %c0_i32_7 : i32, i32, i32
  }
  func.func @transform_36(%arg0: i32, %arg1: memref<16384xi32, #tpu.memory_space<smem>>) -> (i32, i32, i32) {
    %mul3A = arith.constant 256 : i32
    %mul3A_0 = arith.muli %mul3A, %arg0 : i32
    %add3A = arith.constant 36 : i32
    %add3A_1 = arith.addi %mul3A_0, %add3A : i32
    %get3A = arith.index_cast %add3A_1 : i32 to index
    %get3A_2 = memref.load %arg1[%get3A] : memref<16384xi32, #tpu.memory_space<smem>>
    %max3A = arith.constant -4096 : i32
    %max3A_3 = arith.maxsi %get3A_2, %max3A : i32
    %min3A = arith.constant 4095 : i32
    %min3A_4 = arith.minsi %max3A_3, %min3A : i32
    %add3A_5 = arith.constant 4096 : i32
    %add3A_6 = arith.addi %min3A_4, %add3A_5 : i32
    %c0_i32 = arith.constant 0 : i32
    %c0_i32_7 = arith.constant 0 : i32
    %c0_i32_8 = arith.constant 0 : i32
    return %add3A_6, %c0_i32, %c0_i32_7 : i32, i32, i32
  }
  func.func @transform_37(%arg0: i32, %arg1: memref<16384xi32, #tpu.memory_space<smem>>) -> (i32, i32, i32) {
    %mul3A = arith.constant 256 : i32
    %mul3A_0 = arith.muli %mul3A, %arg0 : i32
    %add3A = arith.constant 37 : i32
    %add3A_1 = arith.addi %mul3A_0, %add3A : i32
    %get3A = arith.index_cast %add3A_1 : i32 to index
    %get3A_2 = memref.load %arg1[%get3A] : memref<16384xi32, #tpu.memory_space<smem>>
    %max3A = arith.constant -4096 : i32
    %max3A_3 = arith.maxsi %get3A_2, %max3A : i32
    %min3A = arith.constant 4095 : i32
    %min3A_4 = arith.minsi %max3A_3, %min3A : i32
    %add3A_5 = arith.constant 4096 : i32
    %add3A_6 = arith.addi %min3A_4, %add3A_5 : i32
    %c0_i32 = arith.constant 0 : i32
    %c0_i32_7 = arith.constant 0 : i32
    %c0_i32_8 = arith.constant 0 : i32
    return %add3A_6, %c0_i32, %c0_i32_7 : i32, i32, i32
  }
  func.func @transform_38(%arg0: i32, %arg1: memref<16384xi32, #tpu.memory_space<smem>>) -> (i32, i32, i32) {
    %mul3A = arith.constant 256 : i32
    %mul3A_0 = arith.muli %mul3A, %arg0 : i32
    %add3A = arith.constant 38 : i32
    %add3A_1 = arith.addi %mul3A_0, %add3A : i32
    %get3A = arith.index_cast %add3A_1 : i32 to index
    %get3A_2 = memref.load %arg1[%get3A] : memref<16384xi32, #tpu.memory_space<smem>>
    %max3A = arith.constant -4096 : i32
    %max3A_3 = arith.maxsi %get3A_2, %max3A : i32
    %min3A = arith.constant 4095 : i32
    %min3A_4 = arith.minsi %max3A_3, %min3A : i32
    %add3A_5 = arith.constant 4096 : i32
    %add3A_6 = arith.addi %min3A_4, %add3A_5 : i32
    %c0_i32 = arith.constant 0 : i32
    %c0_i32_7 = arith.constant 0 : i32
    %c0_i32_8 = arith.constant 0 : i32
    return %add3A_6, %c0_i32, %c0_i32_7 : i32, i32, i32
  }
  func.func @transform_39(%arg0: i32, %arg1: memref<16384xi32, #tpu.memory_space<smem>>) -> (i32, i32, i32) {
    %mul3A = arith.constant 256 : i32
    %mul3A_0 = arith.muli %mul3A, %arg0 : i32
    %add3A = arith.constant 39 : i32
    %add3A_1 = arith.addi %mul3A_0, %add3A : i32
    %get3A = arith.index_cast %add3A_1 : i32 to index
    %get3A_2 = memref.load %arg1[%get3A] : memref<16384xi32, #tpu.memory_space<smem>>
    %max3A = arith.constant -4096 : i32
    %max3A_3 = arith.maxsi %get3A_2, %max3A : i32
    %min3A = arith.constant 4095 : i32
    %min3A_4 = arith.minsi %max3A_3, %min3A : i32
    %add3A_5 = arith.constant 4096 : i32
    %add3A_6 = arith.addi %min3A_4, %add3A_5 : i32
    %c0_i32 = arith.constant 0 : i32
    %c0_i32_7 = arith.constant 0 : i32
    %c0_i32_8 = arith.constant 0 : i32
    return %add3A_6, %c0_i32, %c0_i32_7 : i32, i32, i32
  }
  func.func @transform_40(%arg0: i32, %arg1: memref<16384xi32, #tpu.memory_space<smem>>) -> (i32, i32, i32) {
    %mul3A = arith.constant 256 : i32
    %mul3A_0 = arith.muli %mul3A, %arg0 : i32
    %add3A = arith.constant 40 : i32
    %add3A_1 = arith.addi %mul3A_0, %add3A : i32
    %get3A = arith.index_cast %add3A_1 : i32 to index
    %get3A_2 = memref.load %arg1[%get3A] : memref<16384xi32, #tpu.memory_space<smem>>
    %max3A = arith.constant -4096 : i32
    %max3A_3 = arith.maxsi %get3A_2, %max3A : i32
    %min3A = arith.constant 4095 : i32
    %min3A_4 = arith.minsi %max3A_3, %min3A : i32
    %add3A_5 = arith.constant 4096 : i32
    %add3A_6 = arith.addi %min3A_4, %add3A_5 : i32
    %c0_i32 = arith.constant 0 : i32
    %c0_i32_7 = arith.constant 0 : i32
    %c0_i32_8 = arith.constant 0 : i32
    return %add3A_6, %c0_i32, %c0_i32_7 : i32, i32, i32
  }
  func.func @transform_41(%arg0: i32, %arg1: memref<16384xi32, #tpu.memory_space<smem>>) -> (i32, i32, i32) {
    %mul3A = arith.constant 256 : i32
    %mul3A_0 = arith.muli %mul3A, %arg0 : i32
    %add3A = arith.constant 41 : i32
    %add3A_1 = arith.addi %mul3A_0, %add3A : i32
    %get3A = arith.index_cast %add3A_1 : i32 to index
    %get3A_2 = memref.load %arg1[%get3A] : memref<16384xi32, #tpu.memory_space<smem>>
    %max3A = arith.constant -4096 : i32
    %max3A_3 = arith.maxsi %get3A_2, %max3A : i32
    %min3A = arith.constant 4095 : i32
    %min3A_4 = arith.minsi %max3A_3, %min3A : i32
    %add3A_5 = arith.constant 4096 : i32
    %add3A_6 = arith.addi %min3A_4, %add3A_5 : i32
    %c0_i32 = arith.constant 0 : i32
    %c0_i32_7 = arith.constant 0 : i32
    %c0_i32_8 = arith.constant 0 : i32
    return %add3A_6, %c0_i32, %c0_i32_7 : i32, i32, i32
  }
  func.func @transform_42(%arg0: i32, %arg1: memref<16384xi32, #tpu.memory_space<smem>>) -> (i32, i32, i32) {
    %mul3A = arith.constant 256 : i32
    %mul3A_0 = arith.muli %mul3A, %arg0 : i32
    %add3A = arith.constant 42 : i32
    %add3A_1 = arith.addi %mul3A_0, %add3A : i32
    %get3A = arith.index_cast %add3A_1 : i32 to index
    %get3A_2 = memref.load %arg1[%get3A] : memref<16384xi32, #tpu.memory_space<smem>>
    %max3A = arith.constant -4096 : i32
    %max3A_3 = arith.maxsi %get3A_2, %max3A : i32
    %min3A = arith.constant 4095 : i32
    %min3A_4 = arith.minsi %max3A_3, %min3A : i32
    %add3A_5 = arith.constant 4096 : i32
    %add3A_6 = arith.addi %min3A_4, %add3A_5 : i32
    %c0_i32 = arith.constant 0 : i32
    %c0_i32_7 = arith.constant 0 : i32
    %c0_i32_8 = arith.constant 0 : i32
    return %add3A_6, %c0_i32, %c0_i32_7 : i32, i32, i32
  }
  func.func @transform_43(%arg0: i32, %arg1: memref<16384xi32, #tpu.memory_space<smem>>) -> (i32, i32, i32) {
    %mul3A = arith.constant 256 : i32
    %mul3A_0 = arith.muli %mul3A, %arg0 : i32
    %add3A = arith.constant 43 : i32
    %add3A_1 = arith.addi %mul3A_0, %add3A : i32
    %get3A = arith.index_cast %add3A_1 : i32 to index
    %get3A_2 = memref.load %arg1[%get3A] : memref<16384xi32, #tpu.memory_space<smem>>
    %max3A = arith.constant -4096 : i32
    %max3A_3 = arith.maxsi %get3A_2, %max3A : i32
    %min3A = arith.constant 4095 : i32
    %min3A_4 = arith.minsi %max3A_3, %min3A : i32
    %add3A_5 = arith.constant 4096 : i32
    %add3A_6 = arith.addi %min3A_4, %add3A_5 : i32
    %c0_i32 = arith.constant 0 : i32
    %c0_i32_7 = arith.constant 0 : i32
    %c0_i32_8 = arith.constant 0 : i32
    return %add3A_6, %c0_i32, %c0_i32_7 : i32, i32, i32
  }
  func.func @transform_44(%arg0: i32, %arg1: memref<16384xi32, #tpu.memory_space<smem>>) -> (i32, i32, i32) {
    %mul3A = arith.constant 256 : i32
    %mul3A_0 = arith.muli %mul3A, %arg0 : i32
    %add3A = arith.constant 44 : i32
    %add3A_1 = arith.addi %mul3A_0, %add3A : i32
    %get3A = arith.index_cast %add3A_1 : i32 to index
    %get3A_2 = memref.load %arg1[%get3A] : memref<16384xi32, #tpu.memory_space<smem>>
    %max3A = arith.constant -4096 : i32
    %max3A_3 = arith.maxsi %get3A_2, %max3A : i32
    %min3A = arith.constant 4095 : i32
    %min3A_4 = arith.minsi %max3A_3, %min3A : i32
    %add3A_5 = arith.constant 4096 : i32
    %add3A_6 = arith.addi %min3A_4, %add3A_5 : i32
    %c0_i32 = arith.constant 0 : i32
    %c0_i32_7 = arith.constant 0 : i32
    %c0_i32_8 = arith.constant 0 : i32
    return %add3A_6, %c0_i32, %c0_i32_7 : i32, i32, i32
  }
  func.func @transform_45(%arg0: i32, %arg1: memref<16384xi32, #tpu.memory_space<smem>>) -> (i32, i32, i32) {
    %mul3A = arith.constant 256 : i32
    %mul3A_0 = arith.muli %mul3A, %arg0 : i32
    %add3A = arith.constant 45 : i32
    %add3A_1 = arith.addi %mul3A_0, %add3A : i32
    %get3A = arith.index_cast %add3A_1 : i32 to index
    %get3A_2 = memref.load %arg1[%get3A] : memref<16384xi32, #tpu.memory_space<smem>>
    %max3A = arith.constant -4096 : i32
    %max3A_3 = arith.maxsi %get3A_2, %max3A : i32
    %min3A = arith.constant 4095 : i32
    %min3A_4 = arith.minsi %max3A_3, %min3A : i32
    %add3A_5 = arith.constant 4096 : i32
    %add3A_6 = arith.addi %min3A_4, %add3A_5 : i32
    %c0_i32 = arith.constant 0 : i32
    %c0_i32_7 = arith.constant 0 : i32
    %c0_i32_8 = arith.constant 0 : i32
    return %add3A_6, %c0_i32, %c0_i32_7 : i32, i32, i32
  }
  func.func @transform_46(%arg0: i32, %arg1: memref<16384xi32, #tpu.memory_space<smem>>) -> (i32, i32, i32) {
    %mul3A = arith.constant 256 : i32
    %mul3A_0 = arith.muli %mul3A, %arg0 : i32
    %add3A = arith.constant 46 : i32
    %add3A_1 = arith.addi %mul3A_0, %add3A : i32
    %get3A = arith.index_cast %add3A_1 : i32 to index
    %get3A_2 = memref.load %arg1[%get3A] : memref<16384xi32, #tpu.memory_space<smem>>
    %max3A = arith.constant -4096 : i32
    %max3A_3 = arith.maxsi %get3A_2, %max3A : i32
    %min3A = arith.constant 4095 : i32
    %min3A_4 = arith.minsi %max3A_3, %min3A : i32
    %add3A_5 = arith.constant 4096 : i32
    %add3A_6 = arith.addi %min3A_4, %add3A_5 : i32
    %c0_i32 = arith.constant 0 : i32
    %c0_i32_7 = arith.constant 0 : i32
    %c0_i32_8 = arith.constant 0 : i32
    return %add3A_6, %c0_i32, %c0_i32_7 : i32, i32, i32
  }
  func.func @transform_47(%arg0: i32, %arg1: memref<16384xi32, #tpu.memory_space<smem>>) -> (i32, i32, i32) {
    %mul3A = arith.constant 256 : i32
    %mul3A_0 = arith.muli %mul3A, %arg0 : i32
    %add3A = arith.constant 47 : i32
    %add3A_1 = arith.addi %mul3A_0, %add3A : i32
    %get3A = arith.index_cast %add3A_1 : i32 to index
    %get3A_2 = memref.load %arg1[%get3A] : memref<16384xi32, #tpu.memory_space<smem>>
    %max3A = arith.constant -4096 : i32
    %max3A_3 = arith.maxsi %get3A_2, %max3A : i32
    %min3A = arith.constant 4095 : i32
    %min3A_4 = arith.minsi %max3A_3, %min3A : i32
    %add3A_5 = arith.constant 4096 : i32
    %add3A_6 = arith.addi %min3A_4, %add3A_5 : i32
    %c0_i32 = arith.constant 0 : i32
    %c0_i32_7 = arith.constant 0 : i32
    %c0_i32_8 = arith.constant 0 : i32
    return %add3A_6, %c0_i32, %c0_i32_7 : i32, i32, i32
  }
  func.func @transform_48(%arg0: i32, %arg1: memref<16384xi32, #tpu.memory_space<smem>>) -> (i32, i32, i32) {
    %mul3A = arith.constant 256 : i32
    %mul3A_0 = arith.muli %mul3A, %arg0 : i32
    %add3A = arith.constant 48 : i32
    %add3A_1 = arith.addi %mul3A_0, %add3A : i32
    %get3A = arith.index_cast %add3A_1 : i32 to index
    %get3A_2 = memref.load %arg1[%get3A] : memref<16384xi32, #tpu.memory_space<smem>>
    %max3A = arith.constant -4096 : i32
    %max3A_3 = arith.maxsi %get3A_2, %max3A : i32
    %min3A = arith.constant 4095 : i32
    %min3A_4 = arith.minsi %max3A_3, %min3A : i32
    %add3A_5 = arith.constant 4096 : i32
    %add3A_6 = arith.addi %min3A_4, %add3A_5 : i32
    %c0_i32 = arith.constant 0 : i32
    %c0_i32_7 = arith.constant 0 : i32
    %c0_i32_8 = arith.constant 0 : i32
    return %add3A_6, %c0_i32, %c0_i32_7 : i32, i32, i32
  }
  func.func @transform_49(%arg0: i32, %arg1: memref<16384xi32, #tpu.memory_space<smem>>) -> (i32, i32, i32) {
    %mul3A = arith.constant 256 : i32
    %mul3A_0 = arith.muli %mul3A, %arg0 : i32
    %add3A = arith.constant 49 : i32
    %add3A_1 = arith.addi %mul3A_0, %add3A : i32
    %get3A = arith.index_cast %add3A_1 : i32 to index
    %get3A_2 = memref.load %arg1[%get3A] : memref<16384xi32, #tpu.memory_space<smem>>
    %max3A = arith.constant -4096 : i32
    %max3A_3 = arith.maxsi %get3A_2, %max3A : i32
    %min3A = arith.constant 4095 : i32
    %min3A_4 = arith.minsi %max3A_3, %min3A : i32
    %add3A_5 = arith.constant 4096 : i32
    %add3A_6 = arith.addi %min3A_4, %add3A_5 : i32
    %c0_i32 = arith.constant 0 : i32
    %c0_i32_7 = arith.constant 0 : i32
    %c0_i32_8 = arith.constant 0 : i32
    return %add3A_6, %c0_i32, %c0_i32_7 : i32, i32, i32
  }
  func.func @transform_50(%arg0: i32, %arg1: memref<16384xi32, #tpu.memory_space<smem>>) -> (i32, i32, i32) {
    %mul3A = arith.constant 256 : i32
    %mul3A_0 = arith.muli %mul3A, %arg0 : i32
    %add3A = arith.constant 50 : i32
    %add3A_1 = arith.addi %mul3A_0, %add3A : i32
    %get3A = arith.index_cast %add3A_1 : i32 to index
    %get3A_2 = memref.load %arg1[%get3A] : memref<16384xi32, #tpu.memory_space<smem>>
    %max3A = arith.constant -4096 : i32
    %max3A_3 = arith.maxsi %get3A_2, %max3A : i32
    %min3A = arith.constant 4095 : i32
    %min3A_4 = arith.minsi %max3A_3, %min3A : i32
    %add3A_5 = arith.constant 4096 : i32
    %add3A_6 = arith.addi %min3A_4, %add3A_5 : i32
    %c0_i32 = arith.constant 0 : i32
    %c0_i32_7 = arith.constant 0 : i32
    %c0_i32_8 = arith.constant 0 : i32
    return %add3A_6, %c0_i32, %c0_i32_7 : i32, i32, i32
  }
  func.func @transform_51(%arg0: i32, %arg1: memref<16384xi32, #tpu.memory_space<smem>>) -> (i32, i32, i32) {
    %mul3A = arith.constant 256 : i32
    %mul3A_0 = arith.muli %mul3A, %arg0 : i32
    %add3A = arith.constant 51 : i32
    %add3A_1 = arith.addi %mul3A_0, %add3A : i32
    %get3A = arith.index_cast %add3A_1 : i32 to index
    %get3A_2 = memref.load %arg1[%get3A] : memref<16384xi32, #tpu.memory_space<smem>>
    %max3A = arith.constant -4096 : i32
    %max3A_3 = arith.maxsi %get3A_2, %max3A : i32
    %min3A = arith.constant 4095 : i32
    %min3A_4 = arith.minsi %max3A_3, %min3A : i32
    %add3A_5 = arith.constant 4096 : i32
    %add3A_6 = arith.addi %min3A_4, %add3A_5 : i32
    %c0_i32 = arith.constant 0 : i32
    %c0_i32_7 = arith.constant 0 : i32
    %c0_i32_8 = arith.constant 0 : i32
    return %add3A_6, %c0_i32, %c0_i32_7 : i32, i32, i32
  }
  func.func @transform_52(%arg0: i32, %arg1: memref<16384xi32, #tpu.memory_space<smem>>) -> (i32, i32, i32) {
    %mul3A = arith.constant 256 : i32
    %mul3A_0 = arith.muli %mul3A, %arg0 : i32
    %add3A = arith.constant 52 : i32
    %add3A_1 = arith.addi %mul3A_0, %add3A : i32
    %get3A = arith.index_cast %add3A_1 : i32 to index
    %get3A_2 = memref.load %arg1[%get3A] : memref<16384xi32, #tpu.memory_space<smem>>
    %max3A = arith.constant -4096 : i32
    %max3A_3 = arith.maxsi %get3A_2, %max3A : i32
    %min3A = arith.constant 4095 : i32
    %min3A_4 = arith.minsi %max3A_3, %min3A : i32
    %add3A_5 = arith.constant 4096 : i32
    %add3A_6 = arith.addi %min3A_4, %add3A_5 : i32
    %c0_i32 = arith.constant 0 : i32
    %c0_i32_7 = arith.constant 0 : i32
    %c0_i32_8 = arith.constant 0 : i32
    return %add3A_6, %c0_i32, %c0_i32_7 : i32, i32, i32
  }
  func.func @transform_53(%arg0: i32, %arg1: memref<16384xi32, #tpu.memory_space<smem>>) -> (i32, i32, i32) {
    %mul3A = arith.constant 256 : i32
    %mul3A_0 = arith.muli %mul3A, %arg0 : i32
    %add3A = arith.constant 53 : i32
    %add3A_1 = arith.addi %mul3A_0, %add3A : i32
    %get3A = arith.index_cast %add3A_1 : i32 to index
    %get3A_2 = memref.load %arg1[%get3A] : memref<16384xi32, #tpu.memory_space<smem>>
    %max3A = arith.constant -4096 : i32
    %max3A_3 = arith.maxsi %get3A_2, %max3A : i32
    %min3A = arith.constant 4095 : i32
    %min3A_4 = arith.minsi %max3A_3, %min3A : i32
    %add3A_5 = arith.constant 4096 : i32
    %add3A_6 = arith.addi %min3A_4, %add3A_5 : i32
    %c0_i32 = arith.constant 0 : i32
    %c0_i32_7 = arith.constant 0 : i32
    %c0_i32_8 = arith.constant 0 : i32
    return %add3A_6, %c0_i32, %c0_i32_7 : i32, i32, i32
  }
  func.func @transform_54(%arg0: i32, %arg1: memref<16384xi32, #tpu.memory_space<smem>>) -> (i32, i32, i32) {
    %mul3A = arith.constant 256 : i32
    %mul3A_0 = arith.muli %mul3A, %arg0 : i32
    %add3A = arith.constant 54 : i32
    %add3A_1 = arith.addi %mul3A_0, %add3A : i32
    %get3A = arith.index_cast %add3A_1 : i32 to index
    %get3A_2 = memref.load %arg1[%get3A] : memref<16384xi32, #tpu.memory_space<smem>>
    %max3A = arith.constant -4096 : i32
    %max3A_3 = arith.maxsi %get3A_2, %max3A : i32
    %min3A = arith.constant 4095 : i32
    %min3A_4 = arith.minsi %max3A_3, %min3A : i32
    %add3A_5 = arith.constant 4096 : i32
    %add3A_6 = arith.addi %min3A_4, %add3A_5 : i32
    %c0_i32 = arith.constant 0 : i32
    %c0_i32_7 = arith.constant 0 : i32
    %c0_i32_8 = arith.constant 0 : i32
    return %add3A_6, %c0_i32, %c0_i32_7 : i32, i32, i32
  }
  func.func @transform_55(%arg0: i32, %arg1: memref<16384xi32, #tpu.memory_space<smem>>) -> (i32, i32, i32) {
    %mul3A = arith.constant 256 : i32
    %mul3A_0 = arith.muli %mul3A, %arg0 : i32
    %add3A = arith.constant 55 : i32
    %add3A_1 = arith.addi %mul3A_0, %add3A : i32
    %get3A = arith.index_cast %add3A_1 : i32 to index
    %get3A_2 = memref.load %arg1[%get3A] : memref<16384xi32, #tpu.memory_space<smem>>
    %max3A = arith.constant -4096 : i32
    %max3A_3 = arith.maxsi %get3A_2, %max3A : i32
    %min3A = arith.constant 4095 : i32
    %min3A_4 = arith.minsi %max3A_3, %min3A : i32
    %add3A_5 = arith.constant 4096 : i32
    %add3A_6 = arith.addi %min3A_4, %add3A_5 : i32
    %c0_i32 = arith.constant 0 : i32
    %c0_i32_7 = arith.constant 0 : i32
    %c0_i32_8 = arith.constant 0 : i32
    return %add3A_6, %c0_i32, %c0_i32_7 : i32, i32, i32
  }
  func.func @transform_56(%arg0: i32, %arg1: memref<16384xi32, #tpu.memory_space<smem>>) -> (i32, i32, i32) {
    %mul3A = arith.constant 256 : i32
    %mul3A_0 = arith.muli %mul3A, %arg0 : i32
    %add3A = arith.constant 56 : i32
    %add3A_1 = arith.addi %mul3A_0, %add3A : i32
    %get3A = arith.index_cast %add3A_1 : i32 to index
    %get3A_2 = memref.load %arg1[%get3A] : memref<16384xi32, #tpu.memory_space<smem>>
    %max3A = arith.constant -4096 : i32
    %max3A_3 = arith.maxsi %get3A_2, %max3A : i32
    %min3A = arith.constant 4095 : i32
    %min3A_4 = arith.minsi %max3A_3, %min3A : i32
    %add3A_5 = arith.constant 4096 : i32
    %add3A_6 = arith.addi %min3A_4, %add3A_5 : i32
    %c0_i32 = arith.constant 0 : i32
    %c0_i32_7 = arith.constant 0 : i32
    %c0_i32_8 = arith.constant 0 : i32
    return %add3A_6, %c0_i32, %c0_i32_7 : i32, i32, i32
  }
  func.func @transform_57(%arg0: i32, %arg1: memref<16384xi32, #tpu.memory_space<smem>>) -> (i32, i32, i32) {
    %mul3A = arith.constant 256 : i32
    %mul3A_0 = arith.muli %mul3A, %arg0 : i32
    %add3A = arith.constant 57 : i32
    %add3A_1 = arith.addi %mul3A_0, %add3A : i32
    %get3A = arith.index_cast %add3A_1 : i32 to index
    %get3A_2 = memref.load %arg1[%get3A] : memref<16384xi32, #tpu.memory_space<smem>>
    %max3A = arith.constant -4096 : i32
    %max3A_3 = arith.maxsi %get3A_2, %max3A : i32
    %min3A = arith.constant 4095 : i32
    %min3A_4 = arith.minsi %max3A_3, %min3A : i32
    %add3A_5 = arith.constant 4096 : i32
    %add3A_6 = arith.addi %min3A_4, %add3A_5 : i32
    %c0_i32 = arith.constant 0 : i32
    %c0_i32_7 = arith.constant 0 : i32
    %c0_i32_8 = arith.constant 0 : i32
    return %add3A_6, %c0_i32, %c0_i32_7 : i32, i32, i32
  }
  func.func @transform_58(%arg0: i32, %arg1: memref<16384xi32, #tpu.memory_space<smem>>) -> (i32, i32, i32) {
    %mul3A = arith.constant 256 : i32
    %mul3A_0 = arith.muli %mul3A, %arg0 : i32
    %add3A = arith.constant 58 : i32
    %add3A_1 = arith.addi %mul3A_0, %add3A : i32
    %get3A = arith.index_cast %add3A_1 : i32 to index
    %get3A_2 = memref.load %arg1[%get3A] : memref<16384xi32, #tpu.memory_space<smem>>
    %max3A = arith.constant -4096 : i32
    %max3A_3 = arith.maxsi %get3A_2, %max3A : i32
    %min3A = arith.constant 4095 : i32
    %min3A_4 = arith.minsi %max3A_3, %min3A : i32
    %add3A_5 = arith.constant 4096 : i32
    %add3A_6 = arith.addi %min3A_4, %add3A_5 : i32
    %c0_i32 = arith.constant 0 : i32
    %c0_i32_7 = arith.constant 0 : i32
    %c0_i32_8 = arith.constant 0 : i32
    return %add3A_6, %c0_i32, %c0_i32_7 : i32, i32, i32
  }
  func.func @transform_59(%arg0: i32, %arg1: memref<16384xi32, #tpu.memory_space<smem>>) -> (i32, i32, i32) {
    %mul3A = arith.constant 256 : i32
    %mul3A_0 = arith.muli %mul3A, %arg0 : i32
    %add3A = arith.constant 59 : i32
    %add3A_1 = arith.addi %mul3A_0, %add3A : i32
    %get3A = arith.index_cast %add3A_1 : i32 to index
    %get3A_2 = memref.load %arg1[%get3A] : memref<16384xi32, #tpu.memory_space<smem>>
    %max3A = arith.constant -4096 : i32
    %max3A_3 = arith.maxsi %get3A_2, %max3A : i32
    %min3A = arith.constant 4095 : i32
    %min3A_4 = arith.minsi %max3A_3, %min3A : i32
    %add3A_5 = arith.constant 4096 : i32
    %add3A_6 = arith.addi %min3A_4, %add3A_5 : i32
    %c0_i32 = arith.constant 0 : i32
    %c0_i32_7 = arith.constant 0 : i32
    %c0_i32_8 = arith.constant 0 : i32
    return %add3A_6, %c0_i32, %c0_i32_7 : i32, i32, i32
  }
  func.func @transform_60(%arg0: i32, %arg1: memref<16384xi32, #tpu.memory_space<smem>>) -> (i32, i32, i32) {
    %mul3A = arith.constant 256 : i32
    %mul3A_0 = arith.muli %mul3A, %arg0 : i32
    %add3A = arith.constant 60 : i32
    %add3A_1 = arith.addi %mul3A_0, %add3A : i32
    %get3A = arith.index_cast %add3A_1 : i32 to index
    %get3A_2 = memref.load %arg1[%get3A] : memref<16384xi32, #tpu.memory_space<smem>>
    %max3A = arith.constant -4096 : i32
    %max3A_3 = arith.maxsi %get3A_2, %max3A : i32
    %min3A = arith.constant 4095 : i32
    %min3A_4 = arith.minsi %max3A_3, %min3A : i32
    %add3A_5 = arith.constant 4096 : i32
    %add3A_6 = arith.addi %min3A_4, %add3A_5 : i32
    %c0_i32 = arith.constant 0 : i32
    %c0_i32_7 = arith.constant 0 : i32
    %c0_i32_8 = arith.constant 0 : i32
    return %add3A_6, %c0_i32, %c0_i32_7 : i32, i32, i32
  }
  func.func @transform_61(%arg0: i32, %arg1: memref<16384xi32, #tpu.memory_space<smem>>) -> (i32, i32, i32) {
    %mul3A = arith.constant 256 : i32
    %mul3A_0 = arith.muli %mul3A, %arg0 : i32
    %add3A = arith.constant 61 : i32
    %add3A_1 = arith.addi %mul3A_0, %add3A : i32
    %get3A = arith.index_cast %add3A_1 : i32 to index
    %get3A_2 = memref.load %arg1[%get3A] : memref<16384xi32, #tpu.memory_space<smem>>
    %max3A = arith.constant -4096 : i32
    %max3A_3 = arith.maxsi %get3A_2, %max3A : i32
    %min3A = arith.constant 4095 : i32
    %min3A_4 = arith.minsi %max3A_3, %min3A : i32
    %add3A_5 = arith.constant 4096 : i32
    %add3A_6 = arith.addi %min3A_4, %add3A_5 : i32
    %c0_i32 = arith.constant 0 : i32
    %c0_i32_7 = arith.constant 0 : i32
    %c0_i32_8 = arith.constant 0 : i32
    return %add3A_6, %c0_i32, %c0_i32_7 : i32, i32, i32
  }
  func.func @transform_62(%arg0: i32, %arg1: memref<16384xi32, #tpu.memory_space<smem>>) -> (i32, i32, i32) {
    %mul3A = arith.constant 256 : i32
    %mul3A_0 = arith.muli %mul3A, %arg0 : i32
    %add3A = arith.constant 62 : i32
    %add3A_1 = arith.addi %mul3A_0, %add3A : i32
    %get3A = arith.index_cast %add3A_1 : i32 to index
    %get3A_2 = memref.load %arg1[%get3A] : memref<16384xi32, #tpu.memory_space<smem>>
    %max3A = arith.constant -4096 : i32
    %max3A_3 = arith.maxsi %get3A_2, %max3A : i32
    %min3A = arith.constant 4095 : i32
    %min3A_4 = arith.minsi %max3A_3, %min3A : i32
    %add3A_5 = arith.constant 4096 : i32
    %add3A_6 = arith.addi %min3A_4, %add3A_5 : i32
    %c0_i32 = arith.constant 0 : i32
    %c0_i32_7 = arith.constant 0 : i32
    %c0_i32_8 = arith.constant 0 : i32
    return %add3A_6, %c0_i32, %c0_i32_7 : i32, i32, i32
  }
  func.func @transform_63(%arg0: i32, %arg1: memref<16384xi32, #tpu.memory_space<smem>>) -> (i32, i32, i32) {
    %mul3A = arith.constant 256 : i32
    %mul3A_0 = arith.muli %mul3A, %arg0 : i32
    %add3A = arith.constant 63 : i32
    %add3A_1 = arith.addi %mul3A_0, %add3A : i32
    %get3A = arith.index_cast %add3A_1 : i32 to index
    %get3A_2 = memref.load %arg1[%get3A] : memref<16384xi32, #tpu.memory_space<smem>>
    %max3A = arith.constant -4096 : i32
    %max3A_3 = arith.maxsi %get3A_2, %max3A : i32
    %min3A = arith.constant 4095 : i32
    %min3A_4 = arith.minsi %max3A_3, %min3A : i32
    %add3A_5 = arith.constant 4096 : i32
    %add3A_6 = arith.addi %min3A_4, %add3A_5 : i32
    %c0_i32 = arith.constant 0 : i32
    %c0_i32_7 = arith.constant 0 : i32
    %c0_i32_8 = arith.constant 0 : i32
    return %add3A_6, %c0_i32, %c0_i32_7 : i32, i32, i32
  }
  func.func @transform_64(%arg0: i32, %arg1: memref<16384xi32, #tpu.memory_space<smem>>) -> (i32, i32, i32) {
    %mul3A = arith.constant 256 : i32
    %mul3A_0 = arith.muli %mul3A, %arg0 : i32
    %add3A = arith.constant 64 : i32
    %add3A_1 = arith.addi %mul3A_0, %add3A : i32
    %get3A = arith.index_cast %add3A_1 : i32 to index
    %get3A_2 = memref.load %arg1[%get3A] : memref<16384xi32, #tpu.memory_space<smem>>
    %max3A = arith.constant -4096 : i32
    %max3A_3 = arith.maxsi %get3A_2, %max3A : i32
    %min3A = arith.constant 4095 : i32
    %min3A_4 = arith.minsi %max3A_3, %min3A : i32
    %add3A_5 = arith.constant 4096 : i32
    %add3A_6 = arith.addi %min3A_4, %add3A_5 : i32
    %c0_i32 = arith.constant 0 : i32
    %c0_i32_7 = arith.constant 0 : i32
    %c0_i32_8 = arith.constant 0 : i32
    return %add3A_6, %c0_i32, %c0_i32_7 : i32, i32, i32
  }
  func.func @transform_65(%arg0: i32, %arg1: memref<16384xi32, #tpu.memory_space<smem>>) -> (i32, i32, i32) {
    %mul3A = arith.constant 256 : i32
    %mul3A_0 = arith.muli %mul3A, %arg0 : i32
    %add3A = arith.constant 65 : i32
    %add3A_1 = arith.addi %mul3A_0, %add3A : i32
    %get3A = arith.index_cast %add3A_1 : i32 to index
    %get3A_2 = memref.load %arg1[%get3A] : memref<16384xi32, #tpu.memory_space<smem>>
    %max3A = arith.constant -4096 : i32
    %max3A_3 = arith.maxsi %get3A_2, %max3A : i32
    %min3A = arith.constant 4095 : i32
    %min3A_4 = arith.minsi %max3A_3, %min3A : i32
    %add3A_5 = arith.constant 4096 : i32
    %add3A_6 = arith.addi %min3A_4, %add3A_5 : i32
    %c0_i32 = arith.constant 0 : i32
    %c0_i32_7 = arith.constant 0 : i32
    %c0_i32_8 = arith.constant 0 : i32
    return %add3A_6, %c0_i32, %c0_i32_7 : i32, i32, i32
  }
  func.func @transform_66(%arg0: i32, %arg1: memref<16384xi32, #tpu.memory_space<smem>>) -> (i32, i32, i32) {
    %mul3A = arith.constant 256 : i32
    %mul3A_0 = arith.muli %mul3A, %arg0 : i32
    %add3A = arith.constant 66 : i32
    %add3A_1 = arith.addi %mul3A_0, %add3A : i32
    %get3A = arith.index_cast %add3A_1 : i32 to index
    %get3A_2 = memref.load %arg1[%get3A] : memref<16384xi32, #tpu.memory_space<smem>>
    %max3A = arith.constant -4096 : i32
    %max3A_3 = arith.maxsi %get3A_2, %max3A : i32
    %min3A = arith.constant 4095 : i32
    %min3A_4 = arith.minsi %max3A_3, %min3A : i32
    %add3A_5 = arith.constant 4096 : i32
    %add3A_6 = arith.addi %min3A_4, %add3A_5 : i32
    %c0_i32 = arith.constant 0 : i32
    %c0_i32_7 = arith.constant 0 : i32
    %c0_i32_8 = arith.constant 0 : i32
    return %add3A_6, %c0_i32, %c0_i32_7 : i32, i32, i32
  }
  func.func @transform_67(%arg0: i32, %arg1: memref<16384xi32, #tpu.memory_space<smem>>) -> (i32, i32, i32) {
    %mul3A = arith.constant 256 : i32
    %mul3A_0 = arith.muli %mul3A, %arg0 : i32
    %add3A = arith.constant 67 : i32
    %add3A_1 = arith.addi %mul3A_0, %add3A : i32
    %get3A = arith.index_cast %add3A_1 : i32 to index
    %get3A_2 = memref.load %arg1[%get3A] : memref<16384xi32, #tpu.memory_space<smem>>
    %max3A = arith.constant -4096 : i32
    %max3A_3 = arith.maxsi %get3A_2, %max3A : i32
    %min3A = arith.constant 4095 : i32
    %min3A_4 = arith.minsi %max3A_3, %min3A : i32
    %add3A_5 = arith.constant 4096 : i32
    %add3A_6 = arith.addi %min3A_4, %add3A_5 : i32
    %c0_i32 = arith.constant 0 : i32
    %c0_i32_7 = arith.constant 0 : i32
    %c0_i32_8 = arith.constant 0 : i32
    return %add3A_6, %c0_i32, %c0_i32_7 : i32, i32, i32
  }
  func.func @transform_68(%arg0: i32, %arg1: memref<16384xi32, #tpu.memory_space<smem>>) -> (i32, i32, i32) {
    %mul3A = arith.constant 256 : i32
    %mul3A_0 = arith.muli %mul3A, %arg0 : i32
    %add3A = arith.constant 68 : i32
    %add3A_1 = arith.addi %mul3A_0, %add3A : i32
    %get3A = arith.index_cast %add3A_1 : i32 to index
    %get3A_2 = memref.load %arg1[%get3A] : memref<16384xi32, #tpu.memory_space<smem>>
    %max3A = arith.constant -4096 : i32
    %max3A_3 = arith.maxsi %get3A_2, %max3A : i32
    %min3A = arith.constant 4095 : i32
    %min3A_4 = arith.minsi %max3A_3, %min3A : i32
    %add3A_5 = arith.constant 4096 : i32
    %add3A_6 = arith.addi %min3A_4, %add3A_5 : i32
    %c0_i32 = arith.constant 0 : i32
    %c0_i32_7 = arith.constant 0 : i32
    %c0_i32_8 = arith.constant 0 : i32
    return %add3A_6, %c0_i32, %c0_i32_7 : i32, i32, i32
  }
  func.func @transform_69(%arg0: i32, %arg1: memref<16384xi32, #tpu.memory_space<smem>>) -> (i32, i32, i32) {
    %mul3A = arith.constant 256 : i32
    %mul3A_0 = arith.muli %mul3A, %arg0 : i32
    %add3A = arith.constant 69 : i32
    %add3A_1 = arith.addi %mul3A_0, %add3A : i32
    %get3A = arith.index_cast %add3A_1 : i32 to index
    %get3A_2 = memref.load %arg1[%get3A] : memref<16384xi32, #tpu.memory_space<smem>>
    %max3A = arith.constant -4096 : i32
    %max3A_3 = arith.maxsi %get3A_2, %max3A : i32
    %min3A = arith.constant 4095 : i32
    %min3A_4 = arith.minsi %max3A_3, %min3A : i32
    %add3A_5 = arith.constant 4096 : i32
    %add3A_6 = arith.addi %min3A_4, %add3A_5 : i32
    %c0_i32 = arith.constant 0 : i32
    %c0_i32_7 = arith.constant 0 : i32
    %c0_i32_8 = arith.constant 0 : i32
    return %add3A_6, %c0_i32, %c0_i32_7 : i32, i32, i32
  }
  func.func @transform_70(%arg0: i32, %arg1: memref<16384xi32, #tpu.memory_space<smem>>) -> (i32, i32, i32) {
    %mul3A = arith.constant 256 : i32
    %mul3A_0 = arith.muli %mul3A, %arg0 : i32
    %add3A = arith.constant 70 : i32
    %add3A_1 = arith.addi %mul3A_0, %add3A : i32
    %get3A = arith.index_cast %add3A_1 : i32 to index
    %get3A_2 = memref.load %arg1[%get3A] : memref<16384xi32, #tpu.memory_space<smem>>
    %max3A = arith.constant -4096 : i32
    %max3A_3 = arith.maxsi %get3A_2, %max3A : i32
    %min3A = arith.constant 4095 : i32
    %min3A_4 = arith.minsi %max3A_3, %min3A : i32
    %add3A_5 = arith.constant 4096 : i32
    %add3A_6 = arith.addi %min3A_4, %add3A_5 : i32
    %c0_i32 = arith.constant 0 : i32
    %c0_i32_7 = arith.constant 0 : i32
    %c0_i32_8 = arith.constant 0 : i32
    return %add3A_6, %c0_i32, %c0_i32_7 : i32, i32, i32
  }
  func.func @transform_71(%arg0: i32, %arg1: memref<16384xi32, #tpu.memory_space<smem>>) -> (i32, i32, i32) {
    %mul3A = arith.constant 256 : i32
    %mul3A_0 = arith.muli %mul3A, %arg0 : i32
    %add3A = arith.constant 71 : i32
    %add3A_1 = arith.addi %mul3A_0, %add3A : i32
    %get3A = arith.index_cast %add3A_1 : i32 to index
    %get3A_2 = memref.load %arg1[%get3A] : memref<16384xi32, #tpu.memory_space<smem>>
    %max3A = arith.constant -4096 : i32
    %max3A_3 = arith.maxsi %get3A_2, %max3A : i32
    %min3A = arith.constant 4095 : i32
    %min3A_4 = arith.minsi %max3A_3, %min3A : i32
    %add3A_5 = arith.constant 4096 : i32
    %add3A_6 = arith.addi %min3A_4, %add3A_5 : i32
    %c0_i32 = arith.constant 0 : i32
    %c0_i32_7 = arith.constant 0 : i32
    %c0_i32_8 = arith.constant 0 : i32
    return %add3A_6, %c0_i32, %c0_i32_7 : i32, i32, i32
  }
  func.func @transform_72(%arg0: i32, %arg1: memref<16384xi32, #tpu.memory_space<smem>>) -> (i32, i32, i32) {
    %mul3A = arith.constant 256 : i32
    %mul3A_0 = arith.muli %mul3A, %arg0 : i32
    %add3A = arith.constant 72 : i32
    %add3A_1 = arith.addi %mul3A_0, %add3A : i32
    %get3A = arith.index_cast %add3A_1 : i32 to index
    %get3A_2 = memref.load %arg1[%get3A] : memref<16384xi32, #tpu.memory_space<smem>>
    %max3A = arith.constant -4096 : i32
    %max3A_3 = arith.maxsi %get3A_2, %max3A : i32
    %min3A = arith.constant 4095 : i32
    %min3A_4 = arith.minsi %max3A_3, %min3A : i32
    %add3A_5 = arith.constant 4096 : i32
    %add3A_6 = arith.addi %min3A_4, %add3A_5 : i32
    %c0_i32 = arith.constant 0 : i32
    %c0_i32_7 = arith.constant 0 : i32
    %c0_i32_8 = arith.constant 0 : i32
    return %add3A_6, %c0_i32, %c0_i32_7 : i32, i32, i32
  }
  func.func @transform_73(%arg0: i32, %arg1: memref<16384xi32, #tpu.memory_space<smem>>) -> (i32, i32, i32) {
    %mul3A = arith.constant 256 : i32
    %mul3A_0 = arith.muli %mul3A, %arg0 : i32
    %add3A = arith.constant 73 : i32
    %add3A_1 = arith.addi %mul3A_0, %add3A : i32
    %get3A = arith.index_cast %add3A_1 : i32 to index
    %get3A_2 = memref.load %arg1[%get3A] : memref<16384xi32, #tpu.memory_space<smem>>
    %max3A = arith.constant -4096 : i32
    %max3A_3 = arith.maxsi %get3A_2, %max3A : i32
    %min3A = arith.constant 4095 : i32
    %min3A_4 = arith.minsi %max3A_3, %min3A : i32
    %add3A_5 = arith.constant 4096 : i32
    %add3A_6 = arith.addi %min3A_4, %add3A_5 : i32
    %c0_i32 = arith.constant 0 : i32
    %c0_i32_7 = arith.constant 0 : i32
    %c0_i32_8 = arith.constant 0 : i32
    return %add3A_6, %c0_i32, %c0_i32_7 : i32, i32, i32
  }
  func.func @transform_74(%arg0: i32, %arg1: memref<16384xi32, #tpu.memory_space<smem>>) -> (i32, i32, i32) {
    %mul3A = arith.constant 256 : i32
    %mul3A_0 = arith.muli %mul3A, %arg0 : i32
    %add3A = arith.constant 74 : i32
    %add3A_1 = arith.addi %mul3A_0, %add3A : i32
    %get3A = arith.index_cast %add3A_1 : i32 to index
    %get3A_2 = memref.load %arg1[%get3A] : memref<16384xi32, #tpu.memory_space<smem>>
    %max3A = arith.constant -4096 : i32
    %max3A_3 = arith.maxsi %get3A_2, %max3A : i32
    %min3A = arith.constant 4095 : i32
    %min3A_4 = arith.minsi %max3A_3, %min3A : i32
    %add3A_5 = arith.constant 4096 : i32
    %add3A_6 = arith.addi %min3A_4, %add3A_5 : i32
    %c0_i32 = arith.constant 0 : i32
    %c0_i32_7 = arith.constant 0 : i32
    %c0_i32_8 = arith.constant 0 : i32
    return %add3A_6, %c0_i32, %c0_i32_7 : i32, i32, i32
  }
  func.func @transform_75(%arg0: i32, %arg1: memref<16384xi32, #tpu.memory_space<smem>>) -> (i32, i32, i32) {
    %mul3A = arith.constant 256 : i32
    %mul3A_0 = arith.muli %mul3A, %arg0 : i32
    %add3A = arith.constant 75 : i32
    %add3A_1 = arith.addi %mul3A_0, %add3A : i32
    %get3A = arith.index_cast %add3A_1 : i32 to index
    %get3A_2 = memref.load %arg1[%get3A] : memref<16384xi32, #tpu.memory_space<smem>>
    %max3A = arith.constant -4096 : i32
    %max3A_3 = arith.maxsi %get3A_2, %max3A : i32
    %min3A = arith.constant 4095 : i32
    %min3A_4 = arith.minsi %max3A_3, %min3A : i32
    %add3A_5 = arith.constant 4096 : i32
    %add3A_6 = arith.addi %min3A_4, %add3A_5 : i32
    %c0_i32 = arith.constant 0 : i32
    %c0_i32_7 = arith.constant 0 : i32
    %c0_i32_8 = arith.constant 0 : i32
    return %add3A_6, %c0_i32, %c0_i32_7 : i32, i32, i32
  }
  func.func @transform_76(%arg0: i32, %arg1: memref<16384xi32, #tpu.memory_space<smem>>) -> (i32, i32, i32) {
    %mul3A = arith.constant 256 : i32
    %mul3A_0 = arith.muli %mul3A, %arg0 : i32
    %add3A = arith.constant 76 : i32
    %add3A_1 = arith.addi %mul3A_0, %add3A : i32
    %get3A = arith.index_cast %add3A_1 : i32 to index
    %get3A_2 = memref.load %arg1[%get3A] : memref<16384xi32, #tpu.memory_space<smem>>
    %max3A = arith.constant -4096 : i32
    %max3A_3 = arith.maxsi %get3A_2, %max3A : i32
    %min3A = arith.constant 4095 : i32
    %min3A_4 = arith.minsi %max3A_3, %min3A : i32
    %add3A_5 = arith.constant 4096 : i32
    %add3A_6 = arith.addi %min3A_4, %add3A_5 : i32
    %c0_i32 = arith.constant 0 : i32
    %c0_i32_7 = arith.constant 0 : i32
    %c0_i32_8 = arith.constant 0 : i32
    return %add3A_6, %c0_i32, %c0_i32_7 : i32, i32, i32
  }
  func.func @transform_77(%arg0: i32, %arg1: memref<16384xi32, #tpu.memory_space<smem>>) -> (i32, i32, i32) {
    %mul3A = arith.constant 256 : i32
    %mul3A_0 = arith.muli %mul3A, %arg0 : i32
    %add3A = arith.constant 77 : i32
    %add3A_1 = arith.addi %mul3A_0, %add3A : i32
    %get3A = arith.index_cast %add3A_1 : i32 to index
    %get3A_2 = memref.load %arg1[%get3A] : memref<16384xi32, #tpu.memory_space<smem>>
    %max3A = arith.constant -4096 : i32
    %max3A_3 = arith.maxsi %get3A_2, %max3A : i32
    %min3A = arith.constant 4095 : i32
    %min3A_4 = arith.minsi %max3A_3, %min3A : i32
    %add3A_5 = arith.constant 4096 : i32
    %add3A_6 = arith.addi %min3A_4, %add3A_5 : i32
    %c0_i32 = arith.constant 0 : i32
    %c0_i32_7 = arith.constant 0 : i32
    %c0_i32_8 = arith.constant 0 : i32
    return %add3A_6, %c0_i32, %c0_i32_7 : i32, i32, i32
  }
  func.func @transform_78(%arg0: i32, %arg1: memref<16384xi32, #tpu.memory_space<smem>>) -> (i32, i32, i32) {
    %mul3A = arith.constant 256 : i32
    %mul3A_0 = arith.muli %mul3A, %arg0 : i32
    %add3A = arith.constant 78 : i32
    %add3A_1 = arith.addi %mul3A_0, %add3A : i32
    %get3A = arith.index_cast %add3A_1 : i32 to index
    %get3A_2 = memref.load %arg1[%get3A] : memref<16384xi32, #tpu.memory_space<smem>>
    %max3A = arith.constant -4096 : i32
    %max3A_3 = arith.maxsi %get3A_2, %max3A : i32
    %min3A = arith.constant 4095 : i32
    %min3A_4 = arith.minsi %max3A_3, %min3A : i32
    %add3A_5 = arith.constant 4096 : i32
    %add3A_6 = arith.addi %min3A_4, %add3A_5 : i32
    %c0_i32 = arith.constant 0 : i32
    %c0_i32_7 = arith.constant 0 : i32
    %c0_i32_8 = arith.constant 0 : i32
    return %add3A_6, %c0_i32, %c0_i32_7 : i32, i32, i32
  }
  func.func @transform_79(%arg0: i32, %arg1: memref<16384xi32, #tpu.memory_space<smem>>) -> (i32, i32, i32) {
    %mul3A = arith.constant 256 : i32
    %mul3A_0 = arith.muli %mul3A, %arg0 : i32
    %add3A = arith.constant 79 : i32
    %add3A_1 = arith.addi %mul3A_0, %add3A : i32
    %get3A = arith.index_cast %add3A_1 : i32 to index
    %get3A_2 = memref.load %arg1[%get3A] : memref<16384xi32, #tpu.memory_space<smem>>
    %max3A = arith.constant -4096 : i32
    %max3A_3 = arith.maxsi %get3A_2, %max3A : i32
    %min3A = arith.constant 4095 : i32
    %min3A_4 = arith.minsi %max3A_3, %min3A : i32
    %add3A_5 = arith.constant 4096 : i32
    %add3A_6 = arith.addi %min3A_4, %add3A_5 : i32
    %c0_i32 = arith.constant 0 : i32
    %c0_i32_7 = arith.constant 0 : i32
    %c0_i32_8 = arith.constant 0 : i32
    return %add3A_6, %c0_i32, %c0_i32_7 : i32, i32, i32
  }
  func.func @transform_80(%arg0: i32, %arg1: memref<16384xi32, #tpu.memory_space<smem>>) -> (i32, i32, i32) {
    %mul3A = arith.constant 256 : i32
    %mul3A_0 = arith.muli %mul3A, %arg0 : i32
    %add3A = arith.constant 80 : i32
    %add3A_1 = arith.addi %mul3A_0, %add3A : i32
    %get3A = arith.index_cast %add3A_1 : i32 to index
    %get3A_2 = memref.load %arg1[%get3A] : memref<16384xi32, #tpu.memory_space<smem>>
    %max3A = arith.constant -4096 : i32
    %max3A_3 = arith.maxsi %get3A_2, %max3A : i32
    %min3A = arith.constant 4095 : i32
    %min3A_4 = arith.minsi %max3A_3, %min3A : i32
    %add3A_5 = arith.constant 4096 : i32
    %add3A_6 = arith.addi %min3A_4, %add3A_5 : i32
    %c0_i32 = arith.constant 0 : i32
    %c0_i32_7 = arith.constant 0 : i32
    %c0_i32_8 = arith.constant 0 : i32
    return %add3A_6, %c0_i32, %c0_i32_7 : i32, i32, i32
  }
  func.func @transform_81(%arg0: i32, %arg1: memref<16384xi32, #tpu.memory_space<smem>>) -> (i32, i32, i32) {
    %mul3A = arith.constant 256 : i32
    %mul3A_0 = arith.muli %mul3A, %arg0 : i32
    %add3A = arith.constant 81 : i32
    %add3A_1 = arith.addi %mul3A_0, %add3A : i32
    %get3A = arith.index_cast %add3A_1 : i32 to index
    %get3A_2 = memref.load %arg1[%get3A] : memref<16384xi32, #tpu.memory_space<smem>>
    %max3A = arith.constant -4096 : i32
    %max3A_3 = arith.maxsi %get3A_2, %max3A : i32
    %min3A = arith.constant 4095 : i32
    %min3A_4 = arith.minsi %max3A_3, %min3A : i32
    %add3A_5 = arith.constant 4096 : i32
    %add3A_6 = arith.addi %min3A_4, %add3A_5 : i32
    %c0_i32 = arith.constant 0 : i32
    %c0_i32_7 = arith.constant 0 : i32
    %c0_i32_8 = arith.constant 0 : i32
    return %add3A_6, %c0_i32, %c0_i32_7 : i32, i32, i32
  }
  func.func @transform_82(%arg0: i32, %arg1: memref<16384xi32, #tpu.memory_space<smem>>) -> (i32, i32, i32) {
    %mul3A = arith.constant 256 : i32
    %mul3A_0 = arith.muli %mul3A, %arg0 : i32
    %add3A = arith.constant 82 : i32
    %add3A_1 = arith.addi %mul3A_0, %add3A : i32
    %get3A = arith.index_cast %add3A_1 : i32 to index
    %get3A_2 = memref.load %arg1[%get3A] : memref<16384xi32, #tpu.memory_space<smem>>
    %max3A = arith.constant -4096 : i32
    %max3A_3 = arith.maxsi %get3A_2, %max3A : i32
    %min3A = arith.constant 4095 : i32
    %min3A_4 = arith.minsi %max3A_3, %min3A : i32
    %add3A_5 = arith.constant 4096 : i32
    %add3A_6 = arith.addi %min3A_4, %add3A_5 : i32
    %c0_i32 = arith.constant 0 : i32
    %c0_i32_7 = arith.constant 0 : i32
    %c0_i32_8 = arith.constant 0 : i32
    return %add3A_6, %c0_i32, %c0_i32_7 : i32, i32, i32
  }
  func.func @transform_83(%arg0: i32, %arg1: memref<16384xi32, #tpu.memory_space<smem>>) -> (i32, i32, i32) {
    %mul3A = arith.constant 256 : i32
    %mul3A_0 = arith.muli %mul3A, %arg0 : i32
    %add3A = arith.constant 83 : i32
    %add3A_1 = arith.addi %mul3A_0, %add3A : i32
    %get3A = arith.index_cast %add3A_1 : i32 to index
    %get3A_2 = memref.load %arg1[%get3A] : memref<16384xi32, #tpu.memory_space<smem>>
    %max3A = arith.constant -4096 : i32
    %max3A_3 = arith.maxsi %get3A_2, %max3A : i32
    %min3A = arith.constant 4095 : i32
    %min3A_4 = arith.minsi %max3A_3, %min3A : i32
    %add3A_5 = arith.constant 4096 : i32
    %add3A_6 = arith.addi %min3A_4, %add3A_5 : i32
    %c0_i32 = arith.constant 0 : i32
    %c0_i32_7 = arith.constant 0 : i32
    %c0_i32_8 = arith.constant 0 : i32
    return %add3A_6, %c0_i32, %c0_i32_7 : i32, i32, i32
  }
  func.func @transform_84(%arg0: i32, %arg1: memref<16384xi32, #tpu.memory_space<smem>>) -> (i32, i32, i32) {
    %mul3A = arith.constant 256 : i32
    %mul3A_0 = arith.muli %mul3A, %arg0 : i32
    %add3A = arith.constant 84 : i32
    %add3A_1 = arith.addi %mul3A_0, %add3A : i32
    %get3A = arith.index_cast %add3A_1 : i32 to index
    %get3A_2 = memref.load %arg1[%get3A] : memref<16384xi32, #tpu.memory_space<smem>>
    %max3A = arith.constant -4096 : i32
    %max3A_3 = arith.maxsi %get3A_2, %max3A : i32
    %min3A = arith.constant 4095 : i32
    %min3A_4 = arith.minsi %max3A_3, %min3A : i32
    %add3A_5 = arith.constant 4096 : i32
    %add3A_6 = arith.addi %min3A_4, %add3A_5 : i32
    %c0_i32 = arith.constant 0 : i32
    %c0_i32_7 = arith.constant 0 : i32
    %c0_i32_8 = arith.constant 0 : i32
    return %add3A_6, %c0_i32, %c0_i32_7 : i32, i32, i32
  }
  func.func @transform_85(%arg0: i32, %arg1: memref<16384xi32, #tpu.memory_space<smem>>) -> (i32, i32, i32) {
    %mul3A = arith.constant 256 : i32
    %mul3A_0 = arith.muli %mul3A, %arg0 : i32
    %add3A = arith.constant 85 : i32
    %add3A_1 = arith.addi %mul3A_0, %add3A : i32
    %get3A = arith.index_cast %add3A_1 : i32 to index
    %get3A_2 = memref.load %arg1[%get3A] : memref<16384xi32, #tpu.memory_space<smem>>
    %max3A = arith.constant -4096 : i32
    %max3A_3 = arith.maxsi %get3A_2, %max3A : i32
    %min3A = arith.constant 4095 : i32
    %min3A_4 = arith.minsi %max3A_3, %min3A : i32
    %add3A_5 = arith.constant 4096 : i32
    %add3A_6 = arith.addi %min3A_4, %add3A_5 : i32
    %c0_i32 = arith.constant 0 : i32
    %c0_i32_7 = arith.constant 0 : i32
    %c0_i32_8 = arith.constant 0 : i32
    return %add3A_6, %c0_i32, %c0_i32_7 : i32, i32, i32
  }
  func.func @transform_86(%arg0: i32, %arg1: memref<16384xi32, #tpu.memory_space<smem>>) -> (i32, i32, i32) {
    %mul3A = arith.constant 256 : i32
    %mul3A_0 = arith.muli %mul3A, %arg0 : i32
    %add3A = arith.constant 86 : i32
    %add3A_1 = arith.addi %mul3A_0, %add3A : i32
    %get3A = arith.index_cast %add3A_1 : i32 to index
    %get3A_2 = memref.load %arg1[%get3A] : memref<16384xi32, #tpu.memory_space<smem>>
    %max3A = arith.constant -4096 : i32
    %max3A_3 = arith.maxsi %get3A_2, %max3A : i32
    %min3A = arith.constant 4095 : i32
    %min3A_4 = arith.minsi %max3A_3, %min3A : i32
    %add3A_5 = arith.constant 4096 : i32
    %add3A_6 = arith.addi %min3A_4, %add3A_5 : i32
    %c0_i32 = arith.constant 0 : i32
    %c0_i32_7 = arith.constant 0 : i32
    %c0_i32_8 = arith.constant 0 : i32
    return %add3A_6, %c0_i32, %c0_i32_7 : i32, i32, i32
  }
  func.func @transform_87(%arg0: i32, %arg1: memref<16384xi32, #tpu.memory_space<smem>>) -> (i32, i32, i32) {
    %mul3A = arith.constant 256 : i32
    %mul3A_0 = arith.muli %mul3A, %arg0 : i32
    %add3A = arith.constant 87 : i32
    %add3A_1 = arith.addi %mul3A_0, %add3A : i32
    %get3A = arith.index_cast %add3A_1 : i32 to index
    %get3A_2 = memref.load %arg1[%get3A] : memref<16384xi32, #tpu.memory_space<smem>>
    %max3A = arith.constant -4096 : i32
    %max3A_3 = arith.maxsi %get3A_2, %max3A : i32
    %min3A = arith.constant 4095 : i32
    %min3A_4 = arith.minsi %max3A_3, %min3A : i32
    %add3A_5 = arith.constant 4096 : i32
    %add3A_6 = arith.addi %min3A_4, %add3A_5 : i32
    %c0_i32 = arith.constant 0 : i32
    %c0_i32_7 = arith.constant 0 : i32
    %c0_i32_8 = arith.constant 0 : i32
    return %add3A_6, %c0_i32, %c0_i32_7 : i32, i32, i32
  }
  func.func @transform_88(%arg0: i32, %arg1: memref<16384xi32, #tpu.memory_space<smem>>) -> (i32, i32, i32) {
    %mul3A = arith.constant 256 : i32
    %mul3A_0 = arith.muli %mul3A, %arg0 : i32
    %add3A = arith.constant 88 : i32
    %add3A_1 = arith.addi %mul3A_0, %add3A : i32
    %get3A = arith.index_cast %add3A_1 : i32 to index
    %get3A_2 = memref.load %arg1[%get3A] : memref<16384xi32, #tpu.memory_space<smem>>
    %max3A = arith.constant -4096 : i32
    %max3A_3 = arith.maxsi %get3A_2, %max3A : i32
    %min3A = arith.constant 4095 : i32
    %min3A_4 = arith.minsi %max3A_3, %min3A : i32
    %add3A_5 = arith.constant 4096 : i32
    %add3A_6 = arith.addi %min3A_4, %add3A_5 : i32
    %c0_i32 = arith.constant 0 : i32
    %c0_i32_7 = arith.constant 0 : i32
    %c0_i32_8 = arith.constant 0 : i32
    return %add3A_6, %c0_i32, %c0_i32_7 : i32, i32, i32
  }
  func.func @transform_89(%arg0: i32, %arg1: memref<16384xi32, #tpu.memory_space<smem>>) -> (i32, i32, i32) {
    %mul3A = arith.constant 256 : i32
    %mul3A_0 = arith.muli %mul3A, %arg0 : i32
    %add3A = arith.constant 89 : i32
    %add3A_1 = arith.addi %mul3A_0, %add3A : i32
    %get3A = arith.index_cast %add3A_1 : i32 to index
    %get3A_2 = memref.load %arg1[%get3A] : memref<16384xi32, #tpu.memory_space<smem>>
    %max3A = arith.constant -4096 : i32
    %max3A_3 = arith.maxsi %get3A_2, %max3A : i32
    %min3A = arith.constant 4095 : i32
    %min3A_4 = arith.minsi %max3A_3, %min3A : i32
    %add3A_5 = arith.constant 4096 : i32
    %add3A_6 = arith.addi %min3A_4, %add3A_5 : i32
    %c0_i32 = arith.constant 0 : i32
    %c0_i32_7 = arith.constant 0 : i32
    %c0_i32_8 = arith.constant 0 : i32
    return %add3A_6, %c0_i32, %c0_i32_7 : i32, i32, i32
  }
  func.func @transform_90(%arg0: i32, %arg1: memref<16384xi32, #tpu.memory_space<smem>>) -> (i32, i32, i32) {
    %mul3A = arith.constant 256 : i32
    %mul3A_0 = arith.muli %mul3A, %arg0 : i32
    %add3A = arith.constant 90 : i32
    %add3A_1 = arith.addi %mul3A_0, %add3A : i32
    %get3A = arith.index_cast %add3A_1 : i32 to index
    %get3A_2 = memref.load %arg1[%get3A] : memref<16384xi32, #tpu.memory_space<smem>>
    %max3A = arith.constant -4096 : i32
    %max3A_3 = arith.maxsi %get3A_2, %max3A : i32
    %min3A = arith.constant 4095 : i32
    %min3A_4 = arith.minsi %max3A_3, %min3A : i32
    %add3A_5 = arith.constant 4096 : i32
    %add3A_6 = arith.addi %min3A_4, %add3A_5 : i32
    %c0_i32 = arith.constant 0 : i32
    %c0_i32_7 = arith.constant 0 : i32
    %c0_i32_8 = arith.constant 0 : i32
    return %add3A_6, %c0_i32, %c0_i32_7 : i32, i32, i32
  }
  func.func @transform_91(%arg0: i32, %arg1: memref<16384xi32, #tpu.memory_space<smem>>) -> (i32, i32, i32) {
    %mul3A = arith.constant 256 : i32
    %mul3A_0 = arith.muli %mul3A, %arg0 : i32
    %add3A = arith.constant 91 : i32
    %add3A_1 = arith.addi %mul3A_0, %add3A : i32
    %get3A = arith.index_cast %add3A_1 : i32 to index
    %get3A_2 = memref.load %arg1[%get3A] : memref<16384xi32, #tpu.memory_space<smem>>
    %max3A = arith.constant -4096 : i32
    %max3A_3 = arith.maxsi %get3A_2, %max3A : i32
    %min3A = arith.constant 4095 : i32
    %min3A_4 = arith.minsi %max3A_3, %min3A : i32
    %add3A_5 = arith.constant 4096 : i32
    %add3A_6 = arith.addi %min3A_4, %add3A_5 : i32
    %c0_i32 = arith.constant 0 : i32
    %c0_i32_7 = arith.constant 0 : i32
    %c0_i32_8 = arith.constant 0 : i32
    return %add3A_6, %c0_i32, %c0_i32_7 : i32, i32, i32
  }
  func.func @transform_92(%arg0: i32, %arg1: memref<16384xi32, #tpu.memory_space<smem>>) -> (i32, i32, i32) {
    %mul3A = arith.constant 256 : i32
    %mul3A_0 = arith.muli %mul3A, %arg0 : i32
    %add3A = arith.constant 92 : i32
    %add3A_1 = arith.addi %mul3A_0, %add3A : i32
    %get3A = arith.index_cast %add3A_1 : i32 to index
    %get3A_2 = memref.load %arg1[%get3A] : memref<16384xi32, #tpu.memory_space<smem>>
    %max3A = arith.constant -4096 : i32
    %max3A_3 = arith.maxsi %get3A_2, %max3A : i32
    %min3A = arith.constant 4095 : i32
    %min3A_4 = arith.minsi %max3A_3, %min3A : i32
    %add3A_5 = arith.constant 4096 : i32
    %add3A_6 = arith.addi %min3A_4, %add3A_5 : i32
    %c0_i32 = arith.constant 0 : i32
    %c0_i32_7 = arith.constant 0 : i32
    %c0_i32_8 = arith.constant 0 : i32
    return %add3A_6, %c0_i32, %c0_i32_7 : i32, i32, i32
  }
  func.func @transform_93(%arg0: i32, %arg1: memref<16384xi32, #tpu.memory_space<smem>>) -> (i32, i32, i32) {
    %mul3A = arith.constant 256 : i32
    %mul3A_0 = arith.muli %mul3A, %arg0 : i32
    %add3A = arith.constant 93 : i32
    %add3A_1 = arith.addi %mul3A_0, %add3A : i32
    %get3A = arith.index_cast %add3A_1 : i32 to index
    %get3A_2 = memref.load %arg1[%get3A] : memref<16384xi32, #tpu.memory_space<smem>>
    %max3A = arith.constant -4096 : i32
    %max3A_3 = arith.maxsi %get3A_2, %max3A : i32
    %min3A = arith.constant 4095 : i32
    %min3A_4 = arith.minsi %max3A_3, %min3A : i32
    %add3A_5 = arith.constant 4096 : i32
    %add3A_6 = arith.addi %min3A_4, %add3A_5 : i32
    %c0_i32 = arith.constant 0 : i32
    %c0_i32_7 = arith.constant 0 : i32
    %c0_i32_8 = arith.constant 0 : i32
    return %add3A_6, %c0_i32, %c0_i32_7 : i32, i32, i32
  }
  func.func @transform_94(%arg0: i32, %arg1: memref<16384xi32, #tpu.memory_space<smem>>) -> (i32, i32, i32) {
    %mul3A = arith.constant 256 : i32
    %mul3A_0 = arith.muli %mul3A, %arg0 : i32
    %add3A = arith.constant 94 : i32
    %add3A_1 = arith.addi %mul3A_0, %add3A : i32
    %get3A = arith.index_cast %add3A_1 : i32 to index
    %get3A_2 = memref.load %arg1[%get3A] : memref<16384xi32, #tpu.memory_space<smem>>
    %max3A = arith.constant -4096 : i32
    %max3A_3 = arith.maxsi %get3A_2, %max3A : i32
    %min3A = arith.constant 4095 : i32
    %min3A_4 = arith.minsi %max3A_3, %min3A : i32
    %add3A_5 = arith.constant 4096 : i32
    %add3A_6 = arith.addi %min3A_4, %add3A_5 : i32
    %c0_i32 = arith.constant 0 : i32
    %c0_i32_7 = arith.constant 0 : i32
    %c0_i32_8 = arith.constant 0 : i32
    return %add3A_6, %c0_i32, %c0_i32_7 : i32, i32, i32
  }
  func.func @transform_95(%arg0: i32, %arg1: memref<16384xi32, #tpu.memory_space<smem>>) -> (i32, i32, i32) {
    %mul3A = arith.constant 256 : i32
    %mul3A_0 = arith.muli %mul3A, %arg0 : i32
    %add3A = arith.constant 95 : i32
    %add3A_1 = arith.addi %mul3A_0, %add3A : i32
    %get3A = arith.index_cast %add3A_1 : i32 to index
    %get3A_2 = memref.load %arg1[%get3A] : memref<16384xi32, #tpu.memory_space<smem>>
    %max3A = arith.constant -4096 : i32
    %max3A_3 = arith.maxsi %get3A_2, %max3A : i32
    %min3A = arith.constant 4095 : i32
    %min3A_4 = arith.minsi %max3A_3, %min3A : i32
    %add3A_5 = arith.constant 4096 : i32
    %add3A_6 = arith.addi %min3A_4, %add3A_5 : i32
    %c0_i32 = arith.constant 0 : i32
    %c0_i32_7 = arith.constant 0 : i32
    %c0_i32_8 = arith.constant 0 : i32
    return %add3A_6, %c0_i32, %c0_i32_7 : i32, i32, i32
  }
  func.func @transform_96(%arg0: i32, %arg1: memref<16384xi32, #tpu.memory_space<smem>>) -> (i32, i32, i32) {
    %mul3A = arith.constant 256 : i32
    %mul3A_0 = arith.muli %mul3A, %arg0 : i32
    %add3A = arith.constant 96 : i32
    %add3A_1 = arith.addi %mul3A_0, %add3A : i32
    %get3A = arith.index_cast %add3A_1 : i32 to index
    %get3A_2 = memref.load %arg1[%get3A] : memref<16384xi32, #tpu.memory_space<smem>>
    %max3A = arith.constant -4096 : i32
    %max3A_3 = arith.maxsi %get3A_2, %max3A : i32
    %min3A = arith.constant 4095 : i32
    %min3A_4 = arith.minsi %max3A_3, %min3A : i32
    %add3A_5 = arith.constant 4096 : i32
    %add3A_6 = arith.addi %min3A_4, %add3A_5 : i32
    %c0_i32 = arith.constant 0 : i32
    %c0_i32_7 = arith.constant 0 : i32
    %c0_i32_8 = arith.constant 0 : i32
    return %add3A_6, %c0_i32, %c0_i32_7 : i32, i32, i32
  }
  func.func @transform_97(%arg0: i32, %arg1: memref<16384xi32, #tpu.memory_space<smem>>) -> (i32, i32, i32) {
    %mul3A = arith.constant 256 : i32
    %mul3A_0 = arith.muli %mul3A, %arg0 : i32
    %add3A = arith.constant 97 : i32
    %add3A_1 = arith.addi %mul3A_0, %add3A : i32
    %get3A = arith.index_cast %add3A_1 : i32 to index
    %get3A_2 = memref.load %arg1[%get3A] : memref<16384xi32, #tpu.memory_space<smem>>
    %max3A = arith.constant -4096 : i32
    %max3A_3 = arith.maxsi %get3A_2, %max3A : i32
    %min3A = arith.constant 4095 : i32
    %min3A_4 = arith.minsi %max3A_3, %min3A : i32
    %add3A_5 = arith.constant 4096 : i32
    %add3A_6 = arith.addi %min3A_4, %add3A_5 : i32
    %c0_i32 = arith.constant 0 : i32
    %c0_i32_7 = arith.constant 0 : i32
    %c0_i32_8 = arith.constant 0 : i32
    return %add3A_6, %c0_i32, %c0_i32_7 : i32, i32, i32
  }
  func.func @transform_98(%arg0: i32, %arg1: memref<16384xi32, #tpu.memory_space<smem>>) -> (i32, i32, i32) {
    %mul3A = arith.constant 256 : i32
    %mul3A_0 = arith.muli %mul3A, %arg0 : i32
    %add3A = arith.constant 98 : i32
    %add3A_1 = arith.addi %mul3A_0, %add3A : i32
    %get3A = arith.index_cast %add3A_1 : i32 to index
    %get3A_2 = memref.load %arg1[%get3A] : memref<16384xi32, #tpu.memory_space<smem>>
    %max3A = arith.constant -4096 : i32
    %max3A_3 = arith.maxsi %get3A_2, %max3A : i32
    %min3A = arith.constant 4095 : i32
    %min3A_4 = arith.minsi %max3A_3, %min3A : i32
    %add3A_5 = arith.constant 4096 : i32
    %add3A_6 = arith.addi %min3A_4, %add3A_5 : i32
    %c0_i32 = arith.constant 0 : i32
    %c0_i32_7 = arith.constant 0 : i32
    %c0_i32_8 = arith.constant 0 : i32
    return %add3A_6, %c0_i32, %c0_i32_7 : i32, i32, i32
  }
  func.func @transform_99(%arg0: i32, %arg1: memref<16384xi32, #tpu.memory_space<smem>>) -> (i32, i32, i32) {
    %mul3A = arith.constant 256 : i32
    %mul3A_0 = arith.muli %mul3A, %arg0 : i32
    %add3A = arith.constant 99 : i32
    %add3A_1 = arith.addi %mul3A_0, %add3A : i32
    %get3A = arith.index_cast %add3A_1 : i32 to index
    %get3A_2 = memref.load %arg1[%get3A] : memref<16384xi32, #tpu.memory_space<smem>>
    %max3A = arith.constant -4096 : i32
    %max3A_3 = arith.maxsi %get3A_2, %max3A : i32
    %min3A = arith.constant 4095 : i32
    %min3A_4 = arith.minsi %max3A_3, %min3A : i32
    %add3A_5 = arith.constant 4096 : i32
    %add3A_6 = arith.addi %min3A_4, %add3A_5 : i32
    %c0_i32 = arith.constant 0 : i32
    %c0_i32_7 = arith.constant 0 : i32
    %c0_i32_8 = arith.constant 0 : i32
    return %add3A_6, %c0_i32, %c0_i32_7 : i32, i32, i32
  }
  func.func @transform_100(%arg0: i32, %arg1: memref<16384xi32, #tpu.memory_space<smem>>) -> (i32, i32, i32) {
    %mul3A = arith.constant 256 : i32
    %mul3A_0 = arith.muli %mul3A, %arg0 : i32
    %add3A = arith.constant 100 : i32
    %add3A_1 = arith.addi %mul3A_0, %add3A : i32
    %get3A = arith.index_cast %add3A_1 : i32 to index
    %get3A_2 = memref.load %arg1[%get3A] : memref<16384xi32, #tpu.memory_space<smem>>
    %max3A = arith.constant -4096 : i32
    %max3A_3 = arith.maxsi %get3A_2, %max3A : i32
    %min3A = arith.constant 4095 : i32
    %min3A_4 = arith.minsi %max3A_3, %min3A : i32
    %add3A_5 = arith.constant 4096 : i32
    %add3A_6 = arith.addi %min3A_4, %add3A_5 : i32
    %c0_i32 = arith.constant 0 : i32
    %c0_i32_7 = arith.constant 0 : i32
    %c0_i32_8 = arith.constant 0 : i32
    return %add3A_6, %c0_i32, %c0_i32_7 : i32, i32, i32
  }
  func.func @transform_101(%arg0: i32, %arg1: memref<16384xi32, #tpu.memory_space<smem>>) -> (i32, i32, i32) {
    %mul3A = arith.constant 256 : i32
    %mul3A_0 = arith.muli %mul3A, %arg0 : i32
    %add3A = arith.constant 101 : i32
    %add3A_1 = arith.addi %mul3A_0, %add3A : i32
    %get3A = arith.index_cast %add3A_1 : i32 to index
    %get3A_2 = memref.load %arg1[%get3A] : memref<16384xi32, #tpu.memory_space<smem>>
    %max3A = arith.constant -4096 : i32
    %max3A_3 = arith.maxsi %get3A_2, %max3A : i32
    %min3A = arith.constant 4095 : i32
    %min3A_4 = arith.minsi %max3A_3, %min3A : i32
    %add3A_5 = arith.constant 4096 : i32
    %add3A_6 = arith.addi %min3A_4, %add3A_5 : i32
    %c0_i32 = arith.constant 0 : i32
    %c0_i32_7 = arith.constant 0 : i32
    %c0_i32_8 = arith.constant 0 : i32
    return %add3A_6, %c0_i32, %c0_i32_7 : i32, i32, i32
  }
  func.func @transform_102(%arg0: i32, %arg1: memref<16384xi32, #tpu.memory_space<smem>>) -> (i32, i32, i32) {
    %mul3A = arith.constant 256 : i32
    %mul3A_0 = arith.muli %mul3A, %arg0 : i32
    %add3A = arith.constant 102 : i32
    %add3A_1 = arith.addi %mul3A_0, %add3A : i32
    %get3A = arith.index_cast %add3A_1 : i32 to index
    %get3A_2 = memref.load %arg1[%get3A] : memref<16384xi32, #tpu.memory_space<smem>>
    %max3A = arith.constant -4096 : i32
    %max3A_3 = arith.maxsi %get3A_2, %max3A : i32
    %min3A = arith.constant 4095 : i32
    %min3A_4 = arith.minsi %max3A_3, %min3A : i32
    %add3A_5 = arith.constant 4096 : i32
    %add3A_6 = arith.addi %min3A_4, %add3A_5 : i32
    %c0_i32 = arith.constant 0 : i32
    %c0_i32_7 = arith.constant 0 : i32
    %c0_i32_8 = arith.constant 0 : i32
    return %add3A_6, %c0_i32, %c0_i32_7 : i32, i32, i32
  }
  func.func @transform_103(%arg0: i32, %arg1: memref<16384xi32, #tpu.memory_space<smem>>) -> (i32, i32, i32) {
    %mul3A = arith.constant 256 : i32
    %mul3A_0 = arith.muli %mul3A, %arg0 : i32
    %add3A = arith.constant 103 : i32
    %add3A_1 = arith.addi %mul3A_0, %add3A : i32
    %get3A = arith.index_cast %add3A_1 : i32 to index
    %get3A_2 = memref.load %arg1[%get3A] : memref<16384xi32, #tpu.memory_space<smem>>
    %max3A = arith.constant -4096 : i32
    %max3A_3 = arith.maxsi %get3A_2, %max3A : i32
    %min3A = arith.constant 4095 : i32
    %min3A_4 = arith.minsi %max3A_3, %min3A : i32
    %add3A_5 = arith.constant 4096 : i32
    %add3A_6 = arith.addi %min3A_4, %add3A_5 : i32
    %c0_i32 = arith.constant 0 : i32
    %c0_i32_7 = arith.constant 0 : i32
    %c0_i32_8 = arith.constant 0 : i32
    return %add3A_6, %c0_i32, %c0_i32_7 : i32, i32, i32
  }
  func.func @transform_104(%arg0: i32, %arg1: memref<16384xi32, #tpu.memory_space<smem>>) -> (i32, i32, i32) {
    %mul3A = arith.constant 256 : i32
    %mul3A_0 = arith.muli %mul3A, %arg0 : i32
    %add3A = arith.constant 104 : i32
    %add3A_1 = arith.addi %mul3A_0, %add3A : i32
    %get3A = arith.index_cast %add3A_1 : i32 to index
    %get3A_2 = memref.load %arg1[%get3A] : memref<16384xi32, #tpu.memory_space<smem>>
    %max3A = arith.constant -4096 : i32
    %max3A_3 = arith.maxsi %get3A_2, %max3A : i32
    %min3A = arith.constant 4095 : i32
    %min3A_4 = arith.minsi %max3A_3, %min3A : i32
    %add3A_5 = arith.constant 4096 : i32
    %add3A_6 = arith.addi %min3A_4, %add3A_5 : i32
    %c0_i32 = arith.constant 0 : i32
    %c0_i32_7 = arith.constant 0 : i32
    %c0_i32_8 = arith.constant 0 : i32
    return %add3A_6, %c0_i32, %c0_i32_7 : i32, i32, i32
  }
  func.func @transform_105(%arg0: i32, %arg1: memref<16384xi32, #tpu.memory_space<smem>>) -> (i32, i32, i32) {
    %mul3A = arith.constant 256 : i32
    %mul3A_0 = arith.muli %mul3A, %arg0 : i32
    %add3A = arith.constant 105 : i32
    %add3A_1 = arith.addi %mul3A_0, %add3A : i32
    %get3A = arith.index_cast %add3A_1 : i32 to index
    %get3A_2 = memref.load %arg1[%get3A] : memref<16384xi32, #tpu.memory_space<smem>>
    %max3A = arith.constant -4096 : i32
    %max3A_3 = arith.maxsi %get3A_2, %max3A : i32
    %min3A = arith.constant 4095 : i32
    %min3A_4 = arith.minsi %max3A_3, %min3A : i32
    %add3A_5 = arith.constant 4096 : i32
    %add3A_6 = arith.addi %min3A_4, %add3A_5 : i32
    %c0_i32 = arith.constant 0 : i32
    %c0_i32_7 = arith.constant 0 : i32
    %c0_i32_8 = arith.constant 0 : i32
    return %add3A_6, %c0_i32, %c0_i32_7 : i32, i32, i32
  }
  func.func @transform_106(%arg0: i32, %arg1: memref<16384xi32, #tpu.memory_space<smem>>) -> (i32, i32, i32) {
    %mul3A = arith.constant 256 : i32
    %mul3A_0 = arith.muli %mul3A, %arg0 : i32
    %add3A = arith.constant 106 : i32
    %add3A_1 = arith.addi %mul3A_0, %add3A : i32
    %get3A = arith.index_cast %add3A_1 : i32 to index
    %get3A_2 = memref.load %arg1[%get3A] : memref<16384xi32, #tpu.memory_space<smem>>
    %max3A = arith.constant -4096 : i32
    %max3A_3 = arith.maxsi %get3A_2, %max3A : i32
    %min3A = arith.constant 4095 : i32
    %min3A_4 = arith.minsi %max3A_3, %min3A : i32
    %add3A_5 = arith.constant 4096 : i32
    %add3A_6 = arith.addi %min3A_4, %add3A_5 : i32
    %c0_i32 = arith.constant 0 : i32
    %c0_i32_7 = arith.constant 0 : i32
    %c0_i32_8 = arith.constant 0 : i32
    return %add3A_6, %c0_i32, %c0_i32_7 : i32, i32, i32
  }
  func.func @transform_107(%arg0: i32, %arg1: memref<16384xi32, #tpu.memory_space<smem>>) -> (i32, i32, i32) {
    %mul3A = arith.constant 256 : i32
    %mul3A_0 = arith.muli %mul3A, %arg0 : i32
    %add3A = arith.constant 107 : i32
    %add3A_1 = arith.addi %mul3A_0, %add3A : i32
    %get3A = arith.index_cast %add3A_1 : i32 to index
    %get3A_2 = memref.load %arg1[%get3A] : memref<16384xi32, #tpu.memory_space<smem>>
    %max3A = arith.constant -4096 : i32
    %max3A_3 = arith.maxsi %get3A_2, %max3A : i32
    %min3A = arith.constant 4095 : i32
    %min3A_4 = arith.minsi %max3A_3, %min3A : i32
    %add3A_5 = arith.constant 4096 : i32
    %add3A_6 = arith.addi %min3A_4, %add3A_5 : i32
    %c0_i32 = arith.constant 0 : i32
    %c0_i32_7 = arith.constant 0 : i32
    %c0_i32_8 = arith.constant 0 : i32
    return %add3A_6, %c0_i32, %c0_i32_7 : i32, i32, i32
  }
  func.func @transform_108(%arg0: i32, %arg1: memref<16384xi32, #tpu.memory_space<smem>>) -> (i32, i32, i32) {
    %mul3A = arith.constant 256 : i32
    %mul3A_0 = arith.muli %mul3A, %arg0 : i32
    %add3A = arith.constant 108 : i32
    %add3A_1 = arith.addi %mul3A_0, %add3A : i32
    %get3A = arith.index_cast %add3A_1 : i32 to index
    %get3A_2 = memref.load %arg1[%get3A] : memref<16384xi32, #tpu.memory_space<smem>>
    %max3A = arith.constant -4096 : i32
    %max3A_3 = arith.maxsi %get3A_2, %max3A : i32
    %min3A = arith.constant 4095 : i32
    %min3A_4 = arith.minsi %max3A_3, %min3A : i32
    %add3A_5 = arith.constant 4096 : i32
    %add3A_6 = arith.addi %min3A_4, %add3A_5 : i32
    %c0_i32 = arith.constant 0 : i32
    %c0_i32_7 = arith.constant 0 : i32
    %c0_i32_8 = arith.constant 0 : i32
    return %add3A_6, %c0_i32, %c0_i32_7 : i32, i32, i32
  }
  func.func @transform_109(%arg0: i32, %arg1: memref<16384xi32, #tpu.memory_space<smem>>) -> (i32, i32, i32) {
    %mul3A = arith.constant 256 : i32
    %mul3A_0 = arith.muli %mul3A, %arg0 : i32
    %add3A = arith.constant 109 : i32
    %add3A_1 = arith.addi %mul3A_0, %add3A : i32
    %get3A = arith.index_cast %add3A_1 : i32 to index
    %get3A_2 = memref.load %arg1[%get3A] : memref<16384xi32, #tpu.memory_space<smem>>
    %max3A = arith.constant -4096 : i32
    %max3A_3 = arith.maxsi %get3A_2, %max3A : i32
    %min3A = arith.constant 4095 : i32
    %min3A_4 = arith.minsi %max3A_3, %min3A : i32
    %add3A_5 = arith.constant 4096 : i32
    %add3A_6 = arith.addi %min3A_4, %add3A_5 : i32
    %c0_i32 = arith.constant 0 : i32
    %c0_i32_7 = arith.constant 0 : i32
    %c0_i32_8 = arith.constant 0 : i32
    return %add3A_6, %c0_i32, %c0_i32_7 : i32, i32, i32
  }
  func.func @transform_110(%arg0: i32, %arg1: memref<16384xi32, #tpu.memory_space<smem>>) -> (i32, i32, i32) {
    %mul3A = arith.constant 256 : i32
    %mul3A_0 = arith.muli %mul3A, %arg0 : i32
    %add3A = arith.constant 110 : i32
    %add3A_1 = arith.addi %mul3A_0, %add3A : i32
    %get3A = arith.index_cast %add3A_1 : i32 to index
    %get3A_2 = memref.load %arg1[%get3A] : memref<16384xi32, #tpu.memory_space<smem>>
    %max3A = arith.constant -4096 : i32
    %max3A_3 = arith.maxsi %get3A_2, %max3A : i32
    %min3A = arith.constant 4095 : i32
    %min3A_4 = arith.minsi %max3A_3, %min3A : i32
    %add3A_5 = arith.constant 4096 : i32
    %add3A_6 = arith.addi %min3A_4, %add3A_5 : i32
    %c0_i32 = arith.constant 0 : i32
    %c0_i32_7 = arith.constant 0 : i32
    %c0_i32_8 = arith.constant 0 : i32
    return %add3A_6, %c0_i32, %c0_i32_7 : i32, i32, i32
  }
  func.func @transform_111(%arg0: i32, %arg1: memref<16384xi32, #tpu.memory_space<smem>>) -> (i32, i32, i32) {
    %mul3A = arith.constant 256 : i32
    %mul3A_0 = arith.muli %mul3A, %arg0 : i32
    %add3A = arith.constant 111 : i32
    %add3A_1 = arith.addi %mul3A_0, %add3A : i32
    %get3A = arith.index_cast %add3A_1 : i32 to index
    %get3A_2 = memref.load %arg1[%get3A] : memref<16384xi32, #tpu.memory_space<smem>>
    %max3A = arith.constant -4096 : i32
    %max3A_3 = arith.maxsi %get3A_2, %max3A : i32
    %min3A = arith.constant 4095 : i32
    %min3A_4 = arith.minsi %max3A_3, %min3A : i32
    %add3A_5 = arith.constant 4096 : i32
    %add3A_6 = arith.addi %min3A_4, %add3A_5 : i32
    %c0_i32 = arith.constant 0 : i32
    %c0_i32_7 = arith.constant 0 : i32
    %c0_i32_8 = arith.constant 0 : i32
    return %add3A_6, %c0_i32, %c0_i32_7 : i32, i32, i32
  }
  func.func @transform_112(%arg0: i32, %arg1: memref<16384xi32, #tpu.memory_space<smem>>) -> (i32, i32, i32) {
    %mul3A = arith.constant 256 : i32
    %mul3A_0 = arith.muli %mul3A, %arg0 : i32
    %add3A = arith.constant 112 : i32
    %add3A_1 = arith.addi %mul3A_0, %add3A : i32
    %get3A = arith.index_cast %add3A_1 : i32 to index
    %get3A_2 = memref.load %arg1[%get3A] : memref<16384xi32, #tpu.memory_space<smem>>
    %max3A = arith.constant -4096 : i32
    %max3A_3 = arith.maxsi %get3A_2, %max3A : i32
    %min3A = arith.constant 4095 : i32
    %min3A_4 = arith.minsi %max3A_3, %min3A : i32
    %add3A_5 = arith.constant 4096 : i32
    %add3A_6 = arith.addi %min3A_4, %add3A_5 : i32
    %c0_i32 = arith.constant 0 : i32
    %c0_i32_7 = arith.constant 0 : i32
    %c0_i32_8 = arith.constant 0 : i32
    return %add3A_6, %c0_i32, %c0_i32_7 : i32, i32, i32
  }
  func.func @transform_113(%arg0: i32, %arg1: memref<16384xi32, #tpu.memory_space<smem>>) -> (i32, i32, i32) {
    %mul3A = arith.constant 256 : i32
    %mul3A_0 = arith.muli %mul3A, %arg0 : i32
    %add3A = arith.constant 113 : i32
    %add3A_1 = arith.addi %mul3A_0, %add3A : i32
    %get3A = arith.index_cast %add3A_1 : i32 to index
    %get3A_2 = memref.load %arg1[%get3A] : memref<16384xi32, #tpu.memory_space<smem>>
    %max3A = arith.constant -4096 : i32
    %max3A_3 = arith.maxsi %get3A_2, %max3A : i32
    %min3A = arith.constant 4095 : i32
    %min3A_4 = arith.minsi %max3A_3, %min3A : i32
    %add3A_5 = arith.constant 4096 : i32
    %add3A_6 = arith.addi %min3A_4, %add3A_5 : i32
    %c0_i32 = arith.constant 0 : i32
    %c0_i32_7 = arith.constant 0 : i32
    %c0_i32_8 = arith.constant 0 : i32
    return %add3A_6, %c0_i32, %c0_i32_7 : i32, i32, i32
  }
  func.func @transform_114(%arg0: i32, %arg1: memref<16384xi32, #tpu.memory_space<smem>>) -> (i32, i32, i32) {
    %mul3A = arith.constant 256 : i32
    %mul3A_0 = arith.muli %mul3A, %arg0 : i32
    %add3A = arith.constant 114 : i32
    %add3A_1 = arith.addi %mul3A_0, %add3A : i32
    %get3A = arith.index_cast %add3A_1 : i32 to index
    %get3A_2 = memref.load %arg1[%get3A] : memref<16384xi32, #tpu.memory_space<smem>>
    %max3A = arith.constant -4096 : i32
    %max3A_3 = arith.maxsi %get3A_2, %max3A : i32
    %min3A = arith.constant 4095 : i32
    %min3A_4 = arith.minsi %max3A_3, %min3A : i32
    %add3A_5 = arith.constant 4096 : i32
    %add3A_6 = arith.addi %min3A_4, %add3A_5 : i32
    %c0_i32 = arith.constant 0 : i32
    %c0_i32_7 = arith.constant 0 : i32
    %c0_i32_8 = arith.constant 0 : i32
    return %add3A_6, %c0_i32, %c0_i32_7 : i32, i32, i32
  }
  func.func @transform_115(%arg0: i32, %arg1: memref<16384xi32, #tpu.memory_space<smem>>) -> (i32, i32, i32) {
    %mul3A = arith.constant 256 : i32
    %mul3A_0 = arith.muli %mul3A, %arg0 : i32
    %add3A = arith.constant 115 : i32
    %add3A_1 = arith.addi %mul3A_0, %add3A : i32
    %get3A = arith.index_cast %add3A_1 : i32 to index
    %get3A_2 = memref.load %arg1[%get3A] : memref<16384xi32, #tpu.memory_space<smem>>
    %max3A = arith.constant -4096 : i32
    %max3A_3 = arith.maxsi %get3A_2, %max3A : i32
    %min3A = arith.constant 4095 : i32
    %min3A_4 = arith.minsi %max3A_3, %min3A : i32
    %add3A_5 = arith.constant 4096 : i32
    %add3A_6 = arith.addi %min3A_4, %add3A_5 : i32
    %c0_i32 = arith.constant 0 : i32
    %c0_i32_7 = arith.constant 0 : i32
    %c0_i32_8 = arith.constant 0 : i32
    return %add3A_6, %c0_i32, %c0_i32_7 : i32, i32, i32
  }
  func.func @transform_116(%arg0: i32, %arg1: memref<16384xi32, #tpu.memory_space<smem>>) -> (i32, i32, i32) {
    %mul3A = arith.constant 256 : i32
    %mul3A_0 = arith.muli %mul3A, %arg0 : i32
    %add3A = arith.constant 116 : i32
    %add3A_1 = arith.addi %mul3A_0, %add3A : i32
    %get3A = arith.index_cast %add3A_1 : i32 to index
    %get3A_2 = memref.load %arg1[%get3A] : memref<16384xi32, #tpu.memory_space<smem>>
    %max3A = arith.constant -4096 : i32
    %max3A_3 = arith.maxsi %get3A_2, %max3A : i32
    %min3A = arith.constant 4095 : i32
    %min3A_4 = arith.minsi %max3A_3, %min3A : i32
    %add3A_5 = arith.constant 4096 : i32
    %add3A_6 = arith.addi %min3A_4, %add3A_5 : i32
    %c0_i32 = arith.constant 0 : i32
    %c0_i32_7 = arith.constant 0 : i32
    %c0_i32_8 = arith.constant 0 : i32
    return %add3A_6, %c0_i32, %c0_i32_7 : i32, i32, i32
  }
  func.func @transform_117(%arg0: i32, %arg1: memref<16384xi32, #tpu.memory_space<smem>>) -> (i32, i32, i32) {
    %mul3A = arith.constant 256 : i32
    %mul3A_0 = arith.muli %mul3A, %arg0 : i32
    %add3A = arith.constant 117 : i32
    %add3A_1 = arith.addi %mul3A_0, %add3A : i32
    %get3A = arith.index_cast %add3A_1 : i32 to index
    %get3A_2 = memref.load %arg1[%get3A] : memref<16384xi32, #tpu.memory_space<smem>>
    %max3A = arith.constant -4096 : i32
    %max3A_3 = arith.maxsi %get3A_2, %max3A : i32
    %min3A = arith.constant 4095 : i32
    %min3A_4 = arith.minsi %max3A_3, %min3A : i32
    %add3A_5 = arith.constant 4096 : i32
    %add3A_6 = arith.addi %min3A_4, %add3A_5 : i32
    %c0_i32 = arith.constant 0 : i32
    %c0_i32_7 = arith.constant 0 : i32
    %c0_i32_8 = arith.constant 0 : i32
    return %add3A_6, %c0_i32, %c0_i32_7 : i32, i32, i32
  }
  func.func @transform_118(%arg0: i32, %arg1: memref<16384xi32, #tpu.memory_space<smem>>) -> (i32, i32, i32) {
    %mul3A = arith.constant 256 : i32
    %mul3A_0 = arith.muli %mul3A, %arg0 : i32
    %add3A = arith.constant 118 : i32
    %add3A_1 = arith.addi %mul3A_0, %add3A : i32
    %get3A = arith.index_cast %add3A_1 : i32 to index
    %get3A_2 = memref.load %arg1[%get3A] : memref<16384xi32, #tpu.memory_space<smem>>
    %max3A = arith.constant -4096 : i32
    %max3A_3 = arith.maxsi %get3A_2, %max3A : i32
    %min3A = arith.constant 4095 : i32
    %min3A_4 = arith.minsi %max3A_3, %min3A : i32
    %add3A_5 = arith.constant 4096 : i32
    %add3A_6 = arith.addi %min3A_4, %add3A_5 : i32
    %c0_i32 = arith.constant 0 : i32
    %c0_i32_7 = arith.constant 0 : i32
    %c0_i32_8 = arith.constant 0 : i32
    return %add3A_6, %c0_i32, %c0_i32_7 : i32, i32, i32
  }
  func.func @transform_119(%arg0: i32, %arg1: memref<16384xi32, #tpu.memory_space<smem>>) -> (i32, i32, i32) {
    %mul3A = arith.constant 256 : i32
    %mul3A_0 = arith.muli %mul3A, %arg0 : i32
    %add3A = arith.constant 119 : i32
    %add3A_1 = arith.addi %mul3A_0, %add3A : i32
    %get3A = arith.index_cast %add3A_1 : i32 to index
    %get3A_2 = memref.load %arg1[%get3A] : memref<16384xi32, #tpu.memory_space<smem>>
    %max3A = arith.constant -4096 : i32
    %max3A_3 = arith.maxsi %get3A_2, %max3A : i32
    %min3A = arith.constant 4095 : i32
    %min3A_4 = arith.minsi %max3A_3, %min3A : i32
    %add3A_5 = arith.constant 4096 : i32
    %add3A_6 = arith.addi %min3A_4, %add3A_5 : i32
    %c0_i32 = arith.constant 0 : i32
    %c0_i32_7 = arith.constant 0 : i32
    %c0_i32_8 = arith.constant 0 : i32
    return %add3A_6, %c0_i32, %c0_i32_7 : i32, i32, i32
  }
  func.func @transform_120(%arg0: i32, %arg1: memref<16384xi32, #tpu.memory_space<smem>>) -> (i32, i32, i32) {
    %mul3A = arith.constant 256 : i32
    %mul3A_0 = arith.muli %mul3A, %arg0 : i32
    %add3A = arith.constant 120 : i32
    %add3A_1 = arith.addi %mul3A_0, %add3A : i32
    %get3A = arith.index_cast %add3A_1 : i32 to index
    %get3A_2 = memref.load %arg1[%get3A] : memref<16384xi32, #tpu.memory_space<smem>>
    %max3A = arith.constant -4096 : i32
    %max3A_3 = arith.maxsi %get3A_2, %max3A : i32
    %min3A = arith.constant 4095 : i32
    %min3A_4 = arith.minsi %max3A_3, %min3A : i32
    %add3A_5 = arith.constant 4096 : i32
    %add3A_6 = arith.addi %min3A_4, %add3A_5 : i32
    %c0_i32 = arith.constant 0 : i32
    %c0_i32_7 = arith.constant 0 : i32
    %c0_i32_8 = arith.constant 0 : i32
    return %add3A_6, %c0_i32, %c0_i32_7 : i32, i32, i32
  }
  func.func @transform_121(%arg0: i32, %arg1: memref<16384xi32, #tpu.memory_space<smem>>) -> (i32, i32, i32) {
    %mul3A = arith.constant 256 : i32
    %mul3A_0 = arith.muli %mul3A, %arg0 : i32
    %add3A = arith.constant 121 : i32
    %add3A_1 = arith.addi %mul3A_0, %add3A : i32
    %get3A = arith.index_cast %add3A_1 : i32 to index
    %get3A_2 = memref.load %arg1[%get3A] : memref<16384xi32, #tpu.memory_space<smem>>
    %max3A = arith.constant -4096 : i32
    %max3A_3 = arith.maxsi %get3A_2, %max3A : i32
    %min3A = arith.constant 4095 : i32
    %min3A_4 = arith.minsi %max3A_3, %min3A : i32
    %add3A_5 = arith.constant 4096 : i32
    %add3A_6 = arith.addi %min3A_4, %add3A_5 : i32
    %c0_i32 = arith.constant 0 : i32
    %c0_i32_7 = arith.constant 0 : i32
    %c0_i32_8 = arith.constant 0 : i32
    return %add3A_6, %c0_i32, %c0_i32_7 : i32, i32, i32
  }
  func.func @transform_122(%arg0: i32, %arg1: memref<16384xi32, #tpu.memory_space<smem>>) -> (i32, i32, i32) {
    %mul3A = arith.constant 256 : i32
    %mul3A_0 = arith.muli %mul3A, %arg0 : i32
    %add3A = arith.constant 122 : i32
    %add3A_1 = arith.addi %mul3A_0, %add3A : i32
    %get3A = arith.index_cast %add3A_1 : i32 to index
    %get3A_2 = memref.load %arg1[%get3A] : memref<16384xi32, #tpu.memory_space<smem>>
    %max3A = arith.constant -4096 : i32
    %max3A_3 = arith.maxsi %get3A_2, %max3A : i32
    %min3A = arith.constant 4095 : i32
    %min3A_4 = arith.minsi %max3A_3, %min3A : i32
    %add3A_5 = arith.constant 4096 : i32
    %add3A_6 = arith.addi %min3A_4, %add3A_5 : i32
    %c0_i32 = arith.constant 0 : i32
    %c0_i32_7 = arith.constant 0 : i32
    %c0_i32_8 = arith.constant 0 : i32
    return %add3A_6, %c0_i32, %c0_i32_7 : i32, i32, i32
  }
  func.func @transform_123(%arg0: i32, %arg1: memref<16384xi32, #tpu.memory_space<smem>>) -> (i32, i32, i32) {
    %mul3A = arith.constant 256 : i32
    %mul3A_0 = arith.muli %mul3A, %arg0 : i32
    %add3A = arith.constant 123 : i32
    %add3A_1 = arith.addi %mul3A_0, %add3A : i32
    %get3A = arith.index_cast %add3A_1 : i32 to index
    %get3A_2 = memref.load %arg1[%get3A] : memref<16384xi32, #tpu.memory_space<smem>>
    %max3A = arith.constant -4096 : i32
    %max3A_3 = arith.maxsi %get3A_2, %max3A : i32
    %min3A = arith.constant 4095 : i32
    %min3A_4 = arith.minsi %max3A_3, %min3A : i32
    %add3A_5 = arith.constant 4096 : i32
    %add3A_6 = arith.addi %min3A_4, %add3A_5 : i32
    %c0_i32 = arith.constant 0 : i32
    %c0_i32_7 = arith.constant 0 : i32
    %c0_i32_8 = arith.constant 0 : i32
    return %add3A_6, %c0_i32, %c0_i32_7 : i32, i32, i32
  }
  func.func @transform_124(%arg0: i32, %arg1: memref<16384xi32, #tpu.memory_space<smem>>) -> (i32, i32, i32) {
    %mul3A = arith.constant 256 : i32
    %mul3A_0 = arith.muli %mul3A, %arg0 : i32
    %add3A = arith.constant 124 : i32
    %add3A_1 = arith.addi %mul3A_0, %add3A : i32
    %get3A = arith.index_cast %add3A_1 : i32 to index
    %get3A_2 = memref.load %arg1[%get3A] : memref<16384xi32, #tpu.memory_space<smem>>
    %max3A = arith.constant -4096 : i32
    %max3A_3 = arith.maxsi %get3A_2, %max3A : i32
    %min3A = arith.constant 4095 : i32
    %min3A_4 = arith.minsi %max3A_3, %min3A : i32
    %add3A_5 = arith.constant 4096 : i32
    %add3A_6 = arith.addi %min3A_4, %add3A_5 : i32
    %c0_i32 = arith.constant 0 : i32
    %c0_i32_7 = arith.constant 0 : i32
    %c0_i32_8 = arith.constant 0 : i32
    return %add3A_6, %c0_i32, %c0_i32_7 : i32, i32, i32
  }
  func.func @transform_125(%arg0: i32, %arg1: memref<16384xi32, #tpu.memory_space<smem>>) -> (i32, i32, i32) {
    %mul3A = arith.constant 256 : i32
    %mul3A_0 = arith.muli %mul3A, %arg0 : i32
    %add3A = arith.constant 125 : i32
    %add3A_1 = arith.addi %mul3A_0, %add3A : i32
    %get3A = arith.index_cast %add3A_1 : i32 to index
    %get3A_2 = memref.load %arg1[%get3A] : memref<16384xi32, #tpu.memory_space<smem>>
    %max3A = arith.constant -4096 : i32
    %max3A_3 = arith.maxsi %get3A_2, %max3A : i32
    %min3A = arith.constant 4095 : i32
    %min3A_4 = arith.minsi %max3A_3, %min3A : i32
    %add3A_5 = arith.constant 4096 : i32
    %add3A_6 = arith.addi %min3A_4, %add3A_5 : i32
    %c0_i32 = arith.constant 0 : i32
    %c0_i32_7 = arith.constant 0 : i32
    %c0_i32_8 = arith.constant 0 : i32
    return %add3A_6, %c0_i32, %c0_i32_7 : i32, i32, i32
  }
  func.func @transform_126(%arg0: i32, %arg1: memref<16384xi32, #tpu.memory_space<smem>>) -> (i32, i32, i32) {
    %mul3A = arith.constant 256 : i32
    %mul3A_0 = arith.muli %mul3A, %arg0 : i32
    %add3A = arith.constant 126 : i32
    %add3A_1 = arith.addi %mul3A_0, %add3A : i32
    %get3A = arith.index_cast %add3A_1 : i32 to index
    %get3A_2 = memref.load %arg1[%get3A] : memref<16384xi32, #tpu.memory_space<smem>>
    %max3A = arith.constant -4096 : i32
    %max3A_3 = arith.maxsi %get3A_2, %max3A : i32
    %min3A = arith.constant 4095 : i32
    %min3A_4 = arith.minsi %max3A_3, %min3A : i32
    %add3A_5 = arith.constant 4096 : i32
    %add3A_6 = arith.addi %min3A_4, %add3A_5 : i32
    %c0_i32 = arith.constant 0 : i32
    %c0_i32_7 = arith.constant 0 : i32
    %c0_i32_8 = arith.constant 0 : i32
    return %add3A_6, %c0_i32, %c0_i32_7 : i32, i32, i32
  }
  func.func @transform_127(%arg0: i32, %arg1: memref<16384xi32, #tpu.memory_space<smem>>) -> (i32, i32, i32) {
    %mul3A = arith.constant 256 : i32
    %mul3A_0 = arith.muli %mul3A, %arg0 : i32
    %add3A = arith.constant 127 : i32
    %add3A_1 = arith.addi %mul3A_0, %add3A : i32
    %get3A = arith.index_cast %add3A_1 : i32 to index
    %get3A_2 = memref.load %arg1[%get3A] : memref<16384xi32, #tpu.memory_space<smem>>
    %max3A = arith.constant -4096 : i32
    %max3A_3 = arith.maxsi %get3A_2, %max3A : i32
    %min3A = arith.constant 4095 : i32
    %min3A_4 = arith.minsi %max3A_3, %min3A : i32
    %add3A_5 = arith.constant 4096 : i32
    %add3A_6 = arith.addi %min3A_4, %add3A_5 : i32
    %c0_i32 = arith.constant 0 : i32
    %c0_i32_7 = arith.constant 0 : i32
    %c0_i32_8 = arith.constant 0 : i32
    return %add3A_6, %c0_i32, %c0_i32_7 : i32, i32, i32
  }
  func.func @transform_128(%arg0: i32, %arg1: memref<16384xi32, #tpu.memory_space<smem>>) -> (i32, i32, i32) {
    %mul3A = arith.constant 256 : i32
    %mul3A_0 = arith.muli %mul3A, %arg0 : i32
    %add3A = arith.constant 128 : i32
    %add3A_1 = arith.addi %mul3A_0, %add3A : i32
    %get3A = arith.index_cast %add3A_1 : i32 to index
    %get3A_2 = memref.load %arg1[%get3A] : memref<16384xi32, #tpu.memory_space<smem>>
    %max3A = arith.constant -4096 : i32
    %max3A_3 = arith.maxsi %get3A_2, %max3A : i32
    %min3A = arith.constant 4095 : i32
    %min3A_4 = arith.minsi %max3A_3, %min3A : i32
    %add3A_5 = arith.constant 4096 : i32
    %add3A_6 = arith.addi %min3A_4, %add3A_5 : i32
    %c0_i32 = arith.constant 0 : i32
    %c0_i32_7 = arith.constant 0 : i32
    %c0_i32_8 = arith.constant 0 : i32
    return %add3A_6, %c0_i32, %c0_i32_7 : i32, i32, i32
  }
  func.func @transform_129(%arg0: i32, %arg1: memref<16384xi32, #tpu.memory_space<smem>>) -> (i32, i32, i32) {
    %mul3A = arith.constant 256 : i32
    %mul3A_0 = arith.muli %mul3A, %arg0 : i32
    %add3A = arith.constant 129 : i32
    %add3A_1 = arith.addi %mul3A_0, %add3A : i32
    %get3A = arith.index_cast %add3A_1 : i32 to index
    %get3A_2 = memref.load %arg1[%get3A] : memref<16384xi32, #tpu.memory_space<smem>>
    %max3A = arith.constant -4096 : i32
    %max3A_3 = arith.maxsi %get3A_2, %max3A : i32
    %min3A = arith.constant 4095 : i32
    %min3A_4 = arith.minsi %max3A_3, %min3A : i32
    %add3A_5 = arith.constant 4096 : i32
    %add3A_6 = arith.addi %min3A_4, %add3A_5 : i32
    %c0_i32 = arith.constant 0 : i32
    %c0_i32_7 = arith.constant 0 : i32
    %c0_i32_8 = arith.constant 0 : i32
    return %add3A_6, %c0_i32, %c0_i32_7 : i32, i32, i32
  }
  func.func @transform_130(%arg0: i32, %arg1: memref<16384xi32, #tpu.memory_space<smem>>) -> (i32, i32, i32) {
    %mul3A = arith.constant 256 : i32
    %mul3A_0 = arith.muli %mul3A, %arg0 : i32
    %add3A = arith.constant 130 : i32
    %add3A_1 = arith.addi %mul3A_0, %add3A : i32
    %get3A = arith.index_cast %add3A_1 : i32 to index
    %get3A_2 = memref.load %arg1[%get3A] : memref<16384xi32, #tpu.memory_space<smem>>
    %max3A = arith.constant -4096 : i32
    %max3A_3 = arith.maxsi %get3A_2, %max3A : i32
    %min3A = arith.constant 4095 : i32
    %min3A_4 = arith.minsi %max3A_3, %min3A : i32
    %add3A_5 = arith.constant 4096 : i32
    %add3A_6 = arith.addi %min3A_4, %add3A_5 : i32
    %c0_i32 = arith.constant 0 : i32
    %c0_i32_7 = arith.constant 0 : i32
    %c0_i32_8 = arith.constant 0 : i32
    return %add3A_6, %c0_i32, %c0_i32_7 : i32, i32, i32
  }
  func.func @transform_131(%arg0: i32, %arg1: memref<16384xi32, #tpu.memory_space<smem>>) -> (i32, i32, i32) {
    %mul3A = arith.constant 256 : i32
    %mul3A_0 = arith.muli %mul3A, %arg0 : i32
    %add3A = arith.constant 131 : i32
    %add3A_1 = arith.addi %mul3A_0, %add3A : i32
    %get3A = arith.index_cast %add3A_1 : i32 to index
    %get3A_2 = memref.load %arg1[%get3A] : memref<16384xi32, #tpu.memory_space<smem>>
    %max3A = arith.constant -4096 : i32
    %max3A_3 = arith.maxsi %get3A_2, %max3A : i32
    %min3A = arith.constant 4095 : i32
    %min3A_4 = arith.minsi %max3A_3, %min3A : i32
    %add3A_5 = arith.constant 4096 : i32
    %add3A_6 = arith.addi %min3A_4, %add3A_5 : i32
    %c0_i32 = arith.constant 0 : i32
    %c0_i32_7 = arith.constant 0 : i32
    %c0_i32_8 = arith.constant 0 : i32
    return %add3A_6, %c0_i32, %c0_i32_7 : i32, i32, i32
  }
  func.func @transform_132(%arg0: i32, %arg1: memref<16384xi32, #tpu.memory_space<smem>>) -> (i32, i32, i32) {
    %mul3A = arith.constant 256 : i32
    %mul3A_0 = arith.muli %mul3A, %arg0 : i32
    %add3A = arith.constant 132 : i32
    %add3A_1 = arith.addi %mul3A_0, %add3A : i32
    %get3A = arith.index_cast %add3A_1 : i32 to index
    %get3A_2 = memref.load %arg1[%get3A] : memref<16384xi32, #tpu.memory_space<smem>>
    %max3A = arith.constant -4096 : i32
    %max3A_3 = arith.maxsi %get3A_2, %max3A : i32
    %min3A = arith.constant 4095 : i32
    %min3A_4 = arith.minsi %max3A_3, %min3A : i32
    %add3A_5 = arith.constant 4096 : i32
    %add3A_6 = arith.addi %min3A_4, %add3A_5 : i32
    %c0_i32 = arith.constant 0 : i32
    %c0_i32_7 = arith.constant 0 : i32
    %c0_i32_8 = arith.constant 0 : i32
    return %add3A_6, %c0_i32, %c0_i32_7 : i32, i32, i32
  }
  func.func @transform_133(%arg0: i32, %arg1: memref<16384xi32, #tpu.memory_space<smem>>) -> (i32, i32, i32) {
    %mul3A = arith.constant 256 : i32
    %mul3A_0 = arith.muli %mul3A, %arg0 : i32
    %add3A = arith.constant 133 : i32
    %add3A_1 = arith.addi %mul3A_0, %add3A : i32
    %get3A = arith.index_cast %add3A_1 : i32 to index
    %get3A_2 = memref.load %arg1[%get3A] : memref<16384xi32, #tpu.memory_space<smem>>
    %max3A = arith.constant -4096 : i32
    %max3A_3 = arith.maxsi %get3A_2, %max3A : i32
    %min3A = arith.constant 4095 : i32
    %min3A_4 = arith.minsi %max3A_3, %min3A : i32
    %add3A_5 = arith.constant 4096 : i32
    %add3A_6 = arith.addi %min3A_4, %add3A_5 : i32
    %c0_i32 = arith.constant 0 : i32
    %c0_i32_7 = arith.constant 0 : i32
    %c0_i32_8 = arith.constant 0 : i32
    return %add3A_6, %c0_i32, %c0_i32_7 : i32, i32, i32
  }
  func.func @transform_134(%arg0: i32, %arg1: memref<16384xi32, #tpu.memory_space<smem>>) -> (i32, i32, i32) {
    %mul3A = arith.constant 256 : i32
    %mul3A_0 = arith.muli %mul3A, %arg0 : i32
    %add3A = arith.constant 134 : i32
    %add3A_1 = arith.addi %mul3A_0, %add3A : i32
    %get3A = arith.index_cast %add3A_1 : i32 to index
    %get3A_2 = memref.load %arg1[%get3A] : memref<16384xi32, #tpu.memory_space<smem>>
    %max3A = arith.constant -4096 : i32
    %max3A_3 = arith.maxsi %get3A_2, %max3A : i32
    %min3A = arith.constant 4095 : i32
    %min3A_4 = arith.minsi %max3A_3, %min3A : i32
    %add3A_5 = arith.constant 4096 : i32
    %add3A_6 = arith.addi %min3A_4, %add3A_5 : i32
    %c0_i32 = arith.constant 0 : i32
    %c0_i32_7 = arith.constant 0 : i32
    %c0_i32_8 = arith.constant 0 : i32
    return %add3A_6, %c0_i32, %c0_i32_7 : i32, i32, i32
  }
  func.func @transform_135(%arg0: i32, %arg1: memref<16384xi32, #tpu.memory_space<smem>>) -> (i32, i32, i32) {
    %mul3A = arith.constant 256 : i32
    %mul3A_0 = arith.muli %mul3A, %arg0 : i32
    %add3A = arith.constant 135 : i32
    %add3A_1 = arith.addi %mul3A_0, %add3A : i32
    %get3A = arith.index_cast %add3A_1 : i32 to index
    %get3A_2 = memref.load %arg1[%get3A] : memref<16384xi32, #tpu.memory_space<smem>>
    %max3A = arith.constant -4096 : i32
    %max3A_3 = arith.maxsi %get3A_2, %max3A : i32
    %min3A = arith.constant 4095 : i32
    %min3A_4 = arith.minsi %max3A_3, %min3A : i32
    %add3A_5 = arith.constant 4096 : i32
    %add3A_6 = arith.addi %min3A_4, %add3A_5 : i32
    %c0_i32 = arith.constant 0 : i32
    %c0_i32_7 = arith.constant 0 : i32
    %c0_i32_8 = arith.constant 0 : i32
    return %add3A_6, %c0_i32, %c0_i32_7 : i32, i32, i32
  }
  func.func @transform_136(%arg0: i32, %arg1: memref<16384xi32, #tpu.memory_space<smem>>) -> (i32, i32, i32) {
    %mul3A = arith.constant 256 : i32
    %mul3A_0 = arith.muli %mul3A, %arg0 : i32
    %add3A = arith.constant 136 : i32
    %add3A_1 = arith.addi %mul3A_0, %add3A : i32
    %get3A = arith.index_cast %add3A_1 : i32 to index
    %get3A_2 = memref.load %arg1[%get3A] : memref<16384xi32, #tpu.memory_space<smem>>
    %max3A = arith.constant -4096 : i32
    %max3A_3 = arith.maxsi %get3A_2, %max3A : i32
    %min3A = arith.constant 4095 : i32
    %min3A_4 = arith.minsi %max3A_3, %min3A : i32
    %add3A_5 = arith.constant 4096 : i32
    %add3A_6 = arith.addi %min3A_4, %add3A_5 : i32
    %c0_i32 = arith.constant 0 : i32
    %c0_i32_7 = arith.constant 0 : i32
    %c0_i32_8 = arith.constant 0 : i32
    return %add3A_6, %c0_i32, %c0_i32_7 : i32, i32, i32
  }
  func.func @transform_137(%arg0: i32, %arg1: memref<16384xi32, #tpu.memory_space<smem>>) -> (i32, i32, i32) {
    %mul3A = arith.constant 256 : i32
    %mul3A_0 = arith.muli %mul3A, %arg0 : i32
    %add3A = arith.constant 137 : i32
    %add3A_1 = arith.addi %mul3A_0, %add3A : i32
    %get3A = arith.index_cast %add3A_1 : i32 to index
    %get3A_2 = memref.load %arg1[%get3A] : memref<16384xi32, #tpu.memory_space<smem>>
    %max3A = arith.constant -4096 : i32
    %max3A_3 = arith.maxsi %get3A_2, %max3A : i32
    %min3A = arith.constant 4095 : i32
    %min3A_4 = arith.minsi %max3A_3, %min3A : i32
    %add3A_5 = arith.constant 4096 : i32
    %add3A_6 = arith.addi %min3A_4, %add3A_5 : i32
    %c0_i32 = arith.constant 0 : i32
    %c0_i32_7 = arith.constant 0 : i32
    %c0_i32_8 = arith.constant 0 : i32
    return %add3A_6, %c0_i32, %c0_i32_7 : i32, i32, i32
  }
  func.func @transform_138(%arg0: i32, %arg1: memref<16384xi32, #tpu.memory_space<smem>>) -> (i32, i32, i32) {
    %mul3A = arith.constant 256 : i32
    %mul3A_0 = arith.muli %mul3A, %arg0 : i32
    %add3A = arith.constant 138 : i32
    %add3A_1 = arith.addi %mul3A_0, %add3A : i32
    %get3A = arith.index_cast %add3A_1 : i32 to index
    %get3A_2 = memref.load %arg1[%get3A] : memref<16384xi32, #tpu.memory_space<smem>>
    %max3A = arith.constant -4096 : i32
    %max3A_3 = arith.maxsi %get3A_2, %max3A : i32
    %min3A = arith.constant 4095 : i32
    %min3A_4 = arith.minsi %max3A_3, %min3A : i32
    %add3A_5 = arith.constant 4096 : i32
    %add3A_6 = arith.addi %min3A_4, %add3A_5 : i32
    %c0_i32 = arith.constant 0 : i32
    %c0_i32_7 = arith.constant 0 : i32
    %c0_i32_8 = arith.constant 0 : i32
    return %add3A_6, %c0_i32, %c0_i32_7 : i32, i32, i32
  }
  func.func @transform_139(%arg0: i32, %arg1: memref<16384xi32, #tpu.memory_space<smem>>) -> (i32, i32, i32) {
    %mul3A = arith.constant 256 : i32
    %mul3A_0 = arith.muli %mul3A, %arg0 : i32
    %add3A = arith.constant 139 : i32
    %add3A_1 = arith.addi %mul3A_0, %add3A : i32
    %get3A = arith.index_cast %add3A_1 : i32 to index
    %get3A_2 = memref.load %arg1[%get3A] : memref<16384xi32, #tpu.memory_space<smem>>
    %max3A = arith.constant -4096 : i32
    %max3A_3 = arith.maxsi %get3A_2, %max3A : i32
    %min3A = arith.constant 4095 : i32
    %min3A_4 = arith.minsi %max3A_3, %min3A : i32
    %add3A_5 = arith.constant 4096 : i32
    %add3A_6 = arith.addi %min3A_4, %add3A_5 : i32
    %c0_i32 = arith.constant 0 : i32
    %c0_i32_7 = arith.constant 0 : i32
    %c0_i32_8 = arith.constant 0 : i32
    return %add3A_6, %c0_i32, %c0_i32_7 : i32, i32, i32
  }
  func.func @transform_140(%arg0: i32, %arg1: memref<16384xi32, #tpu.memory_space<smem>>) -> (i32, i32, i32) {
    %mul3A = arith.constant 256 : i32
    %mul3A_0 = arith.muli %mul3A, %arg0 : i32
    %add3A = arith.constant 140 : i32
    %add3A_1 = arith.addi %mul3A_0, %add3A : i32
    %get3A = arith.index_cast %add3A_1 : i32 to index
    %get3A_2 = memref.load %arg1[%get3A] : memref<16384xi32, #tpu.memory_space<smem>>
    %max3A = arith.constant -4096 : i32
    %max3A_3 = arith.maxsi %get3A_2, %max3A : i32
    %min3A = arith.constant 4095 : i32
    %min3A_4 = arith.minsi %max3A_3, %min3A : i32
    %add3A_5 = arith.constant 4096 : i32
    %add3A_6 = arith.addi %min3A_4, %add3A_5 : i32
    %c0_i32 = arith.constant 0 : i32
    %c0_i32_7 = arith.constant 0 : i32
    %c0_i32_8 = arith.constant 0 : i32
    return %add3A_6, %c0_i32, %c0_i32_7 : i32, i32, i32
  }
  func.func @transform_141(%arg0: i32, %arg1: memref<16384xi32, #tpu.memory_space<smem>>) -> (i32, i32, i32) {
    %mul3A = arith.constant 256 : i32
    %mul3A_0 = arith.muli %mul3A, %arg0 : i32
    %add3A = arith.constant 141 : i32
    %add3A_1 = arith.addi %mul3A_0, %add3A : i32
    %get3A = arith.index_cast %add3A_1 : i32 to index
    %get3A_2 = memref.load %arg1[%get3A] : memref<16384xi32, #tpu.memory_space<smem>>
    %max3A = arith.constant -4096 : i32
    %max3A_3 = arith.maxsi %get3A_2, %max3A : i32
    %min3A = arith.constant 4095 : i32
    %min3A_4 = arith.minsi %max3A_3, %min3A : i32
    %add3A_5 = arith.constant 4096 : i32
    %add3A_6 = arith.addi %min3A_4, %add3A_5 : i32
    %c0_i32 = arith.constant 0 : i32
    %c0_i32_7 = arith.constant 0 : i32
    %c0_i32_8 = arith.constant 0 : i32
    return %add3A_6, %c0_i32, %c0_i32_7 : i32, i32, i32
  }
  func.func @transform_142(%arg0: i32, %arg1: memref<16384xi32, #tpu.memory_space<smem>>) -> (i32, i32, i32) {
    %mul3A = arith.constant 256 : i32
    %mul3A_0 = arith.muli %mul3A, %arg0 : i32
    %add3A = arith.constant 142 : i32
    %add3A_1 = arith.addi %mul3A_0, %add3A : i32
    %get3A = arith.index_cast %add3A_1 : i32 to index
    %get3A_2 = memref.load %arg1[%get3A] : memref<16384xi32, #tpu.memory_space<smem>>
    %max3A = arith.constant -4096 : i32
    %max3A_3 = arith.maxsi %get3A_2, %max3A : i32
    %min3A = arith.constant 4095 : i32
    %min3A_4 = arith.minsi %max3A_3, %min3A : i32
    %add3A_5 = arith.constant 4096 : i32
    %add3A_6 = arith.addi %min3A_4, %add3A_5 : i32
    %c0_i32 = arith.constant 0 : i32
    %c0_i32_7 = arith.constant 0 : i32
    %c0_i32_8 = arith.constant 0 : i32
    return %add3A_6, %c0_i32, %c0_i32_7 : i32, i32, i32
  }
  func.func @transform_143(%arg0: i32, %arg1: memref<16384xi32, #tpu.memory_space<smem>>) -> (i32, i32, i32) {
    %mul3A = arith.constant 256 : i32
    %mul3A_0 = arith.muli %mul3A, %arg0 : i32
    %add3A = arith.constant 143 : i32
    %add3A_1 = arith.addi %mul3A_0, %add3A : i32
    %get3A = arith.index_cast %add3A_1 : i32 to index
    %get3A_2 = memref.load %arg1[%get3A] : memref<16384xi32, #tpu.memory_space<smem>>
    %max3A = arith.constant -4096 : i32
    %max3A_3 = arith.maxsi %get3A_2, %max3A : i32
    %min3A = arith.constant 4095 : i32
    %min3A_4 = arith.minsi %max3A_3, %min3A : i32
    %add3A_5 = arith.constant 4096 : i32
    %add3A_6 = arith.addi %min3A_4, %add3A_5 : i32
    %c0_i32 = arith.constant 0 : i32
    %c0_i32_7 = arith.constant 0 : i32
    %c0_i32_8 = arith.constant 0 : i32
    return %add3A_6, %c0_i32, %c0_i32_7 : i32, i32, i32
  }
  func.func @transform_144(%arg0: i32, %arg1: memref<16384xi32, #tpu.memory_space<smem>>) -> (i32, i32, i32) {
    %mul3A = arith.constant 256 : i32
    %mul3A_0 = arith.muli %mul3A, %arg0 : i32
    %add3A = arith.constant 144 : i32
    %add3A_1 = arith.addi %mul3A_0, %add3A : i32
    %get3A = arith.index_cast %add3A_1 : i32 to index
    %get3A_2 = memref.load %arg1[%get3A] : memref<16384xi32, #tpu.memory_space<smem>>
    %max3A = arith.constant -4096 : i32
    %max3A_3 = arith.maxsi %get3A_2, %max3A : i32
    %min3A = arith.constant 4095 : i32
    %min3A_4 = arith.minsi %max3A_3, %min3A : i32
    %add3A_5 = arith.constant 4096 : i32
    %add3A_6 = arith.addi %min3A_4, %add3A_5 : i32
    %c0_i32 = arith.constant 0 : i32
    %c0_i32_7 = arith.constant 0 : i32
    %c0_i32_8 = arith.constant 0 : i32
    return %add3A_6, %c0_i32, %c0_i32_7 : i32, i32, i32
  }
  func.func @transform_145(%arg0: i32, %arg1: memref<16384xi32, #tpu.memory_space<smem>>) -> (i32, i32, i32) {
    %mul3A = arith.constant 256 : i32
    %mul3A_0 = arith.muli %mul3A, %arg0 : i32
    %add3A = arith.constant 145 : i32
    %add3A_1 = arith.addi %mul3A_0, %add3A : i32
    %get3A = arith.index_cast %add3A_1 : i32 to index
    %get3A_2 = memref.load %arg1[%get3A] : memref<16384xi32, #tpu.memory_space<smem>>
    %max3A = arith.constant -4096 : i32
    %max3A_3 = arith.maxsi %get3A_2, %max3A : i32
    %min3A = arith.constant 4095 : i32
    %min3A_4 = arith.minsi %max3A_3, %min3A : i32
    %add3A_5 = arith.constant 4096 : i32
    %add3A_6 = arith.addi %min3A_4, %add3A_5 : i32
    %c0_i32 = arith.constant 0 : i32
    %c0_i32_7 = arith.constant 0 : i32
    %c0_i32_8 = arith.constant 0 : i32
    return %add3A_6, %c0_i32, %c0_i32_7 : i32, i32, i32
  }
  func.func @transform_146(%arg0: i32, %arg1: memref<16384xi32, #tpu.memory_space<smem>>) -> (i32, i32, i32) {
    %mul3A = arith.constant 256 : i32
    %mul3A_0 = arith.muli %mul3A, %arg0 : i32
    %add3A = arith.constant 146 : i32
    %add3A_1 = arith.addi %mul3A_0, %add3A : i32
    %get3A = arith.index_cast %add3A_1 : i32 to index
    %get3A_2 = memref.load %arg1[%get3A] : memref<16384xi32, #tpu.memory_space<smem>>
    %max3A = arith.constant -4096 : i32
    %max3A_3 = arith.maxsi %get3A_2, %max3A : i32
    %min3A = arith.constant 4095 : i32
    %min3A_4 = arith.minsi %max3A_3, %min3A : i32
    %add3A_5 = arith.constant 4096 : i32
    %add3A_6 = arith.addi %min3A_4, %add3A_5 : i32
    %c0_i32 = arith.constant 0 : i32
    %c0_i32_7 = arith.constant 0 : i32
    %c0_i32_8 = arith.constant 0 : i32
    return %add3A_6, %c0_i32, %c0_i32_7 : i32, i32, i32
  }
  func.func @transform_147(%arg0: i32, %arg1: memref<16384xi32, #tpu.memory_space<smem>>) -> (i32, i32, i32) {
    %mul3A = arith.constant 256 : i32
    %mul3A_0 = arith.muli %mul3A, %arg0 : i32
    %add3A = arith.constant 147 : i32
    %add3A_1 = arith.addi %mul3A_0, %add3A : i32
    %get3A = arith.index_cast %add3A_1 : i32 to index
    %get3A_2 = memref.load %arg1[%get3A] : memref<16384xi32, #tpu.memory_space<smem>>
    %max3A = arith.constant -4096 : i32
    %max3A_3 = arith.maxsi %get3A_2, %max3A : i32
    %min3A = arith.constant 4095 : i32
    %min3A_4 = arith.minsi %max3A_3, %min3A : i32
    %add3A_5 = arith.constant 4096 : i32
    %add3A_6 = arith.addi %min3A_4, %add3A_5 : i32
    %c0_i32 = arith.constant 0 : i32
    %c0_i32_7 = arith.constant 0 : i32
    %c0_i32_8 = arith.constant 0 : i32
    return %add3A_6, %c0_i32, %c0_i32_7 : i32, i32, i32
  }
  func.func @transform_148(%arg0: i32, %arg1: memref<16384xi32, #tpu.memory_space<smem>>) -> (i32, i32, i32) {
    %mul3A = arith.constant 256 : i32
    %mul3A_0 = arith.muli %mul3A, %arg0 : i32
    %add3A = arith.constant 148 : i32
    %add3A_1 = arith.addi %mul3A_0, %add3A : i32
    %get3A = arith.index_cast %add3A_1 : i32 to index
    %get3A_2 = memref.load %arg1[%get3A] : memref<16384xi32, #tpu.memory_space<smem>>
    %max3A = arith.constant -4096 : i32
    %max3A_3 = arith.maxsi %get3A_2, %max3A : i32
    %min3A = arith.constant 4095 : i32
    %min3A_4 = arith.minsi %max3A_3, %min3A : i32
    %add3A_5 = arith.constant 4096 : i32
    %add3A_6 = arith.addi %min3A_4, %add3A_5 : i32
    %c0_i32 = arith.constant 0 : i32
    %c0_i32_7 = arith.constant 0 : i32
    %c0_i32_8 = arith.constant 0 : i32
    return %add3A_6, %c0_i32, %c0_i32_7 : i32, i32, i32
  }
  func.func @transform_149(%arg0: i32, %arg1: memref<16384xi32, #tpu.memory_space<smem>>) -> (i32, i32, i32) {
    %mul3A = arith.constant 256 : i32
    %mul3A_0 = arith.muli %mul3A, %arg0 : i32
    %add3A = arith.constant 149 : i32
    %add3A_1 = arith.addi %mul3A_0, %add3A : i32
    %get3A = arith.index_cast %add3A_1 : i32 to index
    %get3A_2 = memref.load %arg1[%get3A] : memref<16384xi32, #tpu.memory_space<smem>>
    %max3A = arith.constant -4096 : i32
    %max3A_3 = arith.maxsi %get3A_2, %max3A : i32
    %min3A = arith.constant 4095 : i32
    %min3A_4 = arith.minsi %max3A_3, %min3A : i32
    %add3A_5 = arith.constant 4096 : i32
    %add3A_6 = arith.addi %min3A_4, %add3A_5 : i32
    %c0_i32 = arith.constant 0 : i32
    %c0_i32_7 = arith.constant 0 : i32
    %c0_i32_8 = arith.constant 0 : i32
    return %add3A_6, %c0_i32, %c0_i32_7 : i32, i32, i32
  }
  func.func @transform_150(%arg0: i32, %arg1: memref<16384xi32, #tpu.memory_space<smem>>) -> (i32, i32, i32) {
    %mul3A = arith.constant 256 : i32
    %mul3A_0 = arith.muli %mul3A, %arg0 : i32
    %add3A = arith.constant 150 : i32
    %add3A_1 = arith.addi %mul3A_0, %add3A : i32
    %get3A = arith.index_cast %add3A_1 : i32 to index
    %get3A_2 = memref.load %arg1[%get3A] : memref<16384xi32, #tpu.memory_space<smem>>
    %max3A = arith.constant -4096 : i32
    %max3A_3 = arith.maxsi %get3A_2, %max3A : i32
    %min3A = arith.constant 4095 : i32
    %min3A_4 = arith.minsi %max3A_3, %min3A : i32
    %add3A_5 = arith.constant 4096 : i32
    %add3A_6 = arith.addi %min3A_4, %add3A_5 : i32
    %c0_i32 = arith.constant 0 : i32
    %c0_i32_7 = arith.constant 0 : i32
    %c0_i32_8 = arith.constant 0 : i32
    return %add3A_6, %c0_i32, %c0_i32_7 : i32, i32, i32
  }
  func.func @transform_151(%arg0: i32, %arg1: memref<16384xi32, #tpu.memory_space<smem>>) -> (i32, i32, i32) {
    %mul3A = arith.constant 256 : i32
    %mul3A_0 = arith.muli %mul3A, %arg0 : i32
    %add3A = arith.constant 151 : i32
    %add3A_1 = arith.addi %mul3A_0, %add3A : i32
    %get3A = arith.index_cast %add3A_1 : i32 to index
    %get3A_2 = memref.load %arg1[%get3A] : memref<16384xi32, #tpu.memory_space<smem>>
    %max3A = arith.constant -4096 : i32
    %max3A_3 = arith.maxsi %get3A_2, %max3A : i32
    %min3A = arith.constant 4095 : i32
    %min3A_4 = arith.minsi %max3A_3, %min3A : i32
    %add3A_5 = arith.constant 4096 : i32
    %add3A_6 = arith.addi %min3A_4, %add3A_5 : i32
    %c0_i32 = arith.constant 0 : i32
    %c0_i32_7 = arith.constant 0 : i32
    %c0_i32_8 = arith.constant 0 : i32
    return %add3A_6, %c0_i32, %c0_i32_7 : i32, i32, i32
  }
  func.func @transform_152(%arg0: i32, %arg1: memref<16384xi32, #tpu.memory_space<smem>>) -> (i32, i32, i32) {
    %mul3A = arith.constant 256 : i32
    %mul3A_0 = arith.muli %mul3A, %arg0 : i32
    %add3A = arith.constant 152 : i32
    %add3A_1 = arith.addi %mul3A_0, %add3A : i32
    %get3A = arith.index_cast %add3A_1 : i32 to index
    %get3A_2 = memref.load %arg1[%get3A] : memref<16384xi32, #tpu.memory_space<smem>>
    %max3A = arith.constant -4096 : i32
    %max3A_3 = arith.maxsi %get3A_2, %max3A : i32
    %min3A = arith.constant 4095 : i32
    %min3A_4 = arith.minsi %max3A_3, %min3A : i32
    %add3A_5 = arith.constant 4096 : i32
    %add3A_6 = arith.addi %min3A_4, %add3A_5 : i32
    %c0_i32 = arith.constant 0 : i32
    %c0_i32_7 = arith.constant 0 : i32
    %c0_i32_8 = arith.constant 0 : i32
    return %add3A_6, %c0_i32, %c0_i32_7 : i32, i32, i32
  }
  func.func @transform_153(%arg0: i32, %arg1: memref<16384xi32, #tpu.memory_space<smem>>) -> (i32, i32, i32) {
    %mul3A = arith.constant 256 : i32
    %mul3A_0 = arith.muli %mul3A, %arg0 : i32
    %add3A = arith.constant 153 : i32
    %add3A_1 = arith.addi %mul3A_0, %add3A : i32
    %get3A = arith.index_cast %add3A_1 : i32 to index
    %get3A_2 = memref.load %arg1[%get3A] : memref<16384xi32, #tpu.memory_space<smem>>
    %max3A = arith.constant -4096 : i32
    %max3A_3 = arith.maxsi %get3A_2, %max3A : i32
    %min3A = arith.constant 4095 : i32
    %min3A_4 = arith.minsi %max3A_3, %min3A : i32
    %add3A_5 = arith.constant 4096 : i32
    %add3A_6 = arith.addi %min3A_4, %add3A_5 : i32
    %c0_i32 = arith.constant 0 : i32
    %c0_i32_7 = arith.constant 0 : i32
    %c0_i32_8 = arith.constant 0 : i32
    return %add3A_6, %c0_i32, %c0_i32_7 : i32, i32, i32
  }
  func.func @transform_154(%arg0: i32, %arg1: memref<16384xi32, #tpu.memory_space<smem>>) -> (i32, i32, i32) {
    %mul3A = arith.constant 256 : i32
    %mul3A_0 = arith.muli %mul3A, %arg0 : i32
    %add3A = arith.constant 154 : i32
    %add3A_1 = arith.addi %mul3A_0, %add3A : i32
    %get3A = arith.index_cast %add3A_1 : i32 to index
    %get3A_2 = memref.load %arg1[%get3A] : memref<16384xi32, #tpu.memory_space<smem>>
    %max3A = arith.constant -4096 : i32
    %max3A_3 = arith.maxsi %get3A_2, %max3A : i32
    %min3A = arith.constant 4095 : i32
    %min3A_4 = arith.minsi %max3A_3, %min3A : i32
    %add3A_5 = arith.constant 4096 : i32
    %add3A_6 = arith.addi %min3A_4, %add3A_5 : i32
    %c0_i32 = arith.constant 0 : i32
    %c0_i32_7 = arith.constant 0 : i32
    %c0_i32_8 = arith.constant 0 : i32
    return %add3A_6, %c0_i32, %c0_i32_7 : i32, i32, i32
  }
  func.func @transform_155(%arg0: i32, %arg1: memref<16384xi32, #tpu.memory_space<smem>>) -> (i32, i32, i32) {
    %mul3A = arith.constant 256 : i32
    %mul3A_0 = arith.muli %mul3A, %arg0 : i32
    %add3A = arith.constant 155 : i32
    %add3A_1 = arith.addi %mul3A_0, %add3A : i32
    %get3A = arith.index_cast %add3A_1 : i32 to index
    %get3A_2 = memref.load %arg1[%get3A] : memref<16384xi32, #tpu.memory_space<smem>>
    %max3A = arith.constant -4096 : i32
    %max3A_3 = arith.maxsi %get3A_2, %max3A : i32
    %min3A = arith.constant 4095 : i32
    %min3A_4 = arith.minsi %max3A_3, %min3A : i32
    %add3A_5 = arith.constant 4096 : i32
    %add3A_6 = arith.addi %min3A_4, %add3A_5 : i32
    %c0_i32 = arith.constant 0 : i32
    %c0_i32_7 = arith.constant 0 : i32
    %c0_i32_8 = arith.constant 0 : i32
    return %add3A_6, %c0_i32, %c0_i32_7 : i32, i32, i32
  }
  func.func @transform_156(%arg0: i32, %arg1: memref<16384xi32, #tpu.memory_space<smem>>) -> (i32, i32, i32) {
    %mul3A = arith.constant 256 : i32
    %mul3A_0 = arith.muli %mul3A, %arg0 : i32
    %add3A = arith.constant 156 : i32
    %add3A_1 = arith.addi %mul3A_0, %add3A : i32
    %get3A = arith.index_cast %add3A_1 : i32 to index
    %get3A_2 = memref.load %arg1[%get3A] : memref<16384xi32, #tpu.memory_space<smem>>
    %max3A = arith.constant -4096 : i32
    %max3A_3 = arith.maxsi %get3A_2, %max3A : i32
    %min3A = arith.constant 4095 : i32
    %min3A_4 = arith.minsi %max3A_3, %min3A : i32
    %add3A_5 = arith.constant 4096 : i32
    %add3A_6 = arith.addi %min3A_4, %add3A_5 : i32
    %c0_i32 = arith.constant 0 : i32
    %c0_i32_7 = arith.constant 0 : i32
    %c0_i32_8 = arith.constant 0 : i32
    return %add3A_6, %c0_i32, %c0_i32_7 : i32, i32, i32
  }
  func.func @transform_157(%arg0: i32, %arg1: memref<16384xi32, #tpu.memory_space<smem>>) -> (i32, i32, i32) {
    %mul3A = arith.constant 256 : i32
    %mul3A_0 = arith.muli %mul3A, %arg0 : i32
    %add3A = arith.constant 157 : i32
    %add3A_1 = arith.addi %mul3A_0, %add3A : i32
    %get3A = arith.index_cast %add3A_1 : i32 to index
    %get3A_2 = memref.load %arg1[%get3A] : memref<16384xi32, #tpu.memory_space<smem>>
    %max3A = arith.constant -4096 : i32
    %max3A_3 = arith.maxsi %get3A_2, %max3A : i32
    %min3A = arith.constant 4095 : i32
    %min3A_4 = arith.minsi %max3A_3, %min3A : i32
    %add3A_5 = arith.constant 4096 : i32
    %add3A_6 = arith.addi %min3A_4, %add3A_5 : i32
    %c0_i32 = arith.constant 0 : i32
    %c0_i32_7 = arith.constant 0 : i32
    %c0_i32_8 = arith.constant 0 : i32
    return %add3A_6, %c0_i32, %c0_i32_7 : i32, i32, i32
  }
  func.func @transform_158(%arg0: i32, %arg1: memref<16384xi32, #tpu.memory_space<smem>>) -> (i32, i32, i32) {
    %mul3A = arith.constant 256 : i32
    %mul3A_0 = arith.muli %mul3A, %arg0 : i32
    %add3A = arith.constant 158 : i32
    %add3A_1 = arith.addi %mul3A_0, %add3A : i32
    %get3A = arith.index_cast %add3A_1 : i32 to index
    %get3A_2 = memref.load %arg1[%get3A] : memref<16384xi32, #tpu.memory_space<smem>>
    %max3A = arith.constant -4096 : i32
    %max3A_3 = arith.maxsi %get3A_2, %max3A : i32
    %min3A = arith.constant 4095 : i32
    %min3A_4 = arith.minsi %max3A_3, %min3A : i32
    %add3A_5 = arith.constant 4096 : i32
    %add3A_6 = arith.addi %min3A_4, %add3A_5 : i32
    %c0_i32 = arith.constant 0 : i32
    %c0_i32_7 = arith.constant 0 : i32
    %c0_i32_8 = arith.constant 0 : i32
    return %add3A_6, %c0_i32, %c0_i32_7 : i32, i32, i32
  }
  func.func @transform_159(%arg0: i32, %arg1: memref<16384xi32, #tpu.memory_space<smem>>) -> (i32, i32, i32) {
    %mul3A = arith.constant 256 : i32
    %mul3A_0 = arith.muli %mul3A, %arg0 : i32
    %add3A = arith.constant 159 : i32
    %add3A_1 = arith.addi %mul3A_0, %add3A : i32
    %get3A = arith.index_cast %add3A_1 : i32 to index
    %get3A_2 = memref.load %arg1[%get3A] : memref<16384xi32, #tpu.memory_space<smem>>
    %max3A = arith.constant -4096 : i32
    %max3A_3 = arith.maxsi %get3A_2, %max3A : i32
    %min3A = arith.constant 4095 : i32
    %min3A_4 = arith.minsi %max3A_3, %min3A : i32
    %add3A_5 = arith.constant 4096 : i32
    %add3A_6 = arith.addi %min3A_4, %add3A_5 : i32
    %c0_i32 = arith.constant 0 : i32
    %c0_i32_7 = arith.constant 0 : i32
    %c0_i32_8 = arith.constant 0 : i32
    return %add3A_6, %c0_i32, %c0_i32_7 : i32, i32, i32
  }
  func.func @transform_160(%arg0: i32, %arg1: memref<16384xi32, #tpu.memory_space<smem>>) -> (i32, i32, i32) {
    %mul3A = arith.constant 256 : i32
    %mul3A_0 = arith.muli %mul3A, %arg0 : i32
    %add3A = arith.constant 160 : i32
    %add3A_1 = arith.addi %mul3A_0, %add3A : i32
    %get3A = arith.index_cast %add3A_1 : i32 to index
    %get3A_2 = memref.load %arg1[%get3A] : memref<16384xi32, #tpu.memory_space<smem>>
    %max3A = arith.constant -4096 : i32
    %max3A_3 = arith.maxsi %get3A_2, %max3A : i32
    %min3A = arith.constant 4095 : i32
    %min3A_4 = arith.minsi %max3A_3, %min3A : i32
    %add3A_5 = arith.constant 4096 : i32
    %add3A_6 = arith.addi %min3A_4, %add3A_5 : i32
    %c0_i32 = arith.constant 0 : i32
    %c0_i32_7 = arith.constant 0 : i32
    %c0_i32_8 = arith.constant 0 : i32
    return %add3A_6, %c0_i32, %c0_i32_7 : i32, i32, i32
  }
  func.func @transform_161(%arg0: i32, %arg1: memref<16384xi32, #tpu.memory_space<smem>>) -> (i32, i32, i32) {
    %mul3A = arith.constant 256 : i32
    %mul3A_0 = arith.muli %mul3A, %arg0 : i32
    %add3A = arith.constant 161 : i32
    %add3A_1 = arith.addi %mul3A_0, %add3A : i32
    %get3A = arith.index_cast %add3A_1 : i32 to index
    %get3A_2 = memref.load %arg1[%get3A] : memref<16384xi32, #tpu.memory_space<smem>>
    %max3A = arith.constant -4096 : i32
    %max3A_3 = arith.maxsi %get3A_2, %max3A : i32
    %min3A = arith.constant 4095 : i32
    %min3A_4 = arith.minsi %max3A_3, %min3A : i32
    %add3A_5 = arith.constant 4096 : i32
    %add3A_6 = arith.addi %min3A_4, %add3A_5 : i32
    %c0_i32 = arith.constant 0 : i32
    %c0_i32_7 = arith.constant 0 : i32
    %c0_i32_8 = arith.constant 0 : i32
    return %add3A_6, %c0_i32, %c0_i32_7 : i32, i32, i32
  }
  func.func @transform_162(%arg0: i32, %arg1: memref<16384xi32, #tpu.memory_space<smem>>) -> (i32, i32, i32) {
    %mul3A = arith.constant 256 : i32
    %mul3A_0 = arith.muli %mul3A, %arg0 : i32
    %add3A = arith.constant 162 : i32
    %add3A_1 = arith.addi %mul3A_0, %add3A : i32
    %get3A = arith.index_cast %add3A_1 : i32 to index
    %get3A_2 = memref.load %arg1[%get3A] : memref<16384xi32, #tpu.memory_space<smem>>
    %max3A = arith.constant -4096 : i32
    %max3A_3 = arith.maxsi %get3A_2, %max3A : i32
    %min3A = arith.constant 4095 : i32
    %min3A_4 = arith.minsi %max3A_3, %min3A : i32
    %add3A_5 = arith.constant 4096 : i32
    %add3A_6 = arith.addi %min3A_4, %add3A_5 : i32
    %c0_i32 = arith.constant 0 : i32
    %c0_i32_7 = arith.constant 0 : i32
    %c0_i32_8 = arith.constant 0 : i32
    return %add3A_6, %c0_i32, %c0_i32_7 : i32, i32, i32
  }
  func.func @transform_163(%arg0: i32, %arg1: memref<16384xi32, #tpu.memory_space<smem>>) -> (i32, i32, i32) {
    %mul3A = arith.constant 256 : i32
    %mul3A_0 = arith.muli %mul3A, %arg0 : i32
    %add3A = arith.constant 163 : i32
    %add3A_1 = arith.addi %mul3A_0, %add3A : i32
    %get3A = arith.index_cast %add3A_1 : i32 to index
    %get3A_2 = memref.load %arg1[%get3A] : memref<16384xi32, #tpu.memory_space<smem>>
    %max3A = arith.constant -4096 : i32
    %max3A_3 = arith.maxsi %get3A_2, %max3A : i32
    %min3A = arith.constant 4095 : i32
    %min3A_4 = arith.minsi %max3A_3, %min3A : i32
    %add3A_5 = arith.constant 4096 : i32
    %add3A_6 = arith.addi %min3A_4, %add3A_5 : i32
    %c0_i32 = arith.constant 0 : i32
    %c0_i32_7 = arith.constant 0 : i32
    %c0_i32_8 = arith.constant 0 : i32
    return %add3A_6, %c0_i32, %c0_i32_7 : i32, i32, i32
  }
  func.func @transform_164(%arg0: i32, %arg1: memref<16384xi32, #tpu.memory_space<smem>>) -> (i32, i32, i32) {
    %mul3A = arith.constant 256 : i32
    %mul3A_0 = arith.muli %mul3A, %arg0 : i32
    %add3A = arith.constant 164 : i32
    %add3A_1 = arith.addi %mul3A_0, %add3A : i32
    %get3A = arith.index_cast %add3A_1 : i32 to index
    %get3A_2 = memref.load %arg1[%get3A] : memref<16384xi32, #tpu.memory_space<smem>>
    %max3A = arith.constant -4096 : i32
    %max3A_3 = arith.maxsi %get3A_2, %max3A : i32
    %min3A = arith.constant 4095 : i32
    %min3A_4 = arith.minsi %max3A_3, %min3A : i32
    %add3A_5 = arith.constant 4096 : i32
    %add3A_6 = arith.addi %min3A_4, %add3A_5 : i32
    %c0_i32 = arith.constant 0 : i32
    %c0_i32_7 = arith.constant 0 : i32
    %c0_i32_8 = arith.constant 0 : i32
    return %add3A_6, %c0_i32, %c0_i32_7 : i32, i32, i32
  }
  func.func @transform_165(%arg0: i32, %arg1: memref<16384xi32, #tpu.memory_space<smem>>) -> (i32, i32, i32) {
    %mul3A = arith.constant 256 : i32
    %mul3A_0 = arith.muli %mul3A, %arg0 : i32
    %add3A = arith.constant 165 : i32
    %add3A_1 = arith.addi %mul3A_0, %add3A : i32
    %get3A = arith.index_cast %add3A_1 : i32 to index
    %get3A_2 = memref.load %arg1[%get3A] : memref<16384xi32, #tpu.memory_space<smem>>
    %max3A = arith.constant -4096 : i32
    %max3A_3 = arith.maxsi %get3A_2, %max3A : i32
    %min3A = arith.constant 4095 : i32
    %min3A_4 = arith.minsi %max3A_3, %min3A : i32
    %add3A_5 = arith.constant 4096 : i32
    %add3A_6 = arith.addi %min3A_4, %add3A_5 : i32
    %c0_i32 = arith.constant 0 : i32
    %c0_i32_7 = arith.constant 0 : i32
    %c0_i32_8 = arith.constant 0 : i32
    return %add3A_6, %c0_i32, %c0_i32_7 : i32, i32, i32
  }
  func.func @transform_166(%arg0: i32, %arg1: memref<16384xi32, #tpu.memory_space<smem>>) -> (i32, i32, i32) {
    %mul3A = arith.constant 256 : i32
    %mul3A_0 = arith.muli %mul3A, %arg0 : i32
    %add3A = arith.constant 166 : i32
    %add3A_1 = arith.addi %mul3A_0, %add3A : i32
    %get3A = arith.index_cast %add3A_1 : i32 to index
    %get3A_2 = memref.load %arg1[%get3A] : memref<16384xi32, #tpu.memory_space<smem>>
    %max3A = arith.constant -4096 : i32
    %max3A_3 = arith.maxsi %get3A_2, %max3A : i32
    %min3A = arith.constant 4095 : i32
    %min3A_4 = arith.minsi %max3A_3, %min3A : i32
    %add3A_5 = arith.constant 4096 : i32
    %add3A_6 = arith.addi %min3A_4, %add3A_5 : i32
    %c0_i32 = arith.constant 0 : i32
    %c0_i32_7 = arith.constant 0 : i32
    %c0_i32_8 = arith.constant 0 : i32
    return %add3A_6, %c0_i32, %c0_i32_7 : i32, i32, i32
  }
  func.func @transform_167(%arg0: i32, %arg1: memref<16384xi32, #tpu.memory_space<smem>>) -> (i32, i32, i32) {
    %mul3A = arith.constant 256 : i32
    %mul3A_0 = arith.muli %mul3A, %arg0 : i32
    %add3A = arith.constant 167 : i32
    %add3A_1 = arith.addi %mul3A_0, %add3A : i32
    %get3A = arith.index_cast %add3A_1 : i32 to index
    %get3A_2 = memref.load %arg1[%get3A] : memref<16384xi32, #tpu.memory_space<smem>>
    %max3A = arith.constant -4096 : i32
    %max3A_3 = arith.maxsi %get3A_2, %max3A : i32
    %min3A = arith.constant 4095 : i32
    %min3A_4 = arith.minsi %max3A_3, %min3A : i32
    %add3A_5 = arith.constant 4096 : i32
    %add3A_6 = arith.addi %min3A_4, %add3A_5 : i32
    %c0_i32 = arith.constant 0 : i32
    %c0_i32_7 = arith.constant 0 : i32
    %c0_i32_8 = arith.constant 0 : i32
    return %add3A_6, %c0_i32, %c0_i32_7 : i32, i32, i32
  }
  func.func @transform_168(%arg0: i32, %arg1: memref<16384xi32, #tpu.memory_space<smem>>) -> (i32, i32, i32) {
    %mul3A = arith.constant 256 : i32
    %mul3A_0 = arith.muli %mul3A, %arg0 : i32
    %add3A = arith.constant 168 : i32
    %add3A_1 = arith.addi %mul3A_0, %add3A : i32
    %get3A = arith.index_cast %add3A_1 : i32 to index
    %get3A_2 = memref.load %arg1[%get3A] : memref<16384xi32, #tpu.memory_space<smem>>
    %max3A = arith.constant -4096 : i32
    %max3A_3 = arith.maxsi %get3A_2, %max3A : i32
    %min3A = arith.constant 4095 : i32
    %min3A_4 = arith.minsi %max3A_3, %min3A : i32
    %add3A_5 = arith.constant 4096 : i32
    %add3A_6 = arith.addi %min3A_4, %add3A_5 : i32
    %c0_i32 = arith.constant 0 : i32
    %c0_i32_7 = arith.constant 0 : i32
    %c0_i32_8 = arith.constant 0 : i32
    return %add3A_6, %c0_i32, %c0_i32_7 : i32, i32, i32
  }
  func.func @transform_169(%arg0: i32, %arg1: memref<16384xi32, #tpu.memory_space<smem>>) -> (i32, i32, i32) {
    %mul3A = arith.constant 256 : i32
    %mul3A_0 = arith.muli %mul3A, %arg0 : i32
    %add3A = arith.constant 169 : i32
    %add3A_1 = arith.addi %mul3A_0, %add3A : i32
    %get3A = arith.index_cast %add3A_1 : i32 to index
    %get3A_2 = memref.load %arg1[%get3A] : memref<16384xi32, #tpu.memory_space<smem>>
    %max3A = arith.constant -4096 : i32
    %max3A_3 = arith.maxsi %get3A_2, %max3A : i32
    %min3A = arith.constant 4095 : i32
    %min3A_4 = arith.minsi %max3A_3, %min3A : i32
    %add3A_5 = arith.constant 4096 : i32
    %add3A_6 = arith.addi %min3A_4, %add3A_5 : i32
    %c0_i32 = arith.constant 0 : i32
    %c0_i32_7 = arith.constant 0 : i32
    %c0_i32_8 = arith.constant 0 : i32
    return %add3A_6, %c0_i32, %c0_i32_7 : i32, i32, i32
  }
  func.func @transform_170(%arg0: i32, %arg1: memref<16384xi32, #tpu.memory_space<smem>>) -> (i32, i32, i32) {
    %mul3A = arith.constant 256 : i32
    %mul3A_0 = arith.muli %mul3A, %arg0 : i32
    %add3A = arith.constant 170 : i32
    %add3A_1 = arith.addi %mul3A_0, %add3A : i32
    %get3A = arith.index_cast %add3A_1 : i32 to index
    %get3A_2 = memref.load %arg1[%get3A] : memref<16384xi32, #tpu.memory_space<smem>>
    %max3A = arith.constant -4096 : i32
    %max3A_3 = arith.maxsi %get3A_2, %max3A : i32
    %min3A = arith.constant 4095 : i32
    %min3A_4 = arith.minsi %max3A_3, %min3A : i32
    %add3A_5 = arith.constant 4096 : i32
    %add3A_6 = arith.addi %min3A_4, %add3A_5 : i32
    %c0_i32 = arith.constant 0 : i32
    %c0_i32_7 = arith.constant 0 : i32
    %c0_i32_8 = arith.constant 0 : i32
    return %add3A_6, %c0_i32, %c0_i32_7 : i32, i32, i32
  }
  func.func @transform_171(%arg0: i32, %arg1: memref<16384xi32, #tpu.memory_space<smem>>) -> (i32, i32, i32) {
    %mul3A = arith.constant 256 : i32
    %mul3A_0 = arith.muli %mul3A, %arg0 : i32
    %add3A = arith.constant 171 : i32
    %add3A_1 = arith.addi %mul3A_0, %add3A : i32
    %get3A = arith.index_cast %add3A_1 : i32 to index
    %get3A_2 = memref.load %arg1[%get3A] : memref<16384xi32, #tpu.memory_space<smem>>
    %max3A = arith.constant -4096 : i32
    %max3A_3 = arith.maxsi %get3A_2, %max3A : i32
    %min3A = arith.constant 4095 : i32
    %min3A_4 = arith.minsi %max3A_3, %min3A : i32
    %add3A_5 = arith.constant 4096 : i32
    %add3A_6 = arith.addi %min3A_4, %add3A_5 : i32
    %c0_i32 = arith.constant 0 : i32
    %c0_i32_7 = arith.constant 0 : i32
    %c0_i32_8 = arith.constant 0 : i32
    return %add3A_6, %c0_i32, %c0_i32_7 : i32, i32, i32
  }
  func.func @transform_172(%arg0: i32, %arg1: memref<16384xi32, #tpu.memory_space<smem>>) -> (i32, i32, i32) {
    %mul3A = arith.constant 256 : i32
    %mul3A_0 = arith.muli %mul3A, %arg0 : i32
    %add3A = arith.constant 172 : i32
    %add3A_1 = arith.addi %mul3A_0, %add3A : i32
    %get3A = arith.index_cast %add3A_1 : i32 to index
    %get3A_2 = memref.load %arg1[%get3A] : memref<16384xi32, #tpu.memory_space<smem>>
    %max3A = arith.constant -4096 : i32
    %max3A_3 = arith.maxsi %get3A_2, %max3A : i32
    %min3A = arith.constant 4095 : i32
    %min3A_4 = arith.minsi %max3A_3, %min3A : i32
    %add3A_5 = arith.constant 4096 : i32
    %add3A_6 = arith.addi %min3A_4, %add3A_5 : i32
    %c0_i32 = arith.constant 0 : i32
    %c0_i32_7 = arith.constant 0 : i32
    %c0_i32_8 = arith.constant 0 : i32
    return %add3A_6, %c0_i32, %c0_i32_7 : i32, i32, i32
  }
  func.func @transform_173(%arg0: i32, %arg1: memref<16384xi32, #tpu.memory_space<smem>>) -> (i32, i32, i32) {
    %mul3A = arith.constant 256 : i32
    %mul3A_0 = arith.muli %mul3A, %arg0 : i32
    %add3A = arith.constant 173 : i32
    %add3A_1 = arith.addi %mul3A_0, %add3A : i32
    %get3A = arith.index_cast %add3A_1 : i32 to index
    %get3A_2 = memref.load %arg1[%get3A] : memref<16384xi32, #tpu.memory_space<smem>>
    %max3A = arith.constant -4096 : i32
    %max3A_3 = arith.maxsi %get3A_2, %max3A : i32
    %min3A = arith.constant 4095 : i32
    %min3A_4 = arith.minsi %max3A_3, %min3A : i32
    %add3A_5 = arith.constant 4096 : i32
    %add3A_6 = arith.addi %min3A_4, %add3A_5 : i32
    %c0_i32 = arith.constant 0 : i32
    %c0_i32_7 = arith.constant 0 : i32
    %c0_i32_8 = arith.constant 0 : i32
    return %add3A_6, %c0_i32, %c0_i32_7 : i32, i32, i32
  }
  func.func @transform_174(%arg0: i32, %arg1: memref<16384xi32, #tpu.memory_space<smem>>) -> (i32, i32, i32) {
    %mul3A = arith.constant 256 : i32
    %mul3A_0 = arith.muli %mul3A, %arg0 : i32
    %add3A = arith.constant 174 : i32
    %add3A_1 = arith.addi %mul3A_0, %add3A : i32
    %get3A = arith.index_cast %add3A_1 : i32 to index
    %get3A_2 = memref.load %arg1[%get3A] : memref<16384xi32, #tpu.memory_space<smem>>
    %max3A = arith.constant -4096 : i32
    %max3A_3 = arith.maxsi %get3A_2, %max3A : i32
    %min3A = arith.constant 4095 : i32
    %min3A_4 = arith.minsi %max3A_3, %min3A : i32
    %add3A_5 = arith.constant 4096 : i32
    %add3A_6 = arith.addi %min3A_4, %add3A_5 : i32
    %c0_i32 = arith.constant 0 : i32
    %c0_i32_7 = arith.constant 0 : i32
    %c0_i32_8 = arith.constant 0 : i32
    return %add3A_6, %c0_i32, %c0_i32_7 : i32, i32, i32
  }
  func.func @transform_175(%arg0: i32, %arg1: memref<16384xi32, #tpu.memory_space<smem>>) -> (i32, i32, i32) {
    %mul3A = arith.constant 256 : i32
    %mul3A_0 = arith.muli %mul3A, %arg0 : i32
    %add3A = arith.constant 175 : i32
    %add3A_1 = arith.addi %mul3A_0, %add3A : i32
    %get3A = arith.index_cast %add3A_1 : i32 to index
    %get3A_2 = memref.load %arg1[%get3A] : memref<16384xi32, #tpu.memory_space<smem>>
    %max3A = arith.constant -4096 : i32
    %max3A_3 = arith.maxsi %get3A_2, %max3A : i32
    %min3A = arith.constant 4095 : i32
    %min3A_4 = arith.minsi %max3A_3, %min3A : i32
    %add3A_5 = arith.constant 4096 : i32
    %add3A_6 = arith.addi %min3A_4, %add3A_5 : i32
    %c0_i32 = arith.constant 0 : i32
    %c0_i32_7 = arith.constant 0 : i32
    %c0_i32_8 = arith.constant 0 : i32
    return %add3A_6, %c0_i32, %c0_i32_7 : i32, i32, i32
  }
  func.func @transform_176(%arg0: i32, %arg1: memref<16384xi32, #tpu.memory_space<smem>>) -> (i32, i32, i32) {
    %mul3A = arith.constant 256 : i32
    %mul3A_0 = arith.muli %mul3A, %arg0 : i32
    %add3A = arith.constant 176 : i32
    %add3A_1 = arith.addi %mul3A_0, %add3A : i32
    %get3A = arith.index_cast %add3A_1 : i32 to index
    %get3A_2 = memref.load %arg1[%get3A] : memref<16384xi32, #tpu.memory_space<smem>>
    %max3A = arith.constant -4096 : i32
    %max3A_3 = arith.maxsi %get3A_2, %max3A : i32
    %min3A = arith.constant 4095 : i32
    %min3A_4 = arith.minsi %max3A_3, %min3A : i32
    %add3A_5 = arith.constant 4096 : i32
    %add3A_6 = arith.addi %min3A_4, %add3A_5 : i32
    %c0_i32 = arith.constant 0 : i32
    %c0_i32_7 = arith.constant 0 : i32
    %c0_i32_8 = arith.constant 0 : i32
    return %add3A_6, %c0_i32, %c0_i32_7 : i32, i32, i32
  }
  func.func @transform_177(%arg0: i32, %arg1: memref<16384xi32, #tpu.memory_space<smem>>) -> (i32, i32, i32) {
    %mul3A = arith.constant 256 : i32
    %mul3A_0 = arith.muli %mul3A, %arg0 : i32
    %add3A = arith.constant 177 : i32
    %add3A_1 = arith.addi %mul3A_0, %add3A : i32
    %get3A = arith.index_cast %add3A_1 : i32 to index
    %get3A_2 = memref.load %arg1[%get3A] : memref<16384xi32, #tpu.memory_space<smem>>
    %max3A = arith.constant -4096 : i32
    %max3A_3 = arith.maxsi %get3A_2, %max3A : i32
    %min3A = arith.constant 4095 : i32
    %min3A_4 = arith.minsi %max3A_3, %min3A : i32
    %add3A_5 = arith.constant 4096 : i32
    %add3A_6 = arith.addi %min3A_4, %add3A_5 : i32
    %c0_i32 = arith.constant 0 : i32
    %c0_i32_7 = arith.constant 0 : i32
    %c0_i32_8 = arith.constant 0 : i32
    return %add3A_6, %c0_i32, %c0_i32_7 : i32, i32, i32
  }
  func.func @transform_178(%arg0: i32, %arg1: memref<16384xi32, #tpu.memory_space<smem>>) -> (i32, i32, i32) {
    %mul3A = arith.constant 256 : i32
    %mul3A_0 = arith.muli %mul3A, %arg0 : i32
    %add3A = arith.constant 178 : i32
    %add3A_1 = arith.addi %mul3A_0, %add3A : i32
    %get3A = arith.index_cast %add3A_1 : i32 to index
    %get3A_2 = memref.load %arg1[%get3A] : memref<16384xi32, #tpu.memory_space<smem>>
    %max3A = arith.constant -4096 : i32
    %max3A_3 = arith.maxsi %get3A_2, %max3A : i32
    %min3A = arith.constant 4095 : i32
    %min3A_4 = arith.minsi %max3A_3, %min3A : i32
    %add3A_5 = arith.constant 4096 : i32
    %add3A_6 = arith.addi %min3A_4, %add3A_5 : i32
    %c0_i32 = arith.constant 0 : i32
    %c0_i32_7 = arith.constant 0 : i32
    %c0_i32_8 = arith.constant 0 : i32
    return %add3A_6, %c0_i32, %c0_i32_7 : i32, i32, i32
  }
  func.func @transform_179(%arg0: i32, %arg1: memref<16384xi32, #tpu.memory_space<smem>>) -> (i32, i32, i32) {
    %mul3A = arith.constant 256 : i32
    %mul3A_0 = arith.muli %mul3A, %arg0 : i32
    %add3A = arith.constant 179 : i32
    %add3A_1 = arith.addi %mul3A_0, %add3A : i32
    %get3A = arith.index_cast %add3A_1 : i32 to index
    %get3A_2 = memref.load %arg1[%get3A] : memref<16384xi32, #tpu.memory_space<smem>>
    %max3A = arith.constant -4096 : i32
    %max3A_3 = arith.maxsi %get3A_2, %max3A : i32
    %min3A = arith.constant 4095 : i32
    %min3A_4 = arith.minsi %max3A_3, %min3A : i32
    %add3A_5 = arith.constant 4096 : i32
    %add3A_6 = arith.addi %min3A_4, %add3A_5 : i32
    %c0_i32 = arith.constant 0 : i32
    %c0_i32_7 = arith.constant 0 : i32
    %c0_i32_8 = arith.constant 0 : i32
    return %add3A_6, %c0_i32, %c0_i32_7 : i32, i32, i32
  }
  func.func @transform_180(%arg0: i32, %arg1: memref<16384xi32, #tpu.memory_space<smem>>) -> (i32, i32, i32) {
    %mul3A = arith.constant 256 : i32
    %mul3A_0 = arith.muli %mul3A, %arg0 : i32
    %add3A = arith.constant 180 : i32
    %add3A_1 = arith.addi %mul3A_0, %add3A : i32
    %get3A = arith.index_cast %add3A_1 : i32 to index
    %get3A_2 = memref.load %arg1[%get3A] : memref<16384xi32, #tpu.memory_space<smem>>
    %max3A = arith.constant -4096 : i32
    %max3A_3 = arith.maxsi %get3A_2, %max3A : i32
    %min3A = arith.constant 4095 : i32
    %min3A_4 = arith.minsi %max3A_3, %min3A : i32
    %add3A_5 = arith.constant 4096 : i32
    %add3A_6 = arith.addi %min3A_4, %add3A_5 : i32
    %c0_i32 = arith.constant 0 : i32
    %c0_i32_7 = arith.constant 0 : i32
    %c0_i32_8 = arith.constant 0 : i32
    return %add3A_6, %c0_i32, %c0_i32_7 : i32, i32, i32
  }
  func.func @transform_181(%arg0: i32, %arg1: memref<16384xi32, #tpu.memory_space<smem>>) -> (i32, i32, i32) {
    %mul3A = arith.constant 256 : i32
    %mul3A_0 = arith.muli %mul3A, %arg0 : i32
    %add3A = arith.constant 181 : i32
    %add3A_1 = arith.addi %mul3A_0, %add3A : i32
    %get3A = arith.index_cast %add3A_1 : i32 to index
    %get3A_2 = memref.load %arg1[%get3A] : memref<16384xi32, #tpu.memory_space<smem>>
    %max3A = arith.constant -4096 : i32
    %max3A_3 = arith.maxsi %get3A_2, %max3A : i32
    %min3A = arith.constant 4095 : i32
    %min3A_4 = arith.minsi %max3A_3, %min3A : i32
    %add3A_5 = arith.constant 4096 : i32
    %add3A_6 = arith.addi %min3A_4, %add3A_5 : i32
    %c0_i32 = arith.constant 0 : i32
    %c0_i32_7 = arith.constant 0 : i32
    %c0_i32_8 = arith.constant 0 : i32
    return %add3A_6, %c0_i32, %c0_i32_7 : i32, i32, i32
  }
  func.func @transform_182(%arg0: i32, %arg1: memref<16384xi32, #tpu.memory_space<smem>>) -> (i32, i32, i32) {
    %mul3A = arith.constant 256 : i32
    %mul3A_0 = arith.muli %mul3A, %arg0 : i32
    %add3A = arith.constant 182 : i32
    %add3A_1 = arith.addi %mul3A_0, %add3A : i32
    %get3A = arith.index_cast %add3A_1 : i32 to index
    %get3A_2 = memref.load %arg1[%get3A] : memref<16384xi32, #tpu.memory_space<smem>>
    %max3A = arith.constant -4096 : i32
    %max3A_3 = arith.maxsi %get3A_2, %max3A : i32
    %min3A = arith.constant 4095 : i32
    %min3A_4 = arith.minsi %max3A_3, %min3A : i32
    %add3A_5 = arith.constant 4096 : i32
    %add3A_6 = arith.addi %min3A_4, %add3A_5 : i32
    %c0_i32 = arith.constant 0 : i32
    %c0_i32_7 = arith.constant 0 : i32
    %c0_i32_8 = arith.constant 0 : i32
    return %add3A_6, %c0_i32, %c0_i32_7 : i32, i32, i32
  }
  func.func @transform_183(%arg0: i32, %arg1: memref<16384xi32, #tpu.memory_space<smem>>) -> (i32, i32, i32) {
    %mul3A = arith.constant 256 : i32
    %mul3A_0 = arith.muli %mul3A, %arg0 : i32
    %add3A = arith.constant 183 : i32
    %add3A_1 = arith.addi %mul3A_0, %add3A : i32
    %get3A = arith.index_cast %add3A_1 : i32 to index
    %get3A_2 = memref.load %arg1[%get3A] : memref<16384xi32, #tpu.memory_space<smem>>
    %max3A = arith.constant -4096 : i32
    %max3A_3 = arith.maxsi %get3A_2, %max3A : i32
    %min3A = arith.constant 4095 : i32
    %min3A_4 = arith.minsi %max3A_3, %min3A : i32
    %add3A_5 = arith.constant 4096 : i32
    %add3A_6 = arith.addi %min3A_4, %add3A_5 : i32
    %c0_i32 = arith.constant 0 : i32
    %c0_i32_7 = arith.constant 0 : i32
    %c0_i32_8 = arith.constant 0 : i32
    return %add3A_6, %c0_i32, %c0_i32_7 : i32, i32, i32
  }
  func.func @transform_184(%arg0: i32, %arg1: memref<16384xi32, #tpu.memory_space<smem>>) -> (i32, i32, i32) {
    %mul3A = arith.constant 256 : i32
    %mul3A_0 = arith.muli %mul3A, %arg0 : i32
    %add3A = arith.constant 184 : i32
    %add3A_1 = arith.addi %mul3A_0, %add3A : i32
    %get3A = arith.index_cast %add3A_1 : i32 to index
    %get3A_2 = memref.load %arg1[%get3A] : memref<16384xi32, #tpu.memory_space<smem>>
    %max3A = arith.constant -4096 : i32
    %max3A_3 = arith.maxsi %get3A_2, %max3A : i32
    %min3A = arith.constant 4095 : i32
    %min3A_4 = arith.minsi %max3A_3, %min3A : i32
    %add3A_5 = arith.constant 4096 : i32
    %add3A_6 = arith.addi %min3A_4, %add3A_5 : i32
    %c0_i32 = arith.constant 0 : i32
    %c0_i32_7 = arith.constant 0 : i32
    %c0_i32_8 = arith.constant 0 : i32
    return %add3A_6, %c0_i32, %c0_i32_7 : i32, i32, i32
  }
  func.func @transform_185(%arg0: i32, %arg1: memref<16384xi32, #tpu.memory_space<smem>>) -> (i32, i32, i32) {
    %mul3A = arith.constant 256 : i32
    %mul3A_0 = arith.muli %mul3A, %arg0 : i32
    %add3A = arith.constant 185 : i32
    %add3A_1 = arith.addi %mul3A_0, %add3A : i32
    %get3A = arith.index_cast %add3A_1 : i32 to index
    %get3A_2 = memref.load %arg1[%get3A] : memref<16384xi32, #tpu.memory_space<smem>>
    %max3A = arith.constant -4096 : i32
    %max3A_3 = arith.maxsi %get3A_2, %max3A : i32
    %min3A = arith.constant 4095 : i32
    %min3A_4 = arith.minsi %max3A_3, %min3A : i32
    %add3A_5 = arith.constant 4096 : i32
    %add3A_6 = arith.addi %min3A_4, %add3A_5 : i32
    %c0_i32 = arith.constant 0 : i32
    %c0_i32_7 = arith.constant 0 : i32
    %c0_i32_8 = arith.constant 0 : i32
    return %add3A_6, %c0_i32, %c0_i32_7 : i32, i32, i32
  }
  func.func @transform_186(%arg0: i32, %arg1: memref<16384xi32, #tpu.memory_space<smem>>) -> (i32, i32, i32) {
    %mul3A = arith.constant 256 : i32
    %mul3A_0 = arith.muli %mul3A, %arg0 : i32
    %add3A = arith.constant 186 : i32
    %add3A_1 = arith.addi %mul3A_0, %add3A : i32
    %get3A = arith.index_cast %add3A_1 : i32 to index
    %get3A_2 = memref.load %arg1[%get3A] : memref<16384xi32, #tpu.memory_space<smem>>
    %max3A = arith.constant -4096 : i32
    %max3A_3 = arith.maxsi %get3A_2, %max3A : i32
    %min3A = arith.constant 4095 : i32
    %min3A_4 = arith.minsi %max3A_3, %min3A : i32
    %add3A_5 = arith.constant 4096 : i32
    %add3A_6 = arith.addi %min3A_4, %add3A_5 : i32
    %c0_i32 = arith.constant 0 : i32
    %c0_i32_7 = arith.constant 0 : i32
    %c0_i32_8 = arith.constant 0 : i32
    return %add3A_6, %c0_i32, %c0_i32_7 : i32, i32, i32
  }
  func.func @transform_187(%arg0: i32, %arg1: memref<16384xi32, #tpu.memory_space<smem>>) -> (i32, i32, i32) {
    %mul3A = arith.constant 256 : i32
    %mul3A_0 = arith.muli %mul3A, %arg0 : i32
    %add3A = arith.constant 187 : i32
    %add3A_1 = arith.addi %mul3A_0, %add3A : i32
    %get3A = arith.index_cast %add3A_1 : i32 to index
    %get3A_2 = memref.load %arg1[%get3A] : memref<16384xi32, #tpu.memory_space<smem>>
    %max3A = arith.constant -4096 : i32
    %max3A_3 = arith.maxsi %get3A_2, %max3A : i32
    %min3A = arith.constant 4095 : i32
    %min3A_4 = arith.minsi %max3A_3, %min3A : i32
    %add3A_5 = arith.constant 4096 : i32
    %add3A_6 = arith.addi %min3A_4, %add3A_5 : i32
    %c0_i32 = arith.constant 0 : i32
    %c0_i32_7 = arith.constant 0 : i32
    %c0_i32_8 = arith.constant 0 : i32
    return %add3A_6, %c0_i32, %c0_i32_7 : i32, i32, i32
  }
  func.func @transform_188(%arg0: i32, %arg1: memref<16384xi32, #tpu.memory_space<smem>>) -> (i32, i32, i32) {
    %mul3A = arith.constant 256 : i32
    %mul3A_0 = arith.muli %mul3A, %arg0 : i32
    %add3A = arith.constant 188 : i32
    %add3A_1 = arith.addi %mul3A_0, %add3A : i32
    %get3A = arith.index_cast %add3A_1 : i32 to index
    %get3A_2 = memref.load %arg1[%get3A] : memref<16384xi32, #tpu.memory_space<smem>>
    %max3A = arith.constant -4096 : i32
    %max3A_3 = arith.maxsi %get3A_2, %max3A : i32
    %min3A = arith.constant 4095 : i32
    %min3A_4 = arith.minsi %max3A_3, %min3A : i32
    %add3A_5 = arith.constant 4096 : i32
    %add3A_6 = arith.addi %min3A_4, %add3A_5 : i32
    %c0_i32 = arith.constant 0 : i32
    %c0_i32_7 = arith.constant 0 : i32
    %c0_i32_8 = arith.constant 0 : i32
    return %add3A_6, %c0_i32, %c0_i32_7 : i32, i32, i32
  }
  func.func @transform_189(%arg0: i32, %arg1: memref<16384xi32, #tpu.memory_space<smem>>) -> (i32, i32, i32) {
    %mul3A = arith.constant 256 : i32
    %mul3A_0 = arith.muli %mul3A, %arg0 : i32
    %add3A = arith.constant 189 : i32
    %add3A_1 = arith.addi %mul3A_0, %add3A : i32
    %get3A = arith.index_cast %add3A_1 : i32 to index
    %get3A_2 = memref.load %arg1[%get3A] : memref<16384xi32, #tpu.memory_space<smem>>
    %max3A = arith.constant -4096 : i32
    %max3A_3 = arith.maxsi %get3A_2, %max3A : i32
    %min3A = arith.constant 4095 : i32
    %min3A_4 = arith.minsi %max3A_3, %min3A : i32
    %add3A_5 = arith.constant 4096 : i32
    %add3A_6 = arith.addi %min3A_4, %add3A_5 : i32
    %c0_i32 = arith.constant 0 : i32
    %c0_i32_7 = arith.constant 0 : i32
    %c0_i32_8 = arith.constant 0 : i32
    return %add3A_6, %c0_i32, %c0_i32_7 : i32, i32, i32
  }
  func.func @transform_190(%arg0: i32, %arg1: memref<16384xi32, #tpu.memory_space<smem>>) -> (i32, i32, i32) {
    %mul3A = arith.constant 256 : i32
    %mul3A_0 = arith.muli %mul3A, %arg0 : i32
    %add3A = arith.constant 190 : i32
    %add3A_1 = arith.addi %mul3A_0, %add3A : i32
    %get3A = arith.index_cast %add3A_1 : i32 to index
    %get3A_2 = memref.load %arg1[%get3A] : memref<16384xi32, #tpu.memory_space<smem>>
    %max3A = arith.constant -4096 : i32
    %max3A_3 = arith.maxsi %get3A_2, %max3A : i32
    %min3A = arith.constant 4095 : i32
    %min3A_4 = arith.minsi %max3A_3, %min3A : i32
    %add3A_5 = arith.constant 4096 : i32
    %add3A_6 = arith.addi %min3A_4, %add3A_5 : i32
    %c0_i32 = arith.constant 0 : i32
    %c0_i32_7 = arith.constant 0 : i32
    %c0_i32_8 = arith.constant 0 : i32
    return %add3A_6, %c0_i32, %c0_i32_7 : i32, i32, i32
  }
  func.func @transform_191(%arg0: i32, %arg1: memref<16384xi32, #tpu.memory_space<smem>>) -> (i32, i32, i32) {
    %mul3A = arith.constant 256 : i32
    %mul3A_0 = arith.muli %mul3A, %arg0 : i32
    %add3A = arith.constant 191 : i32
    %add3A_1 = arith.addi %mul3A_0, %add3A : i32
    %get3A = arith.index_cast %add3A_1 : i32 to index
    %get3A_2 = memref.load %arg1[%get3A] : memref<16384xi32, #tpu.memory_space<smem>>
    %max3A = arith.constant -4096 : i32
    %max3A_3 = arith.maxsi %get3A_2, %max3A : i32
    %min3A = arith.constant 4095 : i32
    %min3A_4 = arith.minsi %max3A_3, %min3A : i32
    %add3A_5 = arith.constant 4096 : i32
    %add3A_6 = arith.addi %min3A_4, %add3A_5 : i32
    %c0_i32 = arith.constant 0 : i32
    %c0_i32_7 = arith.constant 0 : i32
    %c0_i32_8 = arith.constant 0 : i32
    return %add3A_6, %c0_i32, %c0_i32_7 : i32, i32, i32
  }
  func.func @transform_192(%arg0: i32, %arg1: memref<16384xi32, #tpu.memory_space<smem>>) -> (i32, i32, i32) {
    %mul3A = arith.constant 256 : i32
    %mul3A_0 = arith.muli %mul3A, %arg0 : i32
    %add3A = arith.constant 192 : i32
    %add3A_1 = arith.addi %mul3A_0, %add3A : i32
    %get3A = arith.index_cast %add3A_1 : i32 to index
    %get3A_2 = memref.load %arg1[%get3A] : memref<16384xi32, #tpu.memory_space<smem>>
    %max3A = arith.constant -4096 : i32
    %max3A_3 = arith.maxsi %get3A_2, %max3A : i32
    %min3A = arith.constant 4095 : i32
    %min3A_4 = arith.minsi %max3A_3, %min3A : i32
    %add3A_5 = arith.constant 4096 : i32
    %add3A_6 = arith.addi %min3A_4, %add3A_5 : i32
    %c0_i32 = arith.constant 0 : i32
    %c0_i32_7 = arith.constant 0 : i32
    %c0_i32_8 = arith.constant 0 : i32
    return %add3A_6, %c0_i32, %c0_i32_7 : i32, i32, i32
  }
  func.func @transform_193(%arg0: i32, %arg1: memref<16384xi32, #tpu.memory_space<smem>>) -> (i32, i32, i32) {
    %mul3A = arith.constant 256 : i32
    %mul3A_0 = arith.muli %mul3A, %arg0 : i32
    %add3A = arith.constant 193 : i32
    %add3A_1 = arith.addi %mul3A_0, %add3A : i32
    %get3A = arith.index_cast %add3A_1 : i32 to index
    %get3A_2 = memref.load %arg1[%get3A] : memref<16384xi32, #tpu.memory_space<smem>>
    %max3A = arith.constant -4096 : i32
    %max3A_3 = arith.maxsi %get3A_2, %max3A : i32
    %min3A = arith.constant 4095 : i32
    %min3A_4 = arith.minsi %max3A_3, %min3A : i32
    %add3A_5 = arith.constant 4096 : i32
    %add3A_6 = arith.addi %min3A_4, %add3A_5 : i32
    %c0_i32 = arith.constant 0 : i32
    %c0_i32_7 = arith.constant 0 : i32
    %c0_i32_8 = arith.constant 0 : i32
    return %add3A_6, %c0_i32, %c0_i32_7 : i32, i32, i32
  }
  func.func @transform_194(%arg0: i32, %arg1: memref<16384xi32, #tpu.memory_space<smem>>) -> (i32, i32, i32) {
    %mul3A = arith.constant 256 : i32
    %mul3A_0 = arith.muli %mul3A, %arg0 : i32
    %add3A = arith.constant 194 : i32
    %add3A_1 = arith.addi %mul3A_0, %add3A : i32
    %get3A = arith.index_cast %add3A_1 : i32 to index
    %get3A_2 = memref.load %arg1[%get3A] : memref<16384xi32, #tpu.memory_space<smem>>
    %max3A = arith.constant -4096 : i32
    %max3A_3 = arith.maxsi %get3A_2, %max3A : i32
    %min3A = arith.constant 4095 : i32
    %min3A_4 = arith.minsi %max3A_3, %min3A : i32
    %add3A_5 = arith.constant 4096 : i32
    %add3A_6 = arith.addi %min3A_4, %add3A_5 : i32
    %c0_i32 = arith.constant 0 : i32
    %c0_i32_7 = arith.constant 0 : i32
    %c0_i32_8 = arith.constant 0 : i32
    return %add3A_6, %c0_i32, %c0_i32_7 : i32, i32, i32
  }
  func.func @transform_195(%arg0: i32, %arg1: memref<16384xi32, #tpu.memory_space<smem>>) -> (i32, i32, i32) {
    %mul3A = arith.constant 256 : i32
    %mul3A_0 = arith.muli %mul3A, %arg0 : i32
    %add3A = arith.constant 195 : i32
    %add3A_1 = arith.addi %mul3A_0, %add3A : i32
    %get3A = arith.index_cast %add3A_1 : i32 to index
    %get3A_2 = memref.load %arg1[%get3A] : memref<16384xi32, #tpu.memory_space<smem>>
    %max3A = arith.constant -4096 : i32
    %max3A_3 = arith.maxsi %get3A_2, %max3A : i32
    %min3A = arith.constant 4095 : i32
    %min3A_4 = arith.minsi %max3A_3, %min3A : i32
    %add3A_5 = arith.constant 4096 : i32
    %add3A_6 = arith.addi %min3A_4, %add3A_5 : i32
    %c0_i32 = arith.constant 0 : i32
    %c0_i32_7 = arith.constant 0 : i32
    %c0_i32_8 = arith.constant 0 : i32
    return %add3A_6, %c0_i32, %c0_i32_7 : i32, i32, i32
  }
  func.func @transform_196(%arg0: i32, %arg1: memref<16384xi32, #tpu.memory_space<smem>>) -> (i32, i32, i32) {
    %mul3A = arith.constant 256 : i32
    %mul3A_0 = arith.muli %mul3A, %arg0 : i32
    %add3A = arith.constant 196 : i32
    %add3A_1 = arith.addi %mul3A_0, %add3A : i32
    %get3A = arith.index_cast %add3A_1 : i32 to index
    %get3A_2 = memref.load %arg1[%get3A] : memref<16384xi32, #tpu.memory_space<smem>>
    %max3A = arith.constant -4096 : i32
    %max3A_3 = arith.maxsi %get3A_2, %max3A : i32
    %min3A = arith.constant 4095 : i32
    %min3A_4 = arith.minsi %max3A_3, %min3A : i32
    %add3A_5 = arith.constant 4096 : i32
    %add3A_6 = arith.addi %min3A_4, %add3A_5 : i32
    %c0_i32 = arith.constant 0 : i32
    %c0_i32_7 = arith.constant 0 : i32
    %c0_i32_8 = arith.constant 0 : i32
    return %add3A_6, %c0_i32, %c0_i32_7 : i32, i32, i32
  }
  func.func @transform_197(%arg0: i32, %arg1: memref<16384xi32, #tpu.memory_space<smem>>) -> (i32, i32, i32) {
    %mul3A = arith.constant 256 : i32
    %mul3A_0 = arith.muli %mul3A, %arg0 : i32
    %add3A = arith.constant 197 : i32
    %add3A_1 = arith.addi %mul3A_0, %add3A : i32
    %get3A = arith.index_cast %add3A_1 : i32 to index
    %get3A_2 = memref.load %arg1[%get3A] : memref<16384xi32, #tpu.memory_space<smem>>
    %max3A = arith.constant -4096 : i32
    %max3A_3 = arith.maxsi %get3A_2, %max3A : i32
    %min3A = arith.constant 4095 : i32
    %min3A_4 = arith.minsi %max3A_3, %min3A : i32
    %add3A_5 = arith.constant 4096 : i32
    %add3A_6 = arith.addi %min3A_4, %add3A_5 : i32
    %c0_i32 = arith.constant 0 : i32
    %c0_i32_7 = arith.constant 0 : i32
    %c0_i32_8 = arith.constant 0 : i32
    return %add3A_6, %c0_i32, %c0_i32_7 : i32, i32, i32
  }
  func.func @transform_198(%arg0: i32, %arg1: memref<16384xi32, #tpu.memory_space<smem>>) -> (i32, i32, i32) {
    %mul3A = arith.constant 256 : i32
    %mul3A_0 = arith.muli %mul3A, %arg0 : i32
    %add3A = arith.constant 198 : i32
    %add3A_1 = arith.addi %mul3A_0, %add3A : i32
    %get3A = arith.index_cast %add3A_1 : i32 to index
    %get3A_2 = memref.load %arg1[%get3A] : memref<16384xi32, #tpu.memory_space<smem>>
    %max3A = arith.constant -4096 : i32
    %max3A_3 = arith.maxsi %get3A_2, %max3A : i32
    %min3A = arith.constant 4095 : i32
    %min3A_4 = arith.minsi %max3A_3, %min3A : i32
    %add3A_5 = arith.constant 4096 : i32
    %add3A_6 = arith.addi %min3A_4, %add3A_5 : i32
    %c0_i32 = arith.constant 0 : i32
    %c0_i32_7 = arith.constant 0 : i32
    %c0_i32_8 = arith.constant 0 : i32
    return %add3A_6, %c0_i32, %c0_i32_7 : i32, i32, i32
  }
  func.func @transform_199(%arg0: i32, %arg1: memref<16384xi32, #tpu.memory_space<smem>>) -> (i32, i32, i32) {
    %mul3A = arith.constant 256 : i32
    %mul3A_0 = arith.muli %mul3A, %arg0 : i32
    %add3A = arith.constant 199 : i32
    %add3A_1 = arith.addi %mul3A_0, %add3A : i32
    %get3A = arith.index_cast %add3A_1 : i32 to index
    %get3A_2 = memref.load %arg1[%get3A] : memref<16384xi32, #tpu.memory_space<smem>>
    %max3A = arith.constant -4096 : i32
    %max3A_3 = arith.maxsi %get3A_2, %max3A : i32
    %min3A = arith.constant 4095 : i32
    %min3A_4 = arith.minsi %max3A_3, %min3A : i32
    %add3A_5 = arith.constant 4096 : i32
    %add3A_6 = arith.addi %min3A_4, %add3A_5 : i32
    %c0_i32 = arith.constant 0 : i32
    %c0_i32_7 = arith.constant 0 : i32
    %c0_i32_8 = arith.constant 0 : i32
    return %add3A_6, %c0_i32, %c0_i32_7 : i32, i32, i32
  }
  func.func @transform_200(%arg0: i32, %arg1: memref<16384xi32, #tpu.memory_space<smem>>) -> (i32, i32, i32) {
    %mul3A = arith.constant 256 : i32
    %mul3A_0 = arith.muli %mul3A, %arg0 : i32
    %add3A = arith.constant 200 : i32
    %add3A_1 = arith.addi %mul3A_0, %add3A : i32
    %get3A = arith.index_cast %add3A_1 : i32 to index
    %get3A_2 = memref.load %arg1[%get3A] : memref<16384xi32, #tpu.memory_space<smem>>
    %max3A = arith.constant -4096 : i32
    %max3A_3 = arith.maxsi %get3A_2, %max3A : i32
    %min3A = arith.constant 4095 : i32
    %min3A_4 = arith.minsi %max3A_3, %min3A : i32
    %add3A_5 = arith.constant 4096 : i32
    %add3A_6 = arith.addi %min3A_4, %add3A_5 : i32
    %c0_i32 = arith.constant 0 : i32
    %c0_i32_7 = arith.constant 0 : i32
    %c0_i32_8 = arith.constant 0 : i32
    return %add3A_6, %c0_i32, %c0_i32_7 : i32, i32, i32
  }
  func.func @transform_201(%arg0: i32, %arg1: memref<16384xi32, #tpu.memory_space<smem>>) -> (i32, i32, i32) {
    %mul3A = arith.constant 256 : i32
    %mul3A_0 = arith.muli %mul3A, %arg0 : i32
    %add3A = arith.constant 201 : i32
    %add3A_1 = arith.addi %mul3A_0, %add3A : i32
    %get3A = arith.index_cast %add3A_1 : i32 to index
    %get3A_2 = memref.load %arg1[%get3A] : memref<16384xi32, #tpu.memory_space<smem>>
    %max3A = arith.constant -4096 : i32
    %max3A_3 = arith.maxsi %get3A_2, %max3A : i32
    %min3A = arith.constant 4095 : i32
    %min3A_4 = arith.minsi %max3A_3, %min3A : i32
    %add3A_5 = arith.constant 4096 : i32
    %add3A_6 = arith.addi %min3A_4, %add3A_5 : i32
    %c0_i32 = arith.constant 0 : i32
    %c0_i32_7 = arith.constant 0 : i32
    %c0_i32_8 = arith.constant 0 : i32
    return %add3A_6, %c0_i32, %c0_i32_7 : i32, i32, i32
  }
  func.func @transform_202(%arg0: i32, %arg1: memref<16384xi32, #tpu.memory_space<smem>>) -> (i32, i32, i32) {
    %mul3A = arith.constant 256 : i32
    %mul3A_0 = arith.muli %mul3A, %arg0 : i32
    %add3A = arith.constant 202 : i32
    %add3A_1 = arith.addi %mul3A_0, %add3A : i32
    %get3A = arith.index_cast %add3A_1 : i32 to index
    %get3A_2 = memref.load %arg1[%get3A] : memref<16384xi32, #tpu.memory_space<smem>>
    %max3A = arith.constant -4096 : i32
    %max3A_3 = arith.maxsi %get3A_2, %max3A : i32
    %min3A = arith.constant 4095 : i32
    %min3A_4 = arith.minsi %max3A_3, %min3A : i32
    %add3A_5 = arith.constant 4096 : i32
    %add3A_6 = arith.addi %min3A_4, %add3A_5 : i32
    %c0_i32 = arith.constant 0 : i32
    %c0_i32_7 = arith.constant 0 : i32
    %c0_i32_8 = arith.constant 0 : i32
    return %add3A_6, %c0_i32, %c0_i32_7 : i32, i32, i32
  }
  func.func @transform_203(%arg0: i32, %arg1: memref<16384xi32, #tpu.memory_space<smem>>) -> (i32, i32, i32) {
    %mul3A = arith.constant 256 : i32
    %mul3A_0 = arith.muli %mul3A, %arg0 : i32
    %add3A = arith.constant 203 : i32
    %add3A_1 = arith.addi %mul3A_0, %add3A : i32
    %get3A = arith.index_cast %add3A_1 : i32 to index
    %get3A_2 = memref.load %arg1[%get3A] : memref<16384xi32, #tpu.memory_space<smem>>
    %max3A = arith.constant -4096 : i32
    %max3A_3 = arith.maxsi %get3A_2, %max3A : i32
    %min3A = arith.constant 4095 : i32
    %min3A_4 = arith.minsi %max3A_3, %min3A : i32
    %add3A_5 = arith.constant 4096 : i32
    %add3A_6 = arith.addi %min3A_4, %add3A_5 : i32
    %c0_i32 = arith.constant 0 : i32
    %c0_i32_7 = arith.constant 0 : i32
    %c0_i32_8 = arith.constant 0 : i32
    return %add3A_6, %c0_i32, %c0_i32_7 : i32, i32, i32
  }
  func.func @transform_204(%arg0: i32, %arg1: memref<16384xi32, #tpu.memory_space<smem>>) -> (i32, i32, i32) {
    %mul3A = arith.constant 256 : i32
    %mul3A_0 = arith.muli %mul3A, %arg0 : i32
    %add3A = arith.constant 204 : i32
    %add3A_1 = arith.addi %mul3A_0, %add3A : i32
    %get3A = arith.index_cast %add3A_1 : i32 to index
    %get3A_2 = memref.load %arg1[%get3A] : memref<16384xi32, #tpu.memory_space<smem>>
    %max3A = arith.constant -4096 : i32
    %max3A_3 = arith.maxsi %get3A_2, %max3A : i32
    %min3A = arith.constant 4095 : i32
    %min3A_4 = arith.minsi %max3A_3, %min3A : i32
    %add3A_5 = arith.constant 4096 : i32
    %add3A_6 = arith.addi %min3A_4, %add3A_5 : i32
    %c0_i32 = arith.constant 0 : i32
    %c0_i32_7 = arith.constant 0 : i32
    %c0_i32_8 = arith.constant 0 : i32
    return %add3A_6, %c0_i32, %c0_i32_7 : i32, i32, i32
  }
  func.func @transform_205(%arg0: i32, %arg1: memref<16384xi32, #tpu.memory_space<smem>>) -> (i32, i32, i32) {
    %mul3A = arith.constant 256 : i32
    %mul3A_0 = arith.muli %mul3A, %arg0 : i32
    %add3A = arith.constant 205 : i32
    %add3A_1 = arith.addi %mul3A_0, %add3A : i32
    %get3A = arith.index_cast %add3A_1 : i32 to index
    %get3A_2 = memref.load %arg1[%get3A] : memref<16384xi32, #tpu.memory_space<smem>>
    %max3A = arith.constant -4096 : i32
    %max3A_3 = arith.maxsi %get3A_2, %max3A : i32
    %min3A = arith.constant 4095 : i32
    %min3A_4 = arith.minsi %max3A_3, %min3A : i32
    %add3A_5 = arith.constant 4096 : i32
    %add3A_6 = arith.addi %min3A_4, %add3A_5 : i32
    %c0_i32 = arith.constant 0 : i32
    %c0_i32_7 = arith.constant 0 : i32
    %c0_i32_8 = arith.constant 0 : i32
    return %add3A_6, %c0_i32, %c0_i32_7 : i32, i32, i32
  }
  func.func @transform_206(%arg0: i32, %arg1: memref<16384xi32, #tpu.memory_space<smem>>) -> (i32, i32, i32) {
    %mul3A = arith.constant 256 : i32
    %mul3A_0 = arith.muli %mul3A, %arg0 : i32
    %add3A = arith.constant 206 : i32
    %add3A_1 = arith.addi %mul3A_0, %add3A : i32
    %get3A = arith.index_cast %add3A_1 : i32 to index
    %get3A_2 = memref.load %arg1[%get3A] : memref<16384xi32, #tpu.memory_space<smem>>
    %max3A = arith.constant -4096 : i32
    %max3A_3 = arith.maxsi %get3A_2, %max3A : i32
    %min3A = arith.constant 4095 : i32
    %min3A_4 = arith.minsi %max3A_3, %min3A : i32
    %add3A_5 = arith.constant 4096 : i32
    %add3A_6 = arith.addi %min3A_4, %add3A_5 : i32
    %c0_i32 = arith.constant 0 : i32
    %c0_i32_7 = arith.constant 0 : i32
    %c0_i32_8 = arith.constant 0 : i32
    return %add3A_6, %c0_i32, %c0_i32_7 : i32, i32, i32
  }
  func.func @transform_207(%arg0: i32, %arg1: memref<16384xi32, #tpu.memory_space<smem>>) -> (i32, i32, i32) {
    %mul3A = arith.constant 256 : i32
    %mul3A_0 = arith.muli %mul3A, %arg0 : i32
    %add3A = arith.constant 207 : i32
    %add3A_1 = arith.addi %mul3A_0, %add3A : i32
    %get3A = arith.index_cast %add3A_1 : i32 to index
    %get3A_2 = memref.load %arg1[%get3A] : memref<16384xi32, #tpu.memory_space<smem>>
    %max3A = arith.constant -4096 : i32
    %max3A_3 = arith.maxsi %get3A_2, %max3A : i32
    %min3A = arith.constant 4095 : i32
    %min3A_4 = arith.minsi %max3A_3, %min3A : i32
    %add3A_5 = arith.constant 4096 : i32
    %add3A_6 = arith.addi %min3A_4, %add3A_5 : i32
    %c0_i32 = arith.constant 0 : i32
    %c0_i32_7 = arith.constant 0 : i32
    %c0_i32_8 = arith.constant 0 : i32
    return %add3A_6, %c0_i32, %c0_i32_7 : i32, i32, i32
  }
  func.func @transform_208(%arg0: i32, %arg1: memref<16384xi32, #tpu.memory_space<smem>>) -> (i32, i32, i32) {
    %mul3A = arith.constant 256 : i32
    %mul3A_0 = arith.muli %mul3A, %arg0 : i32
    %add3A = arith.constant 208 : i32
    %add3A_1 = arith.addi %mul3A_0, %add3A : i32
    %get3A = arith.index_cast %add3A_1 : i32 to index
    %get3A_2 = memref.load %arg1[%get3A] : memref<16384xi32, #tpu.memory_space<smem>>
    %max3A = arith.constant -4096 : i32
    %max3A_3 = arith.maxsi %get3A_2, %max3A : i32
    %min3A = arith.constant 4095 : i32
    %min3A_4 = arith.minsi %max3A_3, %min3A : i32
    %add3A_5 = arith.constant 4096 : i32
    %add3A_6 = arith.addi %min3A_4, %add3A_5 : i32
    %c0_i32 = arith.constant 0 : i32
    %c0_i32_7 = arith.constant 0 : i32
    %c0_i32_8 = arith.constant 0 : i32
    return %add3A_6, %c0_i32, %c0_i32_7 : i32, i32, i32
  }
  func.func @transform_209(%arg0: i32, %arg1: memref<16384xi32, #tpu.memory_space<smem>>) -> (i32, i32, i32) {
    %mul3A = arith.constant 256 : i32
    %mul3A_0 = arith.muli %mul3A, %arg0 : i32
    %add3A = arith.constant 209 : i32
    %add3A_1 = arith.addi %mul3A_0, %add3A : i32
    %get3A = arith.index_cast %add3A_1 : i32 to index
    %get3A_2 = memref.load %arg1[%get3A] : memref<16384xi32, #tpu.memory_space<smem>>
    %max3A = arith.constant -4096 : i32
    %max3A_3 = arith.maxsi %get3A_2, %max3A : i32
    %min3A = arith.constant 4095 : i32
    %min3A_4 = arith.minsi %max3A_3, %min3A : i32
    %add3A_5 = arith.constant 4096 : i32
    %add3A_6 = arith.addi %min3A_4, %add3A_5 : i32
    %c0_i32 = arith.constant 0 : i32
    %c0_i32_7 = arith.constant 0 : i32
    %c0_i32_8 = arith.constant 0 : i32
    return %add3A_6, %c0_i32, %c0_i32_7 : i32, i32, i32
  }
  func.func @transform_210(%arg0: i32, %arg1: memref<16384xi32, #tpu.memory_space<smem>>) -> (i32, i32, i32) {
    %mul3A = arith.constant 256 : i32
    %mul3A_0 = arith.muli %mul3A, %arg0 : i32
    %add3A = arith.constant 210 : i32
    %add3A_1 = arith.addi %mul3A_0, %add3A : i32
    %get3A = arith.index_cast %add3A_1 : i32 to index
    %get3A_2 = memref.load %arg1[%get3A] : memref<16384xi32, #tpu.memory_space<smem>>
    %max3A = arith.constant -4096 : i32
    %max3A_3 = arith.maxsi %get3A_2, %max3A : i32
    %min3A = arith.constant 4095 : i32
    %min3A_4 = arith.minsi %max3A_3, %min3A : i32
    %add3A_5 = arith.constant 4096 : i32
    %add3A_6 = arith.addi %min3A_4, %add3A_5 : i32
    %c0_i32 = arith.constant 0 : i32
    %c0_i32_7 = arith.constant 0 : i32
    %c0_i32_8 = arith.constant 0 : i32
    return %add3A_6, %c0_i32, %c0_i32_7 : i32, i32, i32
  }
  func.func @transform_211(%arg0: i32, %arg1: memref<16384xi32, #tpu.memory_space<smem>>) -> (i32, i32, i32) {
    %mul3A = arith.constant 256 : i32
    %mul3A_0 = arith.muli %mul3A, %arg0 : i32
    %add3A = arith.constant 211 : i32
    %add3A_1 = arith.addi %mul3A_0, %add3A : i32
    %get3A = arith.index_cast %add3A_1 : i32 to index
    %get3A_2 = memref.load %arg1[%get3A] : memref<16384xi32, #tpu.memory_space<smem>>
    %max3A = arith.constant -4096 : i32
    %max3A_3 = arith.maxsi %get3A_2, %max3A : i32
    %min3A = arith.constant 4095 : i32
    %min3A_4 = arith.minsi %max3A_3, %min3A : i32
    %add3A_5 = arith.constant 4096 : i32
    %add3A_6 = arith.addi %min3A_4, %add3A_5 : i32
    %c0_i32 = arith.constant 0 : i32
    %c0_i32_7 = arith.constant 0 : i32
    %c0_i32_8 = arith.constant 0 : i32
    return %add3A_6, %c0_i32, %c0_i32_7 : i32, i32, i32
  }
  func.func @transform_212(%arg0: i32, %arg1: memref<16384xi32, #tpu.memory_space<smem>>) -> (i32, i32, i32) {
    %mul3A = arith.constant 256 : i32
    %mul3A_0 = arith.muli %mul3A, %arg0 : i32
    %add3A = arith.constant 212 : i32
    %add3A_1 = arith.addi %mul3A_0, %add3A : i32
    %get3A = arith.index_cast %add3A_1 : i32 to index
    %get3A_2 = memref.load %arg1[%get3A] : memref<16384xi32, #tpu.memory_space<smem>>
    %max3A = arith.constant -4096 : i32
    %max3A_3 = arith.maxsi %get3A_2, %max3A : i32
    %min3A = arith.constant 4095 : i32
    %min3A_4 = arith.minsi %max3A_3, %min3A : i32
    %add3A_5 = arith.constant 4096 : i32
    %add3A_6 = arith.addi %min3A_4, %add3A_5 : i32
    %c0_i32 = arith.constant 0 : i32
    %c0_i32_7 = arith.constant 0 : i32
    %c0_i32_8 = arith.constant 0 : i32
    return %add3A_6, %c0_i32, %c0_i32_7 : i32, i32, i32
  }
  func.func @transform_213(%arg0: i32, %arg1: memref<16384xi32, #tpu.memory_space<smem>>) -> (i32, i32, i32) {
    %mul3A = arith.constant 256 : i32
    %mul3A_0 = arith.muli %mul3A, %arg0 : i32
    %add3A = arith.constant 213 : i32
    %add3A_1 = arith.addi %mul3A_0, %add3A : i32
    %get3A = arith.index_cast %add3A_1 : i32 to index
    %get3A_2 = memref.load %arg1[%get3A] : memref<16384xi32, #tpu.memory_space<smem>>
    %max3A = arith.constant -4096 : i32
    %max3A_3 = arith.maxsi %get3A_2, %max3A : i32
    %min3A = arith.constant 4095 : i32
    %min3A_4 = arith.minsi %max3A_3, %min3A : i32
    %add3A_5 = arith.constant 4096 : i32
    %add3A_6 = arith.addi %min3A_4, %add3A_5 : i32
    %c0_i32 = arith.constant 0 : i32
    %c0_i32_7 = arith.constant 0 : i32
    %c0_i32_8 = arith.constant 0 : i32
    return %add3A_6, %c0_i32, %c0_i32_7 : i32, i32, i32
  }
  func.func @transform_214(%arg0: i32, %arg1: memref<16384xi32, #tpu.memory_space<smem>>) -> (i32, i32, i32) {
    %mul3A = arith.constant 256 : i32
    %mul3A_0 = arith.muli %mul3A, %arg0 : i32
    %add3A = arith.constant 214 : i32
    %add3A_1 = arith.addi %mul3A_0, %add3A : i32
    %get3A = arith.index_cast %add3A_1 : i32 to index
    %get3A_2 = memref.load %arg1[%get3A] : memref<16384xi32, #tpu.memory_space<smem>>
    %max3A = arith.constant -4096 : i32
    %max3A_3 = arith.maxsi %get3A_2, %max3A : i32
    %min3A = arith.constant 4095 : i32
    %min3A_4 = arith.minsi %max3A_3, %min3A : i32
    %add3A_5 = arith.constant 4096 : i32
    %add3A_6 = arith.addi %min3A_4, %add3A_5 : i32
    %c0_i32 = arith.constant 0 : i32
    %c0_i32_7 = arith.constant 0 : i32
    %c0_i32_8 = arith.constant 0 : i32
    return %add3A_6, %c0_i32, %c0_i32_7 : i32, i32, i32
  }
  func.func @transform_215(%arg0: i32, %arg1: memref<16384xi32, #tpu.memory_space<smem>>) -> (i32, i32, i32) {
    %mul3A = arith.constant 256 : i32
    %mul3A_0 = arith.muli %mul3A, %arg0 : i32
    %add3A = arith.constant 215 : i32
    %add3A_1 = arith.addi %mul3A_0, %add3A : i32
    %get3A = arith.index_cast %add3A_1 : i32 to index
    %get3A_2 = memref.load %arg1[%get3A] : memref<16384xi32, #tpu.memory_space<smem>>
    %max3A = arith.constant -4096 : i32
    %max3A_3 = arith.maxsi %get3A_2, %max3A : i32
    %min3A = arith.constant 4095 : i32
    %min3A_4 = arith.minsi %max3A_3, %min3A : i32
    %add3A_5 = arith.constant 4096 : i32
    %add3A_6 = arith.addi %min3A_4, %add3A_5 : i32
    %c0_i32 = arith.constant 0 : i32
    %c0_i32_7 = arith.constant 0 : i32
    %c0_i32_8 = arith.constant 0 : i32
    return %add3A_6, %c0_i32, %c0_i32_7 : i32, i32, i32
  }
  func.func @transform_216(%arg0: i32, %arg1: memref<16384xi32, #tpu.memory_space<smem>>) -> (i32, i32, i32) {
    %mul3A = arith.constant 256 : i32
    %mul3A_0 = arith.muli %mul3A, %arg0 : i32
    %add3A = arith.constant 216 : i32
    %add3A_1 = arith.addi %mul3A_0, %add3A : i32
    %get3A = arith.index_cast %add3A_1 : i32 to index
    %get3A_2 = memref.load %arg1[%get3A] : memref<16384xi32, #tpu.memory_space<smem>>
    %max3A = arith.constant -4096 : i32
    %max3A_3 = arith.maxsi %get3A_2, %max3A : i32
    %min3A = arith.constant 4095 : i32
    %min3A_4 = arith.minsi %max3A_3, %min3A : i32
    %add3A_5 = arith.constant 4096 : i32
    %add3A_6 = arith.addi %min3A_4, %add3A_5 : i32
    %c0_i32 = arith.constant 0 : i32
    %c0_i32_7 = arith.constant 0 : i32
    %c0_i32_8 = arith.constant 0 : i32
    return %add3A_6, %c0_i32, %c0_i32_7 : i32, i32, i32
  }
  func.func @transform_217(%arg0: i32, %arg1: memref<16384xi32, #tpu.memory_space<smem>>) -> (i32, i32, i32) {
    %mul3A = arith.constant 256 : i32
    %mul3A_0 = arith.muli %mul3A, %arg0 : i32
    %add3A = arith.constant 217 : i32
    %add3A_1 = arith.addi %mul3A_0, %add3A : i32
    %get3A = arith.index_cast %add3A_1 : i32 to index
    %get3A_2 = memref.load %arg1[%get3A] : memref<16384xi32, #tpu.memory_space<smem>>
    %max3A = arith.constant -4096 : i32
    %max3A_3 = arith.maxsi %get3A_2, %max3A : i32
    %min3A = arith.constant 4095 : i32
    %min3A_4 = arith.minsi %max3A_3, %min3A : i32
    %add3A_5 = arith.constant 4096 : i32
    %add3A_6 = arith.addi %min3A_4, %add3A_5 : i32
    %c0_i32 = arith.constant 0 : i32
    %c0_i32_7 = arith.constant 0 : i32
    %c0_i32_8 = arith.constant 0 : i32
    return %add3A_6, %c0_i32, %c0_i32_7 : i32, i32, i32
  }
  func.func @transform_218(%arg0: i32, %arg1: memref<16384xi32, #tpu.memory_space<smem>>) -> (i32, i32, i32) {
    %mul3A = arith.constant 256 : i32
    %mul3A_0 = arith.muli %mul3A, %arg0 : i32
    %add3A = arith.constant 218 : i32
    %add3A_1 = arith.addi %mul3A_0, %add3A : i32
    %get3A = arith.index_cast %add3A_1 : i32 to index
    %get3A_2 = memref.load %arg1[%get3A] : memref<16384xi32, #tpu.memory_space<smem>>
    %max3A = arith.constant -4096 : i32
    %max3A_3 = arith.maxsi %get3A_2, %max3A : i32
    %min3A = arith.constant 4095 : i32
    %min3A_4 = arith.minsi %max3A_3, %min3A : i32
    %add3A_5 = arith.constant 4096 : i32
    %add3A_6 = arith.addi %min3A_4, %add3A_5 : i32
    %c0_i32 = arith.constant 0 : i32
    %c0_i32_7 = arith.constant 0 : i32
    %c0_i32_8 = arith.constant 0 : i32
    return %add3A_6, %c0_i32, %c0_i32_7 : i32, i32, i32
  }
  func.func @transform_219(%arg0: i32, %arg1: memref<16384xi32, #tpu.memory_space<smem>>) -> (i32, i32, i32) {
    %mul3A = arith.constant 256 : i32
    %mul3A_0 = arith.muli %mul3A, %arg0 : i32
    %add3A = arith.constant 219 : i32
    %add3A_1 = arith.addi %mul3A_0, %add3A : i32
    %get3A = arith.index_cast %add3A_1 : i32 to index
    %get3A_2 = memref.load %arg1[%get3A] : memref<16384xi32, #tpu.memory_space<smem>>
    %max3A = arith.constant -4096 : i32
    %max3A_3 = arith.maxsi %get3A_2, %max3A : i32
    %min3A = arith.constant 4095 : i32
    %min3A_4 = arith.minsi %max3A_3, %min3A : i32
    %add3A_5 = arith.constant 4096 : i32
    %add3A_6 = arith.addi %min3A_4, %add3A_5 : i32
    %c0_i32 = arith.constant 0 : i32
    %c0_i32_7 = arith.constant 0 : i32
    %c0_i32_8 = arith.constant 0 : i32
    return %add3A_6, %c0_i32, %c0_i32_7 : i32, i32, i32
  }
  func.func @transform_220(%arg0: i32, %arg1: memref<16384xi32, #tpu.memory_space<smem>>) -> (i32, i32, i32) {
    %mul3A = arith.constant 256 : i32
    %mul3A_0 = arith.muli %mul3A, %arg0 : i32
    %add3A = arith.constant 220 : i32
    %add3A_1 = arith.addi %mul3A_0, %add3A : i32
    %get3A = arith.index_cast %add3A_1 : i32 to index
    %get3A_2 = memref.load %arg1[%get3A] : memref<16384xi32, #tpu.memory_space<smem>>
    %max3A = arith.constant -4096 : i32
    %max3A_3 = arith.maxsi %get3A_2, %max3A : i32
    %min3A = arith.constant 4095 : i32
    %min3A_4 = arith.minsi %max3A_3, %min3A : i32
    %add3A_5 = arith.constant 4096 : i32
    %add3A_6 = arith.addi %min3A_4, %add3A_5 : i32
    %c0_i32 = arith.constant 0 : i32
    %c0_i32_7 = arith.constant 0 : i32
    %c0_i32_8 = arith.constant 0 : i32
    return %add3A_6, %c0_i32, %c0_i32_7 : i32, i32, i32
  }
  func.func @transform_221(%arg0: i32, %arg1: memref<16384xi32, #tpu.memory_space<smem>>) -> (i32, i32, i32) {
    %mul3A = arith.constant 256 : i32
    %mul3A_0 = arith.muli %mul3A, %arg0 : i32
    %add3A = arith.constant 221 : i32
    %add3A_1 = arith.addi %mul3A_0, %add3A : i32
    %get3A = arith.index_cast %add3A_1 : i32 to index
    %get3A_2 = memref.load %arg1[%get3A] : memref<16384xi32, #tpu.memory_space<smem>>
    %max3A = arith.constant -4096 : i32
    %max3A_3 = arith.maxsi %get3A_2, %max3A : i32
    %min3A = arith.constant 4095 : i32
    %min3A_4 = arith.minsi %max3A_3, %min3A : i32
    %add3A_5 = arith.constant 4096 : i32
    %add3A_6 = arith.addi %min3A_4, %add3A_5 : i32
    %c0_i32 = arith.constant 0 : i32
    %c0_i32_7 = arith.constant 0 : i32
    %c0_i32_8 = arith.constant 0 : i32
    return %add3A_6, %c0_i32, %c0_i32_7 : i32, i32, i32
  }
  func.func @transform_222(%arg0: i32, %arg1: memref<16384xi32, #tpu.memory_space<smem>>) -> (i32, i32, i32) {
    %mul3A = arith.constant 256 : i32
    %mul3A_0 = arith.muli %mul3A, %arg0 : i32
    %add3A = arith.constant 222 : i32
    %add3A_1 = arith.addi %mul3A_0, %add3A : i32
    %get3A = arith.index_cast %add3A_1 : i32 to index
    %get3A_2 = memref.load %arg1[%get3A] : memref<16384xi32, #tpu.memory_space<smem>>
    %max3A = arith.constant -4096 : i32
    %max3A_3 = arith.maxsi %get3A_2, %max3A : i32
    %min3A = arith.constant 4095 : i32
    %min3A_4 = arith.minsi %max3A_3, %min3A : i32
    %add3A_5 = arith.constant 4096 : i32
    %add3A_6 = arith.addi %min3A_4, %add3A_5 : i32
    %c0_i32 = arith.constant 0 : i32
    %c0_i32_7 = arith.constant 0 : i32
    %c0_i32_8 = arith.constant 0 : i32
    return %add3A_6, %c0_i32, %c0_i32_7 : i32, i32, i32
  }
  func.func @transform_223(%arg0: i32, %arg1: memref<16384xi32, #tpu.memory_space<smem>>) -> (i32, i32, i32) {
    %mul3A = arith.constant 256 : i32
    %mul3A_0 = arith.muli %mul3A, %arg0 : i32
    %add3A = arith.constant 223 : i32
    %add3A_1 = arith.addi %mul3A_0, %add3A : i32
    %get3A = arith.index_cast %add3A_1 : i32 to index
    %get3A_2 = memref.load %arg1[%get3A] : memref<16384xi32, #tpu.memory_space<smem>>
    %max3A = arith.constant -4096 : i32
    %max3A_3 = arith.maxsi %get3A_2, %max3A : i32
    %min3A = arith.constant 4095 : i32
    %min3A_4 = arith.minsi %max3A_3, %min3A : i32
    %add3A_5 = arith.constant 4096 : i32
    %add3A_6 = arith.addi %min3A_4, %add3A_5 : i32
    %c0_i32 = arith.constant 0 : i32
    %c0_i32_7 = arith.constant 0 : i32
    %c0_i32_8 = arith.constant 0 : i32
    return %add3A_6, %c0_i32, %c0_i32_7 : i32, i32, i32
  }
  func.func @transform_224(%arg0: i32, %arg1: memref<16384xi32, #tpu.memory_space<smem>>) -> (i32, i32, i32) {
    %mul3A = arith.constant 256 : i32
    %mul3A_0 = arith.muli %mul3A, %arg0 : i32
    %add3A = arith.constant 224 : i32
    %add3A_1 = arith.addi %mul3A_0, %add3A : i32
    %get3A = arith.index_cast %add3A_1 : i32 to index
    %get3A_2 = memref.load %arg1[%get3A] : memref<16384xi32, #tpu.memory_space<smem>>
    %max3A = arith.constant -4096 : i32
    %max3A_3 = arith.maxsi %get3A_2, %max3A : i32
    %min3A = arith.constant 4095 : i32
    %min3A_4 = arith.minsi %max3A_3, %min3A : i32
    %add3A_5 = arith.constant 4096 : i32
    %add3A_6 = arith.addi %min3A_4, %add3A_5 : i32
    %c0_i32 = arith.constant 0 : i32
    %c0_i32_7 = arith.constant 0 : i32
    %c0_i32_8 = arith.constant 0 : i32
    return %add3A_6, %c0_i32, %c0_i32_7 : i32, i32, i32
  }
  func.func @transform_225(%arg0: i32, %arg1: memref<16384xi32, #tpu.memory_space<smem>>) -> (i32, i32, i32) {
    %mul3A = arith.constant 256 : i32
    %mul3A_0 = arith.muli %mul3A, %arg0 : i32
    %add3A = arith.constant 225 : i32
    %add3A_1 = arith.addi %mul3A_0, %add3A : i32
    %get3A = arith.index_cast %add3A_1 : i32 to index
    %get3A_2 = memref.load %arg1[%get3A] : memref<16384xi32, #tpu.memory_space<smem>>
    %max3A = arith.constant -4096 : i32
    %max3A_3 = arith.maxsi %get3A_2, %max3A : i32
    %min3A = arith.constant 4095 : i32
    %min3A_4 = arith.minsi %max3A_3, %min3A : i32
    %add3A_5 = arith.constant 4096 : i32
    %add3A_6 = arith.addi %min3A_4, %add3A_5 : i32
    %c0_i32 = arith.constant 0 : i32
    %c0_i32_7 = arith.constant 0 : i32
    %c0_i32_8 = arith.constant 0 : i32
    return %add3A_6, %c0_i32, %c0_i32_7 : i32, i32, i32
  }
  func.func @transform_226(%arg0: i32, %arg1: memref<16384xi32, #tpu.memory_space<smem>>) -> (i32, i32, i32) {
    %mul3A = arith.constant 256 : i32
    %mul3A_0 = arith.muli %mul3A, %arg0 : i32
    %add3A = arith.constant 226 : i32
    %add3A_1 = arith.addi %mul3A_0, %add3A : i32
    %get3A = arith.index_cast %add3A_1 : i32 to index
    %get3A_2 = memref.load %arg1[%get3A] : memref<16384xi32, #tpu.memory_space<smem>>
    %max3A = arith.constant -4096 : i32
    %max3A_3 = arith.maxsi %get3A_2, %max3A : i32
    %min3A = arith.constant 4095 : i32
    %min3A_4 = arith.minsi %max3A_3, %min3A : i32
    %add3A_5 = arith.constant 4096 : i32
    %add3A_6 = arith.addi %min3A_4, %add3A_5 : i32
    %c0_i32 = arith.constant 0 : i32
    %c0_i32_7 = arith.constant 0 : i32
    %c0_i32_8 = arith.constant 0 : i32
    return %add3A_6, %c0_i32, %c0_i32_7 : i32, i32, i32
  }
  func.func @transform_227(%arg0: i32, %arg1: memref<16384xi32, #tpu.memory_space<smem>>) -> (i32, i32, i32) {
    %mul3A = arith.constant 256 : i32
    %mul3A_0 = arith.muli %mul3A, %arg0 : i32
    %add3A = arith.constant 227 : i32
    %add3A_1 = arith.addi %mul3A_0, %add3A : i32
    %get3A = arith.index_cast %add3A_1 : i32 to index
    %get3A_2 = memref.load %arg1[%get3A] : memref<16384xi32, #tpu.memory_space<smem>>
    %max3A = arith.constant -4096 : i32
    %max3A_3 = arith.maxsi %get3A_2, %max3A : i32
    %min3A = arith.constant 4095 : i32
    %min3A_4 = arith.minsi %max3A_3, %min3A : i32
    %add3A_5 = arith.constant 4096 : i32
    %add3A_6 = arith.addi %min3A_4, %add3A_5 : i32
    %c0_i32 = arith.constant 0 : i32
    %c0_i32_7 = arith.constant 0 : i32
    %c0_i32_8 = arith.constant 0 : i32
    return %add3A_6, %c0_i32, %c0_i32_7 : i32, i32, i32
  }
  func.func @transform_228(%arg0: i32, %arg1: memref<16384xi32, #tpu.memory_space<smem>>) -> (i32, i32, i32) {
    %mul3A = arith.constant 256 : i32
    %mul3A_0 = arith.muli %mul3A, %arg0 : i32
    %add3A = arith.constant 228 : i32
    %add3A_1 = arith.addi %mul3A_0, %add3A : i32
    %get3A = arith.index_cast %add3A_1 : i32 to index
    %get3A_2 = memref.load %arg1[%get3A] : memref<16384xi32, #tpu.memory_space<smem>>
    %max3A = arith.constant -4096 : i32
    %max3A_3 = arith.maxsi %get3A_2, %max3A : i32
    %min3A = arith.constant 4095 : i32
    %min3A_4 = arith.minsi %max3A_3, %min3A : i32
    %add3A_5 = arith.constant 4096 : i32
    %add3A_6 = arith.addi %min3A_4, %add3A_5 : i32
    %c0_i32 = arith.constant 0 : i32
    %c0_i32_7 = arith.constant 0 : i32
    %c0_i32_8 = arith.constant 0 : i32
    return %add3A_6, %c0_i32, %c0_i32_7 : i32, i32, i32
  }
  func.func @transform_229(%arg0: i32, %arg1: memref<16384xi32, #tpu.memory_space<smem>>) -> (i32, i32, i32) {
    %mul3A = arith.constant 256 : i32
    %mul3A_0 = arith.muli %mul3A, %arg0 : i32
    %add3A = arith.constant 229 : i32
    %add3A_1 = arith.addi %mul3A_0, %add3A : i32
    %get3A = arith.index_cast %add3A_1 : i32 to index
    %get3A_2 = memref.load %arg1[%get3A] : memref<16384xi32, #tpu.memory_space<smem>>
    %max3A = arith.constant -4096 : i32
    %max3A_3 = arith.maxsi %get3A_2, %max3A : i32
    %min3A = arith.constant 4095 : i32
    %min3A_4 = arith.minsi %max3A_3, %min3A : i32
    %add3A_5 = arith.constant 4096 : i32
    %add3A_6 = arith.addi %min3A_4, %add3A_5 : i32
    %c0_i32 = arith.constant 0 : i32
    %c0_i32_7 = arith.constant 0 : i32
    %c0_i32_8 = arith.constant 0 : i32
    return %add3A_6, %c0_i32, %c0_i32_7 : i32, i32, i32
  }
  func.func @transform_230(%arg0: i32, %arg1: memref<16384xi32, #tpu.memory_space<smem>>) -> (i32, i32, i32) {
    %mul3A = arith.constant 256 : i32
    %mul3A_0 = arith.muli %mul3A, %arg0 : i32
    %add3A = arith.constant 230 : i32
    %add3A_1 = arith.addi %mul3A_0, %add3A : i32
    %get3A = arith.index_cast %add3A_1 : i32 to index
    %get3A_2 = memref.load %arg1[%get3A] : memref<16384xi32, #tpu.memory_space<smem>>
    %max3A = arith.constant -4096 : i32
    %max3A_3 = arith.maxsi %get3A_2, %max3A : i32
    %min3A = arith.constant 4095 : i32
    %min3A_4 = arith.minsi %max3A_3, %min3A : i32
    %add3A_5 = arith.constant 4096 : i32
    %add3A_6 = arith.addi %min3A_4, %add3A_5 : i32
    %c0_i32 = arith.constant 0 : i32
    %c0_i32_7 = arith.constant 0 : i32
    %c0_i32_8 = arith.constant 0 : i32
    return %add3A_6, %c0_i32, %c0_i32_7 : i32, i32, i32
  }
  func.func @transform_231(%arg0: i32, %arg1: memref<16384xi32, #tpu.memory_space<smem>>) -> (i32, i32, i32) {
    %mul3A = arith.constant 256 : i32
    %mul3A_0 = arith.muli %mul3A, %arg0 : i32
    %add3A = arith.constant 231 : i32
    %add3A_1 = arith.addi %mul3A_0, %add3A : i32
    %get3A = arith.index_cast %add3A_1 : i32 to index
    %get3A_2 = memref.load %arg1[%get3A] : memref<16384xi32, #tpu.memory_space<smem>>
    %max3A = arith.constant -4096 : i32
    %max3A_3 = arith.maxsi %get3A_2, %max3A : i32
    %min3A = arith.constant 4095 : i32
    %min3A_4 = arith.minsi %max3A_3, %min3A : i32
    %add3A_5 = arith.constant 4096 : i32
    %add3A_6 = arith.addi %min3A_4, %add3A_5 : i32
    %c0_i32 = arith.constant 0 : i32
    %c0_i32_7 = arith.constant 0 : i32
    %c0_i32_8 = arith.constant 0 : i32
    return %add3A_6, %c0_i32, %c0_i32_7 : i32, i32, i32
  }
  func.func @transform_232(%arg0: i32, %arg1: memref<16384xi32, #tpu.memory_space<smem>>) -> (i32, i32, i32) {
    %mul3A = arith.constant 256 : i32
    %mul3A_0 = arith.muli %mul3A, %arg0 : i32
    %add3A = arith.constant 232 : i32
    %add3A_1 = arith.addi %mul3A_0, %add3A : i32
    %get3A = arith.index_cast %add3A_1 : i32 to index
    %get3A_2 = memref.load %arg1[%get3A] : memref<16384xi32, #tpu.memory_space<smem>>
    %max3A = arith.constant -4096 : i32
    %max3A_3 = arith.maxsi %get3A_2, %max3A : i32
    %min3A = arith.constant 4095 : i32
    %min3A_4 = arith.minsi %max3A_3, %min3A : i32
    %add3A_5 = arith.constant 4096 : i32
    %add3A_6 = arith.addi %min3A_4, %add3A_5 : i32
    %c0_i32 = arith.constant 0 : i32
    %c0_i32_7 = arith.constant 0 : i32
    %c0_i32_8 = arith.constant 0 : i32
    return %add3A_6, %c0_i32, %c0_i32_7 : i32, i32, i32
  }
  func.func @transform_233(%arg0: i32, %arg1: memref<16384xi32, #tpu.memory_space<smem>>) -> (i32, i32, i32) {
    %mul3A = arith.constant 256 : i32
    %mul3A_0 = arith.muli %mul3A, %arg0 : i32
    %add3A = arith.constant 233 : i32
    %add3A_1 = arith.addi %mul3A_0, %add3A : i32
    %get3A = arith.index_cast %add3A_1 : i32 to index
    %get3A_2 = memref.load %arg1[%get3A] : memref<16384xi32, #tpu.memory_space<smem>>
    %max3A = arith.constant -4096 : i32
    %max3A_3 = arith.maxsi %get3A_2, %max3A : i32
    %min3A = arith.constant 4095 : i32
    %min3A_4 = arith.minsi %max3A_3, %min3A : i32
    %add3A_5 = arith.constant 4096 : i32
    %add3A_6 = arith.addi %min3A_4, %add3A_5 : i32
    %c0_i32 = arith.constant 0 : i32
    %c0_i32_7 = arith.constant 0 : i32
    %c0_i32_8 = arith.constant 0 : i32
    return %add3A_6, %c0_i32, %c0_i32_7 : i32, i32, i32
  }
  func.func @transform_234(%arg0: i32, %arg1: memref<16384xi32, #tpu.memory_space<smem>>) -> (i32, i32, i32) {
    %mul3A = arith.constant 256 : i32
    %mul3A_0 = arith.muli %mul3A, %arg0 : i32
    %add3A = arith.constant 234 : i32
    %add3A_1 = arith.addi %mul3A_0, %add3A : i32
    %get3A = arith.index_cast %add3A_1 : i32 to index
    %get3A_2 = memref.load %arg1[%get3A] : memref<16384xi32, #tpu.memory_space<smem>>
    %max3A = arith.constant -4096 : i32
    %max3A_3 = arith.maxsi %get3A_2, %max3A : i32
    %min3A = arith.constant 4095 : i32
    %min3A_4 = arith.minsi %max3A_3, %min3A : i32
    %add3A_5 = arith.constant 4096 : i32
    %add3A_6 = arith.addi %min3A_4, %add3A_5 : i32
    %c0_i32 = arith.constant 0 : i32
    %c0_i32_7 = arith.constant 0 : i32
    %c0_i32_8 = arith.constant 0 : i32
    return %add3A_6, %c0_i32, %c0_i32_7 : i32, i32, i32
  }
  func.func @transform_235(%arg0: i32, %arg1: memref<16384xi32, #tpu.memory_space<smem>>) -> (i32, i32, i32) {
    %mul3A = arith.constant 256 : i32
    %mul3A_0 = arith.muli %mul3A, %arg0 : i32
    %add3A = arith.constant 235 : i32
    %add3A_1 = arith.addi %mul3A_0, %add3A : i32
    %get3A = arith.index_cast %add3A_1 : i32 to index
    %get3A_2 = memref.load %arg1[%get3A] : memref<16384xi32, #tpu.memory_space<smem>>
    %max3A = arith.constant -4096 : i32
    %max3A_3 = arith.maxsi %get3A_2, %max3A : i32
    %min3A = arith.constant 4095 : i32
    %min3A_4 = arith.minsi %max3A_3, %min3A : i32
    %add3A_5 = arith.constant 4096 : i32
    %add3A_6 = arith.addi %min3A_4, %add3A_5 : i32
    %c0_i32 = arith.constant 0 : i32
    %c0_i32_7 = arith.constant 0 : i32
    %c0_i32_8 = arith.constant 0 : i32
    return %add3A_6, %c0_i32, %c0_i32_7 : i32, i32, i32
  }
  func.func @transform_236(%arg0: i32, %arg1: memref<16384xi32, #tpu.memory_space<smem>>) -> (i32, i32, i32) {
    %mul3A = arith.constant 256 : i32
    %mul3A_0 = arith.muli %mul3A, %arg0 : i32
    %add3A = arith.constant 236 : i32
    %add3A_1 = arith.addi %mul3A_0, %add3A : i32
    %get3A = arith.index_cast %add3A_1 : i32 to index
    %get3A_2 = memref.load %arg1[%get3A] : memref<16384xi32, #tpu.memory_space<smem>>
    %max3A = arith.constant -4096 : i32
    %max3A_3 = arith.maxsi %get3A_2, %max3A : i32
    %min3A = arith.constant 4095 : i32
    %min3A_4 = arith.minsi %max3A_3, %min3A : i32
    %add3A_5 = arith.constant 4096 : i32
    %add3A_6 = arith.addi %min3A_4, %add3A_5 : i32
    %c0_i32 = arith.constant 0 : i32
    %c0_i32_7 = arith.constant 0 : i32
    %c0_i32_8 = arith.constant 0 : i32
    return %add3A_6, %c0_i32, %c0_i32_7 : i32, i32, i32
  }
  func.func @transform_237(%arg0: i32, %arg1: memref<16384xi32, #tpu.memory_space<smem>>) -> (i32, i32, i32) {
    %mul3A = arith.constant 256 : i32
    %mul3A_0 = arith.muli %mul3A, %arg0 : i32
    %add3A = arith.constant 237 : i32
    %add3A_1 = arith.addi %mul3A_0, %add3A : i32
    %get3A = arith.index_cast %add3A_1 : i32 to index
    %get3A_2 = memref.load %arg1[%get3A] : memref<16384xi32, #tpu.memory_space<smem>>
    %max3A = arith.constant -4096 : i32
    %max3A_3 = arith.maxsi %get3A_2, %max3A : i32
    %min3A = arith.constant 4095 : i32
    %min3A_4 = arith.minsi %max3A_3, %min3A : i32
    %add3A_5 = arith.constant 4096 : i32
    %add3A_6 = arith.addi %min3A_4, %add3A_5 : i32
    %c0_i32 = arith.constant 0 : i32
    %c0_i32_7 = arith.constant 0 : i32
    %c0_i32_8 = arith.constant 0 : i32
    return %add3A_6, %c0_i32, %c0_i32_7 : i32, i32, i32
  }
  func.func @transform_238(%arg0: i32, %arg1: memref<16384xi32, #tpu.memory_space<smem>>) -> (i32, i32, i32) {
    %mul3A = arith.constant 256 : i32
    %mul3A_0 = arith.muli %mul3A, %arg0 : i32
    %add3A = arith.constant 238 : i32
    %add3A_1 = arith.addi %mul3A_0, %add3A : i32
    %get3A = arith.index_cast %add3A_1 : i32 to index
    %get3A_2 = memref.load %arg1[%get3A] : memref<16384xi32, #tpu.memory_space<smem>>
    %max3A = arith.constant -4096 : i32
    %max3A_3 = arith.maxsi %get3A_2, %max3A : i32
    %min3A = arith.constant 4095 : i32
    %min3A_4 = arith.minsi %max3A_3, %min3A : i32
    %add3A_5 = arith.constant 4096 : i32
    %add3A_6 = arith.addi %min3A_4, %add3A_5 : i32
    %c0_i32 = arith.constant 0 : i32
    %c0_i32_7 = arith.constant 0 : i32
    %c0_i32_8 = arith.constant 0 : i32
    return %add3A_6, %c0_i32, %c0_i32_7 : i32, i32, i32
  }
  func.func @transform_239(%arg0: i32, %arg1: memref<16384xi32, #tpu.memory_space<smem>>) -> (i32, i32, i32) {
    %mul3A = arith.constant 256 : i32
    %mul3A_0 = arith.muli %mul3A, %arg0 : i32
    %add3A = arith.constant 239 : i32
    %add3A_1 = arith.addi %mul3A_0, %add3A : i32
    %get3A = arith.index_cast %add3A_1 : i32 to index
    %get3A_2 = memref.load %arg1[%get3A] : memref<16384xi32, #tpu.memory_space<smem>>
    %max3A = arith.constant -4096 : i32
    %max3A_3 = arith.maxsi %get3A_2, %max3A : i32
    %min3A = arith.constant 4095 : i32
    %min3A_4 = arith.minsi %max3A_3, %min3A : i32
    %add3A_5 = arith.constant 4096 : i32
    %add3A_6 = arith.addi %min3A_4, %add3A_5 : i32
    %c0_i32 = arith.constant 0 : i32
    %c0_i32_7 = arith.constant 0 : i32
    %c0_i32_8 = arith.constant 0 : i32
    return %add3A_6, %c0_i32, %c0_i32_7 : i32, i32, i32
  }
  func.func @transform_240(%arg0: i32, %arg1: memref<16384xi32, #tpu.memory_space<smem>>) -> (i32, i32, i32) {
    %mul3A = arith.constant 256 : i32
    %mul3A_0 = arith.muli %mul3A, %arg0 : i32
    %add3A = arith.constant 240 : i32
    %add3A_1 = arith.addi %mul3A_0, %add3A : i32
    %get3A = arith.index_cast %add3A_1 : i32 to index
    %get3A_2 = memref.load %arg1[%get3A] : memref<16384xi32, #tpu.memory_space<smem>>
    %max3A = arith.constant -4096 : i32
    %max3A_3 = arith.maxsi %get3A_2, %max3A : i32
    %min3A = arith.constant 4095 : i32
    %min3A_4 = arith.minsi %max3A_3, %min3A : i32
    %add3A_5 = arith.constant 4096 : i32
    %add3A_6 = arith.addi %min3A_4, %add3A_5 : i32
    %c0_i32 = arith.constant 0 : i32
    %c0_i32_7 = arith.constant 0 : i32
    %c0_i32_8 = arith.constant 0 : i32
    return %add3A_6, %c0_i32, %c0_i32_7 : i32, i32, i32
  }
  func.func @transform_241(%arg0: i32, %arg1: memref<16384xi32, #tpu.memory_space<smem>>) -> (i32, i32, i32) {
    %mul3A = arith.constant 256 : i32
    %mul3A_0 = arith.muli %mul3A, %arg0 : i32
    %add3A = arith.constant 241 : i32
    %add3A_1 = arith.addi %mul3A_0, %add3A : i32
    %get3A = arith.index_cast %add3A_1 : i32 to index
    %get3A_2 = memref.load %arg1[%get3A] : memref<16384xi32, #tpu.memory_space<smem>>
    %max3A = arith.constant -4096 : i32
    %max3A_3 = arith.maxsi %get3A_2, %max3A : i32
    %min3A = arith.constant 4095 : i32
    %min3A_4 = arith.minsi %max3A_3, %min3A : i32
    %add3A_5 = arith.constant 4096 : i32
    %add3A_6 = arith.addi %min3A_4, %add3A_5 : i32
    %c0_i32 = arith.constant 0 : i32
    %c0_i32_7 = arith.constant 0 : i32
    %c0_i32_8 = arith.constant 0 : i32
    return %add3A_6, %c0_i32, %c0_i32_7 : i32, i32, i32
  }
  func.func @transform_242(%arg0: i32, %arg1: memref<16384xi32, #tpu.memory_space<smem>>) -> (i32, i32, i32) {
    %mul3A = arith.constant 256 : i32
    %mul3A_0 = arith.muli %mul3A, %arg0 : i32
    %add3A = arith.constant 242 : i32
    %add3A_1 = arith.addi %mul3A_0, %add3A : i32
    %get3A = arith.index_cast %add3A_1 : i32 to index
    %get3A_2 = memref.load %arg1[%get3A] : memref<16384xi32, #tpu.memory_space<smem>>
    %max3A = arith.constant -4096 : i32
    %max3A_3 = arith.maxsi %get3A_2, %max3A : i32
    %min3A = arith.constant 4095 : i32
    %min3A_4 = arith.minsi %max3A_3, %min3A : i32
    %add3A_5 = arith.constant 4096 : i32
    %add3A_6 = arith.addi %min3A_4, %add3A_5 : i32
    %c0_i32 = arith.constant 0 : i32
    %c0_i32_7 = arith.constant 0 : i32
    %c0_i32_8 = arith.constant 0 : i32
    return %add3A_6, %c0_i32, %c0_i32_7 : i32, i32, i32
  }
  func.func @transform_243(%arg0: i32, %arg1: memref<16384xi32, #tpu.memory_space<smem>>) -> (i32, i32, i32) {
    %mul3A = arith.constant 256 : i32
    %mul3A_0 = arith.muli %mul3A, %arg0 : i32
    %add3A = arith.constant 243 : i32
    %add3A_1 = arith.addi %mul3A_0, %add3A : i32
    %get3A = arith.index_cast %add3A_1 : i32 to index
    %get3A_2 = memref.load %arg1[%get3A] : memref<16384xi32, #tpu.memory_space<smem>>
    %max3A = arith.constant -4096 : i32
    %max3A_3 = arith.maxsi %get3A_2, %max3A : i32
    %min3A = arith.constant 4095 : i32
    %min3A_4 = arith.minsi %max3A_3, %min3A : i32
    %add3A_5 = arith.constant 4096 : i32
    %add3A_6 = arith.addi %min3A_4, %add3A_5 : i32
    %c0_i32 = arith.constant 0 : i32
    %c0_i32_7 = arith.constant 0 : i32
    %c0_i32_8 = arith.constant 0 : i32
    return %add3A_6, %c0_i32, %c0_i32_7 : i32, i32, i32
  }
  func.func @transform_244(%arg0: i32, %arg1: memref<16384xi32, #tpu.memory_space<smem>>) -> (i32, i32, i32) {
    %mul3A = arith.constant 256 : i32
    %mul3A_0 = arith.muli %mul3A, %arg0 : i32
    %add3A = arith.constant 244 : i32
    %add3A_1 = arith.addi %mul3A_0, %add3A : i32
    %get3A = arith.index_cast %add3A_1 : i32 to index
    %get3A_2 = memref.load %arg1[%get3A] : memref<16384xi32, #tpu.memory_space<smem>>
    %max3A = arith.constant -4096 : i32
    %max3A_3 = arith.maxsi %get3A_2, %max3A : i32
    %min3A = arith.constant 4095 : i32
    %min3A_4 = arith.minsi %max3A_3, %min3A : i32
    %add3A_5 = arith.constant 4096 : i32
    %add3A_6 = arith.addi %min3A_4, %add3A_5 : i32
    %c0_i32 = arith.constant 0 : i32
    %c0_i32_7 = arith.constant 0 : i32
    %c0_i32_8 = arith.constant 0 : i32
    return %add3A_6, %c0_i32, %c0_i32_7 : i32, i32, i32
  }
  func.func @transform_245(%arg0: i32, %arg1: memref<16384xi32, #tpu.memory_space<smem>>) -> (i32, i32, i32) {
    %mul3A = arith.constant 256 : i32
    %mul3A_0 = arith.muli %mul3A, %arg0 : i32
    %add3A = arith.constant 245 : i32
    %add3A_1 = arith.addi %mul3A_0, %add3A : i32
    %get3A = arith.index_cast %add3A_1 : i32 to index
    %get3A_2 = memref.load %arg1[%get3A] : memref<16384xi32, #tpu.memory_space<smem>>
    %max3A = arith.constant -4096 : i32
    %max3A_3 = arith.maxsi %get3A_2, %max3A : i32
    %min3A = arith.constant 4095 : i32
    %min3A_4 = arith.minsi %max3A_3, %min3A : i32
    %add3A_5 = arith.constant 4096 : i32
    %add3A_6 = arith.addi %min3A_4, %add3A_5 : i32
    %c0_i32 = arith.constant 0 : i32
    %c0_i32_7 = arith.constant 0 : i32
    %c0_i32_8 = arith.constant 0 : i32
    return %add3A_6, %c0_i32, %c0_i32_7 : i32, i32, i32
  }
  func.func @transform_246(%arg0: i32, %arg1: memref<16384xi32, #tpu.memory_space<smem>>) -> (i32, i32, i32) {
    %mul3A = arith.constant 256 : i32
    %mul3A_0 = arith.muli %mul3A, %arg0 : i32
    %add3A = arith.constant 246 : i32
    %add3A_1 = arith.addi %mul3A_0, %add3A : i32
    %get3A = arith.index_cast %add3A_1 : i32 to index
    %get3A_2 = memref.load %arg1[%get3A] : memref<16384xi32, #tpu.memory_space<smem>>
    %max3A = arith.constant -4096 : i32
    %max3A_3 = arith.maxsi %get3A_2, %max3A : i32
    %min3A = arith.constant 4095 : i32
    %min3A_4 = arith.minsi %max3A_3, %min3A : i32
    %add3A_5 = arith.constant 4096 : i32
    %add3A_6 = arith.addi %min3A_4, %add3A_5 : i32
    %c0_i32 = arith.constant 0 : i32
    %c0_i32_7 = arith.constant 0 : i32
    %c0_i32_8 = arith.constant 0 : i32
    return %add3A_6, %c0_i32, %c0_i32_7 : i32, i32, i32
  }
  func.func @transform_247(%arg0: i32, %arg1: memref<16384xi32, #tpu.memory_space<smem>>) -> (i32, i32, i32) {
    %mul3A = arith.constant 256 : i32
    %mul3A_0 = arith.muli %mul3A, %arg0 : i32
    %add3A = arith.constant 247 : i32
    %add3A_1 = arith.addi %mul3A_0, %add3A : i32
    %get3A = arith.index_cast %add3A_1 : i32 to index
    %get3A_2 = memref.load %arg1[%get3A] : memref<16384xi32, #tpu.memory_space<smem>>
    %max3A = arith.constant -4096 : i32
    %max3A_3 = arith.maxsi %get3A_2, %max3A : i32
    %min3A = arith.constant 4095 : i32
    %min3A_4 = arith.minsi %max3A_3, %min3A : i32
    %add3A_5 = arith.constant 4096 : i32
    %add3A_6 = arith.addi %min3A_4, %add3A_5 : i32
    %c0_i32 = arith.constant 0 : i32
    %c0_i32_7 = arith.constant 0 : i32
    %c0_i32_8 = arith.constant 0 : i32
    return %add3A_6, %c0_i32, %c0_i32_7 : i32, i32, i32
  }
  func.func @transform_248(%arg0: i32, %arg1: memref<16384xi32, #tpu.memory_space<smem>>) -> (i32, i32, i32) {
    %mul3A = arith.constant 256 : i32
    %mul3A_0 = arith.muli %mul3A, %arg0 : i32
    %add3A = arith.constant 248 : i32
    %add3A_1 = arith.addi %mul3A_0, %add3A : i32
    %get3A = arith.index_cast %add3A_1 : i32 to index
    %get3A_2 = memref.load %arg1[%get3A] : memref<16384xi32, #tpu.memory_space<smem>>
    %max3A = arith.constant -4096 : i32
    %max3A_3 = arith.maxsi %get3A_2, %max3A : i32
    %min3A = arith.constant 4095 : i32
    %min3A_4 = arith.minsi %max3A_3, %min3A : i32
    %add3A_5 = arith.constant 4096 : i32
    %add3A_6 = arith.addi %min3A_4, %add3A_5 : i32
    %c0_i32 = arith.constant 0 : i32
    %c0_i32_7 = arith.constant 0 : i32
    %c0_i32_8 = arith.constant 0 : i32
    return %add3A_6, %c0_i32, %c0_i32_7 : i32, i32, i32
  }
  func.func @transform_249(%arg0: i32, %arg1: memref<16384xi32, #tpu.memory_space<smem>>) -> (i32, i32, i32) {
    %mul3A = arith.constant 256 : i32
    %mul3A_0 = arith.muli %mul3A, %arg0 : i32
    %add3A = arith.constant 249 : i32
    %add3A_1 = arith.addi %mul3A_0, %add3A : i32
    %get3A = arith.index_cast %add3A_1 : i32 to index
    %get3A_2 = memref.load %arg1[%get3A] : memref<16384xi32, #tpu.memory_space<smem>>
    %max3A = arith.constant -4096 : i32
    %max3A_3 = arith.maxsi %get3A_2, %max3A : i32
    %min3A = arith.constant 4095 : i32
    %min3A_4 = arith.minsi %max3A_3, %min3A : i32
    %add3A_5 = arith.constant 4096 : i32
    %add3A_6 = arith.addi %min3A_4, %add3A_5 : i32
    %c0_i32 = arith.constant 0 : i32
    %c0_i32_7 = arith.constant 0 : i32
    %c0_i32_8 = arith.constant 0 : i32
    return %add3A_6, %c0_i32, %c0_i32_7 : i32, i32, i32
  }
  func.func @transform_250(%arg0: i32, %arg1: memref<16384xi32, #tpu.memory_space<smem>>) -> (i32, i32, i32) {
    %mul3A = arith.constant 256 : i32
    %mul3A_0 = arith.muli %mul3A, %arg0 : i32
    %add3A = arith.constant 250 : i32
    %add3A_1 = arith.addi %mul3A_0, %add3A : i32
    %get3A = arith.index_cast %add3A_1 : i32 to index
    %get3A_2 = memref.load %arg1[%get3A] : memref<16384xi32, #tpu.memory_space<smem>>
    %max3A = arith.constant -4096 : i32
    %max3A_3 = arith.maxsi %get3A_2, %max3A : i32
    %min3A = arith.constant 4095 : i32
    %min3A_4 = arith.minsi %max3A_3, %min3A : i32
    %add3A_5 = arith.constant 4096 : i32
    %add3A_6 = arith.addi %min3A_4, %add3A_5 : i32
    %c0_i32 = arith.constant 0 : i32
    %c0_i32_7 = arith.constant 0 : i32
    %c0_i32_8 = arith.constant 0 : i32
    return %add3A_6, %c0_i32, %c0_i32_7 : i32, i32, i32
  }
  func.func @transform_251(%arg0: i32, %arg1: memref<16384xi32, #tpu.memory_space<smem>>) -> (i32, i32, i32) {
    %mul3A = arith.constant 256 : i32
    %mul3A_0 = arith.muli %mul3A, %arg0 : i32
    %add3A = arith.constant 251 : i32
    %add3A_1 = arith.addi %mul3A_0, %add3A : i32
    %get3A = arith.index_cast %add3A_1 : i32 to index
    %get3A_2 = memref.load %arg1[%get3A] : memref<16384xi32, #tpu.memory_space<smem>>
    %max3A = arith.constant -4096 : i32
    %max3A_3 = arith.maxsi %get3A_2, %max3A : i32
    %min3A = arith.constant 4095 : i32
    %min3A_4 = arith.minsi %max3A_3, %min3A : i32
    %add3A_5 = arith.constant 4096 : i32
    %add3A_6 = arith.addi %min3A_4, %add3A_5 : i32
    %c0_i32 = arith.constant 0 : i32
    %c0_i32_7 = arith.constant 0 : i32
    %c0_i32_8 = arith.constant 0 : i32
    return %add3A_6, %c0_i32, %c0_i32_7 : i32, i32, i32
  }
  func.func @transform_252(%arg0: i32, %arg1: memref<16384xi32, #tpu.memory_space<smem>>) -> (i32, i32, i32) {
    %mul3A = arith.constant 256 : i32
    %mul3A_0 = arith.muli %mul3A, %arg0 : i32
    %add3A = arith.constant 252 : i32
    %add3A_1 = arith.addi %mul3A_0, %add3A : i32
    %get3A = arith.index_cast %add3A_1 : i32 to index
    %get3A_2 = memref.load %arg1[%get3A] : memref<16384xi32, #tpu.memory_space<smem>>
    %max3A = arith.constant -4096 : i32
    %max3A_3 = arith.maxsi %get3A_2, %max3A : i32
    %min3A = arith.constant 4095 : i32
    %min3A_4 = arith.minsi %max3A_3, %min3A : i32
    %add3A_5 = arith.constant 4096 : i32
    %add3A_6 = arith.addi %min3A_4, %add3A_5 : i32
    %c0_i32 = arith.constant 0 : i32
    %c0_i32_7 = arith.constant 0 : i32
    %c0_i32_8 = arith.constant 0 : i32
    return %add3A_6, %c0_i32, %c0_i32_7 : i32, i32, i32
  }
  func.func @transform_253(%arg0: i32, %arg1: memref<16384xi32, #tpu.memory_space<smem>>) -> (i32, i32, i32) {
    %mul3A = arith.constant 256 : i32
    %mul3A_0 = arith.muli %mul3A, %arg0 : i32
    %add3A = arith.constant 253 : i32
    %add3A_1 = arith.addi %mul3A_0, %add3A : i32
    %get3A = arith.index_cast %add3A_1 : i32 to index
    %get3A_2 = memref.load %arg1[%get3A] : memref<16384xi32, #tpu.memory_space<smem>>
    %max3A = arith.constant -4096 : i32
    %max3A_3 = arith.maxsi %get3A_2, %max3A : i32
    %min3A = arith.constant 4095 : i32
    %min3A_4 = arith.minsi %max3A_3, %min3A : i32
    %add3A_5 = arith.constant 4096 : i32
    %add3A_6 = arith.addi %min3A_4, %add3A_5 : i32
    %c0_i32 = arith.constant 0 : i32
    %c0_i32_7 = arith.constant 0 : i32
    %c0_i32_8 = arith.constant 0 : i32
    return %add3A_6, %c0_i32, %c0_i32_7 : i32, i32, i32
  }
  func.func @transform_254(%arg0: i32, %arg1: memref<16384xi32, #tpu.memory_space<smem>>) -> (i32, i32, i32) {
    %mul3A = arith.constant 256 : i32
    %mul3A_0 = arith.muli %mul3A, %arg0 : i32
    %add3A = arith.constant 254 : i32
    %add3A_1 = arith.addi %mul3A_0, %add3A : i32
    %get3A = arith.index_cast %add3A_1 : i32 to index
    %get3A_2 = memref.load %arg1[%get3A] : memref<16384xi32, #tpu.memory_space<smem>>
    %max3A = arith.constant -4096 : i32
    %max3A_3 = arith.maxsi %get3A_2, %max3A : i32
    %min3A = arith.constant 4095 : i32
    %min3A_4 = arith.minsi %max3A_3, %min3A : i32
    %add3A_5 = arith.constant 4096 : i32
    %add3A_6 = arith.addi %min3A_4, %add3A_5 : i32
    %c0_i32 = arith.constant 0 : i32
    %c0_i32_7 = arith.constant 0 : i32
    %c0_i32_8 = arith.constant 0 : i32
    return %add3A_6, %c0_i32, %c0_i32_7 : i32, i32, i32
  }
  func.func @transform_255(%arg0: i32, %arg1: memref<16384xi32, #tpu.memory_space<smem>>) -> (i32, i32, i32) {
    %mul3A = arith.constant 256 : i32
    %mul3A_0 = arith.muli %mul3A, %arg0 : i32
    %add3A = arith.constant 255 : i32
    %add3A_1 = arith.addi %mul3A_0, %add3A : i32
    %get3A = arith.index_cast %add3A_1 : i32 to index
    %get3A_2 = memref.load %arg1[%get3A] : memref<16384xi32, #tpu.memory_space<smem>>
    %max3A = arith.constant -4096 : i32
    %max3A_3 = arith.maxsi %get3A_2, %max3A : i32
    %min3A = arith.constant 4095 : i32
    %min3A_4 = arith.minsi %max3A_3, %min3A : i32
    %add3A_5 = arith.constant 4096 : i32
    %add3A_6 = arith.addi %min3A_4, %add3A_5 : i32
    %c0_i32 = arith.constant 0 : i32
    %c0_i32_7 = arith.constant 0 : i32
    %c0_i32_8 = arith.constant 0 : i32
    return %add3A_6, %c0_i32, %c0_i32_7 : i32, i32, i32
  }
  func.func @transform_256(%arg0: i32, %arg1: memref<16384xi32, #tpu.memory_space<smem>>) -> (i32, i32) {
    %c0_i32 = arith.constant 0 : i32
    %c0_i32_0 = arith.constant 0 : i32
    return %arg0, %c0_i32 : i32, i32
  }
}

</mosaic_0001>

<sc_bundles>
// kernel: _run.4.cloned.1.call-start
scs
__scs_entry_jumppad:
0x0: {  	(pc) =	sbr.rel $0x88, $3  }
0x1: {  	(tag) =	ssettag $0x0;
	lr =	simm.s32 $0x1  }
0x2: {  	[smem:$0x3F9E] =	sst lr;
	_ =	strace $0xD0000000  }
0x3: {  	_ = 	snop  }
0x4: {  	_ = 	snop  }
0x5: {  	_ = 	snop  }
0x6: {  	_ = 	snop  }
0x7: {  	_ = 	snop  }
__scs_overlays_trampoline_lowered:
0x8: {  	[smem:$0x3FAD] =	sst s0  }
0x9: {  	[smem:$0x3FAE] =	sst s1  }
0xa: {  	[smem:$0x3FAF] =	sst s2  }
0xb: {  	[smem:$0x3FB0] =	sst s3  }
0xc: {  	[smem:$0x3FB1] =	sst s4  }
0xd: {  	[smem:$0x3FB2] =	sst s5  }
0xe: {  	[smem:$0x3FB3] =	sst s6  }
0xf: {  	[smem:$0x3FB4] =	sst s7  }
0x10: {  	[smem:$0x3FB5] =	sst s8  }
0x11: {  	[smem:$0x3FB6] =	sst s9;
	s0 =	simm.s32 @!p0 $0x0  }
0x12: {  	s1 =	sld [smem:$0x3F9C];
	s0 =	simm.s32 @p0 $0x1  }
0x13: {  	[smem:$0x3FB7] =	sst s0;
	s0 =	simm.s32 @!p1 $0x0  }
0x14: {  	s2 =	sld [smem:$0x3F9B];
	s0 =	simm.s32 @p1 $0x1  }
0x15: {  	[smem:$0x3FB8] =	sst s0;
	s0 =	simm.s32 @!p2 $0x0  }
0x16: {  	s3 =	sld [smem:$0x3FDB];
	s0 =	simm.s32 @p2 $0x1  }
0x17: {  	s4 =	simm.s32 $0x1BF5;
	[smem:$0x3FBA] =	sst s0  }
0x18: {  	s0 =	sld [smem:$0x3F9D];
	_ =	swait.ge [sflag:s4], $0x0  }
0x19: {  	s7 =	sld [smem:$0x3F9E]  }
0x1a: {  	s8 =	sadd.s32 $0xFFFFE003, lr  }
0x1b: {  	s9 =	sadd.s32 $0xFFFFFEF7, lr;
	s5 =	simm.s32 $0xFFFFFFFF;
	p2 =	slt.u32 s8, $0xFFFFF086  }
0x1c: {  	p1 =	slt.u32 s9, $0xF7A;
	s5 =	simm.s32 @!p2 $0x0  }
0x1d: {  	s5 =	simm.s32 @p1 $0x1;
	p0 =	seq.s32 s7, s2  }
0x1e: {  	s7 =	smul.u32 @!p0 $0xF7A, s2;
	p2 =	seq.s32 @!p0 s5, $0x0  }
0x1f: {  	s9 =	smul.u32 $0xF7A, s1;
	s8 =	simm.s32 @!p0 $0x1BF5;
	p2 =	por !p2, p0  }
0x20: {  	[sflag:s8] =	ssyncset.s32 @!p0 $0xFFFFF086;
	s6 =	sadd.s32 @!p0 s3, s7;
	s7 =	simm.s32 @!p0 $0x108  }
0x21: {  	s3 =	sadd.s32 s3, s9;
	s6 =	sadd.s32 @!p0 $0x88, s6;
	s7 =	simm.s32 @p2 $0x1082  }
0x22: {  	[simem:s7], [sflag:s8] =	dma.local @!p0 [hbm:s6], $0xF7A  }
0x23: {  	s9 =	sor.u32 $0xD0000000, s2;
	s6 =	simm.s32 $0x108;
	_ =	swait.ge @!p0 [sflag:s8], $0x0  }
0x24: {  	s3 =	sadd.s32 $0x88, s3;
	s6 =	simm.s32 @!p1 $0x1082;
	[sflag:s4] =	ssyncset.s32 $0xFFFFF086  }
0x25: {  	[simem:s6], [sflag:s4] =	dma.local [hbm:s3], $0xF7A  }
0x26: {  	[smem:$0x3F9E] =	sst s1;
	(tag) =	ssettag s2;
	_ =	strace s9  }
0x27: {  	s1 =	sld [smem:$0x3FAE]  }
0x28: {  	s2 =	sld [smem:$0x3FAF]  }
0x29: {  	s4 =	sld [smem:$0x3FB1]  }
0x2a: {  	p0 =	seq.s32 s5, $0x0;
	s5 =	sld [smem:$0x3FB2]  }
0x2b: {  	s6 =	sld [smem:$0x3FB3]  }
0x2c: {  	s7 =	sld [smem:$0x3FB4]  }
0x2d: {  	s3 =	simm.s32 $0x108;
	s8 =	sld [smem:$0x3FB5]  }
0x2e: {  	s3 =	simm.s32 @!p0 $0x1082;
	s9 =	sld [smem:$0x3FB6]  }
0x2f: {  	lr =	sadd.s32 s0, s3;
	s0 =	sld [smem:$0x3FAD]  }
0x30: {  	s3 =	sld [smem:$0x3FB0]  }
0x31: {  	[smem:$0x3FB9] =	sst s10  }
0x32: {  	s10 =	sld [smem:$0x3FB7];
	_ =	sdelay $0x3  }
0x33: {  	p0 =	seq.s32 s10, $0x1;
	s10 =	sld [smem:$0x3FB9];
	_ =	sdelay $0x3  }
0x34: {  	[smem:$0x3FB9] =	sst s10  }
0x35: {  	s10 =	sld [smem:$0x3FB8];
	_ =	sdelay $0x3  }
0x36: {  	p1 =	seq.s32 s10, $0x1;
	s10 =	sld [smem:$0x3FB9];
	_ =	sdelay $0x3  }
0x37: {  	[smem:$0x3FB9] =	sst s10  }
0x38: {  	s10 =	sld [smem:$0x3FBA]  }
0x39: {  	_ = 	snop;
	(pc) =	sbr.ind lr, $3  }
0x3a: {  	_ = 	snop  }
0x3b: {  	_ = 	snop  }
0x3c: {  	p2 =	seq.s32 s10, $0x1;
	s10 =	sld [smem:$0x3FB9]  }
0x3d: {  	_ =	shalt  }
0x3e: {  	_ =	shalt  }
0x3f: {  	_ =	shalt  }
0x40: {  	_ =	shalt  }
0x41: {  	_ =	shalt  }
0x42: {  	_ =	shalt  }
0x43: {  	_ =	shalt  }
0x44: {  	_ =	shalt  }
0x45: {  	_ =	shalt  }
0x46: {  	_ =	shalt  }
0x47: {  	_ =	shalt  }
0x48: {  	_ =	shalt  }
0x49: {  	_ =	shalt  }
0x4a: {  	_ =	shalt  }
0x4b: {  	_ =	shalt  }
0x4c: {  	_ =	shalt  }
0x4d: {  	_ =	shalt  }
0x4e: {  	_ =	shalt  }
0x4f: {  	_ =	shalt  }
0x50: {  	_ =	shalt  }
0x51: {  	_ =	shalt  }
0x52: {  	_ =	shalt  }
0x53: {  	_ =	shalt  }
0x54: {  	_ =	shalt  }
0x55: {  	_ =	shalt  }
0x56: {  	_ =	shalt  }
0x57: {  	_ =	shalt  }
0x58: {  	_ =	shalt  }
0x59: {  	_ =	shalt  }
0x5a: {  	_ =	shalt  }
0x5b: {  	_ =	shalt  }
0x5c: {  	_ =	shalt  }
0x5d: {  	_ =	shalt  }
0x5e: {  	_ =	shalt  }
0x5f: {  	_ =	shalt  }
0x60: {  	_ =	shalt  }
0x61: {  	_ =	shalt  }
0x62: {  	_ =	shalt  }
0x63: {  	_ =	shalt  }
0x64: {  	_ =	shalt  }
0x65: {  	_ =	shalt  }
0x66: {  	_ =	shalt  }
0x67: {  	_ =	shalt  }
0x68: {  	_ =	shalt  }
0x69: {  	_ =	shalt  }
0x6a: {  	_ =	shalt  }
0x6b: {  	_ =	shalt  }
0x6c: {  	_ =	shalt  }
0x6d: {  	_ =	shalt  }
0x6e: {  	_ =	shalt  }
0x6f: {  	_ =	shalt  }
0x70: {  	_ =	shalt  }
0x71: {  	_ =	shalt  }
0x72: {  	_ =	shalt  }
0x73: {  	_ =	shalt  }
0x74: {  	_ =	shalt  }
0x75: {  	_ =	shalt  }
0x76: {  	_ =	shalt  }
0x77: {  	_ =	shalt  }
0x78: {  	_ =	shalt  }
0x79: {  	_ =	shalt  }
0x7a: {  	_ =	shalt  }
0x7b: {  	_ =	shalt  }
0x7c: {  	_ =	shalt  }
0x7d: {  	_ =	shalt  }
0x7e: {  	_ =	shalt  }
0x7f: {  	_ =	shalt  }
0x80: {  	_ =	shalt  }
0x81: {  	_ =	shalt  }
0x82: {  	_ =	shalt  }
0x83: {  	_ =	shalt  }
0x84: {  	_ =	shalt  }
0x85: {  	_ =	shalt  }
0x86: {  	_ =	shalt  }
0x87: {  	_ =	shalt  }
.Lfunc_end0:
.L_simem_size_0:
called_computation_lowered:
.L_overlay_start_0:
0x88: {  	s2 =	sld [smem:$0x3FD9]  }
0x89: {  	s3 =	sld [smem:$0x3FFE];
	_ =	sdelay $0x1  }
0x8a: {  	s1 =	srdreg.scid  }
0x8b: {  	s0 =	sand.u32 $0x1, s1  }
0x8c: {  	s15 =	sshll.u32 s0, $0xA;
	s2 =	sadd.s32 s3, s2  }
0x8d: {  	s2 =	sadd.s32 s2, s15  }
0x8e: {  	[smem:$0x3FC5] =	sst s2  }
0x8f: {  	_ = 	snop  }
0x90: {  	s2 =	sld [smem:$0x3FD0];
	_ =	sdelay $0x1  }
0x91: {  	s16 =	sld [smem:$0x3FC9]  }
0x92: {  	s5 =	simm.s32 $0xA;
	s6 =	simm.s32 $0x10;
	s4 =	sld [smem:$0x3FC8]  }
0x93: {  	[smem:s6], [sflag:s5] =	dma.local [hbm:s2], $0x1  }
0x94: {  	_ =	swait.eq [sflag:s5], $0x1  }
0x95: {  	[sflag:s5] =	ssyncset.done $0x0  }
0x96: {  	[sflag:s5] =	ssyncadd.s32 $0xFFFFFFFF  }
0x97: {  	s17 =	sld [smem:$0x10];
	(tm) =	ssettm $0x1  }
0x98: {  	s18 =	sld [smem:$0x3FFB];
	_ =	sdelay $0x3  }
0x99: {  	_ =	strace s18  }
0x9a: {  	s5 =	sld [smem:$0x3FFC];
	_ =	sdelay $0x3  }
0x9b: {  	_ =	strace s5  }
0x9c: {  	s5 =	sld [smem:$0x3FFD];
	_ =	sdelay $0x3  }
0x9d: {  	_ =	strace s5  }
0x9e: {  	_ =	strace $0x8FFFFFFF  }
0x9f: {  	s19 =	sld [smem:$0x3FDB];
	_ =	sdelay $0x1  }
0xa0: {  	s20 =	simm.s32 $_scs_section_size  }
0xa1: {  	s7 =	simm.s32 $_size__tile_overlayer_lowered;
	s8 =	simm.s32 $_tile_overlayer_lowered  }
0xa2: {  	s23 =	simm.s32 $0x1BFF;
	s22 =	sshll.u32 s8, $0x1;
	s5 =	sadd.s32 s20, s19  }
0xa3: {  	s9 =	simm.s32 $0x0;
	s21 =	sshll.u32 s7, $0x1;
	s7 =	sadd.s32 s22, s5  }
0xa4: {  	[timem:s9], [sflag:s23] =	dma.local [hbm:s7], s21  }
0xa5: {  	_ =	swait.ge [sflag:s23], s21  }
0xa6: {  	s6 =	ssub.s32 $0x0, s21;
	[sflag:s23] =	ssyncset.done $0x0  }
0xa7: {  	[sflag:s23] =	ssyncadd.s32 s6;
	_ =	sdelay $0x1  }
0xa8: {  	s24 =	simm.s32 $0x1B8B  }
0xa9: {  	_ =	swait.ge [sflag:s24], $0x1  }
0xaa: {  	[sflag:s24] =	ssyncset.done $0x0  }
0xab: {  	s25 =	simm.s32 $0x1B8E;
	[sflag:s24] =	ssyncadd.s32 $0xFFFFFFFF  }
0xac: {  	s26 =	simm.s32 $execute0_lowered;
	[smem:$0x3FD2] =	sst s25  }
0xad: {  	s6 =	sshll.u32 s26, $0x1;
	_ =	strace $0x80000046;
	[dreg:$0x1] =	wrdreg $0xFFFFFFFF  }
0xae: {  	s28 =	simm.s32 $_size_execute0_lowered;
	s5 =	sadd.s32 s5, s6;
	[dreg:$0x0] =	wrdreg $0x0  }
0xaf: {  	s6 =	sshll.u32 s28, $0x1;
	[dreg:$0x2] =	wrdreg s5  }
0xb0: {  	[dreg:$0x3] =	wrdreg s6  }
0xb1: {  	[dreg:$0x4] =	wrdreg $0xC0  }
0xb2: {  	_ =	task [dreg:s9], $0x5FFFF  }
0xb3: {  	[dreg:$0x1] =	wrdreg $0xFFFFFFFF  }
0xb4: {  	[dreg:$0x0] =	wrdreg $0x60  }
0xb5: {  	[dreg:$0x2] =	wrdreg s16  }
0xb6: {  	[dreg:$0x3] =	wrdreg s4  }
0xb7: {  	[dreg:$0x4] =	wrdreg s17  }
0xb8: {  	[dreg:$0x5] =	wrdreg $0x9  }
0xb9: {  	_ =	task.clear_ibuf [dreg:s9], $0x6FFFF;
	_ =	strace $0x90000046  }
0xba: {  	s29 =	simm.s32 $0x9;
	_ =	strace $0x80000048  }
0xbb: {  	_ =	swait.ge [sflag:s29], $0x1  }
0xbc: {  	[sflag:s29] =	ssyncadd.s32 $0xFFFFFFFF  }
0xbd: {  	_ =	strace $0x90000048  }
0xbe: {  	_ =	sfence  }
0xbf: {  	s30 =	sld [smem:$0x0];
	_ =	sdelay $0x2  }
0xc0: {  	s31 =	sshll.u32 s1, $0xD;
	s1 =	sshrl.u32 s1, $0x2  }
0xc1: {  	s3 =	sand.u32 $0x4000, s31;
	s1 =	sadd.s32 s1, s30  }
0xc2: {  	s0 =	sor.u32 s3, s0;
	s1 =	sshll.u32 s1, $0x11  }
0xc3: {  	s0 =	sor.u32 s1, s0  }
0xc4: {  	s0 =	sadd.s32 $0x8F2B, s0  }
0xc5: {  	[sflag:s0] =	ssyncadd.remote.s32 $0x1  }
0xc6: {  	_ =	sfence.sel $0xFFFF  }
0xc7: {  	[dreg:$0x0] =	wrdreg $0xFFFFFFFF;
	(pc) =	sbr.abs _section_cstart, $3  }
0xc8: {  	[dreg:$0x1] =	wrdreg $0xFFFFFFFF  }
0xc9: {  	_ =	task.clear_ibuf [dreg:s9], $0x2FFFF;
	_ =	strace $0x9FFFFFFF  }
0xca: {  	(tm) =	ssettm $0x7FFFFFFF  }
0xcb: {  	_ =	shalt  }
tec
execute0_lowered:
.L_overlay_start_1:
0x0: {  	(tag) =	ssettag $0x1  }
0x1: {  	s0 =	rddreg [dreg:$0x0]  }
0x2: {  	s1 =	rddreg [dreg:$0x1];
	s2 =	srdreg.scid  }
0x3: {  	s3 =	rddreg [dreg:$0x2];
	s4 =	sand.u32 $0x1, s2;
	s2 =	simm.s32 $0x0  }
0x4: {  	s7 =	simm.s32 $0xA00;
	[smem:$0x7FF] =	sst s2  }
0x5: {  	s9 =	simm.s32 $0x1200;
	_ =	strace $0x80000047;
	[dreg:$0x4] =	wrdreg s7  }
0x6: {  	s10 =	simm.s32 $0x1A00;
	[dreg:$0x5] =	wrdreg s9  }
0x7: {  	s11 =	simm.s32 $0x2200;
	[dreg:$0x6] =	wrdreg s10  }
0x8: {  	s13 =	stileid.u32;
	s14 =	simm.s32 $0x2A00;
	[dreg:$0x7] =	wrdreg s11  }
0x9: {  	s15 =	simm.s32 $0x3200;
	s16 =	simm.s32 $0x3A00;
	[dreg:$0x8] =	wrdreg s14  }
0xa: {  	s17 =	simm.s32 $0x4200;
	s18 =	simm.s32 $0x4A00;
	[dreg:$0x9] =	wrdreg s15  }
0xb: {  	s19 =	simm.s32 $0x5200;
	s20 =	simm.s32 $0x5A00;
	[dreg:$0xa] =	wrdreg s16  }
0xc: {  	s21 =	simm.s32 $0x6200;
	s22 =	simm.s32 $0x6A00;
	[dreg:$0xb] =	wrdreg s17  }
0xd: {  	s23 =	simm.s32 $0x7200;
	s24 =	simm.s32 $0x7A00;
	[dreg:$0xc] =	wrdreg s18  }
0xe: {  	s25 =	simm.s32 $0x8200;
	s26 =	simm.s32 $0x8A00;
	[dreg:$0xd] =	wrdreg s19  }
0xf: {  	s28 =	simm.s32 $0xEA00;
	s29 =	simm.s32 $0xF200;
	[dreg:$0xe] =	wrdreg s20  }
0x10: {  	s30 =	simm.s32 $0xFA00;
	s31 =	simm.s32 $0x1;
	[dreg:$0xf] =	wrdreg s21  }
0x11: {  	s5 =	ssub.s32 $0x2, s4;
	s8 =	sshll.u32 s4, $0x9;
	[dreg:$0x10] =	wrdreg s22  }
0x12: {  	s4 =	sshll.u32 s4, $0x11;
	s6 =	sshrl.u32 s5, $0x1;
	[dreg:$0x11] =	wrdreg s23  }
0x13: {  	s7 =	sadd.s32 $0x300, s1;
	s9 =	sadd.s32 $0x500, s1;
	[dreg:$0x12] =	wrdreg s24  }
0x14: {  	s10 =	sadd.s32 $0x600, s1;
	s11 =	sadd.s32 $0x700, s1;
	[dreg:$0x13] =	wrdreg s25  }
0x15: {  	s14 =	simm.s32 $0x2;
	s15 =	simm.s32 $0x200;
	[dreg:$0x14] =	wrdreg s26  }
0x16: {  	s16 =	simm.s32 $0x9200;
	s17 =	simm.s32 $0x9A00;
	s18 =	simm.s32 $0xA200  }
0x17: {  	s19 =	simm.s32 $0xAA00;
	s20 =	simm.s32 $0xB200;
	s21 =	simm.s32 $0xBA00  }
0x18: {  	s22 =	simm.s32 $0xC200;
	s23 =	simm.s32 $0xCA00;
	s24 =	simm.s32 $0xD200  }
0x19: {  	s25 =	simm.s32 $0xDA00;
	s12 =	ssub.s32 s5, s6;
	s6 =	sshll.u32 s13, $0xA  }
0x1a: {  	s26 =	simm.s32 $0xE200;
	s13 =	sshll.u32 s13, $0x12;
	s5 =	sor.u32 s8, s6  }
0x1b: {  	s6 =	sadd.s32 $0x200, s1;
	s12 =	smax.u32 s12, $0x1;
	s3 =	sadd.s32 s13, s3  }
0x1c: {  	v2 =	vlaneseq.u32;
	s5 =	sshrl.u32 s5, $0x3;
	[dreg:$0x16] =	wrdreg s12;
	s3 =	sadd.s32 s4, s3  }
0x1d: {  	vm0 =	vmmov $0xffff;
	v1 =	vshrl.u32 v2, $0x3;
	s8 =	sadd.s32 $0x400, s1;
	s0 =	sadd.s32 s0, s5;
	[dreg:$0x17] =	wrdreg s3  }
0x1e: {  	v0 =	vand.u32 $0x7, v2;
	v2 =	vor.u32 $0x8, v2;
	v1 =	vmul.u32 $0x8, v1;
	s5 =	sadd.s32 $0x100, s1;
	s3 =	simm.s32 $0x0;
	[dreg:$0x15] =	wrdreg s0  }
.LBB2_1:
0x1f: {  	[dreg:$0x18] =	wrdreg s3  }
0x20: {  	s0 =	rddreg [dreg:$0x15]  }
0x21: {  	[tilespmem:s2], [sflag:$0x2] =	stream.linear.gather [hbm4b:s0+s2], $0x200, $0x38;
	[tilespmem:$0x10200] =	vst v63  }
0x22: {  	_ =	swait.ge [sflag:s14], $0x200  }
0x23: {  	[sflag:s14] =	ssyncset.done $0x0  }
0x24: {  	s3 =	simm.s32 $0x0;
	s13 =	simm.s32 $0x40;
	[sflag:s14] =	ssyncadd.s32 $0xFFFFFE00  }
.LBB2_2:
0x25: {  	p0 =	sne.s32 s13, $0x7C0;
	v3 =	vld [tilespmem:s3+$0x0];
	_ =	sdelay $0x4  }
0x26: {  	vm1 =	vgt.s32 v3, $0xFFFFF000  }
.Ltmp0:
0x27: {  	v3 =	vnsel vm1, $0xFFFFF000, v3;
	(pc) =	sbr.rel @p0 .LBB2_2-.Ltmp0, $4  }
0x28: {  	vm1 =	vlt.s32 v3, $0xFFF  }
0x29: {  	v3 =	vnsel vm1, $0xFFF, v3  }
0x2a: {  	v3 =	vadd.s32 $0x1000, v3  }
0x2b: {  	[tilespmem:s3+$0x0] =	vst v3;
	s3 =	sshra.s32 s13, $0x2;
	s13 =	sadd.s32 $0x40, s13  }
0x2c: {  	v3 =	vld [tilespmem:s3+$0x0];
	_ =	sdelay $0x4  }
0x2d: {  	vm1 =	vgt.s32 v3, $0xFFFFF000  }
0x2e: {  	v3 =	vnsel vm1, $0xFFFFF000, v3  }
0x2f: {  	vm1 =	vlt.s32 v3, $0xFFF  }
0x30: {  	v3 =	vnsel vm1, $0xFFF, v3  }
0x31: {  	v3 =	vadd.s32 $0x1000, v3  }
0x32: {  	s13 =	rddreg [dreg:$0x17];
	[tilespmem:s3+$0x0] =	vst v3;
	s3 =	simm.s32 $0x0  }
.LBB2_4:
0x33: {  	s12 =	sshra.s32 s3, $0x2  }
0x34: {  	v3 =	vld [tilespmem:s12+$0x0];
	_ =	sdelay $0x4  }
0x35: {  	v4 =	vshll.u32 v3, $0x4  }
0x36: {  	v3 =	vand.u32 $0x7, v3;
	v4 =	vand.u32 $0xFFFFFF80, v4  }
0x37: {  	v3 =	vor.u32 v3, v4  }
0x38: {  	v4 =	vperm.xlane v3, v0;
	_ =	sdelay $0x1  }
0x39: {  	v4 =	vadd.s32 v1, v4;
	_ =	sdelay $0x4  }
0x3a: {  	[tilespmem:s15], [sflag:$0x1] =	stream.indirect_vreg.gather [hbm4b:s1+s2], $0x80, v4, vm0, $0xb8;
	[tilespmem:$0x10200] =	vst v63  }
0x3b: {  	s4 =	rddreg [dreg:$0x4]  }
0x3c: {  	[tilespmem:s4], [sflag:$0x1] =	stream.indirect_vreg.gather [hbm4b:s5+s2], $0x80, v4, vm0, $0xb8;
	[tilespmem:$0x10200] =	vst v63  }
0x3d: {  	s0 =	rddreg [dreg:$0x5]  }
0x3e: {  	[tilespmem:s0], [sflag:$0x1] =	stream.indirect_vreg.gather [hbm4b:s6+s2], $0x80, v4, vm0, $0xb8;
	[tilespmem:$0x10200] =	vst v63  }
0x3f: {  	s4 =	rddreg [dreg:$0x6]  }
0x40: {  	[tilespmem:s4], [sflag:$0x1] =	stream.indirect_vreg.gather [hbm4b:s7+s2], $0x80, v4, vm0, $0xb8;
	[tilespmem:$0x10200] =	vst v63  }
0x41: {  	s0 =	rddreg [dreg:$0x7]  }
0x42: {  	[tilespmem:s0], [sflag:$0x1] =	stream.indirect_vreg.gather [hbm4b:s8+s2], $0x80, v4, vm0, $0xb8;
	[tilespmem:$0x10200] =	vst v63  }
0x43: {  	v3 =	vperm.xlane v3, v2;
	s4 =	rddreg [dreg:$0x8]  }
0x44: {  	[tilespmem:s4], [sflag:$0x1] =	stream.indirect_vreg.gather [hbm4b:s9+s2], $0x80, v4, vm0, $0xb8;
	[tilespmem:$0x10200] =	vst v63  }
0x45: {  	v3 =	vadd.s32 v1, v3;
	s0 =	rddreg [dreg:$0x9]  }
0x46: {  	[tilespmem:s0], [sflag:$0x1] =	stream.indirect_vreg.gather [hbm4b:s10+s2], $0x80, v4, vm0, $0xb8;
	[tilespmem:$0x10200] =	vst v63  }
0x47: {  	s4 =	rddreg [dreg:$0xa]  }
0x48: {  	[tilespmem:s4], [sflag:$0x1] =	stream.indirect_vreg.gather [hbm4b:s11+s2], $0x80, v4, vm0, $0xb8;
	[tilespmem:$0x10200] =	vst v63  }
0x49: {  	s0 =	rddreg [dreg:$0xb]  }
0x4a: {  	[tilespmem:s0], [sflag:$0x1] =	stream.indirect_vreg.gather [hbm4b:s1+s2], $0x80, v3, vm0, $0xb8;
	[tilespmem:$0x10200] =	vst v63  }
0x4b: {  	s4 =	rddreg [dreg:$0xc]  }
0x4c: {  	[tilespmem:s4], [sflag:$0x1] =	stream.indirect_vreg.gather [hbm4b:s5+s2], $0x80, v3, vm0, $0xb8;
	[tilespmem:$0x10200] =	vst v63  }
0x4d: {  	s0 =	rddreg [dreg:$0xd]  }
0x4e: {  	[tilespmem:s0], [sflag:$0x1] =	stream.indirect_vreg.gather [hbm4b:s6+s2], $0x80, v3, vm0, $0xb8;
	[tilespmem:$0x10200] =	vst v63  }
0x4f: {  	s4 =	rddreg [dreg:$0xe]  }
0x50: {  	[tilespmem:s4], [sflag:$0x1] =	stream.indirect_vreg.gather [hbm4b:s7+s2], $0x80, v3, vm0, $0xb8;
	[tilespmem:$0x10200] =	vst v63  }
0x51: {  	s0 =	rddreg [dreg:$0xf]  }
0x52: {  	[tilespmem:s0], [sflag:$0x1] =	stream.indirect_vreg.gather [hbm4b:s8+s2], $0x80, v3, vm0, $0xb8;
	[tilespmem:$0x10200] =	vst v63  }
0x53: {  	s4 =	rddreg [dreg:$0x10]  }
0x54: {  	[tilespmem:s4], [sflag:$0x1] =	stream.indirect_vreg.gather [hbm4b:s9+s2], $0x80, v3, vm0, $0xb8;
	[tilespmem:$0x10200] =	vst v63  }
0x55: {  	s0 =	rddreg [dreg:$0x11]  }
0x56: {  	[tilespmem:s0], [sflag:$0x1] =	stream.indirect_vreg.gather [hbm4b:s10+s2], $0x80, v3, vm0, $0xb8;
	[tilespmem:$0x10200] =	vst v63  }
0x57: {  	s4 =	rddreg [dreg:$0x12]  }
0x58: {  	[tilespmem:s4], [sflag:$0x1] =	stream.indirect_vreg.gather [hbm4b:s11+s2], $0x80, v3, vm0, $0xb8;
	[tilespmem:$0x10200] =	vst v63  }
0x59: {  	v3 =	vld [tilespmem:s12+$0x10];
	_ =	sdelay $0x4  }
0x5a: {  	v63 =	vshll.u32 v3, $0x4  }
0x5b: {  	v3 =	vand.u32 $0x7, v3;
	v4 =	vand.u32 $0xFFFFFF80, v63  }
0x5c: {  	v3 =	vor.u32 v3, v4  }
0x5d: {  	v4 =	vperm.xlane v3, v0;
	_ =	sdelay $0x1  }
0x5e: {  	v4 =	vadd.s32 v1, v4;
	_ =	sdelay $0x3  }
0x5f: {  	s4 =	rddreg [dreg:$0x13]  }
0x60: {  	[tilespmem:s4], [sflag:$0x1] =	stream.indirect_vreg.gather [hbm4b:s1+s2], $0x80, v4, vm0, $0xb8;
	[tilespmem:$0x10200] =	vst v63  }
0x61: {  	s12 =	rddreg [dreg:$0x14]  }
0x62: {  	[tilespmem:s12], [sflag:$0x1] =	stream.indirect_vreg.gather [hbm4b:s5+s2], $0x80, v4, vm0, $0xb8;
	[tilespmem:$0x10200] =	vst v63  }
0x63: {  	_ = 	snop  }
0x64: {  	[tilespmem:s16], [sflag:$0x1] =	stream.indirect_vreg.gather [hbm4b:s6+s2], $0x80, v4, vm0, $0xb8;
	[tilespmem:$0x10200] =	vst v63  }
0x65: {  	_ = 	snop  }
0x66: {  	[tilespmem:s17], [sflag:$0x1] =	stream.indirect_vreg.gather [hbm4b:s7+s2], $0x80, v4, vm0, $0xb8;
	[tilespmem:$0x10200] =	vst v63  }
0x67: {  	_ = 	snop  }
0x68: {  	[tilespmem:s18], [sflag:$0x1] =	stream.indirect_vreg.gather [hbm4b:s8+s2], $0x80, v4, vm0, $0xb8;
	[tilespmem:$0x10200] =	vst v63  }
0x69: {  	v3 =	vperm.xlane v3, v2  }
0x6a: {  	[tilespmem:s19], [sflag:$0x1] =	stream.indirect_vreg.gather [hbm4b:s9+s2], $0x80, v4, vm0, $0xb8;
	[tilespmem:$0x10200] =	vst v63  }
0x6b: {  	v3 =	vadd.s32 v1, v3  }
0x6c: {  	[tilespmem:s20], [sflag:$0x1] =	stream.indirect_vreg.gather [hbm4b:s10+s2], $0x80, v4, vm0, $0xb8;
	[tilespmem:$0x10200] =	vst v63  }
0x6d: {  	_ = 	snop  }
0x6e: {  	[tilespmem:s21], [sflag:$0x1] =	stream.indirect_vreg.gather [hbm4b:s11+s2], $0x80, v4, vm0, $0xb8;
	[tilespmem:$0x10200] =	vst v63  }
0x6f: {  	_ = 	snop  }
0x70: {  	[tilespmem:s22], [sflag:$0x1] =	stream.indirect_vreg.gather [hbm4b:s1+s2], $0x80, v3, vm0, $0xb8;
	[tilespmem:$0x10200] =	vst v63  }
0x71: {  	_ = 	snop  }
0x72: {  	[tilespmem:s23], [sflag:$0x1] =	stream.indirect_vreg.gather [hbm4b:s5+s2], $0x80, v3, vm0, $0xb8;
	[tilespmem:$0x10200] =	vst v63  }
0x73: {  	_ = 	snop  }
0x74: {  	[tilespmem:s24], [sflag:$0x1] =	stream.indirect_vreg.gather [hbm4b:s6+s2], $0x80, v3, vm0, $0xb8;
	[tilespmem:$0x10200] =	vst v63  }
0x75: {  	_ = 	snop  }
0x76: {  	[tilespmem:s25], [sflag:$0x1] =	stream.indirect_vreg.gather [hbm4b:s7+s2], $0x80, v3, vm0, $0xb8;
	[tilespmem:$0x10200] =	vst v63  }
0x77: {  	_ = 	snop  }
0x78: {  	[tilespmem:s26], [sflag:$0x1] =	stream.indirect_vreg.gather [hbm4b:s8+s2], $0x80, v3, vm0, $0xb8;
	[tilespmem:$0x10200] =	vst v63  }
0x79: {  	_ = 	snop  }
0x7a: {  	[tilespmem:s28], [sflag:$0x1] =	stream.indirect_vreg.gather [hbm4b:s9+s2], $0x80, v3, vm0, $0xb8;
	[tilespmem:$0x10200] =	vst v63  }
0x7b: {  	_ = 	snop  }
0x7c: {  	[tilespmem:s29], [sflag:$0x1] =	stream.indirect_vreg.gather [hbm4b:s10+s2], $0x80, v3, vm0, $0xb8;
	[tilespmem:$0x10200] =	vst v63  }
0x7d: {  	_ = 	snop  }
0x7e: {  	[tilespmem:s30], [sflag:$0x1] =	stream.indirect_vreg.gather [hbm4b:s11+s2], $0x80, v3, vm0, $0xb8;
	[tilespmem:$0x10200] =	vst v63  }
0x7f: {  	_ =	swait.ge [sflag:s31], $0x10000  }
0x80: {  	p0 =	sne.s32 s3, $0x780;
	[sflag:s31] =	ssyncset.done $0x0  }
.Ltmp1:
0x81: {  	[sflag:s31] =	ssyncadd.s32 $0xFFFF0000;
	(pc) =	sbr.rel @p0 .LBB2_4-.Ltmp1, $4  }
0x82: {  	[hbm4b:s13+s2] =	stream.linear.scatter [tilespmem:s15], [sflag:$0x2], $0x10000, $0x38;
	[tilespmem:$0x10200] =	vst v63  }
0x83: {  	_ =	swait.ge [sflag:s14], $0x10000  }
0x84: {  	[sflag:s14] =	ssyncset.done $0x0  }
0x85: {  	s3 =	sadd.s32 $0x80, s3;
	s13 =	sadd.s32 $0x2000, s13;
	[sflag:s14] =	ssyncadd.s32 $0xFFFF0000  }
0x86: {  	s3 =	rddreg [dreg:$0x18]  }
0x87: {  	s0 =	rddreg [dreg:$0x16];
	s3 =	sadd.s32 $0x1, s3  }
0x88: {  	p0 =	sne.s32 s3, s0  }
.Ltmp2:
0x89: {  	_ = 	snop;
	(pc) =	sbr.rel @p0 .LBB2_1-.Ltmp2, $1  }
0x8a: {  	_ =	sdelay $0x3  }
0x8b: {  	_ =	sfence.sel $0x180000  }
0x8c: {  	[bflag:$0x0] =	sbarrier.arrive $0xFFFF  }
0x8d: {  	_ =	strace $0x90000047  }
0x8e: {  	s0 =	stileid.u32;
	[bflag:$0x2] =	sbarrier.arrive $0xFFFF  }
0x8f: {  	p0 =	sne.s32 s0, $0x0;
	s0 =	rddreg [dreg:$0x3]  }
0x90: {  	s0 =	sadd.s32 @!p0 $0x100000, s0  }
0x91: {  	[sflag:s0] =	ssyncadd.tile.s32 @!p0 $0x1;
	_ =	shalt  }
.Lfunc_end2:
_tile_overlayer_lowered:
.L_overlay_start_2:
0x92: {  	(tag) =	ssettag $0x2  }
0x93: {  	s0 =	rddreg [dreg:$0x0];
	s2 =	stileid.u32  }
0x94: {  	s1 =	rddreg [dreg:$0x1];
	p0 =	sne.s32 s2, $0x0  }
0x95: {  	s3 =	rddreg [dreg:$0x2];
	[bflag:$0x3] =	sbarrier.arrive $0xFFFF;
	s2 =	simm.s32 @!p0 $0x1C02  }
0x96: {  	[timem:s3], [sflag:s2] =	dma.local @!p0 [hbm:s0], s1  }
0x97: {  	s0 =	simm.s32 @!p0 $0x2  }
0x98: {  	_ =	swait.ge @!p0 [sflag:s0], s1  }
0x99: {  	s1 =	ssub.s32 @!p0 $0x0, s1;
	[sflag:s0] =	ssyncset.done @!p0 $0x0  }
0x9a: {  	[sflag:s0] =	ssyncadd.s32 @!p0 s1  }
0x9b: {  	[bflag:$0x3] =	sbarrier.arrive $0xFFFF  }
0x9c: {  	_ =	shalt  }

</sc_bundles>
